<compile_context>
chip_gen: v7x
topology: tpu7x:2x2x1
jax: 0.10.2.dev20260603
libtpu: 0.0.44.dev20260713+nightly
codegen_flags: <defaults>
</compile_context>

<pallas_src>
import functools

import jax
import jax.numpy as jnp
from jax import lax
from jax.experimental import pallas as pl
from jax.experimental.pallas import tpu as pltpu
from jax.experimental.pallas import tpu_sc as plsc

_N = 10000
_E = 160000
_R = 8
_D = 256
_L = 16
_NSEG = _N * _R
_NSEG_PAD = 80384
_EPT = _E // 16
_NB = 10
_BB = _EPT // _NB
_ROWS_PT = _NSEG // 16

_mesh = plsc.VectorSubcoreMesh(core_axis_name="c", subcore_axis_name="s")


def _seg_cnt_body(src_hbm, dst_hbm, typ_hbm, seg_hbm, inv_hbm, src8_hbm,
                  src_v, s8_v, dst_v, typ_v, seg_v, ones_v, zero_v, tmp_v,
                  cnt_sp):
    c = lax.axis_index("c")
    s = lax.axis_index("s")
    base = s * _EPT
    pltpu.sync_copy(src_hbm.at[pl.ds(base, _EPT)], src_v)
    pltpu.sync_copy(dst_hbm.at[pl.ds(base, _EPT)], dst_v)
    pltpu.sync_copy(typ_hbm.at[pl.ds(base, _EPT)], typ_v)

    @pl.when(c == 0)
    def _():
        def cg_loop(cg, carry):
            def sh_loop(i, carry2):
                sl = pl.ds(i * _L, _L)
                s8_v[sl] = src_v[sl] * 8 + cg
                return carry2
            lax.fori_loop(0, _EPT // _L, sh_loop, 0)
            pltpu.sync_copy(s8_v, src8_hbm.at[cg, s])
            return carry
        lax.fori_loop(0, 8, cg_loop, 0)

    def seg_loop(i, carry):
        sl = pl.ds(i * _L, _L)
        seg_v[sl] = dst_v[sl] * _R + typ_v[sl]
        ones_v[sl] = jnp.full((_L,), 1.0, jnp.float32)
        return carry
    lax.fori_loop(0, _EPT // _L, seg_loop, 0)

    zpt = _NSEG_PAD // 16

    def zero_loop(i, carry):
        zero_v[pl.ds(i * _L, _L)] = jnp.zeros((_L,), jnp.float32)
        return carry
    lax.fori_loop(0, zpt // _L, zero_loop, 0)
    pltpu.sync_copy(zero_v, cnt_sp.at[pl.ds(s * zpt, zpt)])
    plsc.subcore_barrier()

    pltpu.sync_copy(ones_v, cnt_sp.at[seg_v], add=True)
    plsc.subcore_barrier()

    ipt = _NSEG_PAD // 32
    off = c * (_NSEG_PAD // 2) + s * ipt
    pltpu.sync_copy(cnt_sp.at[pl.ds(off, ipt)], tmp_v)

    def inv_loop(i, carry):
        sl = pl.ds(i * _L, _L)
        tmp_v[sl] = 1.0 / jnp.maximum(tmp_v[sl], 1.0)
        return carry
    lax.fori_loop(0, ipt // _L, inv_loop, 0)
    pltpu.sync_copy(tmp_v, inv_hbm.at[pl.ds(off, ipt)])

    @pl.when(c == 0)
    def _():
        pltpu.sync_copy(seg_v, seg_hbm.at[pl.ds(base, _EPT)])


_seg_cnt_call = pl.kernel(
    _seg_cnt_body,
    out_type=[
        jax.ShapeDtypeStruct((_E,), jnp.int32),
        jax.ShapeDtypeStruct((_NSEG_PAD,), jnp.float32),
        jax.ShapeDtypeStruct((8, 16, _EPT), jnp.int32),
    ],
    mesh=_mesh,
    compiler_params=pltpu.CompilerParams(use_tc_tiling_on_sc=False),
    scratch_types=[
        pltpu.VMEM((_EPT,), jnp.int32),
        pltpu.VMEM((_EPT,), jnp.int32),
        pltpu.VMEM((_EPT,), jnp.int32),
        pltpu.VMEM((_EPT,), jnp.int32),
        pltpu.VMEM((_EPT,), jnp.int32),
        pltpu.VMEM((_EPT,), jnp.float32),
        pltpu.VMEM((_NSEG_PAD // 16,), jnp.float32),
        pltpu.VMEM((_NSEG_PAD // 32,), jnp.float32),
        pltpu.VMEM_SHARED((_NSEG_PAD,), jnp.float32),
    ],
)


def _scatter_body(xt_hbm, src_hbm, seg_hbm, asum_hbm,
                  src_a, src_b, seg_a, seg_b, rows_a, rows_b, acc_sp,
                  sem_a, sem_b):
    c = lax.axis_index("c")
    s = lax.axis_index("s")
    srcs = (src_a, src_b)
    segs = (seg_a, seg_b)
    rows = (rows_a, rows_b)
    sems = (sem_a, sem_b)

    def chunk_loop(cc, carry):
        chunk = c * 8 + cc
        row0 = s * _ROWS_PT

        pltpu.sync_copy(src_hbm.at[cc, s, 0], src_a)
        pltpu.sync_copy(seg_hbm.at[s, 0], seg_a)
        pending = pltpu.async_copy(xt_hbm.at[c].at[src_a], rows_b, sem_b)

        def zbuf_loop(i, carry2):
            rows_a[i, :] = jnp.zeros((_L,), jnp.float32)
            return carry2
        lax.fori_loop(0, _BB, zbuf_loop, 0)

        def zcp_loop(i, carry2):
            pltpu.sync_copy(rows_a, acc_sp.at[pl.ds(row0 + i * _BB, _BB), :])
            return carry2
        lax.fori_loop(0, _ROWS_PT // _BB, zcp_loop, 0)
        plsc.subcore_barrier()

        for b in range(_NB):
            p = b % 2
            q = (b + 1) % 2
            if b + 1 < _NB:
                pltpu.sync_copy(src_hbm.at[cc, s, b + 1], srcs[q])
                pltpu.sync_copy(seg_hbm.at[s, b + 1], segs[q])
            pending.wait()
            if b + 1 < _NB:
                pending = pltpu.async_copy(
                    xt_hbm.at[c].at[srcs[q]], rows[p], sems[p])
            pltpu.sync_copy(rows[q], acc_sp.at[segs[p]], add=True)
        plsc.subcore_barrier()

        pltpu.sync_copy(
            acc_sp.at[pl.ds(row0, _ROWS_PT), :],
            asum_hbm.at[chunk, pl.ds(row0, _ROWS_PT), :])
        return carry
    lax.fori_loop(0, 8, chunk_loop, 0)


_scatter_call = pl.kernel(
    _scatter_body,
    out_type=jax.ShapeDtypeStruct((_L, _NSEG, _L), jnp.float32),
    mesh=_mesh,
    compiler_params=pltpu.CompilerParams(use_tc_tiling_on_sc=False),
    scratch_types=[
        pltpu.VMEM((_BB,), jnp.int32),
        pltpu.VMEM((_BB,), jnp.int32),
        pltpu.VMEM((_BB,), jnp.int32),
        pltpu.VMEM((_BB,), jnp.int32),
        pltpu.VMEM((_BB, _L), jnp.float32),
        pltpu.VMEM((_BB, _L), jnp.float32),
        pltpu.VMEM_SHARED((_NSEG, _L), jnp.float32),
        pltpu.SemaphoreType.DMA,
        pltpu.SemaphoreType.DMA,
    ],
)


def _dense_body(relu, split_out, acm_ref, inv_ref, x_ref, wp_ref, root_ref,
                b_ref, out_ref):
    xb = jnp.concatenate([x_ref[0], x_ref[1]], axis=-1)
    acc = jnp.dot(xb, root_ref[...], preferred_element_type=jnp.float32)
    for c in range(_L):
        scaled = acm_ref[c] * inv_ref[...]
        acc += jnp.dot(scaled, wp_ref[c], preferred_element_type=jnp.float32)
    acc += b_ref[...]
    if relu:
        acc = jnp.maximum(acc, 0.0)
    if split_out:
        out_ref[0] = acc[:, :_D // 2]
        out_ref[1] = acc[:, _D // 2:]
    else:
        out_ref[...] = acc


def _dense_call(acm, inv_exp, x2, wp, root, b2d, relu, split_out):
    bn = 1000
    grid = (_N // bn,)
    if split_out:
        out_spec = pl.BlockSpec((2, bn, _D // 2), lambda i: (0, i, 0))
        out_shape = jax.ShapeDtypeStruct((2, _N, _D // 2), jnp.float32)
    else:
        out_spec = pl.BlockSpec((bn, _D), lambda i: (i, 0))
        out_shape = jax.ShapeDtypeStruct((_N, _D), jnp.float32)
    return pl.pallas_call(
        functools.partial(_dense_body, relu, split_out),
        grid=grid,
        in_specs=[
            pl.BlockSpec((_L, bn, _R * _L), lambda i: (0, i, 0)),
            pl.BlockSpec((bn, _R * _L), lambda i: (i, 0)),
            pl.BlockSpec((2, bn, _D // 2), lambda i: (0, i, 0)),
            pl.BlockSpec((_L, _R * _L, _D), lambda i: (0, 0, 0)),
            pl.BlockSpec((_D, _D), lambda i: (0, 0)),
            pl.BlockSpec((1, _D), lambda i: (0, 0)),
        ],
        out_specs=out_spec,
        out_shape=out_shape,
        compiler_params=pltpu.CompilerParams(
            dimension_semantics=("parallel",)),
    )(acm, inv_exp, x2, wp, root, b2d)


def kernel(x, edge_index, edge_type, W1, root1, b1, W2, root2, b2):
    src = edge_index[0]
    dst = edge_index[1]
    seg, inv_pad, src8 = _seg_cnt_call(src, dst, edge_type.astype(jnp.int32))
    inv_exp = jnp.broadcast_to(
        inv_pad[:_NSEG].reshape(_N, _R, 1), (_N, _R, _L)).reshape(_N, _R * _L)
    src8r = src8.reshape(8, 16, _NB, _BB)
    seg2 = seg.reshape(16, _NB, _BB)

    def _wperm(w):
        return w.reshape(_R, _L, _L, _D).transpose(1, 0, 2, 3).reshape(
            _L, _R * _L, _D)

    x2 = jnp.swapaxes(x.reshape(_N, 2, _D // 2), 0, 1)

    asum1 = _scatter_call(x2.reshape(2, _N * 8, _L), src8r, seg2)
    h2 = _dense_call(asum1.reshape(_L, _N, _R * _L), inv_exp, x2, _wperm(W1),
                     root1, b1.reshape(1, _D), relu=True, split_out=True)

    asum2 = _scatter_call(h2.reshape(2, _N * 8, _L), src8r, seg2)
    out = _dense_call(asum2.reshape(_L, _N, _R * _L), inv_exp, h2, _wperm(W2),
                      root2, b2.reshape(1, _D), relu=False, split_out=False)
    return out

# --- scband reference (transcript-rebuilt; emitter-appended) ---
"""Pipeline reference for scband-r-gcn-53180285059329 (READ-ONLY COPY).

The authoritative reference and input builder live on the scoring server;
editing this copy changes nothing except your own understanding.
"""

import jax, jax.numpy as jnp
import numpy as np

N = 10000
E = 160000
R = 8
D_IN = 256
D_H = 256
D_OUT = 256


def setup_inputs(seed: int = 0) -> dict:
    key = jax.random.key(seed)
    ks = jax.random.split(key, 10)
    x = jax.random.normal(ks[0], (N, D_IN), dtype=jnp.float32)
    edge_index = jax.random.randint(ks[1], (2, E), 0, N, dtype=jnp.int32)
    edge_type = jax.random.randint(ks[2], (E,), 0, R, dtype=jnp.int32)
    # layer 1 params (RGCNConv in_dim -> hidden_dim)
    W1 = jax.random.normal(ks[3], (R, D_IN, D_H), dtype=jnp.float32) * (1.0 / np.sqrt(D_IN))
    root1 = jax.random.normal(ks[4], (D_IN, D_H), dtype=jnp.float32) * (1.0 / np.sqrt(D_IN))
    b1 = jnp.zeros((D_H,), dtype=jnp.float32)
    # layer 2 params (RGCNConv hidden_dim -> out_dim)
    W2 = jax.random.normal(ks[5], (R, D_H, D_OUT), dtype=jnp.float32) * (1.0 / np.sqrt(D_H))
    root2 = jax.random.normal(ks[6], (D_H, D_OUT), dtype=jnp.float32) * (1.0 / np.sqrt(D_H))
    b2 = jnp.zeros((D_OUT,), dtype=jnp.float32)
    return {"x": x, "edge_index": edge_index, "edge_type": edge_type,
            "W1": W1, "root1": root1, "b1": b1,
            "W2": W2, "root2": root2, "b2": b2}


def _rgcn_conv(x, edge_index, edge_type, W, root, bias):
    # Faithful RGCNConv: out_i = root^T x_i + b + sum_r mean_{j in N_r(i)} W_r x_j
    src = edge_index[0]
    dst = edge_index[1]
    n = x.shape[0]
    r = W.shape[0]
    d_out = W.shape[2]
    # transform all nodes by every relation weight: (R, N, d_out)
    xr = jnp.einsum('ni,rio->rno', x, W)
    # per-edge message: W_{type_e} x_{src_e}
    msg = xr[edge_type, src]  # (E, d_out)
    # mean normalization per (dst, relation) pair
    seg_key = dst * r + edge_type
    cnt = jax.ops.segment_sum(jnp.ones((src.shape[0],), dtype=x.dtype), seg_key,
                              num_segments=n * r)
    norm = 1.0 / jnp.maximum(cnt[seg_key], 1.0)
    agg = jax.ops.segment_sum(msg * norm[:, None], dst, num_segments=n)
    return agg + x @ root + bias


def reference(x, edge_index, edge_type, W1, root1, b1, W2, root2, b2):
    h = _rgcn_conv(x, edge_index, edge_type, W1, root1, b1)
    h = jax.nn.relu(h)
    h = _rgcn_conv(h, edge_index, edge_type, W2, root2, b2)
    return h

if __name__ == "__main__":
    import jax
    _d = setup_inputs()
    print(jax.jit(kernel)(*tuple(_d.values())))

</pallas_src>

<mosaic_0001>
#map = affine_map<(d0, d1) -> (0, 0, 0)>
#map1 = affine_map<(d0, d1) -> (0, 0, 0, 0)>
module attributes {stable_mosaic.version = 14 : i64} {
  func.func @_scatter_body(%arg0: i32, %arg1: i32, %arg2: memref<2x80000x16xf32, #tpu.memory_space<hbm>>, %arg3: memref<8x16x10x1000xi32, #tpu.memory_space<hbm>>, %arg4: memref<16x10x1000xi32, #tpu.memory_space<hbm>>, %arg5: memref<16x80000x16xf32, #tpu.memory_space<hbm>>, %arg6: memref<1000xi32, #tpu.memory_space<vmem>>, %arg7: memref<1000xi32, #tpu.memory_space<vmem>>, %arg8: memref<1000xi32, #tpu.memory_space<vmem>>, %arg9: memref<1000xi32, #tpu.memory_space<vmem>>, %arg10: memref<1000x16xf32, #tpu.memory_space<vmem>>, %arg11: memref<1000x16xf32, #tpu.memory_space<vmem>>, %arg12: memref<80000x16xf32, #tpu.memory_space<vmem_shared>>, %arg13: memref<!tpu.dma_semaphore, #tpu.memory_space<semaphore_mem>>, %arg14: memref<!tpu.dma_semaphore, #tpu.memory_space<semaphore_mem>>) attributes {dimension_semantics = [#tpu.dimension_semantics<core_parallel>, #tpu.dimension_semantics<subcore_parallel>], iteration_bounds = array<i64: 2, 16>, scalar_prefetch = 0 : i64, scratch_operands = 9 : i64, tpu.core_type = #tpu.core_type<sc_vector_subcore>, window_params = [{transform_indices = #map}, {transform_indices = #map1}, {transform_indices = #map}, {transform_indices = #map}]} {
    %scan3A = arith.constant 0 : i32
    %scan3A_0 = arith.constant 0 : i32
    %scan3A_1 = arith.constant 8 : i32
    %scan3A_2 = arith.addi %scan3A_0, %scan3A_1 : i32
    %scan3A_3 = arith.constant 1 : i32
    scf.for %scan3A_5 = %scan3A_0 to %scan3A_2 step %scan3A_3  : i32 {
      %mul3A = arith.constant 8 : i32
      %mul3A_6 = arith.muli %arg0, %mul3A : i32
      %add3A = arith.addi %mul3A_6, %scan3A_5 : i32
      %mul3A_7 = arith.constant 5000 : i32
      %mul3A_8 = arith.muli %arg1, %mul3A_7 : i32
      %run_scoped3A = arith.constant 0 : i32
      "tpu.region"() ({
        %run_scoped3A_179 = tpu.sem_alloc : memref<!tpu.dma_semaphore, #tpu.memory_space<semaphore_mem>>
        %dma_start3A_180 = arith.constant 0 : i32
        %dma_start3A_181 = tpu.memref_slice %arg3[%scan3A_5, %arg1, %run_scoped3A, %dma_start3A_180] : memref<8x16x10x1000xi32, #tpu.memory_space<hbm>> -> memref<1x1x1x1000xi32, #tpu.memory_space<hbm>>
        %dma_start3A_182 = tpu.memref_squeeze %dma_start3A_181 : memref<1x1x1x1000xi32, #tpu.memory_space<hbm>> -> memref<1000xi32, #tpu.memory_space<hbm>>
        %dma_start3A_183 = arith.constant 0 : i32
        %dma_start3A_184 = tpu.memref_slice %arg3[%scan3A_5, %arg1, %run_scoped3A, %dma_start3A_183] : memref<8x16x10x1000xi32, #tpu.memory_space<hbm>> -> memref<1x1x1x1000xi32, #tpu.memory_space<hbm>>
        %dma_start3A_185 = tpu.memref_squeeze %dma_start3A_184 : memref<1x1x1x1000xi32, #tpu.memory_space<hbm>> -> memref<1000xi32, #tpu.memory_space<hbm>>
        tpu.enqueue_dma source(%dma_start3A_185 : memref<1000xi32, #tpu.memory_space<hbm>>) target(%arg6 : memref<1000xi32, #tpu.memory_space<vmem>>) target_semaphore(%run_scoped3A_179 : memref<!tpu.dma_semaphore, #tpu.memory_space<semaphore_mem>>)
        %dma_wait3A_186 = arith.constant 0 : i32
        %dma_wait3A_187 = tpu.memref_slice %arg3[%scan3A_5, %arg1, %run_scoped3A, %dma_wait3A_186] : memref<8x16x10x1000xi32, #tpu.memory_space<hbm>> -> memref<1x1x1x1000xi32, #tpu.memory_space<hbm>>
        %dma_wait3A_188 = tpu.memref_squeeze %dma_wait3A_187 : memref<1x1x1x1000xi32, #tpu.memory_space<hbm>> -> memref<1000xi32, #tpu.memory_space<hbm>>
        %dma_wait3A_189 = arith.constant 0 : i32
        %dma_wait3A_190 = tpu.memref_slice %arg3[%scan3A_5, %arg1, %run_scoped3A, %dma_wait3A_189] : memref<8x16x10x1000xi32, #tpu.memory_space<hbm>> -> memref<1x1x1x1000xi32, #tpu.memory_space<hbm>>
        %dma_wait3A_191 = tpu.memref_squeeze %dma_wait3A_190 : memref<1x1x1x1000xi32, #tpu.memory_space<hbm>> -> memref<1000xi32, #tpu.memory_space<hbm>>
        tpu.wait_dma2 semaphore(%run_scoped3A_179 : memref<!tpu.dma_semaphore, #tpu.memory_space<semaphore_mem>>) src(%dma_wait3A_191 : memref<1000xi32, #tpu.memory_space<hbm>>) dst(%arg6 : memref<1000xi32, #tpu.memory_space<vmem>>)
        tpu.yield
      }) : () -> ()
      %run_scoped3A_9 = arith.constant 0 : i32
      "tpu.region"() ({
        %run_scoped3A_179 = tpu.sem_alloc : memref<!tpu.dma_semaphore, #tpu.memory_space<semaphore_mem>>
        %dma_start3A_180 = arith.constant 0 : i32
        %dma_start3A_181 = tpu.memref_slice %arg4[%arg1, %run_scoped3A_9, %dma_start3A_180] : memref<16x10x1000xi32, #tpu.memory_space<hbm>> -> memref<1x1x1000xi32, #tpu.memory_space<hbm>>
        %dma_start3A_182 = tpu.memref_squeeze %dma_start3A_181 : memref<1x1x1000xi32, #tpu.memory_space<hbm>> -> memref<1000xi32, #tpu.memory_space<hbm>>
        %dma_start3A_183 = arith.constant 0 : i32
        %dma_start3A_184 = tpu.memref_slice %arg4[%arg1, %run_scoped3A_9, %dma_start3A_183] : memref<16x10x1000xi32, #tpu.memory_space<hbm>> -> memref<1x1x1000xi32, #tpu.memory_space<hbm>>
        %dma_start3A_185 = tpu.memref_squeeze %dma_start3A_184 : memref<1x1x1000xi32, #tpu.memory_space<hbm>> -> memref<1000xi32, #tpu.memory_space<hbm>>
        tpu.enqueue_dma source(%dma_start3A_185 : memref<1000xi32, #tpu.memory_space<hbm>>) target(%arg8 : memref<1000xi32, #tpu.memory_space<vmem>>) target_semaphore(%run_scoped3A_179 : memref<!tpu.dma_semaphore, #tpu.memory_space<semaphore_mem>>)
        %dma_wait3A_186 = arith.constant 0 : i32
        %dma_wait3A_187 = tpu.memref_slice %arg4[%arg1, %run_scoped3A_9, %dma_wait3A_186] : memref<16x10x1000xi32, #tpu.memory_space<hbm>> -> memref<1x1x1000xi32, #tpu.memory_space<hbm>>
        %dma_wait3A_188 = tpu.memref_squeeze %dma_wait3A_187 : memref<1x1x1000xi32, #tpu.memory_space<hbm>> -> memref<1000xi32, #tpu.memory_space<hbm>>
        %dma_wait3A_189 = arith.constant 0 : i32
        %dma_wait3A_190 = tpu.memref_slice %arg4[%arg1, %run_scoped3A_9, %dma_wait3A_189] : memref<16x10x1000xi32, #tpu.memory_space<hbm>> -> memref<1x1x1000xi32, #tpu.memory_space<hbm>>
        %dma_wait3A_191 = tpu.memref_squeeze %dma_wait3A_190 : memref<1x1x1000xi32, #tpu.memory_space<hbm>> -> memref<1000xi32, #tpu.memory_space<hbm>>
        tpu.wait_dma2 semaphore(%run_scoped3A_179 : memref<!tpu.dma_semaphore, #tpu.memory_space<semaphore_mem>>) src(%dma_wait3A_191 : memref<1000xi32, #tpu.memory_space<hbm>>) dst(%arg8 : memref<1000xi32, #tpu.memory_space<vmem>>)
        tpu.yield
      }) : () -> ()
      %dma_start3A = arith.constant 0 : i32
      %dma_start3A_10 = arith.constant 0 : i32
      %dma_start3A_11 = tpu.memref_slice %arg2[%arg0, %dma_start3A, %dma_start3A_10] : memref<2x80000x16xf32, #tpu.memory_space<hbm>> -> memref<1x80000x16xf32, #tpu.memory_space<hbm>>
      %dma_start3A_12 = tpu.memref_squeeze %dma_start3A_11 : memref<1x80000x16xf32, #tpu.memory_space<hbm>> -> memref<80000x16xf32, #tpu.memory_space<hbm>>
      %dma_start3A_13 = arith.constant 0 : i32
      %dma_start3A_14 = arith.constant 0 : i32
      %dma_start3A_15 = tpu.memref_slice %dma_start3A_12[%dma_start3A_13, %dma_start3A_14] : memref<80000x16xf32, #tpu.memory_space<hbm>> -> memref<80000x16xf32, #tpu.memory_space<hbm>>
      tpu.enqueue_indirect_dma source(%dma_start3A_15 : memref<80000x16xf32, #tpu.memory_space<hbm>>) target(%arg11 : memref<1000x16xf32, #tpu.memory_space<vmem>>) offsets(%arg6 : memref<1000xi32, #tpu.memory_space<vmem>>) semaphore(%arg14 : memref<!tpu.dma_semaphore, #tpu.memory_space<semaphore_mem>>)
      %scan3A_16 = arith.constant 0 : i32
      %scan3A_17 = arith.constant 0 : i32
      %scan3A_18 = arith.constant 1000 : i32
      %scan3A_19 = arith.addi %scan3A_17, %scan3A_18 : i32
      %scan3A_20 = arith.constant 1 : i32
      scf.for %scan3A_179 = %scan3A_17 to %scan3A_19 step %scan3A_20  : i32 {
        %broadcast_in_dim3A = arith.constant 0.000000e+00 : f32
        %broadcast_in_dim3A_180 = vector.broadcast %broadcast_in_dim3A : f32 to vector<16xf32>
        %swap3A = arith.index_cast %scan3A_179 : i32 to index
        %swap3A_181 = arith.constant 0 : index
        %swap3A_182 = tpu.vector_load %arg10[%swap3A, %swap3A_181] {strides = array<i32>} : memref<1000x16xf32, #tpu.memory_space<vmem>>, vector<1x16xf32>,
        %swap3A_183 = vector.shape_cast %swap3A_182 : vector<1x16xf32> to vector<16xf32>
        %swap3A_184 = vector.shape_cast %broadcast_in_dim3A_180 : vector<16xf32> to vector<1x16xf32>
        tpu.vector_store %arg10[%swap3A, %swap3A_181], %swap3A_184 {strides = array<i32>} : memref<1000x16xf32, #tpu.memory_space<vmem>>, vector<1x16xf32>,
      }
      %scan3A_21 = arith.constant 1000 : i32
      %scan3A_22 = arith.constant 0 : i32
      %scan3A_23 = arith.constant 0 : i32
      %scan3A_24 = arith.constant 5 : i32
      %scan3A_25 = arith.addi %scan3A_23, %scan3A_24 : i32
      %scan3A_26 = arith.constant 1 : i32
      scf.for %scan3A_179 = %scan3A_23 to %scan3A_25 step %scan3A_26  : i32 {
        %mul3A_180 = arith.constant 1000 : i32
        %mul3A_181 = arith.muli %scan3A_179, %mul3A_180 : i32
        %add3A_182 = arith.addi %mul3A_8, %mul3A_181 : i32
        "tpu.region"() ({
          %run_scoped3A_183 = tpu.sem_alloc : memref<!tpu.dma_semaphore, #tpu.memory_space<semaphore_mem>>
          %dma_start3A_184 = arith.constant 0 : i32
          %dma_start3A_185 = tpu.memref_slice %arg12[%add3A_182, %dma_start3A_184] : memref<80000x16xf32, #tpu.memory_space<vmem_shared>> -> memref<1000x16xf32, #tpu.memory_space<vmem_shared>>
          %dma_start3A_186 = arith.constant 0 : i32
          %dma_start3A_187 = tpu.memref_slice %arg12[%add3A_182, %dma_start3A_186] : memref<80000x16xf32, #tpu.memory_space<vmem_shared>> -> memref<1000x16xf32, #tpu.memory_space<vmem_shared>>
          tpu.enqueue_dma source(%arg10 : memref<1000x16xf32, #tpu.memory_space<vmem>>) target(%dma_start3A_187 : memref<1000x16xf32, #tpu.memory_space<vmem_shared>>) target_semaphore(%run_scoped3A_183 : memref<!tpu.dma_semaphore, #tpu.memory_space<semaphore_mem>>)
          %dma_wait3A_188 = arith.constant 0 : i32
          %dma_wait3A_189 = tpu.memref_slice %arg12[%add3A_182, %dma_wait3A_188] : memref<80000x16xf32, #tpu.memory_space<vmem_shared>> -> memref<1000x16xf32, #tpu.memory_space<vmem_shared>>
          %dma_wait3A_190 = arith.constant 0 : i32
          %dma_wait3A_191 = tpu.memref_slice %arg12[%add3A_182, %dma_wait3A_190] : memref<80000x16xf32, #tpu.memory_space<vmem_shared>> -> memref<1000x16xf32, #tpu.memory_space<vmem_shared>>
          tpu.wait_dma2 semaphore(%run_scoped3A_183 : memref<!tpu.dma_semaphore, #tpu.memory_space<semaphore_mem>>) src(%arg10 : memref<1000x16xf32, #tpu.memory_space<vmem>>) dst(%dma_wait3A_191 : memref<1000x16xf32, #tpu.memory_space<vmem_shared>>)
          tpu.yield
        }) : () -> ()
      }
      %scan3A_27 = arith.constant 5 : i32
      %barrier3A = arith.constant 0 : index
      tpu.barrier barrier_id(%barrier3A)
      %run_scoped3A_28 = arith.constant 1 : i32
      "tpu.region"() ({
        %run_scoped3A_179 = tpu.sem_alloc : memref<!tpu.dma_semaphore, #tpu.memory_space<semaphore_mem>>
        %dma_start3A_180 = arith.constant 0 : i32
        %dma_start3A_181 = tpu.memref_slice %arg3[%scan3A_5, %arg1, %run_scoped3A_28, %dma_start3A_180] : memref<8x16x10x1000xi32, #tpu.memory_space<hbm>> -> memref<1x1x1x1000xi32, #tpu.memory_space<hbm>>
        %dma_start3A_182 = tpu.memref_squeeze %dma_start3A_181 : memref<1x1x1x1000xi32, #tpu.memory_space<hbm>> -> memref<1000xi32, #tpu.memory_space<hbm>>
        %dma_start3A_183 = arith.constant 0 : i32
        %dma_start3A_184 = tpu.memref_slice %arg3[%scan3A_5, %arg1, %run_scoped3A_28, %dma_start3A_183] : memref<8x16x10x1000xi32, #tpu.memory_space<hbm>> -> memref<1x1x1x1000xi32, #tpu.memory_space<hbm>>
        %dma_start3A_185 = tpu.memref_squeeze %dma_start3A_184 : memref<1x1x1x1000xi32, #tpu.memory_space<hbm>> -> memref<1000xi32, #tpu.memory_space<hbm>>
        tpu.enqueue_dma source(%dma_start3A_185 : memref<1000xi32, #tpu.memory_space<hbm>>) target(%arg7 : memref<1000xi32, #tpu.memory_space<vmem>>) target_semaphore(%run_scoped3A_179 : memref<!tpu.dma_semaphore, #tpu.memory_space<semaphore_mem>>)
        %dma_wait3A_186 = arith.constant 0 : i32
        %dma_wait3A_187 = tpu.memref_slice %arg3[%scan3A_5, %arg1, %run_scoped3A_28, %dma_wait3A_186] : memref<8x16x10x1000xi32, #tpu.memory_space<hbm>> -> memref<1x1x1x1000xi32, #tpu.memory_space<hbm>>
        %dma_wait3A_188 = tpu.memref_squeeze %dma_wait3A_187 : memref<1x1x1x1000xi32, #tpu.memory_space<hbm>> -> memref<1000xi32, #tpu.memory_space<hbm>>
        %dma_wait3A_189 = arith.constant 0 : i32
        %dma_wait3A_190 = tpu.memref_slice %arg3[%scan3A_5, %arg1, %run_scoped3A_28, %dma_wait3A_189] : memref<8x16x10x1000xi32, #tpu.memory_space<hbm>> -> memref<1x1x1x1000xi32, #tpu.memory_space<hbm>>
        %dma_wait3A_191 = tpu.memref_squeeze %dma_wait3A_190 : memref<1x1x1x1000xi32, #tpu.memory_space<hbm>> -> memref<1000xi32, #tpu.memory_space<hbm>>
        tpu.wait_dma2 semaphore(%run_scoped3A_179 : memref<!tpu.dma_semaphore, #tpu.memory_space<semaphore_mem>>) src(%dma_wait3A_191 : memref<1000xi32, #tpu.memory_space<hbm>>) dst(%arg7 : memref<1000xi32, #tpu.memory_space<vmem>>)
        tpu.yield
      }) : () -> ()
      %run_scoped3A_29 = arith.constant 1 : i32
      "tpu.region"() ({
        %run_scoped3A_179 = tpu.sem_alloc : memref<!tpu.dma_semaphore, #tpu.memory_space<semaphore_mem>>
        %dma_start3A_180 = arith.constant 0 : i32
        %dma_start3A_181 = tpu.memref_slice %arg4[%arg1, %run_scoped3A_29, %dma_start3A_180] : memref<16x10x1000xi32, #tpu.memory_space<hbm>> -> memref<1x1x1000xi32, #tpu.memory_space<hbm>>
        %dma_start3A_182 = tpu.memref_squeeze %dma_start3A_181 : memref<1x1x1000xi32, #tpu.memory_space<hbm>> -> memref<1000xi32, #tpu.memory_space<hbm>>
        %dma_start3A_183 = arith.constant 0 : i32
        %dma_start3A_184 = tpu.memref_slice %arg4[%arg1, %run_scoped3A_29, %dma_start3A_183] : memref<16x10x1000xi32, #tpu.memory_space<hbm>> -> memref<1x1x1000xi32, #tpu.memory_space<hbm>>
        %dma_start3A_185 = tpu.memref_squeeze %dma_start3A_184 : memref<1x1x1000xi32, #tpu.memory_space<hbm>> -> memref<1000xi32, #tpu.memory_space<hbm>>
        tpu.enqueue_dma source(%dma_start3A_185 : memref<1000xi32, #tpu.memory_space<hbm>>) target(%arg9 : memref<1000xi32, #tpu.memory_space<vmem>>) target_semaphore(%run_scoped3A_179 : memref<!tpu.dma_semaphore, #tpu.memory_space<semaphore_mem>>)
        %dma_wait3A_186 = arith.constant 0 : i32
        %dma_wait3A_187 = tpu.memref_slice %arg4[%arg1, %run_scoped3A_29, %dma_wait3A_186] : memref<16x10x1000xi32, #tpu.memory_space<hbm>> -> memref<1x1x1000xi32, #tpu.memory_space<hbm>>
        %dma_wait3A_188 = tpu.memref_squeeze %dma_wait3A_187 : memref<1x1x1000xi32, #tpu.memory_space<hbm>> -> memref<1000xi32, #tpu.memory_space<hbm>>
        %dma_wait3A_189 = arith.constant 0 : i32
        %dma_wait3A_190 = tpu.memref_slice %arg4[%arg1, %run_scoped3A_29, %dma_wait3A_189] : memref<16x10x1000xi32, #tpu.memory_space<hbm>> -> memref<1x1x1000xi32, #tpu.memory_space<hbm>>
        %dma_wait3A_191 = tpu.memref_squeeze %dma_wait3A_190 : memref<1x1x1000xi32, #tpu.memory_space<hbm>> -> memref<1000xi32, #tpu.memory_space<hbm>>
        tpu.wait_dma2 semaphore(%run_scoped3A_179 : memref<!tpu.dma_semaphore, #tpu.memory_space<semaphore_mem>>) src(%dma_wait3A_191 : memref<1000xi32, #tpu.memory_space<hbm>>) dst(%arg9 : memref<1000xi32, #tpu.memory_space<vmem>>)
        tpu.yield
      }) : () -> ()
      %dma_wait3A = arith.constant 0 : i32
      %dma_wait3A_30 = arith.constant 0 : i32
      %dma_wait3A_31 = tpu.memref_slice %arg2[%arg0, %dma_wait3A, %dma_wait3A_30] : memref<2x80000x16xf32, #tpu.memory_space<hbm>> -> memref<1x80000x16xf32, #tpu.memory_space<hbm>>
      %dma_wait3A_32 = tpu.memref_squeeze %dma_wait3A_31 : memref<1x80000x16xf32, #tpu.memory_space<hbm>> -> memref<80000x16xf32, #tpu.memory_space<hbm>>
      %dma_wait3A_33 = arith.constant 0 : i32
      %dma_wait3A_34 = arith.constant 0 : i32
      %dma_wait3A_35 = tpu.memref_slice %dma_wait3A_32[%dma_wait3A_33, %dma_wait3A_34] : memref<80000x16xf32, #tpu.memory_space<hbm>> -> memref<80000x16xf32, #tpu.memory_space<hbm>>
      tpu.wait_indirect_dma semaphore(%arg14 : memref<!tpu.dma_semaphore, #tpu.memory_space<semaphore_mem>>) src(%dma_wait3A_35 : memref<80000x16xf32, #tpu.memory_space<hbm>>) dst(%arg11 : memref<1000x16xf32, #tpu.memory_space<vmem>>)
      %dma_start3A_36 = arith.constant 0 : i32
      %dma_start3A_37 = arith.constant 0 : i32
      %dma_start3A_38 = tpu.memref_slice %arg2[%arg0, %dma_start3A_36, %dma_start3A_37] : memref<2x80000x16xf32, #tpu.memory_space<hbm>> -> memref<1x80000x16xf32, #tpu.memory_space<hbm>>
      %dma_start3A_39 = tpu.memref_squeeze %dma_start3A_38 : memref<1x80000x16xf32, #tpu.memory_space<hbm>> -> memref<80000x16xf32, #tpu.memory_space<hbm>>
      %dma_start3A_40 = arith.constant 0 : i32
      %dma_start3A_41 = arith.constant 0 : i32
      %dma_start3A_42 = tpu.memref_slice %dma_start3A_39[%dma_start3A_40, %dma_start3A_41] : memref<80000x16xf32, #tpu.memory_space<hbm>> -> memref<80000x16xf32, #tpu.memory_space<hbm>>
      tpu.enqueue_indirect_dma source(%dma_start3A_42 : memref<80000x16xf32, #tpu.memory_space<hbm>>) target(%arg10 : memref<1000x16xf32, #tpu.memory_space<vmem>>) offsets(%arg7 : memref<1000xi32, #tpu.memory_space<vmem>>) semaphore(%arg13 : memref<!tpu.dma_semaphore, #tpu.memory_space<semaphore_mem>>)
      "tpu.region"() ({
        %run_scoped3A_179 = tpu.sem_alloc : memref<!tpu.dma_semaphore, #tpu.memory_space<semaphore_mem>>
        %dma_start3A_180 = arith.constant 0 : i32
        %dma_start3A_181 = arith.constant 0 : i32
        %dma_start3A_182 = tpu.memref_slice %arg12[%dma_start3A_180, %dma_start3A_181] : memref<80000x16xf32, #tpu.memory_space<vmem_shared>> -> memref<80000x16xf32, #tpu.memory_space<vmem_shared>>
        tpu.enqueue_indirect_dma source(%arg11 : memref<1000x16xf32, #tpu.memory_space<vmem>>) target(%dma_start3A_182 : memref<80000x16xf32, #tpu.memory_space<vmem_shared>>) offsets(%arg8 : memref<1000xi32, #tpu.memory_space<vmem>>) semaphore(%run_scoped3A_179 : memref<!tpu.dma_semaphore, #tpu.memory_space<semaphore_mem>>) {add = true}
        %dma_wait3A_183 = arith.constant 0 : i32
        %dma_wait3A_184 = arith.constant 0 : i32
        %dma_wait3A_185 = tpu.memref_slice %arg12[%dma_wait3A_183, %dma_wait3A_184] : memref<80000x16xf32, #tpu.memory_space<vmem_shared>> -> memref<80000x16xf32, #tpu.memory_space<vmem_shared>>
        tpu.wait_indirect_dma semaphore(%run_scoped3A_179 : memref<!tpu.dma_semaphore, #tpu.memory_space<semaphore_mem>>) src(%arg11 : memref<1000x16xf32, #tpu.memory_space<vmem>>) dst(%dma_wait3A_185 : memref<80000x16xf32, #tpu.memory_space<vmem_shared>>)
        tpu.yield
      }) : () -> ()
      %run_scoped3A_43 = arith.constant 2 : i32
      "tpu.region"() ({
        %run_scoped3A_179 = tpu.sem_alloc : memref<!tpu.dma_semaphore, #tpu.memory_space<semaphore_mem>>
        %dma_start3A_180 = arith.constant 0 : i32
        %dma_start3A_181 = tpu.memref_slice %arg3[%scan3A_5, %arg1, %run_scoped3A_43, %dma_start3A_180] : memref<8x16x10x1000xi32, #tpu.memory_space<hbm>> -> memref<1x1x1x1000xi32, #tpu.memory_space<hbm>>
        %dma_start3A_182 = tpu.memref_squeeze %dma_start3A_181 : memref<1x1x1x1000xi32, #tpu.memory_space<hbm>> -> memref<1000xi32, #tpu.memory_space<hbm>>
        %dma_start3A_183 = arith.constant 0 : i32
        %dma_start3A_184 = tpu.memref_slice %arg3[%scan3A_5, %arg1, %run_scoped3A_43, %dma_start3A_183] : memref<8x16x10x1000xi32, #tpu.memory_space<hbm>> -> memref<1x1x1x1000xi32, #tpu.memory_space<hbm>>
        %dma_start3A_185 = tpu.memref_squeeze %dma_start3A_184 : memref<1x1x1x1000xi32, #tpu.memory_space<hbm>> -> memref<1000xi32, #tpu.memory_space<hbm>>
        tpu.enqueue_dma source(%dma_start3A_185 : memref<1000xi32, #tpu.memory_space<hbm>>) target(%arg6 : memref<1000xi32, #tpu.memory_space<vmem>>) target_semaphore(%run_scoped3A_179 : memref<!tpu.dma_semaphore, #tpu.memory_space<semaphore_mem>>)
        %dma_wait3A_186 = arith.constant 0 : i32
        %dma_wait3A_187 = tpu.memref_slice %arg3[%scan3A_5, %arg1, %run_scoped3A_43, %dma_wait3A_186] : memref<8x16x10x1000xi32, #tpu.memory_space<hbm>> -> memref<1x1x1x1000xi32, #tpu.memory_space<hbm>>
        %dma_wait3A_188 = tpu.memref_squeeze %dma_wait3A_187 : memref<1x1x1x1000xi32, #tpu.memory_space<hbm>> -> memref<1000xi32, #tpu.memory_space<hbm>>
        %dma_wait3A_189 = arith.constant 0 : i32
        %dma_wait3A_190 = tpu.memref_slice %arg3[%scan3A_5, %arg1, %run_scoped3A_43, %dma_wait3A_189] : memref<8x16x10x1000xi32, #tpu.memory_space<hbm>> -> memref<1x1x1x1000xi32, #tpu.memory_space<hbm>>
        %dma_wait3A_191 = tpu.memref_squeeze %dma_wait3A_190 : memref<1x1x1x1000xi32, #tpu.memory_space<hbm>> -> memref<1000xi32, #tpu.memory_space<hbm>>
        tpu.wait_dma2 semaphore(%run_scoped3A_179 : memref<!tpu.dma_semaphore, #tpu.memory_space<semaphore_mem>>) src(%dma_wait3A_191 : memref<1000xi32, #tpu.memory_space<hbm>>) dst(%arg6 : memref<1000xi32, #tpu.memory_space<vmem>>)
        tpu.yield
      }) : () -> ()
      %run_scoped3A_44 = arith.constant 2 : i32
      "tpu.region"() ({
        %run_scoped3A_179 = tpu.sem_alloc : memref<!tpu.dma_semaphore, #tpu.memory_space<semaphore_mem>>
        %dma_start3A_180 = arith.constant 0 : i32
        %dma_start3A_181 = tpu.memref_slice %arg4[%arg1, %run_scoped3A_44, %dma_start3A_180] : memref<16x10x1000xi32, #tpu.memory_space<hbm>> -> memref<1x1x1000xi32, #tpu.memory_space<hbm>>
        %dma_start3A_182 = tpu.memref_squeeze %dma_start3A_181 : memref<1x1x1000xi32, #tpu.memory_space<hbm>> -> memref<1000xi32, #tpu.memory_space<hbm>>
        %dma_start3A_183 = arith.constant 0 : i32
        %dma_start3A_184 = tpu.memref_slice %arg4[%arg1, %run_scoped3A_44, %dma_start3A_183] : memref<16x10x1000xi32, #tpu.memory_space<hbm>> -> memref<1x1x1000xi32, #tpu.memory_space<hbm>>
        %dma_start3A_185 = tpu.memref_squeeze %dma_start3A_184 : memref<1x1x1000xi32, #tpu.memory_space<hbm>> -> memref<1000xi32, #tpu.memory_space<hbm>>
        tpu.enqueue_dma source(%dma_start3A_185 : memref<1000xi32, #tpu.memory_space<hbm>>) target(%arg8 : memref<1000xi32, #tpu.memory_space<vmem>>) target_semaphore(%run_scoped3A_179 : memref<!tpu.dma_semaphore, #tpu.memory_space<semaphore_mem>>)
        %dma_wait3A_186 = arith.constant 0 : i32
        %dma_wait3A_187 = tpu.memref_slice %arg4[%arg1, %run_scoped3A_44, %dma_wait3A_186] : memref<16x10x1000xi32, #tpu.memory_space<hbm>> -> memref<1x1x1000xi32, #tpu.memory_space<hbm>>
        %dma_wait3A_188 = tpu.memref_squeeze %dma_wait3A_187 : memref<1x1x1000xi32, #tpu.memory_space<hbm>> -> memref<1000xi32, #tpu.memory_space<hbm>>
        %dma_wait3A_189 = arith.constant 0 : i32
        %dma_wait3A_190 = tpu.memref_slice %arg4[%arg1, %run_scoped3A_44, %dma_wait3A_189] : memref<16x10x1000xi32, #tpu.memory_space<hbm>> -> memref<1x1x1000xi32, #tpu.memory_space<hbm>>
        %dma_wait3A_191 = tpu.memref_squeeze %dma_wait3A_190 : memref<1x1x1000xi32, #tpu.memory_space<hbm>> -> memref<1000xi32, #tpu.memory_space<hbm>>
        tpu.wait_dma2 semaphore(%run_scoped3A_179 : memref<!tpu.dma_semaphore, #tpu.memory_space<semaphore_mem>>) src(%dma_wait3A_191 : memref<1000xi32, #tpu.memory_space<hbm>>) dst(%arg8 : memref<1000xi32, #tpu.memory_space<vmem>>)
        tpu.yield
      }) : () -> ()
      %dma_wait3A_45 = arith.constant 0 : i32
      %dma_wait3A_46 = arith.constant 0 : i32
      %dma_wait3A_47 = tpu.memref_slice %arg2[%arg0, %dma_wait3A_45, %dma_wait3A_46] : memref<2x80000x16xf32, #tpu.memory_space<hbm>> -> memref<1x80000x16xf32, #tpu.memory_space<hbm>>
      %dma_wait3A_48 = tpu.memref_squeeze %dma_wait3A_47 : memref<1x80000x16xf32, #tpu.memory_space<hbm>> -> memref<80000x16xf32, #tpu.memory_space<hbm>>
      %dma_wait3A_49 = arith.constant 0 : i32
      %dma_wait3A_50 = arith.constant 0 : i32
      %dma_wait3A_51 = tpu.memref_slice %dma_wait3A_48[%dma_wait3A_49, %dma_wait3A_50] : memref<80000x16xf32, #tpu.memory_space<hbm>> -> memref<80000x16xf32, #tpu.memory_space<hbm>>
      tpu.wait_indirect_dma semaphore(%arg13 : memref<!tpu.dma_semaphore, #tpu.memory_space<semaphore_mem>>) src(%dma_wait3A_51 : memref<80000x16xf32, #tpu.memory_space<hbm>>) dst(%arg10 : memref<1000x16xf32, #tpu.memory_space<vmem>>)
      %dma_start3A_52 = arith.constant 0 : i32
      %dma_start3A_53 = arith.constant 0 : i32
      %dma_start3A_54 = tpu.memref_slice %arg2[%arg0, %dma_start3A_52, %dma_start3A_53] : memref<2x80000x16xf32, #tpu.memory_space<hbm>> -> memref<1x80000x16xf32, #tpu.memory_space<hbm>>
      %dma_start3A_55 = tpu.memref_squeeze %dma_start3A_54 : memref<1x80000x16xf32, #tpu.memory_space<hbm>> -> memref<80000x16xf32, #tpu.memory_space<hbm>>
      %dma_start3A_56 = arith.constant 0 : i32
      %dma_start3A_57 = arith.constant 0 : i32
      %dma_start3A_58 = tpu.memref_slice %dma_start3A_55[%dma_start3A_56, %dma_start3A_57] : memref<80000x16xf32, #tpu.memory_space<hbm>> -> memref<80000x16xf32, #tpu.memory_space<hbm>>
      tpu.enqueue_indirect_dma source(%dma_start3A_58 : memref<80000x16xf32, #tpu.memory_space<hbm>>) target(%arg11 : memref<1000x16xf32, #tpu.memory_space<vmem>>) offsets(%arg6 : memref<1000xi32, #tpu.memory_space<vmem>>) semaphore(%arg14 : memref<!tpu.dma_semaphore, #tpu.memory_space<semaphore_mem>>)
      "tpu.region"() ({
        %run_scoped3A_179 = tpu.sem_alloc : memref<!tpu.dma_semaphore, #tpu.memory_space<semaphore_mem>>
        %dma_start3A_180 = arith.constant 0 : i32
        %dma_start3A_181 = arith.constant 0 : i32
        %dma_start3A_182 = tpu.memref_slice %arg12[%dma_start3A_180, %dma_start3A_181] : memref<80000x16xf32, #tpu.memory_space<vmem_shared>> -> memref<80000x16xf32, #tpu.memory_space<vmem_shared>>
        tpu.enqueue_indirect_dma source(%arg10 : memref<1000x16xf32, #tpu.memory_space<vmem>>) target(%dma_start3A_182 : memref<80000x16xf32, #tpu.memory_space<vmem_shared>>) offsets(%arg9 : memref<1000xi32, #tpu.memory_space<vmem>>) semaphore(%run_scoped3A_179 : memref<!tpu.dma_semaphore, #tpu.memory_space<semaphore_mem>>) {add = true}
        %dma_wait3A_183 = arith.constant 0 : i32
        %dma_wait3A_184 = arith.constant 0 : i32
        %dma_wait3A_185 = tpu.memref_slice %arg12[%dma_wait3A_183, %dma_wait3A_184] : memref<80000x16xf32, #tpu.memory_space<vmem_shared>> -> memref<80000x16xf32, #tpu.memory_space<vmem_shared>>
        tpu.wait_indirect_dma semaphore(%run_scoped3A_179 : memref<!tpu.dma_semaphore, #tpu.memory_space<semaphore_mem>>) src(%arg10 : memref<1000x16xf32, #tpu.memory_space<vmem>>) dst(%dma_wait3A_185 : memref<80000x16xf32, #tpu.memory_space<vmem_shared>>)
        tpu.yield
      }) : () -> ()
      %run_scoped3A_59 = arith.constant 3 : i32
      "tpu.region"() ({
        %run_scoped3A_179 = tpu.sem_alloc : memref<!tpu.dma_semaphore, #tpu.memory_space<semaphore_mem>>
        %dma_start3A_180 = arith.constant 0 : i32
        %dma_start3A_181 = tpu.memref_slice %arg3[%scan3A_5, %arg1, %run_scoped3A_59, %dma_start3A_180] : memref<8x16x10x1000xi32, #tpu.memory_space<hbm>> -> memref<1x1x1x1000xi32, #tpu.memory_space<hbm>>
        %dma_start3A_182 = tpu.memref_squeeze %dma_start3A_181 : memref<1x1x1x1000xi32, #tpu.memory_space<hbm>> -> memref<1000xi32, #tpu.memory_space<hbm>>
        %dma_start3A_183 = arith.constant 0 : i32
        %dma_start3A_184 = tpu.memref_slice %arg3[%scan3A_5, %arg1, %run_scoped3A_59, %dma_start3A_183] : memref<8x16x10x1000xi32, #tpu.memory_space<hbm>> -> memref<1x1x1x1000xi32, #tpu.memory_space<hbm>>
        %dma_start3A_185 = tpu.memref_squeeze %dma_start3A_184 : memref<1x1x1x1000xi32, #tpu.memory_space<hbm>> -> memref<1000xi32, #tpu.memory_space<hbm>>
        tpu.enqueue_dma source(%dma_start3A_185 : memref<1000xi32, #tpu.memory_space<hbm>>) target(%arg7 : memref<1000xi32, #tpu.memory_space<vmem>>) target_semaphore(%run_scoped3A_179 : memref<!tpu.dma_semaphore, #tpu.memory_space<semaphore_mem>>)
        %dma_wait3A_186 = arith.constant 0 : i32
        %dma_wait3A_187 = tpu.memref_slice %arg3[%scan3A_5, %arg1, %run_scoped3A_59, %dma_wait3A_186] : memref<8x16x10x1000xi32, #tpu.memory_space<hbm>> -> memref<1x1x1x1000xi32, #tpu.memory_space<hbm>>
        %dma_wait3A_188 = tpu.memref_squeeze %dma_wait3A_187 : memref<1x1x1x1000xi32, #tpu.memory_space<hbm>> -> memref<1000xi32, #tpu.memory_space<hbm>>
        %dma_wait3A_189 = arith.constant 0 : i32
        %dma_wait3A_190 = tpu.memref_slice %arg3[%scan3A_5, %arg1, %run_scoped3A_59, %dma_wait3A_189] : memref<8x16x10x1000xi32, #tpu.memory_space<hbm>> -> memref<1x1x1x1000xi32, #tpu.memory_space<hbm>>
        %dma_wait3A_191 = tpu.memref_squeeze %dma_wait3A_190 : memref<1x1x1x1000xi32, #tpu.memory_space<hbm>> -> memref<1000xi32, #tpu.memory_space<hbm>>
        tpu.wait_dma2 semaphore(%run_scoped3A_179 : memref<!tpu.dma_semaphore, #tpu.memory_space<semaphore_mem>>) src(%dma_wait3A_191 : memref<1000xi32, #tpu.memory_space<hbm>>) dst(%arg7 : memref<1000xi32, #tpu.memory_space<vmem>>)
        tpu.yield
      }) : () -> ()
      %run_scoped3A_60 = arith.constant 3 : i32
      "tpu.region"() ({
        %run_scoped3A_179 = tpu.sem_alloc : memref<!tpu.dma_semaphore, #tpu.memory_space<semaphore_mem>>
        %dma_start3A_180 = arith.constant 0 : i32
        %dma_start3A_181 = tpu.memref_slice %arg4[%arg1, %run_scoped3A_60, %dma_start3A_180] : memref<16x10x1000xi32, #tpu.memory_space<hbm>> -> memref<1x1x1000xi32, #tpu.memory_space<hbm>>
        %dma_start3A_182 = tpu.memref_squeeze %dma_start3A_181 : memref<1x1x1000xi32, #tpu.memory_space<hbm>> -> memref<1000xi32, #tpu.memory_space<hbm>>
        %dma_start3A_183 = arith.constant 0 : i32
        %dma_start3A_184 = tpu.memref_slice %arg4[%arg1, %run_scoped3A_60, %dma_start3A_183] : memref<16x10x1000xi32, #tpu.memory_space<hbm>> -> memref<1x1x1000xi32, #tpu.memory_space<hbm>>
        %dma_start3A_185 = tpu.memref_squeeze %dma_start3A_184 : memref<1x1x1000xi32, #tpu.memory_space<hbm>> -> memref<1000xi32, #tpu.memory_space<hbm>>
        tpu.enqueue_dma source(%dma_start3A_185 : memref<1000xi32, #tpu.memory_space<hbm>>) target(%arg9 : memref<1000xi32, #tpu.memory_space<vmem>>) target_semaphore(%run_scoped3A_179 : memref<!tpu.dma_semaphore, #tpu.memory_space<semaphore_mem>>)
        %dma_wait3A_186 = arith.constant 0 : i32
        %dma_wait3A_187 = tpu.memref_slice %arg4[%arg1, %run_scoped3A_60, %dma_wait3A_186] : memref<16x10x1000xi32, #tpu.memory_space<hbm>> -> memref<1x1x1000xi32, #tpu.memory_space<hbm>>
        %dma_wait3A_188 = tpu.memref_squeeze %dma_wait3A_187 : memref<1x1x1000xi32, #tpu.memory_space<hbm>> -> memref<1000xi32, #tpu.memory_space<hbm>>
        %dma_wait3A_189 = arith.constant 0 : i32
        %dma_wait3A_190 = tpu.memref_slice %arg4[%arg1, %run_scoped3A_60, %dma_wait3A_189] : memref<16x10x1000xi32, #tpu.memory_space<hbm>> -> memref<1x1x1000xi32, #tpu.memory_space<hbm>>
        %dma_wait3A_191 = tpu.memref_squeeze %dma_wait3A_190 : memref<1x1x1000xi32, #tpu.memory_space<hbm>> -> memref<1000xi32, #tpu.memory_space<hbm>>
        tpu.wait_dma2 semaphore(%run_scoped3A_179 : memref<!tpu.dma_semaphore, #tpu.memory_space<semaphore_mem>>) src(%dma_wait3A_191 : memref<1000xi32, #tpu.memory_space<hbm>>) dst(%arg9 : memref<1000xi32, #tpu.memory_space<vmem>>)
        tpu.yield
      }) : () -> ()
      %dma_wait3A_61 = arith.constant 0 : i32
      %dma_wait3A_62 = arith.constant 0 : i32
      %dma_wait3A_63 = tpu.memref_slice %arg2[%arg0, %dma_wait3A_61, %dma_wait3A_62] : memref<2x80000x16xf32, #tpu.memory_space<hbm>> -> memref<1x80000x16xf32, #tpu.memory_space<hbm>>
      %dma_wait3A_64 = tpu.memref_squeeze %dma_wait3A_63 : memref<1x80000x16xf32, #tpu.memory_space<hbm>> -> memref<80000x16xf32, #tpu.memory_space<hbm>>
      %dma_wait3A_65 = arith.constant 0 : i32
      %dma_wait3A_66 = arith.constant 0 : i32
      %dma_wait3A_67 = tpu.memref_slice %dma_wait3A_64[%dma_wait3A_65, %dma_wait3A_66] : memref<80000x16xf32, #tpu.memory_space<hbm>> -> memref<80000x16xf32, #tpu.memory_space<hbm>>
      tpu.wait_indirect_dma semaphore(%arg14 : memref<!tpu.dma_semaphore, #tpu.memory_space<semaphore_mem>>) src(%dma_wait3A_67 : memref<80000x16xf32, #tpu.memory_space<hbm>>) dst(%arg11 : memref<1000x16xf32, #tpu.memory_space<vmem>>)
      %dma_start3A_68 = arith.constant 0 : i32
      %dma_start3A_69 = arith.constant 0 : i32
      %dma_start3A_70 = tpu.memref_slice %arg2[%arg0, %dma_start3A_68, %dma_start3A_69] : memref<2x80000x16xf32, #tpu.memory_space<hbm>> -> memref<1x80000x16xf32, #tpu.memory_space<hbm>>
      %dma_start3A_71 = tpu.memref_squeeze %dma_start3A_70 : memref<1x80000x16xf32, #tpu.memory_space<hbm>> -> memref<80000x16xf32, #tpu.memory_space<hbm>>
      %dma_start3A_72 = arith.constant 0 : i32
      %dma_start3A_73 = arith.constant 0 : i32
      %dma_start3A_74 = tpu.memref_slice %dma_start3A_71[%dma_start3A_72, %dma_start3A_73] : memref<80000x16xf32, #tpu.memory_space<hbm>> -> memref<80000x16xf32, #tpu.memory_space<hbm>>
      tpu.enqueue_indirect_dma source(%dma_start3A_74 : memref<80000x16xf32, #tpu.memory_space<hbm>>) target(%arg10 : memref<1000x16xf32, #tpu.memory_space<vmem>>) offsets(%arg7 : memref<1000xi32, #tpu.memory_space<vmem>>) semaphore(%arg13 : memref<!tpu.dma_semaphore, #tpu.memory_space<semaphore_mem>>)
      "tpu.region"() ({
        %run_scoped3A_179 = tpu.sem_alloc : memref<!tpu.dma_semaphore, #tpu.memory_space<semaphore_mem>>
        %dma_start3A_180 = arith.constant 0 : i32
        %dma_start3A_181 = arith.constant 0 : i32
        %dma_start3A_182 = tpu.memref_slice %arg12[%dma_start3A_180, %dma_start3A_181] : memref<80000x16xf32, #tpu.memory_space<vmem_shared>> -> memref<80000x16xf32, #tpu.memory_space<vmem_shared>>
        tpu.enqueue_indirect_dma source(%arg11 : memref<1000x16xf32, #tpu.memory_space<vmem>>) target(%dma_start3A_182 : memref<80000x16xf32, #tpu.memory_space<vmem_shared>>) offsets(%arg8 : memref<1000xi32, #tpu.memory_space<vmem>>) semaphore(%run_scoped3A_179 : memref<!tpu.dma_semaphore, #tpu.memory_space<semaphore_mem>>) {add = true}
        %dma_wait3A_183 = arith.constant 0 : i32
        %dma_wait3A_184 = arith.constant 0 : i32
        %dma_wait3A_185 = tpu.memref_slice %arg12[%dma_wait3A_183, %dma_wait3A_184] : memref<80000x16xf32, #tpu.memory_space<vmem_shared>> -> memref<80000x16xf32, #tpu.memory_space<vmem_shared>>
        tpu.wait_indirect_dma semaphore(%run_scoped3A_179 : memref<!tpu.dma_semaphore, #tpu.memory_space<semaphore_mem>>) src(%arg11 : memref<1000x16xf32, #tpu.memory_space<vmem>>) dst(%dma_wait3A_185 : memref<80000x16xf32, #tpu.memory_space<vmem_shared>>)
        tpu.yield
      }) : () -> ()
      %run_scoped3A_75 = arith.constant 4 : i32
      "tpu.region"() ({
        %run_scoped3A_179 = tpu.sem_alloc : memref<!tpu.dma_semaphore, #tpu.memory_space<semaphore_mem>>
        %dma_start3A_180 = arith.constant 0 : i32
        %dma_start3A_181 = tpu.memref_slice %arg3[%scan3A_5, %arg1, %run_scoped3A_75, %dma_start3A_180] : memref<8x16x10x1000xi32, #tpu.memory_space<hbm>> -> memref<1x1x1x1000xi32, #tpu.memory_space<hbm>>
        %dma_start3A_182 = tpu.memref_squeeze %dma_start3A_181 : memref<1x1x1x1000xi32, #tpu.memory_space<hbm>> -> memref<1000xi32, #tpu.memory_space<hbm>>
        %dma_start3A_183 = arith.constant 0 : i32
        %dma_start3A_184 = tpu.memref_slice %arg3[%scan3A_5, %arg1, %run_scoped3A_75, %dma_start3A_183] : memref<8x16x10x1000xi32, #tpu.memory_space<hbm>> -> memref<1x1x1x1000xi32, #tpu.memory_space<hbm>>
        %dma_start3A_185 = tpu.memref_squeeze %dma_start3A_184 : memref<1x1x1x1000xi32, #tpu.memory_space<hbm>> -> memref<1000xi32, #tpu.memory_space<hbm>>
        tpu.enqueue_dma source(%dma_start3A_185 : memref<1000xi32, #tpu.memory_space<hbm>>) target(%arg6 : memref<1000xi32, #tpu.memory_space<vmem>>) target_semaphore(%run_scoped3A_179 : memref<!tpu.dma_semaphore, #tpu.memory_space<semaphore_mem>>)
        %dma_wait3A_186 = arith.constant 0 : i32
        %dma_wait3A_187 = tpu.memref_slice %arg3[%scan3A_5, %arg1, %run_scoped3A_75, %dma_wait3A_186] : memref<8x16x10x1000xi32, #tpu.memory_space<hbm>> -> memref<1x1x1x1000xi32, #tpu.memory_space<hbm>>
        %dma_wait3A_188 = tpu.memref_squeeze %dma_wait3A_187 : memref<1x1x1x1000xi32, #tpu.memory_space<hbm>> -> memref<1000xi32, #tpu.memory_space<hbm>>
        %dma_wait3A_189 = arith.constant 0 : i32
        %dma_wait3A_190 = tpu.memref_slice %arg3[%scan3A_5, %arg1, %run_scoped3A_75, %dma_wait3A_189] : memref<8x16x10x1000xi32, #tpu.memory_space<hbm>> -> memref<1x1x1x1000xi32, #tpu.memory_space<hbm>>
        %dma_wait3A_191 = tpu.memref_squeeze %dma_wait3A_190 : memref<1x1x1x1000xi32, #tpu.memory_space<hbm>> -> memref<1000xi32, #tpu.memory_space<hbm>>
        tpu.wait_dma2 semaphore(%run_scoped3A_179 : memref<!tpu.dma_semaphore, #tpu.memory_space<semaphore_mem>>) src(%dma_wait3A_191 : memref<1000xi32, #tpu.memory_space<hbm>>) dst(%arg6 : memref<1000xi32, #tpu.memory_space<vmem>>)
        tpu.yield
      }) : () -> ()
      %run_scoped3A_76 = arith.constant 4 : i32
      "tpu.region"() ({
        %run_scoped3A_179 = tpu.sem_alloc : memref<!tpu.dma_semaphore, #tpu.memory_space<semaphore_mem>>
        %dma_start3A_180 = arith.constant 0 : i32
        %dma_start3A_181 = tpu.memref_slice %arg4[%arg1, %run_scoped3A_76, %dma_start3A_180] : memref<16x10x1000xi32, #tpu.memory_space<hbm>> -> memref<1x1x1000xi32, #tpu.memory_space<hbm>>
        %dma_start3A_182 = tpu.memref_squeeze %dma_start3A_181 : memref<1x1x1000xi32, #tpu.memory_space<hbm>> -> memref<1000xi32, #tpu.memory_space<hbm>>
        %dma_start3A_183 = arith.constant 0 : i32
        %dma_start3A_184 = tpu.memref_slice %arg4[%arg1, %run_scoped3A_76, %dma_start3A_183] : memref<16x10x1000xi32, #tpu.memory_space<hbm>> -> memref<1x1x1000xi32, #tpu.memory_space<hbm>>
        %dma_start3A_185 = tpu.memref_squeeze %dma_start3A_184 : memref<1x1x1000xi32, #tpu.memory_space<hbm>> -> memref<1000xi32, #tpu.memory_space<hbm>>
        tpu.enqueue_dma source(%dma_start3A_185 : memref<1000xi32, #tpu.memory_space<hbm>>) target(%arg8 : memref<1000xi32, #tpu.memory_space<vmem>>) target_semaphore(%run_scoped3A_179 : memref<!tpu.dma_semaphore, #tpu.memory_space<semaphore_mem>>)
        %dma_wait3A_186 = arith.constant 0 : i32
        %dma_wait3A_187 = tpu.memref_slice %arg4[%arg1, %run_scoped3A_76, %dma_wait3A_186] : memref<16x10x1000xi32, #tpu.memory_space<hbm>> -> memref<1x1x1000xi32, #tpu.memory_space<hbm>>
        %dma_wait3A_188 = tpu.memref_squeeze %dma_wait3A_187 : memref<1x1x1000xi32, #tpu.memory_space<hbm>> -> memref<1000xi32, #tpu.memory_space<hbm>>
        %dma_wait3A_189 = arith.constant 0 : i32
        %dma_wait3A_190 = tpu.memref_slice %arg4[%arg1, %run_scoped3A_76, %dma_wait3A_189] : memref<16x10x1000xi32, #tpu.memory_space<hbm>> -> memref<1x1x1000xi32, #tpu.memory_space<hbm>>
        %dma_wait3A_191 = tpu.memref_squeeze %dma_wait3A_190 : memref<1x1x1000xi32, #tpu.memory_space<hbm>> -> memref<1000xi32, #tpu.memory_space<hbm>>
        tpu.wait_dma2 semaphore(%run_scoped3A_179 : memref<!tpu.dma_semaphore, #tpu.memory_space<semaphore_mem>>) src(%dma_wait3A_191 : memref<1000xi32, #tpu.memory_space<hbm>>) dst(%arg8 : memref<1000xi32, #tpu.memory_space<vmem>>)
        tpu.yield
      }) : () -> ()
      %dma_wait3A_77 = arith.constant 0 : i32
      %dma_wait3A_78 = arith.constant 0 : i32
      %dma_wait3A_79 = tpu.memref_slice %arg2[%arg0, %dma_wait3A_77, %dma_wait3A_78] : memref<2x80000x16xf32, #tpu.memory_space<hbm>> -> memref<1x80000x16xf32, #tpu.memory_space<hbm>>
      %dma_wait3A_80 = tpu.memref_squeeze %dma_wait3A_79 : memref<1x80000x16xf32, #tpu.memory_space<hbm>> -> memref<80000x16xf32, #tpu.memory_space<hbm>>
      %dma_wait3A_81 = arith.constant 0 : i32
      %dma_wait3A_82 = arith.constant 0 : i32
      %dma_wait3A_83 = tpu.memref_slice %dma_wait3A_80[%dma_wait3A_81, %dma_wait3A_82] : memref<80000x16xf32, #tpu.memory_space<hbm>> -> memref<80000x16xf32, #tpu.memory_space<hbm>>
      tpu.wait_indirect_dma semaphore(%arg13 : memref<!tpu.dma_semaphore, #tpu.memory_space<semaphore_mem>>) src(%dma_wait3A_83 : memref<80000x16xf32, #tpu.memory_space<hbm>>) dst(%arg10 : memref<1000x16xf32, #tpu.memory_space<vmem>>)
      %dma_start3A_84 = arith.constant 0 : i32
      %dma_start3A_85 = arith.constant 0 : i32
      %dma_start3A_86 = tpu.memref_slice %arg2[%arg0, %dma_start3A_84, %dma_start3A_85] : memref<2x80000x16xf32, #tpu.memory_space<hbm>> -> memref<1x80000x16xf32, #tpu.memory_space<hbm>>
      %dma_start3A_87 = tpu.memref_squeeze %dma_start3A_86 : memref<1x80000x16xf32, #tpu.memory_space<hbm>> -> memref<80000x16xf32, #tpu.memory_space<hbm>>
      %dma_start3A_88 = arith.constant 0 : i32
      %dma_start3A_89 = arith.constant 0 : i32
      %dma_start3A_90 = tpu.memref_slice %dma_start3A_87[%dma_start3A_88, %dma_start3A_89] : memref<80000x16xf32, #tpu.memory_space<hbm>> -> memref<80000x16xf32, #tpu.memory_space<hbm>>
      tpu.enqueue_indirect_dma source(%dma_start3A_90 : memref<80000x16xf32, #tpu.memory_space<hbm>>) target(%arg11 : memref<1000x16xf32, #tpu.memory_space<vmem>>) offsets(%arg6 : memref<1000xi32, #tpu.memory_space<vmem>>) semaphore(%arg14 : memref<!tpu.dma_semaphore, #tpu.memory_space<semaphore_mem>>)
      "tpu.region"() ({
        %run_scoped3A_179 = tpu.sem_alloc : memref<!tpu.dma_semaphore, #tpu.memory_space<semaphore_mem>>
        %dma_start3A_180 = arith.constant 0 : i32
        %dma_start3A_181 = arith.constant 0 : i32
        %dma_start3A_182 = tpu.memref_slice %arg12[%dma_start3A_180, %dma_start3A_181] : memref<80000x16xf32, #tpu.memory_space<vmem_shared>> -> memref<80000x16xf32, #tpu.memory_space<vmem_shared>>
        tpu.enqueue_indirect_dma source(%arg10 : memref<1000x16xf32, #tpu.memory_space<vmem>>) target(%dma_start3A_182 : memref<80000x16xf32, #tpu.memory_space<vmem_shared>>) offsets(%arg9 : memref<1000xi32, #tpu.memory_space<vmem>>) semaphore(%run_scoped3A_179 : memref<!tpu.dma_semaphore, #tpu.memory_space<semaphore_mem>>) {add = true}
        %dma_wait3A_183 = arith.constant 0 : i32
        %dma_wait3A_184 = arith.constant 0 : i32
        %dma_wait3A_185 = tpu.memref_slice %arg12[%dma_wait3A_183, %dma_wait3A_184] : memref<80000x16xf32, #tpu.memory_space<vmem_shared>> -> memref<80000x16xf32, #tpu.memory_space<vmem_shared>>
        tpu.wait_indirect_dma semaphore(%run_scoped3A_179 : memref<!tpu.dma_semaphore, #tpu.memory_space<semaphore_mem>>) src(%arg10 : memref<1000x16xf32, #tpu.memory_space<vmem>>) dst(%dma_wait3A_185 : memref<80000x16xf32, #tpu.memory_space<vmem_shared>>)
        tpu.yield
      }) : () -> ()
      %run_scoped3A_91 = arith.constant 5 : i32
      "tpu.region"() ({
        %run_scoped3A_179 = tpu.sem_alloc : memref<!tpu.dma_semaphore, #tpu.memory_space<semaphore_mem>>
        %dma_start3A_180 = arith.constant 0 : i32
        %dma_start3A_181 = tpu.memref_slice %arg3[%scan3A_5, %arg1, %run_scoped3A_91, %dma_start3A_180] : memref<8x16x10x1000xi32, #tpu.memory_space<hbm>> -> memref<1x1x1x1000xi32, #tpu.memory_space<hbm>>
        %dma_start3A_182 = tpu.memref_squeeze %dma_start3A_181 : memref<1x1x1x1000xi32, #tpu.memory_space<hbm>> -> memref<1000xi32, #tpu.memory_space<hbm>>
        %dma_start3A_183 = arith.constant 0 : i32
        %dma_start3A_184 = tpu.memref_slice %arg3[%scan3A_5, %arg1, %run_scoped3A_91, %dma_start3A_183] : memref<8x16x10x1000xi32, #tpu.memory_space<hbm>> -> memref<1x1x1x1000xi32, #tpu.memory_space<hbm>>
        %dma_start3A_185 = tpu.memref_squeeze %dma_start3A_184 : memref<1x1x1x1000xi32, #tpu.memory_space<hbm>> -> memref<1000xi32, #tpu.memory_space<hbm>>
        tpu.enqueue_dma source(%dma_start3A_185 : memref<1000xi32, #tpu.memory_space<hbm>>) target(%arg7 : memref<1000xi32, #tpu.memory_space<vmem>>) target_semaphore(%run_scoped3A_179 : memref<!tpu.dma_semaphore, #tpu.memory_space<semaphore_mem>>)
        %dma_wait3A_186 = arith.constant 0 : i32
        %dma_wait3A_187 = tpu.memref_slice %arg3[%scan3A_5, %arg1, %run_scoped3A_91, %dma_wait3A_186] : memref<8x16x10x1000xi32, #tpu.memory_space<hbm>> -> memref<1x1x1x1000xi32, #tpu.memory_space<hbm>>
        %dma_wait3A_188 = tpu.memref_squeeze %dma_wait3A_187 : memref<1x1x1x1000xi32, #tpu.memory_space<hbm>> -> memref<1000xi32, #tpu.memory_space<hbm>>
        %dma_wait3A_189 = arith.constant 0 : i32
        %dma_wait3A_190 = tpu.memref_slice %arg3[%scan3A_5, %arg1, %run_scoped3A_91, %dma_wait3A_189] : memref<8x16x10x1000xi32, #tpu.memory_space<hbm>> -> memref<1x1x1x1000xi32, #tpu.memory_space<hbm>>
        %dma_wait3A_191 = tpu.memref_squeeze %dma_wait3A_190 : memref<1x1x1x1000xi32, #tpu.memory_space<hbm>> -> memref<1000xi32, #tpu.memory_space<hbm>>
        tpu.wait_dma2 semaphore(%run_scoped3A_179 : memref<!tpu.dma_semaphore, #tpu.memory_space<semaphore_mem>>) src(%dma_wait3A_191 : memref<1000xi32, #tpu.memory_space<hbm>>) dst(%arg7 : memref<1000xi32, #tpu.memory_space<vmem>>)
        tpu.yield
      }) : () -> ()
      %run_scoped3A_92 = arith.constant 5 : i32
      "tpu.region"() ({
        %run_scoped3A_179 = tpu.sem_alloc : memref<!tpu.dma_semaphore, #tpu.memory_space<semaphore_mem>>
        %dma_start3A_180 = arith.constant 0 : i32
        %dma_start3A_181 = tpu.memref_slice %arg4[%arg1, %run_scoped3A_92, %dma_start3A_180] : memref<16x10x1000xi32, #tpu.memory_space<hbm>> -> memref<1x1x1000xi32, #tpu.memory_space<hbm>>
        %dma_start3A_182 = tpu.memref_squeeze %dma_start3A_181 : memref<1x1x1000xi32, #tpu.memory_space<hbm>> -> memref<1000xi32, #tpu.memory_space<hbm>>
        %dma_start3A_183 = arith.constant 0 : i32
        %dma_start3A_184 = tpu.memref_slice %arg4[%arg1, %run_scoped3A_92, %dma_start3A_183] : memref<16x10x1000xi32, #tpu.memory_space<hbm>> -> memref<1x1x1000xi32, #tpu.memory_space<hbm>>
        %dma_start3A_185 = tpu.memref_squeeze %dma_start3A_184 : memref<1x1x1000xi32, #tpu.memory_space<hbm>> -> memref<1000xi32, #tpu.memory_space<hbm>>
        tpu.enqueue_dma source(%dma_start3A_185 : memref<1000xi32, #tpu.memory_space<hbm>>) target(%arg9 : memref<1000xi32, #tpu.memory_space<vmem>>) target_semaphore(%run_scoped3A_179 : memref<!tpu.dma_semaphore, #tpu.memory_space<semaphore_mem>>)
        %dma_wait3A_186 = arith.constant 0 : i32
        %dma_wait3A_187 = tpu.memref_slice %arg4[%arg1, %run_scoped3A_92, %dma_wait3A_186] : memref<16x10x1000xi32, #tpu.memory_space<hbm>> -> memref<1x1x1000xi32, #tpu.memory_space<hbm>>
        %dma_wait3A_188 = tpu.memref_squeeze %dma_wait3A_187 : memref<1x1x1000xi32, #tpu.memory_space<hbm>> -> memref<1000xi32, #tpu.memory_space<hbm>>
        %dma_wait3A_189 = arith.constant 0 : i32
        %dma_wait3A_190 = tpu.memref_slice %arg4[%arg1, %run_scoped3A_92, %dma_wait3A_189] : memref<16x10x1000xi32, #tpu.memory_space<hbm>> -> memref<1x1x1000xi32, #tpu.memory_space<hbm>>
        %dma_wait3A_191 = tpu.memref_squeeze %dma_wait3A_190 : memref<1x1x1000xi32, #tpu.memory_space<hbm>> -> memref<1000xi32, #tpu.memory_space<hbm>>
        tpu.wait_dma2 semaphore(%run_scoped3A_179 : memref<!tpu.dma_semaphore, #tpu.memory_space<semaphore_mem>>) src(%dma_wait3A_191 : memref<1000xi32, #tpu.memory_space<hbm>>) dst(%arg9 : memref<1000xi32, #tpu.memory_space<vmem>>)
        tpu.yield
      }) : () -> ()
      %dma_wait3A_93 = arith.constant 0 : i32
      %dma_wait3A_94 = arith.constant 0 : i32
      %dma_wait3A_95 = tpu.memref_slice %arg2[%arg0, %dma_wait3A_93, %dma_wait3A_94] : memref<2x80000x16xf32, #tpu.memory_space<hbm>> -> memref<1x80000x16xf32, #tpu.memory_space<hbm>>
      %dma_wait3A_96 = tpu.memref_squeeze %dma_wait3A_95 : memref<1x80000x16xf32, #tpu.memory_space<hbm>> -> memref<80000x16xf32, #tpu.memory_space<hbm>>
      %dma_wait3A_97 = arith.constant 0 : i32
      %dma_wait3A_98 = arith.constant 0 : i32
      %dma_wait3A_99 = tpu.memref_slice %dma_wait3A_96[%dma_wait3A_97, %dma_wait3A_98] : memref<80000x16xf32, #tpu.memory_space<hbm>> -> memref<80000x16xf32, #tpu.memory_space<hbm>>
      tpu.wait_indirect_dma semaphore(%arg14 : memref<!tpu.dma_semaphore, #tpu.memory_space<semaphore_mem>>) src(%dma_wait3A_99 : memref<80000x16xf32, #tpu.memory_space<hbm>>) dst(%arg11 : memref<1000x16xf32, #tpu.memory_space<vmem>>)
      %dma_start3A_100 = arith.constant 0 : i32
      %dma_start3A_101 = arith.constant 0 : i32
      %dma_start3A_102 = tpu.memref_slice %arg2[%arg0, %dma_start3A_100, %dma_start3A_101] : memref<2x80000x16xf32, #tpu.memory_space<hbm>> -> memref<1x80000x16xf32, #tpu.memory_space<hbm>>
      %dma_start3A_103 = tpu.memref_squeeze %dma_start3A_102 : memref<1x80000x16xf32, #tpu.memory_space<hbm>> -> memref<80000x16xf32, #tpu.memory_space<hbm>>
      %dma_start3A_104 = arith.constant 0 : i32
      %dma_start3A_105 = arith.constant 0 : i32
      %dma_start3A_106 = tpu.memref_slice %dma_start3A_103[%dma_start3A_104, %dma_start3A_105] : memref<80000x16xf32, #tpu.memory_space<hbm>> -> memref<80000x16xf32, #tpu.memory_space<hbm>>
      tpu.enqueue_indirect_dma source(%dma_start3A_106 : memref<80000x16xf32, #tpu.memory_space<hbm>>) target(%arg10 : memref<1000x16xf32, #tpu.memory_space<vmem>>) offsets(%arg7 : memref<1000xi32, #tpu.memory_space<vmem>>) semaphore(%arg13 : memref<!tpu.dma_semaphore, #tpu.memory_space<semaphore_mem>>)
      "tpu.region"() ({
        %run_scoped3A_179 = tpu.sem_alloc : memref<!tpu.dma_semaphore, #tpu.memory_space<semaphore_mem>>
        %dma_start3A_180 = arith.constant 0 : i32
        %dma_start3A_181 = arith.constant 0 : i32
        %dma_start3A_182 = tpu.memref_slice %arg12[%dma_start3A_180, %dma_start3A_181] : memref<80000x16xf32, #tpu.memory_space<vmem_shared>> -> memref<80000x16xf32, #tpu.memory_space<vmem_shared>>
        tpu.enqueue_indirect_dma source(%arg11 : memref<1000x16xf32, #tpu.memory_space<vmem>>) target(%dma_start3A_182 : memref<80000x16xf32, #tpu.memory_space<vmem_shared>>) offsets(%arg8 : memref<1000xi32, #tpu.memory_space<vmem>>) semaphore(%run_scoped3A_179 : memref<!tpu.dma_semaphore, #tpu.memory_space<semaphore_mem>>) {add = true}
        %dma_wait3A_183 = arith.constant 0 : i32
        %dma_wait3A_184 = arith.constant 0 : i32
        %dma_wait3A_185 = tpu.memref_slice %arg12[%dma_wait3A_183, %dma_wait3A_184] : memref<80000x16xf32, #tpu.memory_space<vmem_shared>> -> memref<80000x16xf32, #tpu.memory_space<vmem_shared>>
        tpu.wait_indirect_dma semaphore(%run_scoped3A_179 : memref<!tpu.dma_semaphore, #tpu.memory_space<semaphore_mem>>) src(%arg11 : memref<1000x16xf32, #tpu.memory_space<vmem>>) dst(%dma_wait3A_185 : memref<80000x16xf32, #tpu.memory_space<vmem_shared>>)
        tpu.yield
      }) : () -> ()
      %run_scoped3A_107 = arith.constant 6 : i32
      "tpu.region"() ({
        %run_scoped3A_179 = tpu.sem_alloc : memref<!tpu.dma_semaphore, #tpu.memory_space<semaphore_mem>>
        %dma_start3A_180 = arith.constant 0 : i32
        %dma_start3A_181 = tpu.memref_slice %arg3[%scan3A_5, %arg1, %run_scoped3A_107, %dma_start3A_180] : memref<8x16x10x1000xi32, #tpu.memory_space<hbm>> -> memref<1x1x1x1000xi32, #tpu.memory_space<hbm>>
        %dma_start3A_182 = tpu.memref_squeeze %dma_start3A_181 : memref<1x1x1x1000xi32, #tpu.memory_space<hbm>> -> memref<1000xi32, #tpu.memory_space<hbm>>
        %dma_start3A_183 = arith.constant 0 : i32
        %dma_start3A_184 = tpu.memref_slice %arg3[%scan3A_5, %arg1, %run_scoped3A_107, %dma_start3A_183] : memref<8x16x10x1000xi32, #tpu.memory_space<hbm>> -> memref<1x1x1x1000xi32, #tpu.memory_space<hbm>>
        %dma_start3A_185 = tpu.memref_squeeze %dma_start3A_184 : memref<1x1x1x1000xi32, #tpu.memory_space<hbm>> -> memref<1000xi32, #tpu.memory_space<hbm>>
        tpu.enqueue_dma source(%dma_start3A_185 : memref<1000xi32, #tpu.memory_space<hbm>>) target(%arg6 : memref<1000xi32, #tpu.memory_space<vmem>>) target_semaphore(%run_scoped3A_179 : memref<!tpu.dma_semaphore, #tpu.memory_space<semaphore_mem>>)
        %dma_wait3A_186 = arith.constant 0 : i32
        %dma_wait3A_187 = tpu.memref_slice %arg3[%scan3A_5, %arg1, %run_scoped3A_107, %dma_wait3A_186] : memref<8x16x10x1000xi32, #tpu.memory_space<hbm>> -> memref<1x1x1x1000xi32, #tpu.memory_space<hbm>>
        %dma_wait3A_188 = tpu.memref_squeeze %dma_wait3A_187 : memref<1x1x1x1000xi32, #tpu.memory_space<hbm>> -> memref<1000xi32, #tpu.memory_space<hbm>>
        %dma_wait3A_189 = arith.constant 0 : i32
        %dma_wait3A_190 = tpu.memref_slice %arg3[%scan3A_5, %arg1, %run_scoped3A_107, %dma_wait3A_189] : memref<8x16x10x1000xi32, #tpu.memory_space<hbm>> -> memref<1x1x1x1000xi32, #tpu.memory_space<hbm>>
        %dma_wait3A_191 = tpu.memref_squeeze %dma_wait3A_190 : memref<1x1x1x1000xi32, #tpu.memory_space<hbm>> -> memref<1000xi32, #tpu.memory_space<hbm>>
        tpu.wait_dma2 semaphore(%run_scoped3A_179 : memref<!tpu.dma_semaphore, #tpu.memory_space<semaphore_mem>>) src(%dma_wait3A_191 : memref<1000xi32, #tpu.memory_space<hbm>>) dst(%arg6 : memref<1000xi32, #tpu.memory_space<vmem>>)
        tpu.yield
      }) : () -> ()
      %run_scoped3A_108 = arith.constant 6 : i32
      "tpu.region"() ({
        %run_scoped3A_179 = tpu.sem_alloc : memref<!tpu.dma_semaphore, #tpu.memory_space<semaphore_mem>>
        %dma_start3A_180 = arith.constant 0 : i32
        %dma_start3A_181 = tpu.memref_slice %arg4[%arg1, %run_scoped3A_108, %dma_start3A_180] : memref<16x10x1000xi32, #tpu.memory_space<hbm>> -> memref<1x1x1000xi32, #tpu.memory_space<hbm>>
        %dma_start3A_182 = tpu.memref_squeeze %dma_start3A_181 : memref<1x1x1000xi32, #tpu.memory_space<hbm>> -> memref<1000xi32, #tpu.memory_space<hbm>>
        %dma_start3A_183 = arith.constant 0 : i32
        %dma_start3A_184 = tpu.memref_slice %arg4[%arg1, %run_scoped3A_108, %dma_start3A_183] : memref<16x10x1000xi32, #tpu.memory_space<hbm>> -> memref<1x1x1000xi32, #tpu.memory_space<hbm>>
        %dma_start3A_185 = tpu.memref_squeeze %dma_start3A_184 : memref<1x1x1000xi32, #tpu.memory_space<hbm>> -> memref<1000xi32, #tpu.memory_space<hbm>>
        tpu.enqueue_dma source(%dma_start3A_185 : memref<1000xi32, #tpu.memory_space<hbm>>) target(%arg8 : memref<1000xi32, #tpu.memory_space<vmem>>) target_semaphore(%run_scoped3A_179 : memref<!tpu.dma_semaphore, #tpu.memory_space<semaphore_mem>>)
        %dma_wait3A_186 = arith.constant 0 : i32
        %dma_wait3A_187 = tpu.memref_slice %arg4[%arg1, %run_scoped3A_108, %dma_wait3A_186] : memref<16x10x1000xi32, #tpu.memory_space<hbm>> -> memref<1x1x1000xi32, #tpu.memory_space<hbm>>
        %dma_wait3A_188 = tpu.memref_squeeze %dma_wait3A_187 : memref<1x1x1000xi32, #tpu.memory_space<hbm>> -> memref<1000xi32, #tpu.memory_space<hbm>>
        %dma_wait3A_189 = arith.constant 0 : i32
        %dma_wait3A_190 = tpu.memref_slice %arg4[%arg1, %run_scoped3A_108, %dma_wait3A_189] : memref<16x10x1000xi32, #tpu.memory_space<hbm>> -> memref<1x1x1000xi32, #tpu.memory_space<hbm>>
        %dma_wait3A_191 = tpu.memref_squeeze %dma_wait3A_190 : memref<1x1x1000xi32, #tpu.memory_space<hbm>> -> memref<1000xi32, #tpu.memory_space<hbm>>
        tpu.wait_dma2 semaphore(%run_scoped3A_179 : memref<!tpu.dma_semaphore, #tpu.memory_space<semaphore_mem>>) src(%dma_wait3A_191 : memref<1000xi32, #tpu.memory_space<hbm>>) dst(%arg8 : memref<1000xi32, #tpu.memory_space<vmem>>)
        tpu.yield
      }) : () -> ()
      %dma_wait3A_109 = arith.constant 0 : i32
      %dma_wait3A_110 = arith.constant 0 : i32
      %dma_wait3A_111 = tpu.memref_slice %arg2[%arg0, %dma_wait3A_109, %dma_wait3A_110] : memref<2x80000x16xf32, #tpu.memory_space<hbm>> -> memref<1x80000x16xf32, #tpu.memory_space<hbm>>
      %dma_wait3A_112 = tpu.memref_squeeze %dma_wait3A_111 : memref<1x80000x16xf32, #tpu.memory_space<hbm>> -> memref<80000x16xf32, #tpu.memory_space<hbm>>
      %dma_wait3A_113 = arith.constant 0 : i32
      %dma_wait3A_114 = arith.constant 0 : i32
      %dma_wait3A_115 = tpu.memref_slice %dma_wait3A_112[%dma_wait3A_113, %dma_wait3A_114] : memref<80000x16xf32, #tpu.memory_space<hbm>> -> memref<80000x16xf32, #tpu.memory_space<hbm>>
      tpu.wait_indirect_dma semaphore(%arg13 : memref<!tpu.dma_semaphore, #tpu.memory_space<semaphore_mem>>) src(%dma_wait3A_115 : memref<80000x16xf32, #tpu.memory_space<hbm>>) dst(%arg10 : memref<1000x16xf32, #tpu.memory_space<vmem>>)
      %dma_start3A_116 = arith.constant 0 : i32
      %dma_start3A_117 = arith.constant 0 : i32
      %dma_start3A_118 = tpu.memref_slice %arg2[%arg0, %dma_start3A_116, %dma_start3A_117] : memref<2x80000x16xf32, #tpu.memory_space<hbm>> -> memref<1x80000x16xf32, #tpu.memory_space<hbm>>
      %dma_start3A_119 = tpu.memref_squeeze %dma_start3A_118 : memref<1x80000x16xf32, #tpu.memory_space<hbm>> -> memref<80000x16xf32, #tpu.memory_space<hbm>>
      %dma_start3A_120 = arith.constant 0 : i32
      %dma_start3A_121 = arith.constant 0 : i32
      %dma_start3A_122 = tpu.memref_slice %dma_start3A_119[%dma_start3A_120, %dma_start3A_121] : memref<80000x16xf32, #tpu.memory_space<hbm>> -> memref<80000x16xf32, #tpu.memory_space<hbm>>
      tpu.enqueue_indirect_dma source(%dma_start3A_122 : memref<80000x16xf32, #tpu.memory_space<hbm>>) target(%arg11 : memref<1000x16xf32, #tpu.memory_space<vmem>>) offsets(%arg6 : memref<1000xi32, #tpu.memory_space<vmem>>) semaphore(%arg14 : memref<!tpu.dma_semaphore, #tpu.memory_space<semaphore_mem>>)
      "tpu.region"() ({
        %run_scoped3A_179 = tpu.sem_alloc : memref<!tpu.dma_semaphore, #tpu.memory_space<semaphore_mem>>
        %dma_start3A_180 = arith.constant 0 : i32
        %dma_start3A_181 = arith.constant 0 : i32
        %dma_start3A_182 = tpu.memref_slice %arg12[%dma_start3A_180, %dma_start3A_181] : memref<80000x16xf32, #tpu.memory_space<vmem_shared>> -> memref<80000x16xf32, #tpu.memory_space<vmem_shared>>
        tpu.enqueue_indirect_dma source(%arg10 : memref<1000x16xf32, #tpu.memory_space<vmem>>) target(%dma_start3A_182 : memref<80000x16xf32, #tpu.memory_space<vmem_shared>>) offsets(%arg9 : memref<1000xi32, #tpu.memory_space<vmem>>) semaphore(%run_scoped3A_179 : memref<!tpu.dma_semaphore, #tpu.memory_space<semaphore_mem>>) {add = true}
        %dma_wait3A_183 = arith.constant 0 : i32
        %dma_wait3A_184 = arith.constant 0 : i32
        %dma_wait3A_185 = tpu.memref_slice %arg12[%dma_wait3A_183, %dma_wait3A_184] : memref<80000x16xf32, #tpu.memory_space<vmem_shared>> -> memref<80000x16xf32, #tpu.memory_space<vmem_shared>>
        tpu.wait_indirect_dma semaphore(%run_scoped3A_179 : memref<!tpu.dma_semaphore, #tpu.memory_space<semaphore_mem>>) src(%arg10 : memref<1000x16xf32, #tpu.memory_space<vmem>>) dst(%dma_wait3A_185 : memref<80000x16xf32, #tpu.memory_space<vmem_shared>>)
        tpu.yield
      }) : () -> ()
      %run_scoped3A_123 = arith.constant 7 : i32
      "tpu.region"() ({
        %run_scoped3A_179 = tpu.sem_alloc : memref<!tpu.dma_semaphore, #tpu.memory_space<semaphore_mem>>
        %dma_start3A_180 = arith.constant 0 : i32
        %dma_start3A_181 = tpu.memref_slice %arg3[%scan3A_5, %arg1, %run_scoped3A_123, %dma_start3A_180] : memref<8x16x10x1000xi32, #tpu.memory_space<hbm>> -> memref<1x1x1x1000xi32, #tpu.memory_space<hbm>>
        %dma_start3A_182 = tpu.memref_squeeze %dma_start3A_181 : memref<1x1x1x1000xi32, #tpu.memory_space<hbm>> -> memref<1000xi32, #tpu.memory_space<hbm>>
        %dma_start3A_183 = arith.constant 0 : i32
        %dma_start3A_184 = tpu.memref_slice %arg3[%scan3A_5, %arg1, %run_scoped3A_123, %dma_start3A_183] : memref<8x16x10x1000xi32, #tpu.memory_space<hbm>> -> memref<1x1x1x1000xi32, #tpu.memory_space<hbm>>
        %dma_start3A_185 = tpu.memref_squeeze %dma_start3A_184 : memref<1x1x1x1000xi32, #tpu.memory_space<hbm>> -> memref<1000xi32, #tpu.memory_space<hbm>>
        tpu.enqueue_dma source(%dma_start3A_185 : memref<1000xi32, #tpu.memory_space<hbm>>) target(%arg7 : memref<1000xi32, #tpu.memory_space<vmem>>) target_semaphore(%run_scoped3A_179 : memref<!tpu.dma_semaphore, #tpu.memory_space<semaphore_mem>>)
        %dma_wait3A_186 = arith.constant 0 : i32
        %dma_wait3A_187 = tpu.memref_slice %arg3[%scan3A_5, %arg1, %run_scoped3A_123, %dma_wait3A_186] : memref<8x16x10x1000xi32, #tpu.memory_space<hbm>> -> memref<1x1x1x1000xi32, #tpu.memory_space<hbm>>
        %dma_wait3A_188 = tpu.memref_squeeze %dma_wait3A_187 : memref<1x1x1x1000xi32, #tpu.memory_space<hbm>> -> memref<1000xi32, #tpu.memory_space<hbm>>
        %dma_wait3A_189 = arith.constant 0 : i32
        %dma_wait3A_190 = tpu.memref_slice %arg3[%scan3A_5, %arg1, %run_scoped3A_123, %dma_wait3A_189] : memref<8x16x10x1000xi32, #tpu.memory_space<hbm>> -> memref<1x1x1x1000xi32, #tpu.memory_space<hbm>>
        %dma_wait3A_191 = tpu.memref_squeeze %dma_wait3A_190 : memref<1x1x1x1000xi32, #tpu.memory_space<hbm>> -> memref<1000xi32, #tpu.memory_space<hbm>>
        tpu.wait_dma2 semaphore(%run_scoped3A_179 : memref<!tpu.dma_semaphore, #tpu.memory_space<semaphore_mem>>) src(%dma_wait3A_191 : memref<1000xi32, #tpu.memory_space<hbm>>) dst(%arg7 : memref<1000xi32, #tpu.memory_space<vmem>>)
        tpu.yield
      }) : () -> ()
      %run_scoped3A_124 = arith.constant 7 : i32
      "tpu.region"() ({
        %run_scoped3A_179 = tpu.sem_alloc : memref<!tpu.dma_semaphore, #tpu.memory_space<semaphore_mem>>
        %dma_start3A_180 = arith.constant 0 : i32
        %dma_start3A_181 = tpu.memref_slice %arg4[%arg1, %run_scoped3A_124, %dma_start3A_180] : memref<16x10x1000xi32, #tpu.memory_space<hbm>> -> memref<1x1x1000xi32, #tpu.memory_space<hbm>>
        %dma_start3A_182 = tpu.memref_squeeze %dma_start3A_181 : memref<1x1x1000xi32, #tpu.memory_space<hbm>> -> memref<1000xi32, #tpu.memory_space<hbm>>
        %dma_start3A_183 = arith.constant 0 : i32
        %dma_start3A_184 = tpu.memref_slice %arg4[%arg1, %run_scoped3A_124, %dma_start3A_183] : memref<16x10x1000xi32, #tpu.memory_space<hbm>> -> memref<1x1x1000xi32, #tpu.memory_space<hbm>>
        %dma_start3A_185 = tpu.memref_squeeze %dma_start3A_184 : memref<1x1x1000xi32, #tpu.memory_space<hbm>> -> memref<1000xi32, #tpu.memory_space<hbm>>
        tpu.enqueue_dma source(%dma_start3A_185 : memref<1000xi32, #tpu.memory_space<hbm>>) target(%arg9 : memref<1000xi32, #tpu.memory_space<vmem>>) target_semaphore(%run_scoped3A_179 : memref<!tpu.dma_semaphore, #tpu.memory_space<semaphore_mem>>)
        %dma_wait3A_186 = arith.constant 0 : i32
        %dma_wait3A_187 = tpu.memref_slice %arg4[%arg1, %run_scoped3A_124, %dma_wait3A_186] : memref<16x10x1000xi32, #tpu.memory_space<hbm>> -> memref<1x1x1000xi32, #tpu.memory_space<hbm>>
        %dma_wait3A_188 = tpu.memref_squeeze %dma_wait3A_187 : memref<1x1x1000xi32, #tpu.memory_space<hbm>> -> memref<1000xi32, #tpu.memory_space<hbm>>
        %dma_wait3A_189 = arith.constant 0 : i32
        %dma_wait3A_190 = tpu.memref_slice %arg4[%arg1, %run_scoped3A_124, %dma_wait3A_189] : memref<16x10x1000xi32, #tpu.memory_space<hbm>> -> memref<1x1x1000xi32, #tpu.memory_space<hbm>>
        %dma_wait3A_191 = tpu.memref_squeeze %dma_wait3A_190 : memref<1x1x1000xi32, #tpu.memory_space<hbm>> -> memref<1000xi32, #tpu.memory_space<hbm>>
        tpu.wait_dma2 semaphore(%run_scoped3A_179 : memref<!tpu.dma_semaphore, #tpu.memory_space<semaphore_mem>>) src(%dma_wait3A_191 : memref<1000xi32, #tpu.memory_space<hbm>>) dst(%arg9 : memref<1000xi32, #tpu.memory_space<vmem>>)
        tpu.yield
      }) : () -> ()
      %dma_wait3A_125 = arith.constant 0 : i32
      %dma_wait3A_126 = arith.constant 0 : i32
      %dma_wait3A_127 = tpu.memref_slice %arg2[%arg0, %dma_wait3A_125, %dma_wait3A_126] : memref<2x80000x16xf32, #tpu.memory_space<hbm>> -> memref<1x80000x16xf32, #tpu.memory_space<hbm>>
      %dma_wait3A_128 = tpu.memref_squeeze %dma_wait3A_127 : memref<1x80000x16xf32, #tpu.memory_space<hbm>> -> memref<80000x16xf32, #tpu.memory_space<hbm>>
      %dma_wait3A_129 = arith.constant 0 : i32
      %dma_wait3A_130 = arith.constant 0 : i32
      %dma_wait3A_131 = tpu.memref_slice %dma_wait3A_128[%dma_wait3A_129, %dma_wait3A_130] : memref<80000x16xf32, #tpu.memory_space<hbm>> -> memref<80000x16xf32, #tpu.memory_space<hbm>>
      tpu.wait_indirect_dma semaphore(%arg14 : memref<!tpu.dma_semaphore, #tpu.memory_space<semaphore_mem>>) src(%dma_wait3A_131 : memref<80000x16xf32, #tpu.memory_space<hbm>>) dst(%arg11 : memref<1000x16xf32, #tpu.memory_space<vmem>>)
      %dma_start3A_132 = arith.constant 0 : i32
      %dma_start3A_133 = arith.constant 0 : i32
      %dma_start3A_134 = tpu.memref_slice %arg2[%arg0, %dma_start3A_132, %dma_start3A_133] : memref<2x80000x16xf32, #tpu.memory_space<hbm>> -> memref<1x80000x16xf32, #tpu.memory_space<hbm>>
      %dma_start3A_135 = tpu.memref_squeeze %dma_start3A_134 : memref<1x80000x16xf32, #tpu.memory_space<hbm>> -> memref<80000x16xf32, #tpu.memory_space<hbm>>
      %dma_start3A_136 = arith.constant 0 : i32
      %dma_start3A_137 = arith.constant 0 : i32
      %dma_start3A_138 = tpu.memref_slice %dma_start3A_135[%dma_start3A_136, %dma_start3A_137] : memref<80000x16xf32, #tpu.memory_space<hbm>> -> memref<80000x16xf32, #tpu.memory_space<hbm>>
      tpu.enqueue_indirect_dma source(%dma_start3A_138 : memref<80000x16xf32, #tpu.memory_space<hbm>>) target(%arg10 : memref<1000x16xf32, #tpu.memory_space<vmem>>) offsets(%arg7 : memref<1000xi32, #tpu.memory_space<vmem>>) semaphore(%arg13 : memref<!tpu.dma_semaphore, #tpu.memory_space<semaphore_mem>>)
      "tpu.region"() ({
        %run_scoped3A_179 = tpu.sem_alloc : memref<!tpu.dma_semaphore, #tpu.memory_space<semaphore_mem>>
        %dma_start3A_180 = arith.constant 0 : i32
        %dma_start3A_181 = arith.constant 0 : i32
        %dma_start3A_182 = tpu.memref_slice %arg12[%dma_start3A_180, %dma_start3A_181] : memref<80000x16xf32, #tpu.memory_space<vmem_shared>> -> memref<80000x16xf32, #tpu.memory_space<vmem_shared>>
        tpu.enqueue_indirect_dma source(%arg11 : memref<1000x16xf32, #tpu.memory_space<vmem>>) target(%dma_start3A_182 : memref<80000x16xf32, #tpu.memory_space<vmem_shared>>) offsets(%arg8 : memref<1000xi32, #tpu.memory_space<vmem>>) semaphore(%run_scoped3A_179 : memref<!tpu.dma_semaphore, #tpu.memory_space<semaphore_mem>>) {add = true}
        %dma_wait3A_183 = arith.constant 0 : i32
        %dma_wait3A_184 = arith.constant 0 : i32
        %dma_wait3A_185 = tpu.memref_slice %arg12[%dma_wait3A_183, %dma_wait3A_184] : memref<80000x16xf32, #tpu.memory_space<vmem_shared>> -> memref<80000x16xf32, #tpu.memory_space<vmem_shared>>
        tpu.wait_indirect_dma semaphore(%run_scoped3A_179 : memref<!tpu.dma_semaphore, #tpu.memory_space<semaphore_mem>>) src(%arg11 : memref<1000x16xf32, #tpu.memory_space<vmem>>) dst(%dma_wait3A_185 : memref<80000x16xf32, #tpu.memory_space<vmem_shared>>)
        tpu.yield
      }) : () -> ()
      %run_scoped3A_139 = arith.constant 8 : i32
      "tpu.region"() ({
        %run_scoped3A_179 = tpu.sem_alloc : memref<!tpu.dma_semaphore, #tpu.memory_space<semaphore_mem>>
        %dma_start3A_180 = arith.constant 0 : i32
        %dma_start3A_181 = tpu.memref_slice %arg3[%scan3A_5, %arg1, %run_scoped3A_139, %dma_start3A_180] : memref<8x16x10x1000xi32, #tpu.memory_space<hbm>> -> memref<1x1x1x1000xi32, #tpu.memory_space<hbm>>
        %dma_start3A_182 = tpu.memref_squeeze %dma_start3A_181 : memref<1x1x1x1000xi32, #tpu.memory_space<hbm>> -> memref<1000xi32, #tpu.memory_space<hbm>>
        %dma_start3A_183 = arith.constant 0 : i32
        %dma_start3A_184 = tpu.memref_slice %arg3[%scan3A_5, %arg1, %run_scoped3A_139, %dma_start3A_183] : memref<8x16x10x1000xi32, #tpu.memory_space<hbm>> -> memref<1x1x1x1000xi32, #tpu.memory_space<hbm>>
        %dma_start3A_185 = tpu.memref_squeeze %dma_start3A_184 : memref<1x1x1x1000xi32, #tpu.memory_space<hbm>> -> memref<1000xi32, #tpu.memory_space<hbm>>
        tpu.enqueue_dma source(%dma_start3A_185 : memref<1000xi32, #tpu.memory_space<hbm>>) target(%arg6 : memref<1000xi32, #tpu.memory_space<vmem>>) target_semaphore(%run_scoped3A_179 : memref<!tpu.dma_semaphore, #tpu.memory_space<semaphore_mem>>)
        %dma_wait3A_186 = arith.constant 0 : i32
        %dma_wait3A_187 = tpu.memref_slice %arg3[%scan3A_5, %arg1, %run_scoped3A_139, %dma_wait3A_186] : memref<8x16x10x1000xi32, #tpu.memory_space<hbm>> -> memref<1x1x1x1000xi32, #tpu.memory_space<hbm>>
        %dma_wait3A_188 = tpu.memref_squeeze %dma_wait3A_187 : memref<1x1x1x1000xi32, #tpu.memory_space<hbm>> -> memref<1000xi32, #tpu.memory_space<hbm>>
        %dma_wait3A_189 = arith.constant 0 : i32
        %dma_wait3A_190 = tpu.memref_slice %arg3[%scan3A_5, %arg1, %run_scoped3A_139, %dma_wait3A_189] : memref<8x16x10x1000xi32, #tpu.memory_space<hbm>> -> memref<1x1x1x1000xi32, #tpu.memory_space<hbm>>
        %dma_wait3A_191 = tpu.memref_squeeze %dma_wait3A_190 : memref<1x1x1x1000xi32, #tpu.memory_space<hbm>> -> memref<1000xi32, #tpu.memory_space<hbm>>
        tpu.wait_dma2 semaphore(%run_scoped3A_179 : memref<!tpu.dma_semaphore, #tpu.memory_space<semaphore_mem>>) src(%dma_wait3A_191 : memref<1000xi32, #tpu.memory_space<hbm>>) dst(%arg6 : memref<1000xi32, #tpu.memory_space<vmem>>)
        tpu.yield
      }) : () -> ()
      %run_scoped3A_140 = arith.constant 8 : i32
      "tpu.region"() ({
        %run_scoped3A_179 = tpu.sem_alloc : memref<!tpu.dma_semaphore, #tpu.memory_space<semaphore_mem>>
        %dma_start3A_180 = arith.constant 0 : i32
        %dma_start3A_181 = tpu.memref_slice %arg4[%arg1, %run_scoped3A_140, %dma_start3A_180] : memref<16x10x1000xi32, #tpu.memory_space<hbm>> -> memref<1x1x1000xi32, #tpu.memory_space<hbm>>
        %dma_start3A_182 = tpu.memref_squeeze %dma_start3A_181 : memref<1x1x1000xi32, #tpu.memory_space<hbm>> -> memref<1000xi32, #tpu.memory_space<hbm>>
        %dma_start3A_183 = arith.constant 0 : i32
        %dma_start3A_184 = tpu.memref_slice %arg4[%arg1, %run_scoped3A_140, %dma_start3A_183] : memref<16x10x1000xi32, #tpu.memory_space<hbm>> -> memref<1x1x1000xi32, #tpu.memory_space<hbm>>
        %dma_start3A_185 = tpu.memref_squeeze %dma_start3A_184 : memref<1x1x1000xi32, #tpu.memory_space<hbm>> -> memref<1000xi32, #tpu.memory_space<hbm>>
        tpu.enqueue_dma source(%dma_start3A_185 : memref<1000xi32, #tpu.memory_space<hbm>>) target(%arg8 : memref<1000xi32, #tpu.memory_space<vmem>>) target_semaphore(%run_scoped3A_179 : memref<!tpu.dma_semaphore, #tpu.memory_space<semaphore_mem>>)
        %dma_wait3A_186 = arith.constant 0 : i32
        %dma_wait3A_187 = tpu.memref_slice %arg4[%arg1, %run_scoped3A_140, %dma_wait3A_186] : memref<16x10x1000xi32, #tpu.memory_space<hbm>> -> memref<1x1x1000xi32, #tpu.memory_space<hbm>>
        %dma_wait3A_188 = tpu.memref_squeeze %dma_wait3A_187 : memref<1x1x1000xi32, #tpu.memory_space<hbm>> -> memref<1000xi32, #tpu.memory_space<hbm>>
        %dma_wait3A_189 = arith.constant 0 : i32
        %dma_wait3A_190 = tpu.memref_slice %arg4[%arg1, %run_scoped3A_140, %dma_wait3A_189] : memref<16x10x1000xi32, #tpu.memory_space<hbm>> -> memref<1x1x1000xi32, #tpu.memory_space<hbm>>
        %dma_wait3A_191 = tpu.memref_squeeze %dma_wait3A_190 : memref<1x1x1000xi32, #tpu.memory_space<hbm>> -> memref<1000xi32, #tpu.memory_space<hbm>>
        tpu.wait_dma2 semaphore(%run_scoped3A_179 : memref<!tpu.dma_semaphore, #tpu.memory_space<semaphore_mem>>) src(%dma_wait3A_191 : memref<1000xi32, #tpu.memory_space<hbm>>) dst(%arg8 : memref<1000xi32, #tpu.memory_space<vmem>>)
        tpu.yield
      }) : () -> ()
      %dma_wait3A_141 = arith.constant 0 : i32
      %dma_wait3A_142 = arith.constant 0 : i32
      %dma_wait3A_143 = tpu.memref_slice %arg2[%arg0, %dma_wait3A_141, %dma_wait3A_142] : memref<2x80000x16xf32, #tpu.memory_space<hbm>> -> memref<1x80000x16xf32, #tpu.memory_space<hbm>>
      %dma_wait3A_144 = tpu.memref_squeeze %dma_wait3A_143 : memref<1x80000x16xf32, #tpu.memory_space<hbm>> -> memref<80000x16xf32, #tpu.memory_space<hbm>>
      %dma_wait3A_145 = arith.constant 0 : i32
      %dma_wait3A_146 = arith.constant 0 : i32
      %dma_wait3A_147 = tpu.memref_slice %dma_wait3A_144[%dma_wait3A_145, %dma_wait3A_146] : memref<80000x16xf32, #tpu.memory_space<hbm>> -> memref<80000x16xf32, #tpu.memory_space<hbm>>
      tpu.wait_indirect_dma semaphore(%arg13 : memref<!tpu.dma_semaphore, #tpu.memory_space<semaphore_mem>>) src(%dma_wait3A_147 : memref<80000x16xf32, #tpu.memory_space<hbm>>) dst(%arg10 : memref<1000x16xf32, #tpu.memory_space<vmem>>)
      %dma_start3A_148 = arith.constant 0 : i32
      %dma_start3A_149 = arith.constant 0 : i32
      %dma_start3A_150 = tpu.memref_slice %arg2[%arg0, %dma_start3A_148, %dma_start3A_149] : memref<2x80000x16xf32, #tpu.memory_space<hbm>> -> memref<1x80000x16xf32, #tpu.memory_space<hbm>>
      %dma_start3A_151 = tpu.memref_squeeze %dma_start3A_150 : memref<1x80000x16xf32, #tpu.memory_space<hbm>> -> memref<80000x16xf32, #tpu.memory_space<hbm>>
      %dma_start3A_152 = arith.constant 0 : i32
      %dma_start3A_153 = arith.constant 0 : i32
      %dma_start3A_154 = tpu.memref_slice %dma_start3A_151[%dma_start3A_152, %dma_start3A_153] : memref<80000x16xf32, #tpu.memory_space<hbm>> -> memref<80000x16xf32, #tpu.memory_space<hbm>>
      tpu.enqueue_indirect_dma source(%dma_start3A_154 : memref<80000x16xf32, #tpu.memory_space<hbm>>) target(%arg11 : memref<1000x16xf32, #tpu.memory_space<vmem>>) offsets(%arg6 : memref<1000xi32, #tpu.memory_space<vmem>>) semaphore(%arg14 : memref<!tpu.dma_semaphore, #tpu.memory_space<semaphore_mem>>)
      "tpu.region"() ({
        %run_scoped3A_179 = tpu.sem_alloc : memref<!tpu.dma_semaphore, #tpu.memory_space<semaphore_mem>>
        %dma_start3A_180 = arith.constant 0 : i32
        %dma_start3A_181 = arith.constant 0 : i32
        %dma_start3A_182 = tpu.memref_slice %arg12[%dma_start3A_180, %dma_start3A_181] : memref<80000x16xf32, #tpu.memory_space<vmem_shared>> -> memref<80000x16xf32, #tpu.memory_space<vmem_shared>>
        tpu.enqueue_indirect_dma source(%arg10 : memref<1000x16xf32, #tpu.memory_space<vmem>>) target(%dma_start3A_182 : memref<80000x16xf32, #tpu.memory_space<vmem_shared>>) offsets(%arg9 : memref<1000xi32, #tpu.memory_space<vmem>>) semaphore(%run_scoped3A_179 : memref<!tpu.dma_semaphore, #tpu.memory_space<semaphore_mem>>) {add = true}
        %dma_wait3A_183 = arith.constant 0 : i32
        %dma_wait3A_184 = arith.constant 0 : i32
        %dma_wait3A_185 = tpu.memref_slice %arg12[%dma_wait3A_183, %dma_wait3A_184] : memref<80000x16xf32, #tpu.memory_space<vmem_shared>> -> memref<80000x16xf32, #tpu.memory_space<vmem_shared>>
        tpu.wait_indirect_dma semaphore(%run_scoped3A_179 : memref<!tpu.dma_semaphore, #tpu.memory_space<semaphore_mem>>) src(%arg10 : memref<1000x16xf32, #tpu.memory_space<vmem>>) dst(%dma_wait3A_185 : memref<80000x16xf32, #tpu.memory_space<vmem_shared>>)
        tpu.yield
      }) : () -> ()
      %run_scoped3A_155 = arith.constant 9 : i32
      "tpu.region"() ({
        %run_scoped3A_179 = tpu.sem_alloc : memref<!tpu.dma_semaphore, #tpu.memory_space<semaphore_mem>>
        %dma_start3A_180 = arith.constant 0 : i32
        %dma_start3A_181 = tpu.memref_slice %arg3[%scan3A_5, %arg1, %run_scoped3A_155, %dma_start3A_180] : memref<8x16x10x1000xi32, #tpu.memory_space<hbm>> -> memref<1x1x1x1000xi32, #tpu.memory_space<hbm>>
        %dma_start3A_182 = tpu.memref_squeeze %dma_start3A_181 : memref<1x1x1x1000xi32, #tpu.memory_space<hbm>> -> memref<1000xi32, #tpu.memory_space<hbm>>
        %dma_start3A_183 = arith.constant 0 : i32
        %dma_start3A_184 = tpu.memref_slice %arg3[%scan3A_5, %arg1, %run_scoped3A_155, %dma_start3A_183] : memref<8x16x10x1000xi32, #tpu.memory_space<hbm>> -> memref<1x1x1x1000xi32, #tpu.memory_space<hbm>>
        %dma_start3A_185 = tpu.memref_squeeze %dma_start3A_184 : memref<1x1x1x1000xi32, #tpu.memory_space<hbm>> -> memref<1000xi32, #tpu.memory_space<hbm>>
        tpu.enqueue_dma source(%dma_start3A_185 : memref<1000xi32, #tpu.memory_space<hbm>>) target(%arg7 : memref<1000xi32, #tpu.memory_space<vmem>>) target_semaphore(%run_scoped3A_179 : memref<!tpu.dma_semaphore, #tpu.memory_space<semaphore_mem>>)
        %dma_wait3A_186 = arith.constant 0 : i32
        %dma_wait3A_187 = tpu.memref_slice %arg3[%scan3A_5, %arg1, %run_scoped3A_155, %dma_wait3A_186] : memref<8x16x10x1000xi32, #tpu.memory_space<hbm>> -> memref<1x1x1x1000xi32, #tpu.memory_space<hbm>>
        %dma_wait3A_188 = tpu.memref_squeeze %dma_wait3A_187 : memref<1x1x1x1000xi32, #tpu.memory_space<hbm>> -> memref<1000xi32, #tpu.memory_space<hbm>>
        %dma_wait3A_189 = arith.constant 0 : i32
        %dma_wait3A_190 = tpu.memref_slice %arg3[%scan3A_5, %arg1, %run_scoped3A_155, %dma_wait3A_189] : memref<8x16x10x1000xi32, #tpu.memory_space<hbm>> -> memref<1x1x1x1000xi32, #tpu.memory_space<hbm>>
        %dma_wait3A_191 = tpu.memref_squeeze %dma_wait3A_190 : memref<1x1x1x1000xi32, #tpu.memory_space<hbm>> -> memref<1000xi32, #tpu.memory_space<hbm>>
        tpu.wait_dma2 semaphore(%run_scoped3A_179 : memref<!tpu.dma_semaphore, #tpu.memory_space<semaphore_mem>>) src(%dma_wait3A_191 : memref<1000xi32, #tpu.memory_space<hbm>>) dst(%arg7 : memref<1000xi32, #tpu.memory_space<vmem>>)
        tpu.yield
      }) : () -> ()
      %run_scoped3A_156 = arith.constant 9 : i32
      "tpu.region"() ({
        %run_scoped3A_179 = tpu.sem_alloc : memref<!tpu.dma_semaphore, #tpu.memory_space<semaphore_mem>>
        %dma_start3A_180 = arith.constant 0 : i32
        %dma_start3A_181 = tpu.memref_slice %arg4[%arg1, %run_scoped3A_156, %dma_start3A_180] : memref<16x10x1000xi32, #tpu.memory_space<hbm>> -> memref<1x1x1000xi32, #tpu.memory_space<hbm>>
        %dma_start3A_182 = tpu.memref_squeeze %dma_start3A_181 : memref<1x1x1000xi32, #tpu.memory_space<hbm>> -> memref<1000xi32, #tpu.memory_space<hbm>>
        %dma_start3A_183 = arith.constant 0 : i32
        %dma_start3A_184 = tpu.memref_slice %arg4[%arg1, %run_scoped3A_156, %dma_start3A_183] : memref<16x10x1000xi32, #tpu.memory_space<hbm>> -> memref<1x1x1000xi32, #tpu.memory_space<hbm>>
        %dma_start3A_185 = tpu.memref_squeeze %dma_start3A_184 : memref<1x1x1000xi32, #tpu.memory_space<hbm>> -> memref<1000xi32, #tpu.memory_space<hbm>>
        tpu.enqueue_dma source(%dma_start3A_185 : memref<1000xi32, #tpu.memory_space<hbm>>) target(%arg9 : memref<1000xi32, #tpu.memory_space<vmem>>) target_semaphore(%run_scoped3A_179 : memref<!tpu.dma_semaphore, #tpu.memory_space<semaphore_mem>>)
        %dma_wait3A_186 = arith.constant 0 : i32
        %dma_wait3A_187 = tpu.memref_slice %arg4[%arg1, %run_scoped3A_156, %dma_wait3A_186] : memref<16x10x1000xi32, #tpu.memory_space<hbm>> -> memref<1x1x1000xi32, #tpu.memory_space<hbm>>
        %dma_wait3A_188 = tpu.memref_squeeze %dma_wait3A_187 : memref<1x1x1000xi32, #tpu.memory_space<hbm>> -> memref<1000xi32, #tpu.memory_space<hbm>>
        %dma_wait3A_189 = arith.constant 0 : i32
        %dma_wait3A_190 = tpu.memref_slice %arg4[%arg1, %run_scoped3A_156, %dma_wait3A_189] : memref<16x10x1000xi32, #tpu.memory_space<hbm>> -> memref<1x1x1000xi32, #tpu.memory_space<hbm>>
        %dma_wait3A_191 = tpu.memref_squeeze %dma_wait3A_190 : memref<1x1x1000xi32, #tpu.memory_space<hbm>> -> memref<1000xi32, #tpu.memory_space<hbm>>
        tpu.wait_dma2 semaphore(%run_scoped3A_179 : memref<!tpu.dma_semaphore, #tpu.memory_space<semaphore_mem>>) src(%dma_wait3A_191 : memref<1000xi32, #tpu.memory_space<hbm>>) dst(%arg9 : memref<1000xi32, #tpu.memory_space<vmem>>)
        tpu.yield
      }) : () -> ()
      %dma_wait3A_157 = arith.constant 0 : i32
      %dma_wait3A_158 = arith.constant 0 : i32
      %dma_wait3A_159 = tpu.memref_slice %arg2[%arg0, %dma_wait3A_157, %dma_wait3A_158] : memref<2x80000x16xf32, #tpu.memory_space<hbm>> -> memref<1x80000x16xf32, #tpu.memory_space<hbm>>
      %dma_wait3A_160 = tpu.memref_squeeze %dma_wait3A_159 : memref<1x80000x16xf32, #tpu.memory_space<hbm>> -> memref<80000x16xf32, #tpu.memory_space<hbm>>
      %dma_wait3A_161 = arith.constant 0 : i32
      %dma_wait3A_162 = arith.constant 0 : i32
      %dma_wait3A_163 = tpu.memref_slice %dma_wait3A_160[%dma_wait3A_161, %dma_wait3A_162] : memref<80000x16xf32, #tpu.memory_space<hbm>> -> memref<80000x16xf32, #tpu.memory_space<hbm>>
      tpu.wait_indirect_dma semaphore(%arg14 : memref<!tpu.dma_semaphore, #tpu.memory_space<semaphore_mem>>) src(%dma_wait3A_163 : memref<80000x16xf32, #tpu.memory_space<hbm>>) dst(%arg11 : memref<1000x16xf32, #tpu.memory_space<vmem>>)
      %dma_start3A_164 = arith.constant 0 : i32
      %dma_start3A_165 = arith.constant 0 : i32
      %dma_start3A_166 = tpu.memref_slice %arg2[%arg0, %dma_start3A_164, %dma_start3A_165] : memref<2x80000x16xf32, #tpu.memory_space<hbm>> -> memref<1x80000x16xf32, #tpu.memory_space<hbm>>
      %dma_start3A_167 = tpu.memref_squeeze %dma_start3A_166 : memref<1x80000x16xf32, #tpu.memory_space<hbm>> -> memref<80000x16xf32, #tpu.memory_space<hbm>>
      %dma_start3A_168 = arith.constant 0 : i32
      %dma_start3A_169 = arith.constant 0 : i32
      %dma_start3A_170 = tpu.memref_slice %dma_start3A_167[%dma_start3A_168, %dma_start3A_169] : memref<80000x16xf32, #tpu.memory_space<hbm>> -> memref<80000x16xf32, #tpu.memory_space<hbm>>
      tpu.enqueue_indirect_dma source(%dma_start3A_170 : memref<80000x16xf32, #tpu.memory_space<hbm>>) target(%arg10 : memref<1000x16xf32, #tpu.memory_space<vmem>>) offsets(%arg7 : memref<1000xi32, #tpu.memory_space<vmem>>) semaphore(%arg13 : memref<!tpu.dma_semaphore, #tpu.memory_space<semaphore_mem>>)
      "tpu.region"() ({
        %run_scoped3A_179 = tpu.sem_alloc : memref<!tpu.dma_semaphore, #tpu.memory_space<semaphore_mem>>
        %dma_start3A_180 = arith.constant 0 : i32
        %dma_start3A_181 = arith.constant 0 : i32
        %dma_start3A_182 = tpu.memref_slice %arg12[%dma_start3A_180, %dma_start3A_181] : memref<80000x16xf32, #tpu.memory_space<vmem_shared>> -> memref<80000x16xf32, #tpu.memory_space<vmem_shared>>
        tpu.enqueue_indirect_dma source(%arg11 : memref<1000x16xf32, #tpu.memory_space<vmem>>) target(%dma_start3A_182 : memref<80000x16xf32, #tpu.memory_space<vmem_shared>>) offsets(%arg8 : memref<1000xi32, #tpu.memory_space<vmem>>) semaphore(%run_scoped3A_179 : memref<!tpu.dma_semaphore, #tpu.memory_space<semaphore_mem>>) {add = true}
        %dma_wait3A_183 = arith.constant 0 : i32
        %dma_wait3A_184 = arith.constant 0 : i32
        %dma_wait3A_185 = tpu.memref_slice %arg12[%dma_wait3A_183, %dma_wait3A_184] : memref<80000x16xf32, #tpu.memory_space<vmem_shared>> -> memref<80000x16xf32, #tpu.memory_space<vmem_shared>>
        tpu.wait_indirect_dma semaphore(%run_scoped3A_179 : memref<!tpu.dma_semaphore, #tpu.memory_space<semaphore_mem>>) src(%arg11 : memref<1000x16xf32, #tpu.memory_space<vmem>>) dst(%dma_wait3A_185 : memref<80000x16xf32, #tpu.memory_space<vmem_shared>>)
        tpu.yield
      }) : () -> ()
      %dma_wait3A_171 = arith.constant 0 : i32
      %dma_wait3A_172 = arith.constant 0 : i32
      %dma_wait3A_173 = tpu.memref_slice %arg2[%arg0, %dma_wait3A_171, %dma_wait3A_172] : memref<2x80000x16xf32, #tpu.memory_space<hbm>> -> memref<1x80000x16xf32, #tpu.memory_space<hbm>>
      %dma_wait3A_174 = tpu.memref_squeeze %dma_wait3A_173 : memref<1x80000x16xf32, #tpu.memory_space<hbm>> -> memref<80000x16xf32, #tpu.memory_space<hbm>>
      %dma_wait3A_175 = arith.constant 0 : i32
      %dma_wait3A_176 = arith.constant 0 : i32
      %dma_wait3A_177 = tpu.memref_slice %dma_wait3A_174[%dma_wait3A_175, %dma_wait3A_176] : memref<80000x16xf32, #tpu.memory_space<hbm>> -> memref<80000x16xf32, #tpu.memory_space<hbm>>
      tpu.wait_indirect_dma semaphore(%arg13 : memref<!tpu.dma_semaphore, #tpu.memory_space<semaphore_mem>>) src(%dma_wait3A_177 : memref<80000x16xf32, #tpu.memory_space<hbm>>) dst(%arg10 : memref<1000x16xf32, #tpu.memory_space<vmem>>)
      "tpu.region"() ({
        %run_scoped3A_179 = tpu.sem_alloc : memref<!tpu.dma_semaphore, #tpu.memory_space<semaphore_mem>>
        %dma_start3A_180 = arith.constant 0 : i32
        %dma_start3A_181 = arith.constant 0 : i32
        %dma_start3A_182 = tpu.memref_slice %arg12[%dma_start3A_180, %dma_start3A_181] : memref<80000x16xf32, #tpu.memory_space<vmem_shared>> -> memref<80000x16xf32, #tpu.memory_space<vmem_shared>>
        tpu.enqueue_indirect_dma source(%arg10 : memref<1000x16xf32, #tpu.memory_space<vmem>>) target(%dma_start3A_182 : memref<80000x16xf32, #tpu.memory_space<vmem_shared>>) offsets(%arg9 : memref<1000xi32, #tpu.memory_space<vmem>>) semaphore(%run_scoped3A_179 : memref<!tpu.dma_semaphore, #tpu.memory_space<semaphore_mem>>) {add = true}
        %dma_wait3A_183 = arith.constant 0 : i32
        %dma_wait3A_184 = arith.constant 0 : i32
        %dma_wait3A_185 = tpu.memref_slice %arg12[%dma_wait3A_183, %dma_wait3A_184] : memref<80000x16xf32, #tpu.memory_space<vmem_shared>> -> memref<80000x16xf32, #tpu.memory_space<vmem_shared>>
        tpu.wait_indirect_dma semaphore(%run_scoped3A_179 : memref<!tpu.dma_semaphore, #tpu.memory_space<semaphore_mem>>) src(%arg10 : memref<1000x16xf32, #tpu.memory_space<vmem>>) dst(%dma_wait3A_185 : memref<80000x16xf32, #tpu.memory_space<vmem_shared>>)
        tpu.yield
      }) : () -> ()
      %barrier3A_178 = arith.constant 0 : index
      tpu.barrier barrier_id(%barrier3A_178)
      "tpu.region"() ({
        %run_scoped3A_179 = tpu.sem_alloc : memref<!tpu.dma_semaphore, #tpu.memory_space<semaphore_mem>>
        %dma_start3A_180 = arith.constant 0 : i32
        %dma_start3A_181 = tpu.memref_slice %arg5[%add3A, %mul3A_8, %dma_start3A_180] : memref<16x80000x16xf32, #tpu.memory_space<hbm>> -> memref<1x5000x16xf32, #tpu.memory_space<hbm>>
        %dma_start3A_182 = tpu.memref_squeeze %dma_start3A_181 : memref<1x5000x16xf32, #tpu.memory_space<hbm>> -> memref<5000x16xf32, #tpu.memory_space<hbm>>
        %dma_start3A_183 = arith.constant 0 : i32
        %dma_start3A_184 = tpu.memref_slice %arg12[%mul3A_8, %dma_start3A_183] : memref<80000x16xf32, #tpu.memory_space<vmem_shared>> -> memref<5000x16xf32, #tpu.memory_space<vmem_shared>>
        tpu.enqueue_dma source(%dma_start3A_184 : memref<5000x16xf32, #tpu.memory_space<vmem_shared>>) target(%dma_start3A_182 : memref<5000x16xf32, #tpu.memory_space<hbm>>) target_semaphore(%run_scoped3A_179 : memref<!tpu.dma_semaphore, #tpu.memory_space<semaphore_mem>>)
        %dma_wait3A_185 = arith.constant 0 : i32
        %dma_wait3A_186 = tpu.memref_slice %arg5[%add3A, %mul3A_8, %dma_wait3A_185] : memref<16x80000x16xf32, #tpu.memory_space<hbm>> -> memref<1x5000x16xf32, #tpu.memory_space<hbm>>
        %dma_wait3A_187 = tpu.memref_squeeze %dma_wait3A_186 : memref<1x5000x16xf32, #tpu.memory_space<hbm>> -> memref<5000x16xf32, #tpu.memory_space<hbm>>
        %dma_wait3A_188 = arith.constant 0 : i32
        %dma_wait3A_189 = tpu.memref_slice %arg12[%mul3A_8, %dma_wait3A_188] : memref<80000x16xf32, #tpu.memory_space<vmem_shared>> -> memref<5000x16xf32, #tpu.memory_space<vmem_shared>>
        tpu.wait_dma2 semaphore(%run_scoped3A_179 : memref<!tpu.dma_semaphore, #tpu.memory_space<semaphore_mem>>) src(%dma_wait3A_189 : memref<5000x16xf32, #tpu.memory_space<vmem_shared>>) dst(%dma_wait3A_187 : memref<5000x16xf32, #tpu.memory_space<hbm>>)
        tpu.yield
      }) : () -> ()
    }
    %scan3A_4 = arith.constant 8 : i32
    return
  }
}

#map = affine_map<(d0, d1) -> (0)>
#map1 = affine_map<(d0, d1) -> (0, 0, 0)>
module attributes {stable_mosaic.version = 14 : i64} {
  func.func @_seg_cnt_body(%arg0: i32, %arg1: i32, %arg2: memref<160000xi32, #tpu.memory_space<hbm>>, %arg3: memref<160000xi32, #tpu.memory_space<hbm>>, %arg4: memref<160000xi32, #tpu.memory_space<hbm>>, %arg5: memref<160000xi32, #tpu.memory_space<hbm>>, %arg6: memref<80384xf32, #tpu.memory_space<hbm>>, %arg7: memref<8x16x10000xi32, #tpu.memory_space<hbm>>, %arg8: memref<10000xi32, #tpu.memory_space<vmem>>, %arg9: memref<10000xi32, #tpu.memory_space<vmem>>, %arg10: memref<10000xi32, #tpu.memory_space<vmem>>, %arg11: memref<10000xi32, #tpu.memory_space<vmem>>, %arg12: memref<10000xi32, #tpu.memory_space<vmem>>, %arg13: memref<10000xf32, #tpu.memory_space<vmem>>, %arg14: memref<5024xf32, #tpu.memory_space<vmem>>, %arg15: memref<2512xf32, #tpu.memory_space<vmem>>, %arg16: memref<80384xf32, #tpu.memory_space<vmem_shared>>) attributes {dimension_semantics = [#tpu.dimension_semantics<core_parallel>, #tpu.dimension_semantics<subcore_parallel>], iteration_bounds = array<i64: 2, 16>, scalar_prefetch = 0 : i64, scratch_operands = 9 : i64, tpu.core_type = #tpu.core_type<sc_vector_subcore>, window_params = [{transform_indices = #map}, {transform_indices = #map}, {transform_indices = #map}, {transform_indices = #map}, {transform_indices = #map}, {transform_indices = #map1}]} {
    %mul3A = arith.constant 10000 : i32
    %mul3A_0 = arith.muli %arg1, %mul3A : i32
    "tpu.region"() ({
      %run_scoped3A = tpu.sem_alloc : memref<!tpu.dma_semaphore, #tpu.memory_space<semaphore_mem>>
      %dma_start3A = tpu.memref_slice %arg2[%mul3A_0] : memref<160000xi32, #tpu.memory_space<hbm>> -> memref<10000xi32, #tpu.memory_space<hbm>>
      %dma_start3A_32 = tpu.memref_slice %arg2[%mul3A_0] : memref<160000xi32, #tpu.memory_space<hbm>> -> memref<10000xi32, #tpu.memory_space<hbm>>
      tpu.enqueue_dma source(%dma_start3A_32 : memref<10000xi32, #tpu.memory_space<hbm>>) target(%arg8 : memref<10000xi32, #tpu.memory_space<vmem>>) target_semaphore(%run_scoped3A : memref<!tpu.dma_semaphore, #tpu.memory_space<semaphore_mem>>)
      %dma_wait3A = tpu.memref_slice %arg2[%mul3A_0] : memref<160000xi32, #tpu.memory_space<hbm>> -> memref<10000xi32, #tpu.memory_space<hbm>>
      %dma_wait3A_33 = tpu.memref_slice %arg2[%mul3A_0] : memref<160000xi32, #tpu.memory_space<hbm>> -> memref<10000xi32, #tpu.memory_space<hbm>>
      tpu.wait_dma2 semaphore(%run_scoped3A : memref<!tpu.dma_semaphore, #tpu.memory_space<semaphore_mem>>) src(%dma_wait3A_33 : memref<10000xi32, #tpu.memory_space<hbm>>) dst(%arg8 : memref<10000xi32, #tpu.memory_space<vmem>>)
      tpu.yield
    }) : () -> ()
    "tpu.region"() ({
      %run_scoped3A = tpu.sem_alloc : memref<!tpu.dma_semaphore, #tpu.memory_space<semaphore_mem>>
      %dma_start3A = tpu.memref_slice %arg3[%mul3A_0] : memref<160000xi32, #tpu.memory_space<hbm>> -> memref<10000xi32, #tpu.memory_space<hbm>>
      %dma_start3A_32 = tpu.memref_slice %arg3[%mul3A_0] : memref<160000xi32, #tpu.memory_space<hbm>> -> memref<10000xi32, #tpu.memory_space<hbm>>
      tpu.enqueue_dma source(%dma_start3A_32 : memref<10000xi32, #tpu.memory_space<hbm>>) target(%arg10 : memref<10000xi32, #tpu.memory_space<vmem>>) target_semaphore(%run_scoped3A : memref<!tpu.dma_semaphore, #tpu.memory_space<semaphore_mem>>)
      %dma_wait3A = tpu.memref_slice %arg3[%mul3A_0] : memref<160000xi32, #tpu.memory_space<hbm>> -> memref<10000xi32, #tpu.memory_space<hbm>>
      %dma_wait3A_33 = tpu.memref_slice %arg3[%mul3A_0] : memref<160000xi32, #tpu.memory_space<hbm>> -> memref<10000xi32, #tpu.memory_space<hbm>>
      tpu.wait_dma2 semaphore(%run_scoped3A : memref<!tpu.dma_semaphore, #tpu.memory_space<semaphore_mem>>) src(%dma_wait3A_33 : memref<10000xi32, #tpu.memory_space<hbm>>) dst(%arg10 : memref<10000xi32, #tpu.memory_space<vmem>>)
      tpu.yield
    }) : () -> ()
    "tpu.region"() ({
      %run_scoped3A = tpu.sem_alloc : memref<!tpu.dma_semaphore, #tpu.memory_space<semaphore_mem>>
      %dma_start3A = tpu.memref_slice %arg4[%mul3A_0] : memref<160000xi32, #tpu.memory_space<hbm>> -> memref<10000xi32, #tpu.memory_space<hbm>>
      %dma_start3A_32 = tpu.memref_slice %arg4[%mul3A_0] : memref<160000xi32, #tpu.memory_space<hbm>> -> memref<10000xi32, #tpu.memory_space<hbm>>
      tpu.enqueue_dma source(%dma_start3A_32 : memref<10000xi32, #tpu.memory_space<hbm>>) target(%arg11 : memref<10000xi32, #tpu.memory_space<vmem>>) target_semaphore(%run_scoped3A : memref<!tpu.dma_semaphore, #tpu.memory_space<semaphore_mem>>)
      %dma_wait3A = tpu.memref_slice %arg4[%mul3A_0] : memref<160000xi32, #tpu.memory_space<hbm>> -> memref<10000xi32, #tpu.memory_space<hbm>>
      %dma_wait3A_33 = tpu.memref_slice %arg4[%mul3A_0] : memref<160000xi32, #tpu.memory_space<hbm>> -> memref<10000xi32, #tpu.memory_space<hbm>>
      tpu.wait_dma2 semaphore(%run_scoped3A : memref<!tpu.dma_semaphore, #tpu.memory_space<semaphore_mem>>) src(%dma_wait3A_33 : memref<10000xi32, #tpu.memory_space<hbm>>) dst(%arg11 : memref<10000xi32, #tpu.memory_space<vmem>>)
      tpu.yield
    }) : () -> ()
    %eq3A = arith.constant 0 : i32
    %eq3A_1 = arith.cmpi eq, %arg0, %eq3A : i32
    %convert_element_type3A = arith.extui %eq3A_1 : i1 to i32
    %cond3A = arith.constant 0 : i32
    %cond3A_2 = arith.cmpi ne, %convert_element_type3A, %cond3A : i32
    scf.if %cond3A_2 {
      %scan3A_32 = arith.constant 0 : i32
      %scan3A_33 = arith.constant 0 : i32
      %scan3A_34 = arith.constant 8 : i32
      %scan3A_35 = arith.addi %scan3A_33, %scan3A_34 : i32
      %scan3A_36 = arith.constant 1 : i32
      scf.for %scan3A_38 = %scan3A_33 to %scan3A_35 step %scan3A_36  : i32 {
        %scan3A_39 = arith.constant 0 : i32
        %scan3A_40 = arith.constant 0 : i32
        %scan3A_41 = arith.constant 625 : i32
        %scan3A_42 = arith.addi %scan3A_40, %scan3A_41 : i32
        %scan3A_43 = arith.constant 1 : i32
        scf.for %scan3A_45 = %scan3A_40 to %scan3A_42 step %scan3A_43  : i32 {
          %mul3A_46 = arith.constant 16 : i32
          %mul3A_47 = arith.muli %scan3A_45, %mul3A_46 : i32
          %get3A = arith.index_cast %mul3A_47 : i32 to index
          %get3A_48 = tpu.vector_load %arg8[%get3A] {strides = array<i32>} : memref<10000xi32, #tpu.memory_space<vmem>>, vector<16xi32>,
          %get3A_49 = vector.shape_cast %get3A_48 : vector<16xi32> to vector<16xi32>
          %mul3A_50 = arith.constant 8 : i32
          %mul3A_51 = vector.broadcast %mul3A_50 : i32 to vector<16xi32>
          %mul3A_52 = arith.muli %get3A_49, %mul3A_51 : vector<16xi32>
          %add3A_53 = vector.broadcast %scan3A_38 : i32 to vector<16xi32>
          %add3A_54 = arith.addi %mul3A_52, %add3A_53 : vector<16xi32>
          %swap3A = arith.index_cast %mul3A_47 : i32 to index
          %swap3A_55 = tpu.vector_load %arg9[%swap3A] {strides = array<i32>} : memref<10000xi32, #tpu.memory_space<vmem>>, vector<16xi32>,
          %swap3A_56 = vector.shape_cast %swap3A_55 : vector<16xi32> to vector<16xi32>
          %swap3A_57 = vector.shape_cast %add3A_54 : vector<16xi32> to vector<16xi32>
          tpu.vector_store %arg9[%swap3A], %swap3A_57 {strides = array<i32>} : memref<10000xi32, #tpu.memory_space<vmem>>, vector<16xi32>,
        }
        %scan3A_44 = arith.constant 625 : i32
        "tpu.region"() ({
          %run_scoped3A = tpu.sem_alloc : memref<!tpu.dma_semaphore, #tpu.memory_space<semaphore_mem>>
          %dma_start3A = arith.constant 0 : i32
          %dma_start3A_45 = tpu.memref_slice %arg7[%scan3A_38, %arg1, %dma_start3A] : memref<8x16x10000xi32, #tpu.memory_space<hbm>> -> memref<1x1x10000xi32, #tpu.memory_space<hbm>>
          %dma_start3A_46 = tpu.memref_squeeze %dma_start3A_45 : memref<1x1x10000xi32, #tpu.memory_space<hbm>> -> memref<10000xi32, #tpu.memory_space<hbm>>
          %dma_start3A_47 = arith.constant 0 : i32
          %dma_start3A_48 = tpu.memref_slice %arg7[%scan3A_38, %arg1, %dma_start3A_47] : memref<8x16x10000xi32, #tpu.memory_space<hbm>> -> memref<1x1x10000xi32, #tpu.memory_space<hbm>>
          %dma_start3A_49 = tpu.memref_squeeze %dma_start3A_48 : memref<1x1x10000xi32, #tpu.memory_space<hbm>> -> memref<10000xi32, #tpu.memory_space<hbm>>
          tpu.enqueue_dma source(%arg9 : memref<10000xi32, #tpu.memory_space<vmem>>) target(%dma_start3A_49 : memref<10000xi32, #tpu.memory_space<hbm>>) target_semaphore(%run_scoped3A : memref<!tpu.dma_semaphore, #tpu.memory_space<semaphore_mem>>)
          %dma_wait3A = arith.constant 0 : i32
          %dma_wait3A_50 = tpu.memref_slice %arg7[%scan3A_38, %arg1, %dma_wait3A] : memref<8x16x10000xi32, #tpu.memory_space<hbm>> -> memref<1x1x10000xi32, #tpu.memory_space<hbm>>
          %dma_wait3A_51 = tpu.memref_squeeze %dma_wait3A_50 : memref<1x1x10000xi32, #tpu.memory_space<hbm>> -> memref<10000xi32, #tpu.memory_space<hbm>>
          %dma_wait3A_52 = arith.constant 0 : i32
          %dma_wait3A_53 = tpu.memref_slice %arg7[%scan3A_38, %arg1, %dma_wait3A_52] : memref<8x16x10000xi32, #tpu.memory_space<hbm>> -> memref<1x1x10000xi32, #tpu.memory_space<hbm>>
          %dma_wait3A_54 = tpu.memref_squeeze %dma_wait3A_53 : memref<1x1x10000xi32, #tpu.memory_space<hbm>> -> memref<10000xi32, #tpu.memory_space<hbm>>
          tpu.wait_dma2 semaphore(%run_scoped3A : memref<!tpu.dma_semaphore, #tpu.memory_space<semaphore_mem>>) src(%arg9 : memref<10000xi32, #tpu.memory_space<vmem>>) dst(%dma_wait3A_54 : memref<10000xi32, #tpu.memory_space<hbm>>)
          tpu.yield
        }) : () -> ()
      }
      %scan3A_37 = arith.constant 8 : i32
    } else {
    }
    %scan3A = arith.constant 0 : i32
    %scan3A_3 = arith.constant 0 : i32
    %scan3A_4 = arith.constant 625 : i32
    %scan3A_5 = arith.addi %scan3A_3, %scan3A_4 : i32
    %scan3A_6 = arith.constant 1 : i32
    scf.for %scan3A_32 = %scan3A_3 to %scan3A_5 step %scan3A_6  : i32 {
      %mul3A_33 = arith.constant 16 : i32
      %mul3A_34 = arith.muli %scan3A_32, %mul3A_33 : i32
      %get3A = arith.index_cast %mul3A_34 : i32 to index
      %get3A_35 = tpu.vector_load %arg10[%get3A] {strides = array<i32>} : memref<10000xi32, #tpu.memory_space<vmem>>, vector<16xi32>,
      %get3A_36 = vector.shape_cast %get3A_35 : vector<16xi32> to vector<16xi32>
      %mul3A_37 = arith.constant 8 : i32
      %mul3A_38 = vector.broadcast %mul3A_37 : i32 to vector<16xi32>
      %mul3A_39 = arith.muli %get3A_36, %mul3A_38 : vector<16xi32>
      %get3A_40 = arith.index_cast %mul3A_34 : i32 to index
      %get3A_41 = tpu.vector_load %arg11[%get3A_40] {strides = array<i32>} : memref<10000xi32, #tpu.memory_space<vmem>>, vector<16xi32>,
      %get3A_42 = vector.shape_cast %get3A_41 : vector<16xi32> to vector<16xi32>
      %add3A_43 = arith.addi %mul3A_39, %get3A_42 : vector<16xi32>
      %swap3A = arith.index_cast %mul3A_34 : i32 to index
      %swap3A_44 = tpu.vector_load %arg12[%swap3A] {strides = array<i32>} : memref<10000xi32, #tpu.memory_space<vmem>>, vector<16xi32>,
      %swap3A_45 = vector.shape_cast %swap3A_44 : vector<16xi32> to vector<16xi32>
      %swap3A_46 = vector.shape_cast %add3A_43 : vector<16xi32> to vector<16xi32>
      tpu.vector_store %arg12[%swap3A], %swap3A_46 {strides = array<i32>} : memref<10000xi32, #tpu.memory_space<vmem>>, vector<16xi32>,
      %broadcast_in_dim3A = arith.constant 1.000000e+00 : f32
      %broadcast_in_dim3A_47 = vector.broadcast %broadcast_in_dim3A : f32 to vector<16xf32>
      %swap3A_48 = arith.index_cast %mul3A_34 : i32 to index
      %swap3A_49 = tpu.vector_load %arg13[%swap3A_48] {strides = array<i32>} : memref<10000xf32, #tpu.memory_space<vmem>>, vector<16xf32>,
      %swap3A_50 = vector.shape_cast %swap3A_49 : vector<16xf32> to vector<16xf32>
      %swap3A_51 = vector.shape_cast %broadcast_in_dim3A_47 : vector<16xf32> to vector<16xf32>
      tpu.vector_store %arg13[%swap3A_48], %swap3A_51 {strides = array<i32>} : memref<10000xf32, #tpu.memory_space<vmem>>, vector<16xf32>,
    }
    %scan3A_7 = arith.constant 625 : i32
    %scan3A_8 = arith.constant 0 : i32
    %scan3A_9 = arith.constant 0 : i32
    %scan3A_10 = arith.constant 314 : i32
    %scan3A_11 = arith.addi %scan3A_9, %scan3A_10 : i32
    %scan3A_12 = arith.constant 1 : i32
    scf.for %scan3A_32 = %scan3A_9 to %scan3A_11 step %scan3A_12  : i32 {
      %broadcast_in_dim3A = arith.constant 0.000000e+00 : f32
      %broadcast_in_dim3A_33 = vector.broadcast %broadcast_in_dim3A : f32 to vector<16xf32>
      %mul3A_34 = arith.constant 16 : i32
      %mul3A_35 = arith.muli %scan3A_32, %mul3A_34 : i32
      %swap3A = arith.index_cast %mul3A_35 : i32 to index
      %swap3A_36 = tpu.vector_load %arg14[%swap3A] {strides = array<i32>} : memref<5024xf32, #tpu.memory_space<vmem>>, vector<16xf32>,
      %swap3A_37 = vector.shape_cast %swap3A_36 : vector<16xf32> to vector<16xf32>
      %swap3A_38 = vector.shape_cast %broadcast_in_dim3A_33 : vector<16xf32> to vector<16xf32>
      tpu.vector_store %arg14[%swap3A], %swap3A_38 {strides = array<i32>} : memref<5024xf32, #tpu.memory_space<vmem>>, vector<16xf32>,
    }
    %scan3A_13 = arith.constant 314 : i32
    %mul3A_14 = arith.constant 5024 : i32
    %mul3A_15 = arith.muli %arg1, %mul3A_14 : i32
    "tpu.region"() ({
      %run_scoped3A = tpu.sem_alloc : memref<!tpu.dma_semaphore, #tpu.memory_space<semaphore_mem>>
      %dma_start3A = tpu.memref_slice %arg16[%mul3A_15] : memref<80384xf32, #tpu.memory_space<vmem_shared>> -> memref<5024xf32, #tpu.memory_space<vmem_shared>>
      %dma_start3A_32 = tpu.memref_slice %arg16[%mul3A_15] : memref<80384xf32, #tpu.memory_space<vmem_shared>> -> memref<5024xf32, #tpu.memory_space<vmem_shared>>
      tpu.enqueue_dma source(%arg14 : memref<5024xf32, #tpu.memory_space<vmem>>) target(%dma_start3A_32 : memref<5024xf32, #tpu.memory_space<vmem_shared>>) target_semaphore(%run_scoped3A : memref<!tpu.dma_semaphore, #tpu.memory_space<semaphore_mem>>)
      %dma_wait3A = tpu.memref_slice %arg16[%mul3A_15] : memref<80384xf32, #tpu.memory_space<vmem_shared>> -> memref<5024xf32, #tpu.memory_space<vmem_shared>>
      %dma_wait3A_33 = tpu.memref_slice %arg16[%mul3A_15] : memref<80384xf32, #tpu.memory_space<vmem_shared>> -> memref<5024xf32, #tpu.memory_space<vmem_shared>>
      tpu.wait_dma2 semaphore(%run_scoped3A : memref<!tpu.dma_semaphore, #tpu.memory_space<semaphore_mem>>) src(%arg14 : memref<5024xf32, #tpu.memory_space<vmem>>) dst(%dma_wait3A_33 : memref<5024xf32, #tpu.memory_space<vmem_shared>>)
      tpu.yield
    }) : () -> ()
    %barrier3A = arith.constant 0 : index
    tpu.barrier barrier_id(%barrier3A)
    "tpu.region"() ({
      %run_scoped3A = tpu.sem_alloc : memref<!tpu.dma_semaphore, #tpu.memory_space<semaphore_mem>>
      %dma_start3A = arith.constant 0 : i32
      %dma_start3A_32 = tpu.memref_slice %arg16[%dma_start3A] : memref<80384xf32, #tpu.memory_space<vmem_shared>> -> memref<80384xf32, #tpu.memory_space<vmem_shared>>
      tpu.enqueue_indirect_dma source(%arg13 : memref<10000xf32, #tpu.memory_space<vmem>>) target(%dma_start3A_32 : memref<80384xf32, #tpu.memory_space<vmem_shared>>) offsets(%arg12 : memref<10000xi32, #tpu.memory_space<vmem>>) semaphore(%run_scoped3A : memref<!tpu.dma_semaphore, #tpu.memory_space<semaphore_mem>>) {add = true}
      %dma_wait3A = arith.constant 0 : i32
      %dma_wait3A_33 = tpu.memref_slice %arg16[%dma_wait3A] : memref<80384xf32, #tpu.memory_space<vmem_shared>> -> memref<80384xf32, #tpu.memory_space<vmem_shared>>
      tpu.wait_indirect_dma semaphore(%run_scoped3A : memref<!tpu.dma_semaphore, #tpu.memory_space<semaphore_mem>>) src(%arg13 : memref<10000xf32, #tpu.memory_space<vmem>>) dst(%dma_wait3A_33 : memref<80384xf32, #tpu.memory_space<vmem_shared>>)
      tpu.yield
    }) : () -> ()
    %barrier3A_16 = arith.constant 0 : index
    tpu.barrier barrier_id(%barrier3A_16)
    %mul3A_17 = arith.constant 40192 : i32
    %mul3A_18 = arith.muli %arg0, %mul3A_17 : i32
    %mul3A_19 = arith.constant 2512 : i32
    %mul3A_20 = arith.muli %arg1, %mul3A_19 : i32
    %add3A = arith.addi %mul3A_18, %mul3A_20 : i32
    "tpu.region"() ({
      %run_scoped3A = tpu.sem_alloc : memref<!tpu.dma_semaphore, #tpu.memory_space<semaphore_mem>>
      %dma_start3A = tpu.memref_slice %arg16[%add3A] : memref<80384xf32, #tpu.memory_space<vmem_shared>> -> memref<2512xf32, #tpu.memory_space<vmem_shared>>
      %dma_start3A_32 = tpu.memref_slice %arg16[%add3A] : memref<80384xf32, #tpu.memory_space<vmem_shared>> -> memref<2512xf32, #tpu.memory_space<vmem_shared>>
      tpu.enqueue_dma source(%dma_start3A_32 : memref<2512xf32, #tpu.memory_space<vmem_shared>>) target(%arg15 : memref<2512xf32, #tpu.memory_space<vmem>>) target_semaphore(%run_scoped3A : memref<!tpu.dma_semaphore, #tpu.memory_space<semaphore_mem>>)
      %dma_wait3A = tpu.memref_slice %arg16[%add3A] : memref<80384xf32, #tpu.memory_space<vmem_shared>> -> memref<2512xf32, #tpu.memory_space<vmem_shared>>
      %dma_wait3A_33 = tpu.memref_slice %arg16[%add3A] : memref<80384xf32, #tpu.memory_space<vmem_shared>> -> memref<2512xf32, #tpu.memory_space<vmem_shared>>
      tpu.wait_dma2 semaphore(%run_scoped3A : memref<!tpu.dma_semaphore, #tpu.memory_space<semaphore_mem>>) src(%dma_wait3A_33 : memref<2512xf32, #tpu.memory_space<vmem_shared>>) dst(%arg15 : memref<2512xf32, #tpu.memory_space<vmem>>)
      tpu.yield
    }) : () -> ()
    %scan3A_21 = arith.constant 0 : i32
    %scan3A_22 = arith.constant 0 : i32
    %scan3A_23 = arith.constant 157 : i32
    %scan3A_24 = arith.addi %scan3A_22, %scan3A_23 : i32
    %scan3A_25 = arith.constant 1 : i32
    scf.for %scan3A_32 = %scan3A_22 to %scan3A_24 step %scan3A_25  : i32 {
      %mul3A_33 = arith.constant 16 : i32
      %mul3A_34 = arith.muli %scan3A_32, %mul3A_33 : i32
      %get3A = arith.index_cast %mul3A_34 : i32 to index
      %get3A_35 = tpu.vector_load %arg15[%get3A] {strides = array<i32>} : memref<2512xf32, #tpu.memory_space<vmem>>, vector<16xf32>,
      %get3A_36 = vector.shape_cast %get3A_35 : vector<16xf32> to vector<16xf32>
      %max3A = arith.constant 1.000000e+00 : f32
      %max3A_37 = vector.broadcast %max3A : f32 to vector<16xf32>
      %max3A_38 = arith.maximumf %get3A_36, %max3A_37 : vector<16xf32>
      %div3A = arith.constant 1.000000e+00 : f32
      %div3A_39 = vector.broadcast %div3A : f32 to vector<16xf32>
      %div3A_40 = arith.divf %div3A_39, %max3A_38 : vector<16xf32>
      %swap3A = arith.index_cast %mul3A_34 : i32 to index
      %swap3A_41 = tpu.vector_load %arg15[%swap3A] {strides = array<i32>} : memref<2512xf32, #tpu.memory_space<vmem>>, vector<16xf32>,
      %swap3A_42 = vector.shape_cast %swap3A_41 : vector<16xf32> to vector<16xf32>
      %swap3A_43 = vector.shape_cast %div3A_40 : vector<16xf32> to vector<16xf32>
      tpu.vector_store %arg15[%swap3A], %swap3A_43 {strides = array<i32>} : memref<2512xf32, #tpu.memory_space<vmem>>, vector<16xf32>,
    }
    %scan3A_26 = arith.constant 157 : i32
    "tpu.region"() ({
      %run_scoped3A = tpu.sem_alloc : memref<!tpu.dma_semaphore, #tpu.memory_space<semaphore_mem>>
      %dma_start3A = tpu.memref_slice %arg6[%add3A] : memref<80384xf32, #tpu.memory_space<hbm>> -> memref<2512xf32, #tpu.memory_space<hbm>>
      %dma_start3A_32 = tpu.memref_slice %arg6[%add3A] : memref<80384xf32, #tpu.memory_space<hbm>> -> memref<2512xf32, #tpu.memory_space<hbm>>
      tpu.enqueue_dma source(%arg15 : memref<2512xf32, #tpu.memory_space<vmem>>) target(%dma_start3A_32 : memref<2512xf32, #tpu.memory_space<hbm>>) target_semaphore(%run_scoped3A : memref<!tpu.dma_semaphore, #tpu.memory_space<semaphore_mem>>)
      %dma_wait3A = tpu.memref_slice %arg6[%add3A] : memref<80384xf32, #tpu.memory_space<hbm>> -> memref<2512xf32, #tpu.memory_space<hbm>>
      %dma_wait3A_33 = tpu.memref_slice %arg6[%add3A] : memref<80384xf32, #tpu.memory_space<hbm>> -> memref<2512xf32, #tpu.memory_space<hbm>>
      tpu.wait_dma2 semaphore(%run_scoped3A : memref<!tpu.dma_semaphore, #tpu.memory_space<semaphore_mem>>) src(%arg15 : memref<2512xf32, #tpu.memory_space<vmem>>) dst(%dma_wait3A_33 : memref<2512xf32, #tpu.memory_space<hbm>>)
      tpu.yield
    }) : () -> ()
    %eq3A_27 = arith.constant 0 : i32
    %eq3A_28 = arith.cmpi eq, %arg0, %eq3A_27 : i32
    %convert_element_type3A_29 = arith.extui %eq3A_28 : i1 to i32
    %cond3A_30 = arith.constant 0 : i32
    %cond3A_31 = arith.cmpi ne, %convert_element_type3A_29, %cond3A_30 : i32
    scf.if %cond3A_31 {
      "tpu.region"() ({
        %run_scoped3A = tpu.sem_alloc : memref<!tpu.dma_semaphore, #tpu.memory_space<semaphore_mem>>
        %dma_start3A = tpu.memref_slice %arg5[%mul3A_0] : memref<160000xi32, #tpu.memory_space<hbm>> -> memref<10000xi32, #tpu.memory_space<hbm>>
        %dma_start3A_32 = tpu.memref_slice %arg5[%mul3A_0] : memref<160000xi32, #tpu.memory_space<hbm>> -> memref<10000xi32, #tpu.memory_space<hbm>>
        tpu.enqueue_dma source(%arg12 : memref<10000xi32, #tpu.memory_space<vmem>>) target(%dma_start3A_32 : memref<10000xi32, #tpu.memory_space<hbm>>) target_semaphore(%run_scoped3A : memref<!tpu.dma_semaphore, #tpu.memory_space<semaphore_mem>>)
        %dma_wait3A = tpu.memref_slice %arg5[%mul3A_0] : memref<160000xi32, #tpu.memory_space<hbm>> -> memref<10000xi32, #tpu.memory_space<hbm>>
        %dma_wait3A_33 = tpu.memref_slice %arg5[%mul3A_0] : memref<160000xi32, #tpu.memory_space<hbm>> -> memref<10000xi32, #tpu.memory_space<hbm>>
        tpu.wait_dma2 semaphore(%run_scoped3A : memref<!tpu.dma_semaphore, #tpu.memory_space<semaphore_mem>>) src(%arg12 : memref<10000xi32, #tpu.memory_space<vmem>>) dst(%dma_wait3A_33 : memref<10000xi32, #tpu.memory_space<hbm>>)
        tpu.yield
      }) : () -> ()
    } else {
    }
    return
  }
}

#map = affine_map<(d0, d1) -> (0, 0, 0)>
#map1 = affine_map<(d0, d1) -> (0, 0, 0, 0)>
module attributes {stable_mosaic.version = 14 : i64} {
  func.func @_scatter_body(%arg0: i32, %arg1: i32, %arg2: memref<2x80000x16xf32, #tpu.memory_space<hbm>>, %arg3: memref<8x16x10x1000xi32, #tpu.memory_space<hbm>>, %arg4: memref<16x10x1000xi32, #tpu.memory_space<hbm>>, %arg5: memref<16x80000x16xf32, #tpu.memory_space<hbm>>, %arg6: memref<1000xi32, #tpu.memory_space<vmem>>, %arg7: memref<1000xi32, #tpu.memory_space<vmem>>, %arg8: memref<1000xi32, #tpu.memory_space<vmem>>, %arg9: memref<1000xi32, #tpu.memory_space<vmem>>, %arg10: memref<1000x16xf32, #tpu.memory_space<vmem>>, %arg11: memref<1000x16xf32, #tpu.memory_space<vmem>>, %arg12: memref<80000x16xf32, #tpu.memory_space<vmem_shared>>, %arg13: memref<!tpu.dma_semaphore, #tpu.memory_space<semaphore_mem>>, %arg14: memref<!tpu.dma_semaphore, #tpu.memory_space<semaphore_mem>>) attributes {dimension_semantics = [#tpu.dimension_semantics<core_parallel>, #tpu.dimension_semantics<subcore_parallel>], iteration_bounds = array<i64: 2, 16>, scalar_prefetch = 0 : i64, scratch_operands = 9 : i64, tpu.core_type = #tpu.core_type<sc_vector_subcore>, window_params = [{transform_indices = #map}, {transform_indices = #map1}, {transform_indices = #map}, {transform_indices = #map}]} {
    %scan3A = arith.constant 0 : i32
    %scan3A_0 = arith.constant 0 : i32
    %scan3A_1 = arith.constant 8 : i32
    %scan3A_2 = arith.addi %scan3A_0, %scan3A_1 : i32
    %scan3A_3 = arith.constant 1 : i32
    scf.for %scan3A_5 = %scan3A_0 to %scan3A_2 step %scan3A_3  : i32 {
      %mul3A = arith.constant 8 : i32
      %mul3A_6 = arith.muli %arg0, %mul3A : i32
      %add3A = arith.addi %mul3A_6, %scan3A_5 : i32
      %mul3A_7 = arith.constant 5000 : i32
      %mul3A_8 = arith.muli %arg1, %mul3A_7 : i32
      %run_scoped3A = arith.constant 0 : i32
      "tpu.region"() ({
        %run_scoped3A_179 = tpu.sem_alloc : memref<!tpu.dma_semaphore, #tpu.memory_space<semaphore_mem>>
        %dma_start3A_180 = arith.constant 0 : i32
        %dma_start3A_181 = tpu.memref_slice %arg3[%scan3A_5, %arg1, %run_scoped3A, %dma_start3A_180] : memref<8x16x10x1000xi32, #tpu.memory_space<hbm>> -> memref<1x1x1x1000xi32, #tpu.memory_space<hbm>>
        %dma_start3A_182 = tpu.memref_squeeze %dma_start3A_181 : memref<1x1x1x1000xi32, #tpu.memory_space<hbm>> -> memref<1000xi32, #tpu.memory_space<hbm>>
        %dma_start3A_183 = arith.constant 0 : i32
        %dma_start3A_184 = tpu.memref_slice %arg3[%scan3A_5, %arg1, %run_scoped3A, %dma_start3A_183] : memref<8x16x10x1000xi32, #tpu.memory_space<hbm>> -> memref<1x1x1x1000xi32, #tpu.memory_space<hbm>>
        %dma_start3A_185 = tpu.memref_squeeze %dma_start3A_184 : memref<1x1x1x1000xi32, #tpu.memory_space<hbm>> -> memref<1000xi32, #tpu.memory_space<hbm>>
        tpu.enqueue_dma source(%dma_start3A_185 : memref<1000xi32, #tpu.memory_space<hbm>>) target(%arg6 : memref<1000xi32, #tpu.memory_space<vmem>>) target_semaphore(%run_scoped3A_179 : memref<!tpu.dma_semaphore, #tpu.memory_space<semaphore_mem>>)
        %dma_wait3A_186 = arith.constant 0 : i32
        %dma_wait3A_187 = tpu.memref_slice %arg3[%scan3A_5, %arg1, %run_scoped3A, %dma_wait3A_186] : memref<8x16x10x1000xi32, #tpu.memory_space<hbm>> -> memref<1x1x1x1000xi32, #tpu.memory_space<hbm>>
        %dma_wait3A_188 = tpu.memref_squeeze %dma_wait3A_187 : memref<1x1x1x1000xi32, #tpu.memory_space<hbm>> -> memref<1000xi32, #tpu.memory_space<hbm>>
        %dma_wait3A_189 = arith.constant 0 : i32
        %dma_wait3A_190 = tpu.memref_slice %arg3[%scan3A_5, %arg1, %run_scoped3A, %dma_wait3A_189] : memref<8x16x10x1000xi32, #tpu.memory_space<hbm>> -> memref<1x1x1x1000xi32, #tpu.memory_space<hbm>>
        %dma_wait3A_191 = tpu.memref_squeeze %dma_wait3A_190 : memref<1x1x1x1000xi32, #tpu.memory_space<hbm>> -> memref<1000xi32, #tpu.memory_space<hbm>>
        tpu.wait_dma2 semaphore(%run_scoped3A_179 : memref<!tpu.dma_semaphore, #tpu.memory_space<semaphore_mem>>) src(%dma_wait3A_191 : memref<1000xi32, #tpu.memory_space<hbm>>) dst(%arg6 : memref<1000xi32, #tpu.memory_space<vmem>>)
        tpu.yield
      }) : () -> ()
      %run_scoped3A_9 = arith.constant 0 : i32
      "tpu.region"() ({
        %run_scoped3A_179 = tpu.sem_alloc : memref<!tpu.dma_semaphore, #tpu.memory_space<semaphore_mem>>
        %dma_start3A_180 = arith.constant 0 : i32
        %dma_start3A_181 = tpu.memref_slice %arg4[%arg1, %run_scoped3A_9, %dma_start3A_180] : memref<16x10x1000xi32, #tpu.memory_space<hbm>> -> memref<1x1x1000xi32, #tpu.memory_space<hbm>>
        %dma_start3A_182 = tpu.memref_squeeze %dma_start3A_181 : memref<1x1x1000xi32, #tpu.memory_space<hbm>> -> memref<1000xi32, #tpu.memory_space<hbm>>
        %dma_start3A_183 = arith.constant 0 : i32
        %dma_start3A_184 = tpu.memref_slice %arg4[%arg1, %run_scoped3A_9, %dma_start3A_183] : memref<16x10x1000xi32, #tpu.memory_space<hbm>> -> memref<1x1x1000xi32, #tpu.memory_space<hbm>>
        %dma_start3A_185 = tpu.memref_squeeze %dma_start3A_184 : memref<1x1x1000xi32, #tpu.memory_space<hbm>> -> memref<1000xi32, #tpu.memory_space<hbm>>
        tpu.enqueue_dma source(%dma_start3A_185 : memref<1000xi32, #tpu.memory_space<hbm>>) target(%arg8 : memref<1000xi32, #tpu.memory_space<vmem>>) target_semaphore(%run_scoped3A_179 : memref<!tpu.dma_semaphore, #tpu.memory_space<semaphore_mem>>)
        %dma_wait3A_186 = arith.constant 0 : i32
        %dma_wait3A_187 = tpu.memref_slice %arg4[%arg1, %run_scoped3A_9, %dma_wait3A_186] : memref<16x10x1000xi32, #tpu.memory_space<hbm>> -> memref<1x1x1000xi32, #tpu.memory_space<hbm>>
        %dma_wait3A_188 = tpu.memref_squeeze %dma_wait3A_187 : memref<1x1x1000xi32, #tpu.memory_space<hbm>> -> memref<1000xi32, #tpu.memory_space<hbm>>
        %dma_wait3A_189 = arith.constant 0 : i32
        %dma_wait3A_190 = tpu.memref_slice %arg4[%arg1, %run_scoped3A_9, %dma_wait3A_189] : memref<16x10x1000xi32, #tpu.memory_space<hbm>> -> memref<1x1x1000xi32, #tpu.memory_space<hbm>>
        %dma_wait3A_191 = tpu.memref_squeeze %dma_wait3A_190 : memref<1x1x1000xi32, #tpu.memory_space<hbm>> -> memref<1000xi32, #tpu.memory_space<hbm>>
        tpu.wait_dma2 semaphore(%run_scoped3A_179 : memref<!tpu.dma_semaphore, #tpu.memory_space<semaphore_mem>>) src(%dma_wait3A_191 : memref<1000xi32, #tpu.memory_space<hbm>>) dst(%arg8 : memref<1000xi32, #tpu.memory_space<vmem>>)
        tpu.yield
      }) : () -> ()
      %dma_start3A = arith.constant 0 : i32
      %dma_start3A_10 = arith.constant 0 : i32
      %dma_start3A_11 = tpu.memref_slice %arg2[%arg0, %dma_start3A, %dma_start3A_10] : memref<2x80000x16xf32, #tpu.memory_space<hbm>> -> memref<1x80000x16xf32, #tpu.memory_space<hbm>>
      %dma_start3A_12 = tpu.memref_squeeze %dma_start3A_11 : memref<1x80000x16xf32, #tpu.memory_space<hbm>> -> memref<80000x16xf32, #tpu.memory_space<hbm>>
      %dma_start3A_13 = arith.constant 0 : i32
      %dma_start3A_14 = arith.constant 0 : i32
      %dma_start3A_15 = tpu.memref_slice %dma_start3A_12[%dma_start3A_13, %dma_start3A_14] : memref<80000x16xf32, #tpu.memory_space<hbm>> -> memref<80000x16xf32, #tpu.memory_space<hbm>>
      tpu.enqueue_indirect_dma source(%dma_start3A_15 : memref<80000x16xf32, #tpu.memory_space<hbm>>) target(%arg11 : memref<1000x16xf32, #tpu.memory_space<vmem>>) offsets(%arg6 : memref<1000xi32, #tpu.memory_space<vmem>>) semaphore(%arg14 : memref<!tpu.dma_semaphore, #tpu.memory_space<semaphore_mem>>)
      %scan3A_16 = arith.constant 0 : i32
      %scan3A_17 = arith.constant 0 : i32
      %scan3A_18 = arith.constant 1000 : i32
      %scan3A_19 = arith.addi %scan3A_17, %scan3A_18 : i32
      %scan3A_20 = arith.constant 1 : i32
      scf.for %scan3A_179 = %scan3A_17 to %scan3A_19 step %scan3A_20  : i32 {
        %broadcast_in_dim3A = arith.constant 0.000000e+00 : f32
        %broadcast_in_dim3A_180 = vector.broadcast %broadcast_in_dim3A : f32 to vector<16xf32>
        %swap3A = arith.index_cast %scan3A_179 : i32 to index
        %swap3A_181 = arith.constant 0 : index
        %swap3A_182 = tpu.vector_load %arg10[%swap3A, %swap3A_181] {strides = array<i32>} : memref<1000x16xf32, #tpu.memory_space<vmem>>, vector<1x16xf32>,
        %swap3A_183 = vector.shape_cast %swap3A_182 : vector<1x16xf32> to vector<16xf32>
        %swap3A_184 = vector.shape_cast %broadcast_in_dim3A_180 : vector<16xf32> to vector<1x16xf32>
        tpu.vector_store %arg10[%swap3A, %swap3A_181], %swap3A_184 {strides = array<i32>} : memref<1000x16xf32, #tpu.memory_space<vmem>>, vector<1x16xf32>,
      }
      %scan3A_21 = arith.constant 1000 : i32
      %scan3A_22 = arith.constant 0 : i32
      %scan3A_23 = arith.constant 0 : i32
      %scan3A_24 = arith.constant 5 : i32
      %scan3A_25 = arith.addi %scan3A_23, %scan3A_24 : i32
      %scan3A_26 = arith.constant 1 : i32
      scf.for %scan3A_179 = %scan3A_23 to %scan3A_25 step %scan3A_26  : i32 {
        %mul3A_180 = arith.constant 1000 : i32
        %mul3A_181 = arith.muli %scan3A_179, %mul3A_180 : i32
        %add3A_182 = arith.addi %mul3A_8, %mul3A_181 : i32
        "tpu.region"() ({
          %run_scoped3A_183 = tpu.sem_alloc : memref<!tpu.dma_semaphore, #tpu.memory_space<semaphore_mem>>
          %dma_start3A_184 = arith.constant 0 : i32
          %dma_start3A_185 = tpu.memref_slice %arg12[%add3A_182, %dma_start3A_184] : memref<80000x16xf32, #tpu.memory_space<vmem_shared>> -> memref<1000x16xf32, #tpu.memory_space<vmem_shared>>
          %dma_start3A_186 = arith.constant 0 : i32
          %dma_start3A_187 = tpu.memref_slice %arg12[%add3A_182, %dma_start3A_186] : memref<80000x16xf32, #tpu.memory_space<vmem_shared>> -> memref<1000x16xf32, #tpu.memory_space<vmem_shared>>
          tpu.enqueue_dma source(%arg10 : memref<1000x16xf32, #tpu.memory_space<vmem>>) target(%dma_start3A_187 : memref<1000x16xf32, #tpu.memory_space<vmem_shared>>) target_semaphore(%run_scoped3A_183 : memref<!tpu.dma_semaphore, #tpu.memory_space<semaphore_mem>>)
          %dma_wait3A_188 = arith.constant 0 : i32
          %dma_wait3A_189 = tpu.memref_slice %arg12[%add3A_182, %dma_wait3A_188] : memref<80000x16xf32, #tpu.memory_space<vmem_shared>> -> memref<1000x16xf32, #tpu.memory_space<vmem_shared>>
          %dma_wait3A_190 = arith.constant 0 : i32
          %dma_wait3A_191 = tpu.memref_slice %arg12[%add3A_182, %dma_wait3A_190] : memref<80000x16xf32, #tpu.memory_space<vmem_shared>> -> memref<1000x16xf32, #tpu.memory_space<vmem_shared>>
          tpu.wait_dma2 semaphore(%run_scoped3A_183 : memref<!tpu.dma_semaphore, #tpu.memory_space<semaphore_mem>>) src(%arg10 : memref<1000x16xf32, #tpu.memory_space<vmem>>) dst(%dma_wait3A_191 : memref<1000x16xf32, #tpu.memory_space<vmem_shared>>)
          tpu.yield
        }) : () -> ()
      }
      %scan3A_27 = arith.constant 5 : i32
      %barrier3A = arith.constant 0 : index
      tpu.barrier barrier_id(%barrier3A)
      %run_scoped3A_28 = arith.constant 1 : i32
      "tpu.region"() ({
        %run_scoped3A_179 = tpu.sem_alloc : memref<!tpu.dma_semaphore, #tpu.memory_space<semaphore_mem>>
        %dma_start3A_180 = arith.constant 0 : i32
        %dma_start3A_181 = tpu.memref_slice %arg3[%scan3A_5, %arg1, %run_scoped3A_28, %dma_start3A_180] : memref<8x16x10x1000xi32, #tpu.memory_space<hbm>> -> memref<1x1x1x1000xi32, #tpu.memory_space<hbm>>
        %dma_start3A_182 = tpu.memref_squeeze %dma_start3A_181 : memref<1x1x1x1000xi32, #tpu.memory_space<hbm>> -> memref<1000xi32, #tpu.memory_space<hbm>>
        %dma_start3A_183 = arith.constant 0 : i32
        %dma_start3A_184 = tpu.memref_slice %arg3[%scan3A_5, %arg1, %run_scoped3A_28, %dma_start3A_183] : memref<8x16x10x1000xi32, #tpu.memory_space<hbm>> -> memref<1x1x1x1000xi32, #tpu.memory_space<hbm>>
        %dma_start3A_185 = tpu.memref_squeeze %dma_start3A_184 : memref<1x1x1x1000xi32, #tpu.memory_space<hbm>> -> memref<1000xi32, #tpu.memory_space<hbm>>
        tpu.enqueue_dma source(%dma_start3A_185 : memref<1000xi32, #tpu.memory_space<hbm>>) target(%arg7 : memref<1000xi32, #tpu.memory_space<vmem>>) target_semaphore(%run_scoped3A_179 : memref<!tpu.dma_semaphore, #tpu.memory_space<semaphore_mem>>)
        %dma_wait3A_186 = arith.constant 0 : i32
        %dma_wait3A_187 = tpu.memref_slice %arg3[%scan3A_5, %arg1, %run_scoped3A_28, %dma_wait3A_186] : memref<8x16x10x1000xi32, #tpu.memory_space<hbm>> -> memref<1x1x1x1000xi32, #tpu.memory_space<hbm>>
        %dma_wait3A_188 = tpu.memref_squeeze %dma_wait3A_187 : memref<1x1x1x1000xi32, #tpu.memory_space<hbm>> -> memref<1000xi32, #tpu.memory_space<hbm>>
        %dma_wait3A_189 = arith.constant 0 : i32
        %dma_wait3A_190 = tpu.memref_slice %arg3[%scan3A_5, %arg1, %run_scoped3A_28, %dma_wait3A_189] : memref<8x16x10x1000xi32, #tpu.memory_space<hbm>> -> memref<1x1x1x1000xi32, #tpu.memory_space<hbm>>
        %dma_wait3A_191 = tpu.memref_squeeze %dma_wait3A_190 : memref<1x1x1x1000xi32, #tpu.memory_space<hbm>> -> memref<1000xi32, #tpu.memory_space<hbm>>
        tpu.wait_dma2 semaphore(%run_scoped3A_179 : memref<!tpu.dma_semaphore, #tpu.memory_space<semaphore_mem>>) src(%dma_wait3A_191 : memref<1000xi32, #tpu.memory_space<hbm>>) dst(%arg7 : memref<1000xi32, #tpu.memory_space<vmem>>)
        tpu.yield
      }) : () -> ()
      %run_scoped3A_29 = arith.constant 1 : i32
      "tpu.region"() ({
        %run_scoped3A_179 = tpu.sem_alloc : memref<!tpu.dma_semaphore, #tpu.memory_space<semaphore_mem>>
        %dma_start3A_180 = arith.constant 0 : i32
        %dma_start3A_181 = tpu.memref_slice %arg4[%arg1, %run_scoped3A_29, %dma_start3A_180] : memref<16x10x1000xi32, #tpu.memory_space<hbm>> -> memref<1x1x1000xi32, #tpu.memory_space<hbm>>
        %dma_start3A_182 = tpu.memref_squeeze %dma_start3A_181 : memref<1x1x1000xi32, #tpu.memory_space<hbm>> -> memref<1000xi32, #tpu.memory_space<hbm>>
        %dma_start3A_183 = arith.constant 0 : i32
        %dma_start3A_184 = tpu.memref_slice %arg4[%arg1, %run_scoped3A_29, %dma_start3A_183] : memref<16x10x1000xi32, #tpu.memory_space<hbm>> -> memref<1x1x1000xi32, #tpu.memory_space<hbm>>
        %dma_start3A_185 = tpu.memref_squeeze %dma_start3A_184 : memref<1x1x1000xi32, #tpu.memory_space<hbm>> -> memref<1000xi32, #tpu.memory_space<hbm>>
        tpu.enqueue_dma source(%dma_start3A_185 : memref<1000xi32, #tpu.memory_space<hbm>>) target(%arg9 : memref<1000xi32, #tpu.memory_space<vmem>>) target_semaphore(%run_scoped3A_179 : memref<!tpu.dma_semaphore, #tpu.memory_space<semaphore_mem>>)
        %dma_wait3A_186 = arith.constant 0 : i32
        %dma_wait3A_187 = tpu.memref_slice %arg4[%arg1, %run_scoped3A_29, %dma_wait3A_186] : memref<16x10x1000xi32, #tpu.memory_space<hbm>> -> memref<1x1x1000xi32, #tpu.memory_space<hbm>>
        %dma_wait3A_188 = tpu.memref_squeeze %dma_wait3A_187 : memref<1x1x1000xi32, #tpu.memory_space<hbm>> -> memref<1000xi32, #tpu.memory_space<hbm>>
        %dma_wait3A_189 = arith.constant 0 : i32
        %dma_wait3A_190 = tpu.memref_slice %arg4[%arg1, %run_scoped3A_29, %dma_wait3A_189] : memref<16x10x1000xi32, #tpu.memory_space<hbm>> -> memref<1x1x1000xi32, #tpu.memory_space<hbm>>
        %dma_wait3A_191 = tpu.memref_squeeze %dma_wait3A_190 : memref<1x1x1000xi32, #tpu.memory_space<hbm>> -> memref<1000xi32, #tpu.memory_space<hbm>>
        tpu.wait_dma2 semaphore(%run_scoped3A_179 : memref<!tpu.dma_semaphore, #tpu.memory_space<semaphore_mem>>) src(%dma_wait3A_191 : memref<1000xi32, #tpu.memory_space<hbm>>) dst(%arg9 : memref<1000xi32, #tpu.memory_space<vmem>>)
        tpu.yield
      }) : () -> ()
      %dma_wait3A = arith.constant 0 : i32
      %dma_wait3A_30 = arith.constant 0 : i32
      %dma_wait3A_31 = tpu.memref_slice %arg2[%arg0, %dma_wait3A, %dma_wait3A_30] : memref<2x80000x16xf32, #tpu.memory_space<hbm>> -> memref<1x80000x16xf32, #tpu.memory_space<hbm>>
      %dma_wait3A_32 = tpu.memref_squeeze %dma_wait3A_31 : memref<1x80000x16xf32, #tpu.memory_space<hbm>> -> memref<80000x16xf32, #tpu.memory_space<hbm>>
      %dma_wait3A_33 = arith.constant 0 : i32
      %dma_wait3A_34 = arith.constant 0 : i32
      %dma_wait3A_35 = tpu.memref_slice %dma_wait3A_32[%dma_wait3A_33, %dma_wait3A_34] : memref<80000x16xf32, #tpu.memory_space<hbm>> -> memref<80000x16xf32, #tpu.memory_space<hbm>>
      tpu.wait_indirect_dma semaphore(%arg14 : memref<!tpu.dma_semaphore, #tpu.memory_space<semaphore_mem>>) src(%dma_wait3A_35 : memref<80000x16xf32, #tpu.memory_space<hbm>>) dst(%arg11 : memref<1000x16xf32, #tpu.memory_space<vmem>>)
      %dma_start3A_36 = arith.constant 0 : i32
      %dma_start3A_37 = arith.constant 0 : i32
      %dma_start3A_38 = tpu.memref_slice %arg2[%arg0, %dma_start3A_36, %dma_start3A_37] : memref<2x80000x16xf32, #tpu.memory_space<hbm>> -> memref<1x80000x16xf32, #tpu.memory_space<hbm>>
      %dma_start3A_39 = tpu.memref_squeeze %dma_start3A_38 : memref<1x80000x16xf32, #tpu.memory_space<hbm>> -> memref<80000x16xf32, #tpu.memory_space<hbm>>
      %dma_start3A_40 = arith.constant 0 : i32
      %dma_start3A_41 = arith.constant 0 : i32
      %dma_start3A_42 = tpu.memref_slice %dma_start3A_39[%dma_start3A_40, %dma_start3A_41] : memref<80000x16xf32, #tpu.memory_space<hbm>> -> memref<80000x16xf32, #tpu.memory_space<hbm>>
      tpu.enqueue_indirect_dma source(%dma_start3A_42 : memref<80000x16xf32, #tpu.memory_space<hbm>>) target(%arg10 : memref<1000x16xf32, #tpu.memory_space<vmem>>) offsets(%arg7 : memref<1000xi32, #tpu.memory_space<vmem>>) semaphore(%arg13 : memref<!tpu.dma_semaphore, #tpu.memory_space<semaphore_mem>>)
      "tpu.region"() ({
        %run_scoped3A_179 = tpu.sem_alloc : memref<!tpu.dma_semaphore, #tpu.memory_space<semaphore_mem>>
        %dma_start3A_180 = arith.constant 0 : i32
        %dma_start3A_181 = arith.constant 0 : i32
        %dma_start3A_182 = tpu.memref_slice %arg12[%dma_start3A_180, %dma_start3A_181] : memref<80000x16xf32, #tpu.memory_space<vmem_shared>> -> memref<80000x16xf32, #tpu.memory_space<vmem_shared>>
        tpu.enqueue_indirect_dma source(%arg11 : memref<1000x16xf32, #tpu.memory_space<vmem>>) target(%dma_start3A_182 : memref<80000x16xf32, #tpu.memory_space<vmem_shared>>) offsets(%arg8 : memref<1000xi32, #tpu.memory_space<vmem>>) semaphore(%run_scoped3A_179 : memref<!tpu.dma_semaphore, #tpu.memory_space<semaphore_mem>>) {add = true}
        %dma_wait3A_183 = arith.constant 0 : i32
        %dma_wait3A_184 = arith.constant 0 : i32
        %dma_wait3A_185 = tpu.memref_slice %arg12[%dma_wait3A_183, %dma_wait3A_184] : memref<80000x16xf32, #tpu.memory_space<vmem_shared>> -> memref<80000x16xf32, #tpu.memory_space<vmem_shared>>
        tpu.wait_indirect_dma semaphore(%run_scoped3A_179 : memref<!tpu.dma_semaphore, #tpu.memory_space<semaphore_mem>>) src(%arg11 : memref<1000x16xf32, #tpu.memory_space<vmem>>) dst(%dma_wait3A_185 : memref<80000x16xf32, #tpu.memory_space<vmem_shared>>)
        tpu.yield
      }) : () -> ()
      %run_scoped3A_43 = arith.constant 2 : i32
      "tpu.region"() ({
        %run_scoped3A_179 = tpu.sem_alloc : memref<!tpu.dma_semaphore, #tpu.memory_space<semaphore_mem>>
        %dma_start3A_180 = arith.constant 0 : i32
        %dma_start3A_181 = tpu.memref_slice %arg3[%scan3A_5, %arg1, %run_scoped3A_43, %dma_start3A_180] : memref<8x16x10x1000xi32, #tpu.memory_space<hbm>> -> memref<1x1x1x1000xi32, #tpu.memory_space<hbm>>
        %dma_start3A_182 = tpu.memref_squeeze %dma_start3A_181 : memref<1x1x1x1000xi32, #tpu.memory_space<hbm>> -> memref<1000xi32, #tpu.memory_space<hbm>>
        %dma_start3A_183 = arith.constant 0 : i32
        %dma_start3A_184 = tpu.memref_slice %arg3[%scan3A_5, %arg1, %run_scoped3A_43, %dma_start3A_183] : memref<8x16x10x1000xi32, #tpu.memory_space<hbm>> -> memref<1x1x1x1000xi32, #tpu.memory_space<hbm>>
        %dma_start3A_185 = tpu.memref_squeeze %dma_start3A_184 : memref<1x1x1x1000xi32, #tpu.memory_space<hbm>> -> memref<1000xi32, #tpu.memory_space<hbm>>
        tpu.enqueue_dma source(%dma_start3A_185 : memref<1000xi32, #tpu.memory_space<hbm>>) target(%arg6 : memref<1000xi32, #tpu.memory_space<vmem>>) target_semaphore(%run_scoped3A_179 : memref<!tpu.dma_semaphore, #tpu.memory_space<semaphore_mem>>)
        %dma_wait3A_186 = arith.constant 0 : i32
        %dma_wait3A_187 = tpu.memref_slice %arg3[%scan3A_5, %arg1, %run_scoped3A_43, %dma_wait3A_186] : memref<8x16x10x1000xi32, #tpu.memory_space<hbm>> -> memref<1x1x1x1000xi32, #tpu.memory_space<hbm>>
        %dma_wait3A_188 = tpu.memref_squeeze %dma_wait3A_187 : memref<1x1x1x1000xi32, #tpu.memory_space<hbm>> -> memref<1000xi32, #tpu.memory_space<hbm>>
        %dma_wait3A_189 = arith.constant 0 : i32
        %dma_wait3A_190 = tpu.memref_slice %arg3[%scan3A_5, %arg1, %run_scoped3A_43, %dma_wait3A_189] : memref<8x16x10x1000xi32, #tpu.memory_space<hbm>> -> memref<1x1x1x1000xi32, #tpu.memory_space<hbm>>
        %dma_wait3A_191 = tpu.memref_squeeze %dma_wait3A_190 : memref<1x1x1x1000xi32, #tpu.memory_space<hbm>> -> memref<1000xi32, #tpu.memory_space<hbm>>
        tpu.wait_dma2 semaphore(%run_scoped3A_179 : memref<!tpu.dma_semaphore, #tpu.memory_space<semaphore_mem>>) src(%dma_wait3A_191 : memref<1000xi32, #tpu.memory_space<hbm>>) dst(%arg6 : memref<1000xi32, #tpu.memory_space<vmem>>)
        tpu.yield
      }) : () -> ()
      %run_scoped3A_44 = arith.constant 2 : i32
      "tpu.region"() ({
        %run_scoped3A_179 = tpu.sem_alloc : memref<!tpu.dma_semaphore, #tpu.memory_space<semaphore_mem>>
        %dma_start3A_180 = arith.constant 0 : i32
        %dma_start3A_181 = tpu.memref_slice %arg4[%arg1, %run_scoped3A_44, %dma_start3A_180] : memref<16x10x1000xi32, #tpu.memory_space<hbm>> -> memref<1x1x1000xi32, #tpu.memory_space<hbm>>
        %dma_start3A_182 = tpu.memref_squeeze %dma_start3A_181 : memref<1x1x1000xi32, #tpu.memory_space<hbm>> -> memref<1000xi32, #tpu.memory_space<hbm>>
        %dma_start3A_183 = arith.constant 0 : i32
        %dma_start3A_184 = tpu.memref_slice %arg4[%arg1, %run_scoped3A_44, %dma_start3A_183] : memref<16x10x1000xi32, #tpu.memory_space<hbm>> -> memref<1x1x1000xi32, #tpu.memory_space<hbm>>
        %dma_start3A_185 = tpu.memref_squeeze %dma_start3A_184 : memref<1x1x1000xi32, #tpu.memory_space<hbm>> -> memref<1000xi32, #tpu.memory_space<hbm>>
        tpu.enqueue_dma source(%dma_start3A_185 : memref<1000xi32, #tpu.memory_space<hbm>>) target(%arg8 : memref<1000xi32, #tpu.memory_space<vmem>>) target_semaphore(%run_scoped3A_179 : memref<!tpu.dma_semaphore, #tpu.memory_space<semaphore_mem>>)
        %dma_wait3A_186 = arith.constant 0 : i32
        %dma_wait3A_187 = tpu.memref_slice %arg4[%arg1, %run_scoped3A_44, %dma_wait3A_186] : memref<16x10x1000xi32, #tpu.memory_space<hbm>> -> memref<1x1x1000xi32, #tpu.memory_space<hbm>>
        %dma_wait3A_188 = tpu.memref_squeeze %dma_wait3A_187 : memref<1x1x1000xi32, #tpu.memory_space<hbm>> -> memref<1000xi32, #tpu.memory_space<hbm>>
        %dma_wait3A_189 = arith.constant 0 : i32
        %dma_wait3A_190 = tpu.memref_slice %arg4[%arg1, %run_scoped3A_44, %dma_wait3A_189] : memref<16x10x1000xi32, #tpu.memory_space<hbm>> -> memref<1x1x1000xi32, #tpu.memory_space<hbm>>
        %dma_wait3A_191 = tpu.memref_squeeze %dma_wait3A_190 : memref<1x1x1000xi32, #tpu.memory_space<hbm>> -> memref<1000xi32, #tpu.memory_space<hbm>>
        tpu.wait_dma2 semaphore(%run_scoped3A_179 : memref<!tpu.dma_semaphore, #tpu.memory_space<semaphore_mem>>) src(%dma_wait3A_191 : memref<1000xi32, #tpu.memory_space<hbm>>) dst(%arg8 : memref<1000xi32, #tpu.memory_space<vmem>>)
        tpu.yield
      }) : () -> ()
      %dma_wait3A_45 = arith.constant 0 : i32
      %dma_wait3A_46 = arith.constant 0 : i32
      %dma_wait3A_47 = tpu.memref_slice %arg2[%arg0, %dma_wait3A_45, %dma_wait3A_46] : memref<2x80000x16xf32, #tpu.memory_space<hbm>> -> memref<1x80000x16xf32, #tpu.memory_space<hbm>>
      %dma_wait3A_48 = tpu.memref_squeeze %dma_wait3A_47 : memref<1x80000x16xf32, #tpu.memory_space<hbm>> -> memref<80000x16xf32, #tpu.memory_space<hbm>>
      %dma_wait3A_49 = arith.constant 0 : i32
      %dma_wait3A_50 = arith.constant 0 : i32
      %dma_wait3A_51 = tpu.memref_slice %dma_wait3A_48[%dma_wait3A_49, %dma_wait3A_50] : memref<80000x16xf32, #tpu.memory_space<hbm>> -> memref<80000x16xf32, #tpu.memory_space<hbm>>
      tpu.wait_indirect_dma semaphore(%arg13 : memref<!tpu.dma_semaphore, #tpu.memory_space<semaphore_mem>>) src(%dma_wait3A_51 : memref<80000x16xf32, #tpu.memory_space<hbm>>) dst(%arg10 : memref<1000x16xf32, #tpu.memory_space<vmem>>)
      %dma_start3A_52 = arith.constant 0 : i32
      %dma_start3A_53 = arith.constant 0 : i32
      %dma_start3A_54 = tpu.memref_slice %arg2[%arg0, %dma_start3A_52, %dma_start3A_53] : memref<2x80000x16xf32, #tpu.memory_space<hbm>> -> memref<1x80000x16xf32, #tpu.memory_space<hbm>>
      %dma_start3A_55 = tpu.memref_squeeze %dma_start3A_54 : memref<1x80000x16xf32, #tpu.memory_space<hbm>> -> memref<80000x16xf32, #tpu.memory_space<hbm>>
      %dma_start3A_56 = arith.constant 0 : i32
      %dma_start3A_57 = arith.constant 0 : i32
      %dma_start3A_58 = tpu.memref_slice %dma_start3A_55[%dma_start3A_56, %dma_start3A_57] : memref<80000x16xf32, #tpu.memory_space<hbm>> -> memref<80000x16xf32, #tpu.memory_space<hbm>>
      tpu.enqueue_indirect_dma source(%dma_start3A_58 : memref<80000x16xf32, #tpu.memory_space<hbm>>) target(%arg11 : memref<1000x16xf32, #tpu.memory_space<vmem>>) offsets(%arg6 : memref<1000xi32, #tpu.memory_space<vmem>>) semaphore(%arg14 : memref<!tpu.dma_semaphore, #tpu.memory_space<semaphore_mem>>)
      "tpu.region"() ({
        %run_scoped3A_179 = tpu.sem_alloc : memref<!tpu.dma_semaphore, #tpu.memory_space<semaphore_mem>>
        %dma_start3A_180 = arith.constant 0 : i32
        %dma_start3A_181 = arith.constant 0 : i32
        %dma_start3A_182 = tpu.memref_slice %arg12[%dma_start3A_180, %dma_start3A_181] : memref<80000x16xf32, #tpu.memory_space<vmem_shared>> -> memref<80000x16xf32, #tpu.memory_space<vmem_shared>>
        tpu.enqueue_indirect_dma source(%arg10 : memref<1000x16xf32, #tpu.memory_space<vmem>>) target(%dma_start3A_182 : memref<80000x16xf32, #tpu.memory_space<vmem_shared>>) offsets(%arg9 : memref<1000xi32, #tpu.memory_space<vmem>>) semaphore(%run_scoped3A_179 : memref<!tpu.dma_semaphore, #tpu.memory_space<semaphore_mem>>) {add = true}
        %dma_wait3A_183 = arith.constant 0 : i32
        %dma_wait3A_184 = arith.constant 0 : i32
        %dma_wait3A_185 = tpu.memref_slice %arg12[%dma_wait3A_183, %dma_wait3A_184] : memref<80000x16xf32, #tpu.memory_space<vmem_shared>> -> memref<80000x16xf32, #tpu.memory_space<vmem_shared>>
        tpu.wait_indirect_dma semaphore(%run_scoped3A_179 : memref<!tpu.dma_semaphore, #tpu.memory_space<semaphore_mem>>) src(%arg10 : memref<1000x16xf32, #tpu.memory_space<vmem>>) dst(%dma_wait3A_185 : memref<80000x16xf32, #tpu.memory_space<vmem_shared>>)
        tpu.yield
      }) : () -> ()
      %run_scoped3A_59 = arith.constant 3 : i32
      "tpu.region"() ({
        %run_scoped3A_179 = tpu.sem_alloc : memref<!tpu.dma_semaphore, #tpu.memory_space<semaphore_mem>>
        %dma_start3A_180 = arith.constant 0 : i32
        %dma_start3A_181 = tpu.memref_slice %arg3[%scan3A_5, %arg1, %run_scoped3A_59, %dma_start3A_180] : memref<8x16x10x1000xi32, #tpu.memory_space<hbm>> -> memref<1x1x1x1000xi32, #tpu.memory_space<hbm>>
        %dma_start3A_182 = tpu.memref_squeeze %dma_start3A_181 : memref<1x1x1x1000xi32, #tpu.memory_space<hbm>> -> memref<1000xi32, #tpu.memory_space<hbm>>
        %dma_start3A_183 = arith.constant 0 : i32
        %dma_start3A_184 = tpu.memref_slice %arg3[%scan3A_5, %arg1, %run_scoped3A_59, %dma_start3A_183] : memref<8x16x10x1000xi32, #tpu.memory_space<hbm>> -> memref<1x1x1x1000xi32, #tpu.memory_space<hbm>>
        %dma_start3A_185 = tpu.memref_squeeze %dma_start3A_184 : memref<1x1x1x1000xi32, #tpu.memory_space<hbm>> -> memref<1000xi32, #tpu.memory_space<hbm>>
        tpu.enqueue_dma source(%dma_start3A_185 : memref<1000xi32, #tpu.memory_space<hbm>>) target(%arg7 : memref<1000xi32, #tpu.memory_space<vmem>>) target_semaphore(%run_scoped3A_179 : memref<!tpu.dma_semaphore, #tpu.memory_space<semaphore_mem>>)
        %dma_wait3A_186 = arith.constant 0 : i32
        %dma_wait3A_187 = tpu.memref_slice %arg3[%scan3A_5, %arg1, %run_scoped3A_59, %dma_wait3A_186] : memref<8x16x10x1000xi32, #tpu.memory_space<hbm>> -> memref<1x1x1x1000xi32, #tpu.memory_space<hbm>>
        %dma_wait3A_188 = tpu.memref_squeeze %dma_wait3A_187 : memref<1x1x1x1000xi32, #tpu.memory_space<hbm>> -> memref<1000xi32, #tpu.memory_space<hbm>>
        %dma_wait3A_189 = arith.constant 0 : i32
        %dma_wait3A_190 = tpu.memref_slice %arg3[%scan3A_5, %arg1, %run_scoped3A_59, %dma_wait3A_189] : memref<8x16x10x1000xi32, #tpu.memory_space<hbm>> -> memref<1x1x1x1000xi32, #tpu.memory_space<hbm>>
        %dma_wait3A_191 = tpu.memref_squeeze %dma_wait3A_190 : memref<1x1x1x1000xi32, #tpu.memory_space<hbm>> -> memref<1000xi32, #tpu.memory_space<hbm>>
        tpu.wait_dma2 semaphore(%run_scoped3A_179 : memref<!tpu.dma_semaphore, #tpu.memory_space<semaphore_mem>>) src(%dma_wait3A_191 : memref<1000xi32, #tpu.memory_space<hbm>>) dst(%arg7 : memref<1000xi32, #tpu.memory_space<vmem>>)
        tpu.yield
      }) : () -> ()
      %run_scoped3A_60 = arith.constant 3 : i32
      "tpu.region"() ({
        %run_scoped3A_179 = tpu.sem_alloc : memref<!tpu.dma_semaphore, #tpu.memory_space<semaphore_mem>>
        %dma_start3A_180 = arith.constant 0 : i32
        %dma_start3A_181 = tpu.memref_slice %arg4[%arg1, %run_scoped3A_60, %dma_start3A_180] : memref<16x10x1000xi32, #tpu.memory_space<hbm>> -> memref<1x1x1000xi32, #tpu.memory_space<hbm>>
        %dma_start3A_182 = tpu.memref_squeeze %dma_start3A_181 : memref<1x1x1000xi32, #tpu.memory_space<hbm>> -> memref<1000xi32, #tpu.memory_space<hbm>>
        %dma_start3A_183 = arith.constant 0 : i32
        %dma_start3A_184 = tpu.memref_slice %arg4[%arg1, %run_scoped3A_60, %dma_start3A_183] : memref<16x10x1000xi32, #tpu.memory_space<hbm>> -> memref<1x1x1000xi32, #tpu.memory_space<hbm>>
        %dma_start3A_185 = tpu.memref_squeeze %dma_start3A_184 : memref<1x1x1000xi32, #tpu.memory_space<hbm>> -> memref<1000xi32, #tpu.memory_space<hbm>>
        tpu.enqueue_dma source(%dma_start3A_185 : memref<1000xi32, #tpu.memory_space<hbm>>) target(%arg9 : memref<1000xi32, #tpu.memory_space<vmem>>) target_semaphore(%run_scoped3A_179 : memref<!tpu.dma_semaphore, #tpu.memory_space<semaphore_mem>>)
        %dma_wait3A_186 = arith.constant 0 : i32
        %dma_wait3A_187 = tpu.memref_slice %arg4[%arg1, %run_scoped3A_60, %dma_wait3A_186] : memref<16x10x1000xi32, #tpu.memory_space<hbm>> -> memref<1x1x1000xi32, #tpu.memory_space<hbm>>
        %dma_wait3A_188 = tpu.memref_squeeze %dma_wait3A_187 : memref<1x1x1000xi32, #tpu.memory_space<hbm>> -> memref<1000xi32, #tpu.memory_space<hbm>>
        %dma_wait3A_189 = arith.constant 0 : i32
        %dma_wait3A_190 = tpu.memref_slice %arg4[%arg1, %run_scoped3A_60, %dma_wait3A_189] : memref<16x10x1000xi32, #tpu.memory_space<hbm>> -> memref<1x1x1000xi32, #tpu.memory_space<hbm>>
        %dma_wait3A_191 = tpu.memref_squeeze %dma_wait3A_190 : memref<1x1x1000xi32, #tpu.memory_space<hbm>> -> memref<1000xi32, #tpu.memory_space<hbm>>
        tpu.wait_dma2 semaphore(%run_scoped3A_179 : memref<!tpu.dma_semaphore, #tpu.memory_space<semaphore_mem>>) src(%dma_wait3A_191 : memref<1000xi32, #tpu.memory_space<hbm>>) dst(%arg9 : memref<1000xi32, #tpu.memory_space<vmem>>)
        tpu.yield
      }) : () -> ()
      %dma_wait3A_61 = arith.constant 0 : i32
      %dma_wait3A_62 = arith.constant 0 : i32
      %dma_wait3A_63 = tpu.memref_slice %arg2[%arg0, %dma_wait3A_61, %dma_wait3A_62] : memref<2x80000x16xf32, #tpu.memory_space<hbm>> -> memref<1x80000x16xf32, #tpu.memory_space<hbm>>
      %dma_wait3A_64 = tpu.memref_squeeze %dma_wait3A_63 : memref<1x80000x16xf32, #tpu.memory_space<hbm>> -> memref<80000x16xf32, #tpu.memory_space<hbm>>
      %dma_wait3A_65 = arith.constant 0 : i32
      %dma_wait3A_66 = arith.constant 0 : i32
      %dma_wait3A_67 = tpu.memref_slice %dma_wait3A_64[%dma_wait3A_65, %dma_wait3A_66] : memref<80000x16xf32, #tpu.memory_space<hbm>> -> memref<80000x16xf32, #tpu.memory_space<hbm>>
      tpu.wait_indirect_dma semaphore(%arg14 : memref<!tpu.dma_semaphore, #tpu.memory_space<semaphore_mem>>) src(%dma_wait3A_67 : memref<80000x16xf32, #tpu.memory_space<hbm>>) dst(%arg11 : memref<1000x16xf32, #tpu.memory_space<vmem>>)
      %dma_start3A_68 = arith.constant 0 : i32
      %dma_start3A_69 = arith.constant 0 : i32
      %dma_start3A_70 = tpu.memref_slice %arg2[%arg0, %dma_start3A_68, %dma_start3A_69] : memref<2x80000x16xf32, #tpu.memory_space<hbm>> -> memref<1x80000x16xf32, #tpu.memory_space<hbm>>
      %dma_start3A_71 = tpu.memref_squeeze %dma_start3A_70 : memref<1x80000x16xf32, #tpu.memory_space<hbm>> -> memref<80000x16xf32, #tpu.memory_space<hbm>>
      %dma_start3A_72 = arith.constant 0 : i32
      %dma_start3A_73 = arith.constant 0 : i32
      %dma_start3A_74 = tpu.memref_slice %dma_start3A_71[%dma_start3A_72, %dma_start3A_73] : memref<80000x16xf32, #tpu.memory_space<hbm>> -> memref<80000x16xf32, #tpu.memory_space<hbm>>
      tpu.enqueue_indirect_dma source(%dma_start3A_74 : memref<80000x16xf32, #tpu.memory_space<hbm>>) target(%arg10 : memref<1000x16xf32, #tpu.memory_space<vmem>>) offsets(%arg7 : memref<1000xi32, #tpu.memory_space<vmem>>) semaphore(%arg13 : memref<!tpu.dma_semaphore, #tpu.memory_space<semaphore_mem>>)
      "tpu.region"() ({
        %run_scoped3A_179 = tpu.sem_alloc : memref<!tpu.dma_semaphore, #tpu.memory_space<semaphore_mem>>
        %dma_start3A_180 = arith.constant 0 : i32
        %dma_start3A_181 = arith.constant 0 : i32
        %dma_start3A_182 = tpu.memref_slice %arg12[%dma_start3A_180, %dma_start3A_181] : memref<80000x16xf32, #tpu.memory_space<vmem_shared>> -> memref<80000x16xf32, #tpu.memory_space<vmem_shared>>
        tpu.enqueue_indirect_dma source(%arg11 : memref<1000x16xf32, #tpu.memory_space<vmem>>) target(%dma_start3A_182 : memref<80000x16xf32, #tpu.memory_space<vmem_shared>>) offsets(%arg8 : memref<1000xi32, #tpu.memory_space<vmem>>) semaphore(%run_scoped3A_179 : memref<!tpu.dma_semaphore, #tpu.memory_space<semaphore_mem>>) {add = true}
        %dma_wait3A_183 = arith.constant 0 : i32
        %dma_wait3A_184 = arith.constant 0 : i32
        %dma_wait3A_185 = tpu.memref_slice %arg12[%dma_wait3A_183, %dma_wait3A_184] : memref<80000x16xf32, #tpu.memory_space<vmem_shared>> -> memref<80000x16xf32, #tpu.memory_space<vmem_shared>>
        tpu.wait_indirect_dma semaphore(%run_scoped3A_179 : memref<!tpu.dma_semaphore, #tpu.memory_space<semaphore_mem>>) src(%arg11 : memref<1000x16xf32, #tpu.memory_space<vmem>>) dst(%dma_wait3A_185 : memref<80000x16xf32, #tpu.memory_space<vmem_shared>>)
        tpu.yield
      }) : () -> ()
      %run_scoped3A_75 = arith.constant 4 : i32
      "tpu.region"() ({
        %run_scoped3A_179 = tpu.sem_alloc : memref<!tpu.dma_semaphore, #tpu.memory_space<semaphore_mem>>
        %dma_start3A_180 = arith.constant 0 : i32
        %dma_start3A_181 = tpu.memref_slice %arg3[%scan3A_5, %arg1, %run_scoped3A_75, %dma_start3A_180] : memref<8x16x10x1000xi32, #tpu.memory_space<hbm>> -> memref<1x1x1x1000xi32, #tpu.memory_space<hbm>>
        %dma_start3A_182 = tpu.memref_squeeze %dma_start3A_181 : memref<1x1x1x1000xi32, #tpu.memory_space<hbm>> -> memref<1000xi32, #tpu.memory_space<hbm>>
        %dma_start3A_183 = arith.constant 0 : i32
        %dma_start3A_184 = tpu.memref_slice %arg3[%scan3A_5, %arg1, %run_scoped3A_75, %dma_start3A_183] : memref<8x16x10x1000xi32, #tpu.memory_space<hbm>> -> memref<1x1x1x1000xi32, #tpu.memory_space<hbm>>
        %dma_start3A_185 = tpu.memref_squeeze %dma_start3A_184 : memref<1x1x1x1000xi32, #tpu.memory_space<hbm>> -> memref<1000xi32, #tpu.memory_space<hbm>>
        tpu.enqueue_dma source(%dma_start3A_185 : memref<1000xi32, #tpu.memory_space<hbm>>) target(%arg6 : memref<1000xi32, #tpu.memory_space<vmem>>) target_semaphore(%run_scoped3A_179 : memref<!tpu.dma_semaphore, #tpu.memory_space<semaphore_mem>>)
        %dma_wait3A_186 = arith.constant 0 : i32
        %dma_wait3A_187 = tpu.memref_slice %arg3[%scan3A_5, %arg1, %run_scoped3A_75, %dma_wait3A_186] : memref<8x16x10x1000xi32, #tpu.memory_space<hbm>> -> memref<1x1x1x1000xi32, #tpu.memory_space<hbm>>
        %dma_wait3A_188 = tpu.memref_squeeze %dma_wait3A_187 : memref<1x1x1x1000xi32, #tpu.memory_space<hbm>> -> memref<1000xi32, #tpu.memory_space<hbm>>
        %dma_wait3A_189 = arith.constant 0 : i32
        %dma_wait3A_190 = tpu.memref_slice %arg3[%scan3A_5, %arg1, %run_scoped3A_75, %dma_wait3A_189] : memref<8x16x10x1000xi32, #tpu.memory_space<hbm>> -> memref<1x1x1x1000xi32, #tpu.memory_space<hbm>>
        %dma_wait3A_191 = tpu.memref_squeeze %dma_wait3A_190 : memref<1x1x1x1000xi32, #tpu.memory_space<hbm>> -> memref<1000xi32, #tpu.memory_space<hbm>>
        tpu.wait_dma2 semaphore(%run_scoped3A_179 : memref<!tpu.dma_semaphore, #tpu.memory_space<semaphore_mem>>) src(%dma_wait3A_191 : memref<1000xi32, #tpu.memory_space<hbm>>) dst(%arg6 : memref<1000xi32, #tpu.memory_space<vmem>>)
        tpu.yield
      }) : () -> ()
      %run_scoped3A_76 = arith.constant 4 : i32
      "tpu.region"() ({
        %run_scoped3A_179 = tpu.sem_alloc : memref<!tpu.dma_semaphore, #tpu.memory_space<semaphore_mem>>
        %dma_start3A_180 = arith.constant 0 : i32
        %dma_start3A_181 = tpu.memref_slice %arg4[%arg1, %run_scoped3A_76, %dma_start3A_180] : memref<16x10x1000xi32, #tpu.memory_space<hbm>> -> memref<1x1x1000xi32, #tpu.memory_space<hbm>>
        %dma_start3A_182 = tpu.memref_squeeze %dma_start3A_181 : memref<1x1x1000xi32, #tpu.memory_space<hbm>> -> memref<1000xi32, #tpu.memory_space<hbm>>
        %dma_start3A_183 = arith.constant 0 : i32
        %dma_start3A_184 = tpu.memref_slice %arg4[%arg1, %run_scoped3A_76, %dma_start3A_183] : memref<16x10x1000xi32, #tpu.memory_space<hbm>> -> memref<1x1x1000xi32, #tpu.memory_space<hbm>>
        %dma_start3A_185 = tpu.memref_squeeze %dma_start3A_184 : memref<1x1x1000xi32, #tpu.memory_space<hbm>> -> memref<1000xi32, #tpu.memory_space<hbm>>
        tpu.enqueue_dma source(%dma_start3A_185 : memref<1000xi32, #tpu.memory_space<hbm>>) target(%arg8 : memref<1000xi32, #tpu.memory_space<vmem>>) target_semaphore(%run_scoped3A_179 : memref<!tpu.dma_semaphore, #tpu.memory_space<semaphore_mem>>)
        %dma_wait3A_186 = arith.constant 0 : i32
        %dma_wait3A_187 = tpu.memref_slice %arg4[%arg1, %run_scoped3A_76, %dma_wait3A_186] : memref<16x10x1000xi32, #tpu.memory_space<hbm>> -> memref<1x1x1000xi32, #tpu.memory_space<hbm>>
        %dma_wait3A_188 = tpu.memref_squeeze %dma_wait3A_187 : memref<1x1x1000xi32, #tpu.memory_space<hbm>> -> memref<1000xi32, #tpu.memory_space<hbm>>
        %dma_wait3A_189 = arith.constant 0 : i32
        %dma_wait3A_190 = tpu.memref_slice %arg4[%arg1, %run_scoped3A_76, %dma_wait3A_189] : memref<16x10x1000xi32, #tpu.memory_space<hbm>> -> memref<1x1x1000xi32, #tpu.memory_space<hbm>>
        %dma_wait3A_191 = tpu.memref_squeeze %dma_wait3A_190 : memref<1x1x1000xi32, #tpu.memory_space<hbm>> -> memref<1000xi32, #tpu.memory_space<hbm>>
        tpu.wait_dma2 semaphore(%run_scoped3A_179 : memref<!tpu.dma_semaphore, #tpu.memory_space<semaphore_mem>>) src(%dma_wait3A_191 : memref<1000xi32, #tpu.memory_space<hbm>>) dst(%arg8 : memref<1000xi32, #tpu.memory_space<vmem>>)
        tpu.yield
      }) : () -> ()
      %dma_wait3A_77 = arith.constant 0 : i32
      %dma_wait3A_78 = arith.constant 0 : i32
      %dma_wait3A_79 = tpu.memref_slice %arg2[%arg0, %dma_wait3A_77, %dma_wait3A_78] : memref<2x80000x16xf32, #tpu.memory_space<hbm>> -> memref<1x80000x16xf32, #tpu.memory_space<hbm>>
      %dma_wait3A_80 = tpu.memref_squeeze %dma_wait3A_79 : memref<1x80000x16xf32, #tpu.memory_space<hbm>> -> memref<80000x16xf32, #tpu.memory_space<hbm>>
      %dma_wait3A_81 = arith.constant 0 : i32
      %dma_wait3A_82 = arith.constant 0 : i32
      %dma_wait3A_83 = tpu.memref_slice %dma_wait3A_80[%dma_wait3A_81, %dma_wait3A_82] : memref<80000x16xf32, #tpu.memory_space<hbm>> -> memref<80000x16xf32, #tpu.memory_space<hbm>>
      tpu.wait_indirect_dma semaphore(%arg13 : memref<!tpu.dma_semaphore, #tpu.memory_space<semaphore_mem>>) src(%dma_wait3A_83 : memref<80000x16xf32, #tpu.memory_space<hbm>>) dst(%arg10 : memref<1000x16xf32, #tpu.memory_space<vmem>>)
      %dma_start3A_84 = arith.constant 0 : i32
      %dma_start3A_85 = arith.constant 0 : i32
      %dma_start3A_86 = tpu.memref_slice %arg2[%arg0, %dma_start3A_84, %dma_start3A_85] : memref<2x80000x16xf32, #tpu.memory_space<hbm>> -> memref<1x80000x16xf32, #tpu.memory_space<hbm>>
      %dma_start3A_87 = tpu.memref_squeeze %dma_start3A_86 : memref<1x80000x16xf32, #tpu.memory_space<hbm>> -> memref<80000x16xf32, #tpu.memory_space<hbm>>
      %dma_start3A_88 = arith.constant 0 : i32
      %dma_start3A_89 = arith.constant 0 : i32
      %dma_start3A_90 = tpu.memref_slice %dma_start3A_87[%dma_start3A_88, %dma_start3A_89] : memref<80000x16xf32, #tpu.memory_space<hbm>> -> memref<80000x16xf32, #tpu.memory_space<hbm>>
      tpu.enqueue_indirect_dma source(%dma_start3A_90 : memref<80000x16xf32, #tpu.memory_space<hbm>>) target(%arg11 : memref<1000x16xf32, #tpu.memory_space<vmem>>) offsets(%arg6 : memref<1000xi32, #tpu.memory_space<vmem>>) semaphore(%arg14 : memref<!tpu.dma_semaphore, #tpu.memory_space<semaphore_mem>>)
      "tpu.region"() ({
        %run_scoped3A_179 = tpu.sem_alloc : memref<!tpu.dma_semaphore, #tpu.memory_space<semaphore_mem>>
        %dma_start3A_180 = arith.constant 0 : i32
        %dma_start3A_181 = arith.constant 0 : i32
        %dma_start3A_182 = tpu.memref_slice %arg12[%dma_start3A_180, %dma_start3A_181] : memref<80000x16xf32, #tpu.memory_space<vmem_shared>> -> memref<80000x16xf32, #tpu.memory_space<vmem_shared>>
        tpu.enqueue_indirect_dma source(%arg10 : memref<1000x16xf32, #tpu.memory_space<vmem>>) target(%dma_start3A_182 : memref<80000x16xf32, #tpu.memory_space<vmem_shared>>) offsets(%arg9 : memref<1000xi32, #tpu.memory_space<vmem>>) semaphore(%run_scoped3A_179 : memref<!tpu.dma_semaphore, #tpu.memory_space<semaphore_mem>>) {add = true}
        %dma_wait3A_183 = arith.constant 0 : i32
        %dma_wait3A_184 = arith.constant 0 : i32
        %dma_wait3A_185 = tpu.memref_slice %arg12[%dma_wait3A_183, %dma_wait3A_184] : memref<80000x16xf32, #tpu.memory_space<vmem_shared>> -> memref<80000x16xf32, #tpu.memory_space<vmem_shared>>
        tpu.wait_indirect_dma semaphore(%run_scoped3A_179 : memref<!tpu.dma_semaphore, #tpu.memory_space<semaphore_mem>>) src(%arg10 : memref<1000x16xf32, #tpu.memory_space<vmem>>) dst(%dma_wait3A_185 : memref<80000x16xf32, #tpu.memory_space<vmem_shared>>)
        tpu.yield
      }) : () -> ()
      %run_scoped3A_91 = arith.constant 5 : i32
      "tpu.region"() ({
        %run_scoped3A_179 = tpu.sem_alloc : memref<!tpu.dma_semaphore, #tpu.memory_space<semaphore_mem>>
        %dma_start3A_180 = arith.constant 0 : i32
        %dma_start3A_181 = tpu.memref_slice %arg3[%scan3A_5, %arg1, %run_scoped3A_91, %dma_start3A_180] : memref<8x16x10x1000xi32, #tpu.memory_space<hbm>> -> memref<1x1x1x1000xi32, #tpu.memory_space<hbm>>
        %dma_start3A_182 = tpu.memref_squeeze %dma_start3A_181 : memref<1x1x1x1000xi32, #tpu.memory_space<hbm>> -> memref<1000xi32, #tpu.memory_space<hbm>>
        %dma_start3A_183 = arith.constant 0 : i32
        %dma_start3A_184 = tpu.memref_slice %arg3[%scan3A_5, %arg1, %run_scoped3A_91, %dma_start3A_183] : memref<8x16x10x1000xi32, #tpu.memory_space<hbm>> -> memref<1x1x1x1000xi32, #tpu.memory_space<hbm>>
        %dma_start3A_185 = tpu.memref_squeeze %dma_start3A_184 : memref<1x1x1x1000xi32, #tpu.memory_space<hbm>> -> memref<1000xi32, #tpu.memory_space<hbm>>
        tpu.enqueue_dma source(%dma_start3A_185 : memref<1000xi32, #tpu.memory_space<hbm>>) target(%arg7 : memref<1000xi32, #tpu.memory_space<vmem>>) target_semaphore(%run_scoped3A_179 : memref<!tpu.dma_semaphore, #tpu.memory_space<semaphore_mem>>)
        %dma_wait3A_186 = arith.constant 0 : i32
        %dma_wait3A_187 = tpu.memref_slice %arg3[%scan3A_5, %arg1, %run_scoped3A_91, %dma_wait3A_186] : memref<8x16x10x1000xi32, #tpu.memory_space<hbm>> -> memref<1x1x1x1000xi32, #tpu.memory_space<hbm>>
        %dma_wait3A_188 = tpu.memref_squeeze %dma_wait3A_187 : memref<1x1x1x1000xi32, #tpu.memory_space<hbm>> -> memref<1000xi32, #tpu.memory_space<hbm>>
        %dma_wait3A_189 = arith.constant 0 : i32
        %dma_wait3A_190 = tpu.memref_slice %arg3[%scan3A_5, %arg1, %run_scoped3A_91, %dma_wait3A_189] : memref<8x16x10x1000xi32, #tpu.memory_space<hbm>> -> memref<1x1x1x1000xi32, #tpu.memory_space<hbm>>
        %dma_wait3A_191 = tpu.memref_squeeze %dma_wait3A_190 : memref<1x1x1x1000xi32, #tpu.memory_space<hbm>> -> memref<1000xi32, #tpu.memory_space<hbm>>
        tpu.wait_dma2 semaphore(%run_scoped3A_179 : memref<!tpu.dma_semaphore, #tpu.memory_space<semaphore_mem>>) src(%dma_wait3A_191 : memref<1000xi32, #tpu.memory_space<hbm>>) dst(%arg7 : memref<1000xi32, #tpu.memory_space<vmem>>)
        tpu.yield
      }) : () -> ()
      %run_scoped3A_92 = arith.constant 5 : i32
      "tpu.region"() ({
        %run_scoped3A_179 = tpu.sem_alloc : memref<!tpu.dma_semaphore, #tpu.memory_space<semaphore_mem>>
        %dma_start3A_180 = arith.constant 0 : i32
        %dma_start3A_181 = tpu.memref_slice %arg4[%arg1, %run_scoped3A_92, %dma_start3A_180] : memref<16x10x1000xi32, #tpu.memory_space<hbm>> -> memref<1x1x1000xi32, #tpu.memory_space<hbm>>
        %dma_start3A_182 = tpu.memref_squeeze %dma_start3A_181 : memref<1x1x1000xi32, #tpu.memory_space<hbm>> -> memref<1000xi32, #tpu.memory_space<hbm>>
        %dma_start3A_183 = arith.constant 0 : i32
        %dma_start3A_184 = tpu.memref_slice %arg4[%arg1, %run_scoped3A_92, %dma_start3A_183] : memref<16x10x1000xi32, #tpu.memory_space<hbm>> -> memref<1x1x1000xi32, #tpu.memory_space<hbm>>
        %dma_start3A_185 = tpu.memref_squeeze %dma_start3A_184 : memref<1x1x1000xi32, #tpu.memory_space<hbm>> -> memref<1000xi32, #tpu.memory_space<hbm>>
        tpu.enqueue_dma source(%dma_start3A_185 : memref<1000xi32, #tpu.memory_space<hbm>>) target(%arg9 : memref<1000xi32, #tpu.memory_space<vmem>>) target_semaphore(%run_scoped3A_179 : memref<!tpu.dma_semaphore, #tpu.memory_space<semaphore_mem>>)
        %dma_wait3A_186 = arith.constant 0 : i32
        %dma_wait3A_187 = tpu.memref_slice %arg4[%arg1, %run_scoped3A_92, %dma_wait3A_186] : memref<16x10x1000xi32, #tpu.memory_space<hbm>> -> memref<1x1x1000xi32, #tpu.memory_space<hbm>>
        %dma_wait3A_188 = tpu.memref_squeeze %dma_wait3A_187 : memref<1x1x1000xi32, #tpu.memory_space<hbm>> -> memref<1000xi32, #tpu.memory_space<hbm>>
        %dma_wait3A_189 = arith.constant 0 : i32
        %dma_wait3A_190 = tpu.memref_slice %arg4[%arg1, %run_scoped3A_92, %dma_wait3A_189] : memref<16x10x1000xi32, #tpu.memory_space<hbm>> -> memref<1x1x1000xi32, #tpu.memory_space<hbm>>
        %dma_wait3A_191 = tpu.memref_squeeze %dma_wait3A_190 : memref<1x1x1000xi32, #tpu.memory_space<hbm>> -> memref<1000xi32, #tpu.memory_space<hbm>>
        tpu.wait_dma2 semaphore(%run_scoped3A_179 : memref<!tpu.dma_semaphore, #tpu.memory_space<semaphore_mem>>) src(%dma_wait3A_191 : memref<1000xi32, #tpu.memory_space<hbm>>) dst(%arg9 : memref<1000xi32, #tpu.memory_space<vmem>>)
        tpu.yield
      }) : () -> ()
      %dma_wait3A_93 = arith.constant 0 : i32
      %dma_wait3A_94 = arith.constant 0 : i32
      %dma_wait3A_95 = tpu.memref_slice %arg2[%arg0, %dma_wait3A_93, %dma_wait3A_94] : memref<2x80000x16xf32, #tpu.memory_space<hbm>> -> memref<1x80000x16xf32, #tpu.memory_space<hbm>>
      %dma_wait3A_96 = tpu.memref_squeeze %dma_wait3A_95 : memref<1x80000x16xf32, #tpu.memory_space<hbm>> -> memref<80000x16xf32, #tpu.memory_space<hbm>>
      %dma_wait3A_97 = arith.constant 0 : i32
      %dma_wait3A_98 = arith.constant 0 : i32
      %dma_wait3A_99 = tpu.memref_slice %dma_wait3A_96[%dma_wait3A_97, %dma_wait3A_98] : memref<80000x16xf32, #tpu.memory_space<hbm>> -> memref<80000x16xf32, #tpu.memory_space<hbm>>
      tpu.wait_indirect_dma semaphore(%arg14 : memref<!tpu.dma_semaphore, #tpu.memory_space<semaphore_mem>>) src(%dma_wait3A_99 : memref<80000x16xf32, #tpu.memory_space<hbm>>) dst(%arg11 : memref<1000x16xf32, #tpu.memory_space<vmem>>)
      %dma_start3A_100 = arith.constant 0 : i32
      %dma_start3A_101 = arith.constant 0 : i32
      %dma_start3A_102 = tpu.memref_slice %arg2[%arg0, %dma_start3A_100, %dma_start3A_101] : memref<2x80000x16xf32, #tpu.memory_space<hbm>> -> memref<1x80000x16xf32, #tpu.memory_space<hbm>>
      %dma_start3A_103 = tpu.memref_squeeze %dma_start3A_102 : memref<1x80000x16xf32, #tpu.memory_space<hbm>> -> memref<80000x16xf32, #tpu.memory_space<hbm>>
      %dma_start3A_104 = arith.constant 0 : i32
      %dma_start3A_105 = arith.constant 0 : i32
      %dma_start3A_106 = tpu.memref_slice %dma_start3A_103[%dma_start3A_104, %dma_start3A_105] : memref<80000x16xf32, #tpu.memory_space<hbm>> -> memref<80000x16xf32, #tpu.memory_space<hbm>>
      tpu.enqueue_indirect_dma source(%dma_start3A_106 : memref<80000x16xf32, #tpu.memory_space<hbm>>) target(%arg10 : memref<1000x16xf32, #tpu.memory_space<vmem>>) offsets(%arg7 : memref<1000xi32, #tpu.memory_space<vmem>>) semaphore(%arg13 : memref<!tpu.dma_semaphore, #tpu.memory_space<semaphore_mem>>)
      "tpu.region"() ({
        %run_scoped3A_179 = tpu.sem_alloc : memref<!tpu.dma_semaphore, #tpu.memory_space<semaphore_mem>>
        %dma_start3A_180 = arith.constant 0 : i32
        %dma_start3A_181 = arith.constant 0 : i32
        %dma_start3A_182 = tpu.memref_slice %arg12[%dma_start3A_180, %dma_start3A_181] : memref<80000x16xf32, #tpu.memory_space<vmem_shared>> -> memref<80000x16xf32, #tpu.memory_space<vmem_shared>>
        tpu.enqueue_indirect_dma source(%arg11 : memref<1000x16xf32, #tpu.memory_space<vmem>>) target(%dma_start3A_182 : memref<80000x16xf32, #tpu.memory_space<vmem_shared>>) offsets(%arg8 : memref<1000xi32, #tpu.memory_space<vmem>>) semaphore(%run_scoped3A_179 : memref<!tpu.dma_semaphore, #tpu.memory_space<semaphore_mem>>) {add = true}
        %dma_wait3A_183 = arith.constant 0 : i32
        %dma_wait3A_184 = arith.constant 0 : i32
        %dma_wait3A_185 = tpu.memref_slice %arg12[%dma_wait3A_183, %dma_wait3A_184] : memref<80000x16xf32, #tpu.memory_space<vmem_shared>> -> memref<80000x16xf32, #tpu.memory_space<vmem_shared>>
        tpu.wait_indirect_dma semaphore(%run_scoped3A_179 : memref<!tpu.dma_semaphore, #tpu.memory_space<semaphore_mem>>) src(%arg11 : memref<1000x16xf32, #tpu.memory_space<vmem>>) dst(%dma_wait3A_185 : memref<80000x16xf32, #tpu.memory_space<vmem_shared>>)
        tpu.yield
      }) : () -> ()
      %run_scoped3A_107 = arith.constant 6 : i32
      "tpu.region"() ({
        %run_scoped3A_179 = tpu.sem_alloc : memref<!tpu.dma_semaphore, #tpu.memory_space<semaphore_mem>>
        %dma_start3A_180 = arith.constant 0 : i32
        %dma_start3A_181 = tpu.memref_slice %arg3[%scan3A_5, %arg1, %run_scoped3A_107, %dma_start3A_180] : memref<8x16x10x1000xi32, #tpu.memory_space<hbm>> -> memref<1x1x1x1000xi32, #tpu.memory_space<hbm>>
        %dma_start3A_182 = tpu.memref_squeeze %dma_start3A_181 : memref<1x1x1x1000xi32, #tpu.memory_space<hbm>> -> memref<1000xi32, #tpu.memory_space<hbm>>
        %dma_start3A_183 = arith.constant 0 : i32
        %dma_start3A_184 = tpu.memref_slice %arg3[%scan3A_5, %arg1, %run_scoped3A_107, %dma_start3A_183] : memref<8x16x10x1000xi32, #tpu.memory_space<hbm>> -> memref<1x1x1x1000xi32, #tpu.memory_space<hbm>>
        %dma_start3A_185 = tpu.memref_squeeze %dma_start3A_184 : memref<1x1x1x1000xi32, #tpu.memory_space<hbm>> -> memref<1000xi32, #tpu.memory_space<hbm>>
        tpu.enqueue_dma source(%dma_start3A_185 : memref<1000xi32, #tpu.memory_space<hbm>>) target(%arg6 : memref<1000xi32, #tpu.memory_space<vmem>>) target_semaphore(%run_scoped3A_179 : memref<!tpu.dma_semaphore, #tpu.memory_space<semaphore_mem>>)
        %dma_wait3A_186 = arith.constant 0 : i32
        %dma_wait3A_187 = tpu.memref_slice %arg3[%scan3A_5, %arg1, %run_scoped3A_107, %dma_wait3A_186] : memref<8x16x10x1000xi32, #tpu.memory_space<hbm>> -> memref<1x1x1x1000xi32, #tpu.memory_space<hbm>>
        %dma_wait3A_188 = tpu.memref_squeeze %dma_wait3A_187 : memref<1x1x1x1000xi32, #tpu.memory_space<hbm>> -> memref<1000xi32, #tpu.memory_space<hbm>>
        %dma_wait3A_189 = arith.constant 0 : i32
        %dma_wait3A_190 = tpu.memref_slice %arg3[%scan3A_5, %arg1, %run_scoped3A_107, %dma_wait3A_189] : memref<8x16x10x1000xi32, #tpu.memory_space<hbm>> -> memref<1x1x1x1000xi32, #tpu.memory_space<hbm>>
        %dma_wait3A_191 = tpu.memref_squeeze %dma_wait3A_190 : memref<1x1x1x1000xi32, #tpu.memory_space<hbm>> -> memref<1000xi32, #tpu.memory_space<hbm>>
        tpu.wait_dma2 semaphore(%run_scoped3A_179 : memref<!tpu.dma_semaphore, #tpu.memory_space<semaphore_mem>>) src(%dma_wait3A_191 : memref<1000xi32, #tpu.memory_space<hbm>>) dst(%arg6 : memref<1000xi32, #tpu.memory_space<vmem>>)
        tpu.yield
      }) : () -> ()
      %run_scoped3A_108 = arith.constant 6 : i32
      "tpu.region"() ({
        %run_scoped3A_179 = tpu.sem_alloc : memref<!tpu.dma_semaphore, #tpu.memory_space<semaphore_mem>>
        %dma_start3A_180 = arith.constant 0 : i32
        %dma_start3A_181 = tpu.memref_slice %arg4[%arg1, %run_scoped3A_108, %dma_start3A_180] : memref<16x10x1000xi32, #tpu.memory_space<hbm>> -> memref<1x1x1000xi32, #tpu.memory_space<hbm>>
        %dma_start3A_182 = tpu.memref_squeeze %dma_start3A_181 : memref<1x1x1000xi32, #tpu.memory_space<hbm>> -> memref<1000xi32, #tpu.memory_space<hbm>>
        %dma_start3A_183 = arith.constant 0 : i32
        %dma_start3A_184 = tpu.memref_slice %arg4[%arg1, %run_scoped3A_108, %dma_start3A_183] : memref<16x10x1000xi32, #tpu.memory_space<hbm>> -> memref<1x1x1000xi32, #tpu.memory_space<hbm>>
        %dma_start3A_185 = tpu.memref_squeeze %dma_start3A_184 : memref<1x1x1000xi32, #tpu.memory_space<hbm>> -> memref<1000xi32, #tpu.memory_space<hbm>>
        tpu.enqueue_dma source(%dma_start3A_185 : memref<1000xi32, #tpu.memory_space<hbm>>) target(%arg8 : memref<1000xi32, #tpu.memory_space<vmem>>) target_semaphore(%run_scoped3A_179 : memref<!tpu.dma_semaphore, #tpu.memory_space<semaphore_mem>>)
        %dma_wait3A_186 = arith.constant 0 : i32
        %dma_wait3A_187 = tpu.memref_slice %arg4[%arg1, %run_scoped3A_108, %dma_wait3A_186] : memref<16x10x1000xi32, #tpu.memory_space<hbm>> -> memref<1x1x1000xi32, #tpu.memory_space<hbm>>
        %dma_wait3A_188 = tpu.memref_squeeze %dma_wait3A_187 : memref<1x1x1000xi32, #tpu.memory_space<hbm>> -> memref<1000xi32, #tpu.memory_space<hbm>>
        %dma_wait3A_189 = arith.constant 0 : i32
        %dma_wait3A_190 = tpu.memref_slice %arg4[%arg1, %run_scoped3A_108, %dma_wait3A_189] : memref<16x10x1000xi32, #tpu.memory_space<hbm>> -> memref<1x1x1000xi32, #tpu.memory_space<hbm>>
        %dma_wait3A_191 = tpu.memref_squeeze %dma_wait3A_190 : memref<1x1x1000xi32, #tpu.memory_space<hbm>> -> memref<1000xi32, #tpu.memory_space<hbm>>
        tpu.wait_dma2 semaphore(%run_scoped3A_179 : memref<!tpu.dma_semaphore, #tpu.memory_space<semaphore_mem>>) src(%dma_wait3A_191 : memref<1000xi32, #tpu.memory_space<hbm>>) dst(%arg8 : memref<1000xi32, #tpu.memory_space<vmem>>)
        tpu.yield
      }) : () -> ()
      %dma_wait3A_109 = arith.constant 0 : i32
      %dma_wait3A_110 = arith.constant 0 : i32
      %dma_wait3A_111 = tpu.memref_slice %arg2[%arg0, %dma_wait3A_109, %dma_wait3A_110] : memref<2x80000x16xf32, #tpu.memory_space<hbm>> -> memref<1x80000x16xf32, #tpu.memory_space<hbm>>
      %dma_wait3A_112 = tpu.memref_squeeze %dma_wait3A_111 : memref<1x80000x16xf32, #tpu.memory_space<hbm>> -> memref<80000x16xf32, #tpu.memory_space<hbm>>
      %dma_wait3A_113 = arith.constant 0 : i32
      %dma_wait3A_114 = arith.constant 0 : i32
      %dma_wait3A_115 = tpu.memref_slice %dma_wait3A_112[%dma_wait3A_113, %dma_wait3A_114] : memref<80000x16xf32, #tpu.memory_space<hbm>> -> memref<80000x16xf32, #tpu.memory_space<hbm>>
      tpu.wait_indirect_dma semaphore(%arg13 : memref<!tpu.dma_semaphore, #tpu.memory_space<semaphore_mem>>) src(%dma_wait3A_115 : memref<80000x16xf32, #tpu.memory_space<hbm>>) dst(%arg10 : memref<1000x16xf32, #tpu.memory_space<vmem>>)
      %dma_start3A_116 = arith.constant 0 : i32
      %dma_start3A_117 = arith.constant 0 : i32
      %dma_start3A_118 = tpu.memref_slice %arg2[%arg0, %dma_start3A_116, %dma_start3A_117] : memref<2x80000x16xf32, #tpu.memory_space<hbm>> -> memref<1x80000x16xf32, #tpu.memory_space<hbm>>
      %dma_start3A_119 = tpu.memref_squeeze %dma_start3A_118 : memref<1x80000x16xf32, #tpu.memory_space<hbm>> -> memref<80000x16xf32, #tpu.memory_space<hbm>>
      %dma_start3A_120 = arith.constant 0 : i32
      %dma_start3A_121 = arith.constant 0 : i32
      %dma_start3A_122 = tpu.memref_slice %dma_start3A_119[%dma_start3A_120, %dma_start3A_121] : memref<80000x16xf32, #tpu.memory_space<hbm>> -> memref<80000x16xf32, #tpu.memory_space<hbm>>
      tpu.enqueue_indirect_dma source(%dma_start3A_122 : memref<80000x16xf32, #tpu.memory_space<hbm>>) target(%arg11 : memref<1000x16xf32, #tpu.memory_space<vmem>>) offsets(%arg6 : memref<1000xi32, #tpu.memory_space<vmem>>) semaphore(%arg14 : memref<!tpu.dma_semaphore, #tpu.memory_space<semaphore_mem>>)
      "tpu.region"() ({
        %run_scoped3A_179 = tpu.sem_alloc : memref<!tpu.dma_semaphore, #tpu.memory_space<semaphore_mem>>
        %dma_start3A_180 = arith.constant 0 : i32
        %dma_start3A_181 = arith.constant 0 : i32
        %dma_start3A_182 = tpu.memref_slice %arg12[%dma_start3A_180, %dma_start3A_181] : memref<80000x16xf32, #tpu.memory_space<vmem_shared>> -> memref<80000x16xf32, #tpu.memory_space<vmem_shared>>
        tpu.enqueue_indirect_dma source(%arg10 : memref<1000x16xf32, #tpu.memory_space<vmem>>) target(%dma_start3A_182 : memref<80000x16xf32, #tpu.memory_space<vmem_shared>>) offsets(%arg9 : memref<1000xi32, #tpu.memory_space<vmem>>) semaphore(%run_scoped3A_179 : memref<!tpu.dma_semaphore, #tpu.memory_space<semaphore_mem>>) {add = true}
        %dma_wait3A_183 = arith.constant 0 : i32
        %dma_wait3A_184 = arith.constant 0 : i32
        %dma_wait3A_185 = tpu.memref_slice %arg12[%dma_wait3A_183, %dma_wait3A_184] : memref<80000x16xf32, #tpu.memory_space<vmem_shared>> -> memref<80000x16xf32, #tpu.memory_space<vmem_shared>>
        tpu.wait_indirect_dma semaphore(%run_scoped3A_179 : memref<!tpu.dma_semaphore, #tpu.memory_space<semaphore_mem>>) src(%arg10 : memref<1000x16xf32, #tpu.memory_space<vmem>>) dst(%dma_wait3A_185 : memref<80000x16xf32, #tpu.memory_space<vmem_shared>>)
        tpu.yield
      }) : () -> ()
      %run_scoped3A_123 = arith.constant 7 : i32
      "tpu.region"() ({
        %run_scoped3A_179 = tpu.sem_alloc : memref<!tpu.dma_semaphore, #tpu.memory_space<semaphore_mem>>
        %dma_start3A_180 = arith.constant 0 : i32
        %dma_start3A_181 = tpu.memref_slice %arg3[%scan3A_5, %arg1, %run_scoped3A_123, %dma_start3A_180] : memref<8x16x10x1000xi32, #tpu.memory_space<hbm>> -> memref<1x1x1x1000xi32, #tpu.memory_space<hbm>>
        %dma_start3A_182 = tpu.memref_squeeze %dma_start3A_181 : memref<1x1x1x1000xi32, #tpu.memory_space<hbm>> -> memref<1000xi32, #tpu.memory_space<hbm>>
        %dma_start3A_183 = arith.constant 0 : i32
        %dma_start3A_184 = tpu.memref_slice %arg3[%scan3A_5, %arg1, %run_scoped3A_123, %dma_start3A_183] : memref<8x16x10x1000xi32, #tpu.memory_space<hbm>> -> memref<1x1x1x1000xi32, #tpu.memory_space<hbm>>
        %dma_start3A_185 = tpu.memref_squeeze %dma_start3A_184 : memref<1x1x1x1000xi32, #tpu.memory_space<hbm>> -> memref<1000xi32, #tpu.memory_space<hbm>>
        tpu.enqueue_dma source(%dma_start3A_185 : memref<1000xi32, #tpu.memory_space<hbm>>) target(%arg7 : memref<1000xi32, #tpu.memory_space<vmem>>) target_semaphore(%run_scoped3A_179 : memref<!tpu.dma_semaphore, #tpu.memory_space<semaphore_mem>>)
        %dma_wait3A_186 = arith.constant 0 : i32
        %dma_wait3A_187 = tpu.memref_slice %arg3[%scan3A_5, %arg1, %run_scoped3A_123, %dma_wait3A_186] : memref<8x16x10x1000xi32, #tpu.memory_space<hbm>> -> memref<1x1x1x1000xi32, #tpu.memory_space<hbm>>
        %dma_wait3A_188 = tpu.memref_squeeze %dma_wait3A_187 : memref<1x1x1x1000xi32, #tpu.memory_space<hbm>> -> memref<1000xi32, #tpu.memory_space<hbm>>
        %dma_wait3A_189 = arith.constant 0 : i32
        %dma_wait3A_190 = tpu.memref_slice %arg3[%scan3A_5, %arg1, %run_scoped3A_123, %dma_wait3A_189] : memref<8x16x10x1000xi32, #tpu.memory_space<hbm>> -> memref<1x1x1x1000xi32, #tpu.memory_space<hbm>>
        %dma_wait3A_191 = tpu.memref_squeeze %dma_wait3A_190 : memref<1x1x1x1000xi32, #tpu.memory_space<hbm>> -> memref<1000xi32, #tpu.memory_space<hbm>>
        tpu.wait_dma2 semaphore(%run_scoped3A_179 : memref<!tpu.dma_semaphore, #tpu.memory_space<semaphore_mem>>) src(%dma_wait3A_191 : memref<1000xi32, #tpu.memory_space<hbm>>) dst(%arg7 : memref<1000xi32, #tpu.memory_space<vmem>>)
        tpu.yield
      }) : () -> ()
      %run_scoped3A_124 = arith.constant 7 : i32
      "tpu.region"() ({
        %run_scoped3A_179 = tpu.sem_alloc : memref<!tpu.dma_semaphore, #tpu.memory_space<semaphore_mem>>
        %dma_start3A_180 = arith.constant 0 : i32
        %dma_start3A_181 = tpu.memref_slice %arg4[%arg1, %run_scoped3A_124, %dma_start3A_180] : memref<16x10x1000xi32, #tpu.memory_space<hbm>> -> memref<1x1x1000xi32, #tpu.memory_space<hbm>>
        %dma_start3A_182 = tpu.memref_squeeze %dma_start3A_181 : memref<1x1x1000xi32, #tpu.memory_space<hbm>> -> memref<1000xi32, #tpu.memory_space<hbm>>
        %dma_start3A_183 = arith.constant 0 : i32
        %dma_start3A_184 = tpu.memref_slice %arg4[%arg1, %run_scoped3A_124, %dma_start3A_183] : memref<16x10x1000xi32, #tpu.memory_space<hbm>> -> memref<1x1x1000xi32, #tpu.memory_space<hbm>>
        %dma_start3A_185 = tpu.memref_squeeze %dma_start3A_184 : memref<1x1x1000xi32, #tpu.memory_space<hbm>> -> memref<1000xi32, #tpu.memory_space<hbm>>
        tpu.enqueue_dma source(%dma_start3A_185 : memref<1000xi32, #tpu.memory_space<hbm>>) target(%arg9 : memref<1000xi32, #tpu.memory_space<vmem>>) target_semaphore(%run_scoped3A_179 : memref<!tpu.dma_semaphore, #tpu.memory_space<semaphore_mem>>)
        %dma_wait3A_186 = arith.constant 0 : i32
        %dma_wait3A_187 = tpu.memref_slice %arg4[%arg1, %run_scoped3A_124, %dma_wait3A_186] : memref<16x10x1000xi32, #tpu.memory_space<hbm>> -> memref<1x1x1000xi32, #tpu.memory_space<hbm>>
        %dma_wait3A_188 = tpu.memref_squeeze %dma_wait3A_187 : memref<1x1x1000xi32, #tpu.memory_space<hbm>> -> memref<1000xi32, #tpu.memory_space<hbm>>
        %dma_wait3A_189 = arith.constant 0 : i32
        %dma_wait3A_190 = tpu.memref_slice %arg4[%arg1, %run_scoped3A_124, %dma_wait3A_189] : memref<16x10x1000xi32, #tpu.memory_space<hbm>> -> memref<1x1x1000xi32, #tpu.memory_space<hbm>>
        %dma_wait3A_191 = tpu.memref_squeeze %dma_wait3A_190 : memref<1x1x1000xi32, #tpu.memory_space<hbm>> -> memref<1000xi32, #tpu.memory_space<hbm>>
        tpu.wait_dma2 semaphore(%run_scoped3A_179 : memref<!tpu.dma_semaphore, #tpu.memory_space<semaphore_mem>>) src(%dma_wait3A_191 : memref<1000xi32, #tpu.memory_space<hbm>>) dst(%arg9 : memref<1000xi32, #tpu.memory_space<vmem>>)
        tpu.yield
      }) : () -> ()
      %dma_wait3A_125 = arith.constant 0 : i32
      %dma_wait3A_126 = arith.constant 0 : i32
      %dma_wait3A_127 = tpu.memref_slice %arg2[%arg0, %dma_wait3A_125, %dma_wait3A_126] : memref<2x80000x16xf32, #tpu.memory_space<hbm>> -> memref<1x80000x16xf32, #tpu.memory_space<hbm>>
      %dma_wait3A_128 = tpu.memref_squeeze %dma_wait3A_127 : memref<1x80000x16xf32, #tpu.memory_space<hbm>> -> memref<80000x16xf32, #tpu.memory_space<hbm>>
      %dma_wait3A_129 = arith.constant 0 : i32
      %dma_wait3A_130 = arith.constant 0 : i32
      %dma_wait3A_131 = tpu.memref_slice %dma_wait3A_128[%dma_wait3A_129, %dma_wait3A_130] : memref<80000x16xf32, #tpu.memory_space<hbm>> -> memref<80000x16xf32, #tpu.memory_space<hbm>>
      tpu.wait_indirect_dma semaphore(%arg14 : memref<!tpu.dma_semaphore, #tpu.memory_space<semaphore_mem>>) src(%dma_wait3A_131 : memref<80000x16xf32, #tpu.memory_space<hbm>>) dst(%arg11 : memref<1000x16xf32, #tpu.memory_space<vmem>>)
      %dma_start3A_132 = arith.constant 0 : i32
      %dma_start3A_133 = arith.constant 0 : i32
      %dma_start3A_134 = tpu.memref_slice %arg2[%arg0, %dma_start3A_132, %dma_start3A_133] : memref<2x80000x16xf32, #tpu.memory_space<hbm>> -> memref<1x80000x16xf32, #tpu.memory_space<hbm>>
      %dma_start3A_135 = tpu.memref_squeeze %dma_start3A_134 : memref<1x80000x16xf32, #tpu.memory_space<hbm>> -> memref<80000x16xf32, #tpu.memory_space<hbm>>
      %dma_start3A_136 = arith.constant 0 : i32
      %dma_start3A_137 = arith.constant 0 : i32
      %dma_start3A_138 = tpu.memref_slice %dma_start3A_135[%dma_start3A_136, %dma_start3A_137] : memref<80000x16xf32, #tpu.memory_space<hbm>> -> memref<80000x16xf32, #tpu.memory_space<hbm>>
      tpu.enqueue_indirect_dma source(%dma_start3A_138 : memref<80000x16xf32, #tpu.memory_space<hbm>>) target(%arg10 : memref<1000x16xf32, #tpu.memory_space<vmem>>) offsets(%arg7 : memref<1000xi32, #tpu.memory_space<vmem>>) semaphore(%arg13 : memref<!tpu.dma_semaphore, #tpu.memory_space<semaphore_mem>>)
      "tpu.region"() ({
        %run_scoped3A_179 = tpu.sem_alloc : memref<!tpu.dma_semaphore, #tpu.memory_space<semaphore_mem>>
        %dma_start3A_180 = arith.constant 0 : i32
        %dma_start3A_181 = arith.constant 0 : i32
        %dma_start3A_182 = tpu.memref_slice %arg12[%dma_start3A_180, %dma_start3A_181] : memref<80000x16xf32, #tpu.memory_space<vmem_shared>> -> memref<80000x16xf32, #tpu.memory_space<vmem_shared>>
        tpu.enqueue_indirect_dma source(%arg11 : memref<1000x16xf32, #tpu.memory_space<vmem>>) target(%dma_start3A_182 : memref<80000x16xf32, #tpu.memory_space<vmem_shared>>) offsets(%arg8 : memref<1000xi32, #tpu.memory_space<vmem>>) semaphore(%run_scoped3A_179 : memref<!tpu.dma_semaphore, #tpu.memory_space<semaphore_mem>>) {add = true}
        %dma_wait3A_183 = arith.constant 0 : i32
        %dma_wait3A_184 = arith.constant 0 : i32
        %dma_wait3A_185 = tpu.memref_slice %arg12[%dma_wait3A_183, %dma_wait3A_184] : memref<80000x16xf32, #tpu.memory_space<vmem_shared>> -> memref<80000x16xf32, #tpu.memory_space<vmem_shared>>
        tpu.wait_indirect_dma semaphore(%run_scoped3A_179 : memref<!tpu.dma_semaphore, #tpu.memory_space<semaphore_mem>>) src(%arg11 : memref<1000x16xf32, #tpu.memory_space<vmem>>) dst(%dma_wait3A_185 : memref<80000x16xf32, #tpu.memory_space<vmem_shared>>)
        tpu.yield
      }) : () -> ()
      %run_scoped3A_139 = arith.constant 8 : i32
      "tpu.region"() ({
        %run_scoped3A_179 = tpu.sem_alloc : memref<!tpu.dma_semaphore, #tpu.memory_space<semaphore_mem>>
        %dma_start3A_180 = arith.constant 0 : i32
        %dma_start3A_181 = tpu.memref_slice %arg3[%scan3A_5, %arg1, %run_scoped3A_139, %dma_start3A_180] : memref<8x16x10x1000xi32, #tpu.memory_space<hbm>> -> memref<1x1x1x1000xi32, #tpu.memory_space<hbm>>
        %dma_start3A_182 = tpu.memref_squeeze %dma_start3A_181 : memref<1x1x1x1000xi32, #tpu.memory_space<hbm>> -> memref<1000xi32, #tpu.memory_space<hbm>>
        %dma_start3A_183 = arith.constant 0 : i32
        %dma_start3A_184 = tpu.memref_slice %arg3[%scan3A_5, %arg1, %run_scoped3A_139, %dma_start3A_183] : memref<8x16x10x1000xi32, #tpu.memory_space<hbm>> -> memref<1x1x1x1000xi32, #tpu.memory_space<hbm>>
        %dma_start3A_185 = tpu.memref_squeeze %dma_start3A_184 : memref<1x1x1x1000xi32, #tpu.memory_space<hbm>> -> memref<1000xi32, #tpu.memory_space<hbm>>
        tpu.enqueue_dma source(%dma_start3A_185 : memref<1000xi32, #tpu.memory_space<hbm>>) target(%arg6 : memref<1000xi32, #tpu.memory_space<vmem>>) target_semaphore(%run_scoped3A_179 : memref<!tpu.dma_semaphore, #tpu.memory_space<semaphore_mem>>)
        %dma_wait3A_186 = arith.constant 0 : i32
        %dma_wait3A_187 = tpu.memref_slice %arg3[%scan3A_5, %arg1, %run_scoped3A_139, %dma_wait3A_186] : memref<8x16x10x1000xi32, #tpu.memory_space<hbm>> -> memref<1x1x1x1000xi32, #tpu.memory_space<hbm>>
        %dma_wait3A_188 = tpu.memref_squeeze %dma_wait3A_187 : memref<1x1x1x1000xi32, #tpu.memory_space<hbm>> -> memref<1000xi32, #tpu.memory_space<hbm>>
        %dma_wait3A_189 = arith.constant 0 : i32
        %dma_wait3A_190 = tpu.memref_slice %arg3[%scan3A_5, %arg1, %run_scoped3A_139, %dma_wait3A_189] : memref<8x16x10x1000xi32, #tpu.memory_space<hbm>> -> memref<1x1x1x1000xi32, #tpu.memory_space<hbm>>
        %dma_wait3A_191 = tpu.memref_squeeze %dma_wait3A_190 : memref<1x1x1x1000xi32, #tpu.memory_space<hbm>> -> memref<1000xi32, #tpu.memory_space<hbm>>
        tpu.wait_dma2 semaphore(%run_scoped3A_179 : memref<!tpu.dma_semaphore, #tpu.memory_space<semaphore_mem>>) src(%dma_wait3A_191 : memref<1000xi32, #tpu.memory_space<hbm>>) dst(%arg6 : memref<1000xi32, #tpu.memory_space<vmem>>)
        tpu.yield
      }) : () -> ()
      %run_scoped3A_140 = arith.constant 8 : i32
      "tpu.region"() ({
        %run_scoped3A_179 = tpu.sem_alloc : memref<!tpu.dma_semaphore, #tpu.memory_space<semaphore_mem>>
        %dma_start3A_180 = arith.constant 0 : i32
        %dma_start3A_181 = tpu.memref_slice %arg4[%arg1, %run_scoped3A_140, %dma_start3A_180] : memref<16x10x1000xi32, #tpu.memory_space<hbm>> -> memref<1x1x1000xi32, #tpu.memory_space<hbm>>
        %dma_start3A_182 = tpu.memref_squeeze %dma_start3A_181 : memref<1x1x1000xi32, #tpu.memory_space<hbm>> -> memref<1000xi32, #tpu.memory_space<hbm>>
        %dma_start3A_183 = arith.constant 0 : i32
        %dma_start3A_184 = tpu.memref_slice %arg4[%arg1, %run_scoped3A_140, %dma_start3A_183] : memref<16x10x1000xi32, #tpu.memory_space<hbm>> -> memref<1x1x1000xi32, #tpu.memory_space<hbm>>
        %dma_start3A_185 = tpu.memref_squeeze %dma_start3A_184 : memref<1x1x1000xi32, #tpu.memory_space<hbm>> -> memref<1000xi32, #tpu.memory_space<hbm>>
        tpu.enqueue_dma source(%dma_start3A_185 : memref<1000xi32, #tpu.memory_space<hbm>>) target(%arg8 : memref<1000xi32, #tpu.memory_space<vmem>>) target_semaphore(%run_scoped3A_179 : memref<!tpu.dma_semaphore, #tpu.memory_space<semaphore_mem>>)
        %dma_wait3A_186 = arith.constant 0 : i32
        %dma_wait3A_187 = tpu.memref_slice %arg4[%arg1, %run_scoped3A_140, %dma_wait3A_186] : memref<16x10x1000xi32, #tpu.memory_space<hbm>> -> memref<1x1x1000xi32, #tpu.memory_space<hbm>>
        %dma_wait3A_188 = tpu.memref_squeeze %dma_wait3A_187 : memref<1x1x1000xi32, #tpu.memory_space<hbm>> -> memref<1000xi32, #tpu.memory_space<hbm>>
        %dma_wait3A_189 = arith.constant 0 : i32
        %dma_wait3A_190 = tpu.memref_slice %arg4[%arg1, %run_scoped3A_140, %dma_wait3A_189] : memref<16x10x1000xi32, #tpu.memory_space<hbm>> -> memref<1x1x1000xi32, #tpu.memory_space<hbm>>
        %dma_wait3A_191 = tpu.memref_squeeze %dma_wait3A_190 : memref<1x1x1000xi32, #tpu.memory_space<hbm>> -> memref<1000xi32, #tpu.memory_space<hbm>>
        tpu.wait_dma2 semaphore(%run_scoped3A_179 : memref<!tpu.dma_semaphore, #tpu.memory_space<semaphore_mem>>) src(%dma_wait3A_191 : memref<1000xi32, #tpu.memory_space<hbm>>) dst(%arg8 : memref<1000xi32, #tpu.memory_space<vmem>>)
        tpu.yield
      }) : () -> ()
      %dma_wait3A_141 = arith.constant 0 : i32
      %dma_wait3A_142 = arith.constant 0 : i32
      %dma_wait3A_143 = tpu.memref_slice %arg2[%arg0, %dma_wait3A_141, %dma_wait3A_142] : memref<2x80000x16xf32, #tpu.memory_space<hbm>> -> memref<1x80000x16xf32, #tpu.memory_space<hbm>>
      %dma_wait3A_144 = tpu.memref_squeeze %dma_wait3A_143 : memref<1x80000x16xf32, #tpu.memory_space<hbm>> -> memref<80000x16xf32, #tpu.memory_space<hbm>>
      %dma_wait3A_145 = arith.constant 0 : i32
      %dma_wait3A_146 = arith.constant 0 : i32
      %dma_wait3A_147 = tpu.memref_slice %dma_wait3A_144[%dma_wait3A_145, %dma_wait3A_146] : memref<80000x16xf32, #tpu.memory_space<hbm>> -> memref<80000x16xf32, #tpu.memory_space<hbm>>
      tpu.wait_indirect_dma semaphore(%arg13 : memref<!tpu.dma_semaphore, #tpu.memory_space<semaphore_mem>>) src(%dma_wait3A_147 : memref<80000x16xf32, #tpu.memory_space<hbm>>) dst(%arg10 : memref<1000x16xf32, #tpu.memory_space<vmem>>)
      %dma_start3A_148 = arith.constant 0 : i32
      %dma_start3A_149 = arith.constant 0 : i32
      %dma_start3A_150 = tpu.memref_slice %arg2[%arg0, %dma_start3A_148, %dma_start3A_149] : memref<2x80000x16xf32, #tpu.memory_space<hbm>> -> memref<1x80000x16xf32, #tpu.memory_space<hbm>>
      %dma_start3A_151 = tpu.memref_squeeze %dma_start3A_150 : memref<1x80000x16xf32, #tpu.memory_space<hbm>> -> memref<80000x16xf32, #tpu.memory_space<hbm>>
      %dma_start3A_152 = arith.constant 0 : i32
      %dma_start3A_153 = arith.constant 0 : i32
      %dma_start3A_154 = tpu.memref_slice %dma_start3A_151[%dma_start3A_152, %dma_start3A_153] : memref<80000x16xf32, #tpu.memory_space<hbm>> -> memref<80000x16xf32, #tpu.memory_space<hbm>>
      tpu.enqueue_indirect_dma source(%dma_start3A_154 : memref<80000x16xf32, #tpu.memory_space<hbm>>) target(%arg11 : memref<1000x16xf32, #tpu.memory_space<vmem>>) offsets(%arg6 : memref<1000xi32, #tpu.memory_space<vmem>>) semaphore(%arg14 : memref<!tpu.dma_semaphore, #tpu.memory_space<semaphore_mem>>)
      "tpu.region"() ({
        %run_scoped3A_179 = tpu.sem_alloc : memref<!tpu.dma_semaphore, #tpu.memory_space<semaphore_mem>>
        %dma_start3A_180 = arith.constant 0 : i32
        %dma_start3A_181 = arith.constant 0 : i32
        %dma_start3A_182 = tpu.memref_slice %arg12[%dma_start3A_180, %dma_start3A_181] : memref<80000x16xf32, #tpu.memory_space<vmem_shared>> -> memref<80000x16xf32, #tpu.memory_space<vmem_shared>>
        tpu.enqueue_indirect_dma source(%arg10 : memref<1000x16xf32, #tpu.memory_space<vmem>>) target(%dma_start3A_182 : memref<80000x16xf32, #tpu.memory_space<vmem_shared>>) offsets(%arg9 : memref<1000xi32, #tpu.memory_space<vmem>>) semaphore(%run_scoped3A_179 : memref<!tpu.dma_semaphore, #tpu.memory_space<semaphore_mem>>) {add = true}
        %dma_wait3A_183 = arith.constant 0 : i32
        %dma_wait3A_184 = arith.constant 0 : i32
        %dma_wait3A_185 = tpu.memref_slice %arg12[%dma_wait3A_183, %dma_wait3A_184] : memref<80000x16xf32, #tpu.memory_space<vmem_shared>> -> memref<80000x16xf32, #tpu.memory_space<vmem_shared>>
        tpu.wait_indirect_dma semaphore(%run_scoped3A_179 : memref<!tpu.dma_semaphore, #tpu.memory_space<semaphore_mem>>) src(%arg10 : memref<1000x16xf32, #tpu.memory_space<vmem>>) dst(%dma_wait3A_185 : memref<80000x16xf32, #tpu.memory_space<vmem_shared>>)
        tpu.yield
      }) : () -> ()
      %run_scoped3A_155 = arith.constant 9 : i32
      "tpu.region"() ({
        %run_scoped3A_179 = tpu.sem_alloc : memref<!tpu.dma_semaphore, #tpu.memory_space<semaphore_mem>>
        %dma_start3A_180 = arith.constant 0 : i32
        %dma_start3A_181 = tpu.memref_slice %arg3[%scan3A_5, %arg1, %run_scoped3A_155, %dma_start3A_180] : memref<8x16x10x1000xi32, #tpu.memory_space<hbm>> -> memref<1x1x1x1000xi32, #tpu.memory_space<hbm>>
        %dma_start3A_182 = tpu.memref_squeeze %dma_start3A_181 : memref<1x1x1x1000xi32, #tpu.memory_space<hbm>> -> memref<1000xi32, #tpu.memory_space<hbm>>
        %dma_start3A_183 = arith.constant 0 : i32
        %dma_start3A_184 = tpu.memref_slice %arg3[%scan3A_5, %arg1, %run_scoped3A_155, %dma_start3A_183] : memref<8x16x10x1000xi32, #tpu.memory_space<hbm>> -> memref<1x1x1x1000xi32, #tpu.memory_space<hbm>>
        %dma_start3A_185 = tpu.memref_squeeze %dma_start3A_184 : memref<1x1x1x1000xi32, #tpu.memory_space<hbm>> -> memref<1000xi32, #tpu.memory_space<hbm>>
        tpu.enqueue_dma source(%dma_start3A_185 : memref<1000xi32, #tpu.memory_space<hbm>>) target(%arg7 : memref<1000xi32, #tpu.memory_space<vmem>>) target_semaphore(%run_scoped3A_179 : memref<!tpu.dma_semaphore, #tpu.memory_space<semaphore_mem>>)
        %dma_wait3A_186 = arith.constant 0 : i32
        %dma_wait3A_187 = tpu.memref_slice %arg3[%scan3A_5, %arg1, %run_scoped3A_155, %dma_wait3A_186] : memref<8x16x10x1000xi32, #tpu.memory_space<hbm>> -> memref<1x1x1x1000xi32, #tpu.memory_space<hbm>>
        %dma_wait3A_188 = tpu.memref_squeeze %dma_wait3A_187 : memref<1x1x1x1000xi32, #tpu.memory_space<hbm>> -> memref<1000xi32, #tpu.memory_space<hbm>>
        %dma_wait3A_189 = arith.constant 0 : i32
        %dma_wait3A_190 = tpu.memref_slice %arg3[%scan3A_5, %arg1, %run_scoped3A_155, %dma_wait3A_189] : memref<8x16x10x1000xi32, #tpu.memory_space<hbm>> -> memref<1x1x1x1000xi32, #tpu.memory_space<hbm>>
        %dma_wait3A_191 = tpu.memref_squeeze %dma_wait3A_190 : memref<1x1x1x1000xi32, #tpu.memory_space<hbm>> -> memref<1000xi32, #tpu.memory_space<hbm>>
        tpu.wait_dma2 semaphore(%run_scoped3A_179 : memref<!tpu.dma_semaphore, #tpu.memory_space<semaphore_mem>>) src(%dma_wait3A_191 : memref<1000xi32, #tpu.memory_space<hbm>>) dst(%arg7 : memref<1000xi32, #tpu.memory_space<vmem>>)
        tpu.yield
      }) : () -> ()
      %run_scoped3A_156 = arith.constant 9 : i32
      "tpu.region"() ({
        %run_scoped3A_179 = tpu.sem_alloc : memref<!tpu.dma_semaphore, #tpu.memory_space<semaphore_mem>>
        %dma_start3A_180 = arith.constant 0 : i32
        %dma_start3A_181 = tpu.memref_slice %arg4[%arg1, %run_scoped3A_156, %dma_start3A_180] : memref<16x10x1000xi32, #tpu.memory_space<hbm>> -> memref<1x1x1000xi32, #tpu.memory_space<hbm>>
        %dma_start3A_182 = tpu.memref_squeeze %dma_start3A_181 : memref<1x1x1000xi32, #tpu.memory_space<hbm>> -> memref<1000xi32, #tpu.memory_space<hbm>>
        %dma_start3A_183 = arith.constant 0 : i32
        %dma_start3A_184 = tpu.memref_slice %arg4[%arg1, %run_scoped3A_156, %dma_start3A_183] : memref<16x10x1000xi32, #tpu.memory_space<hbm>> -> memref<1x1x1000xi32, #tpu.memory_space<hbm>>
        %dma_start3A_185 = tpu.memref_squeeze %dma_start3A_184 : memref<1x1x1000xi32, #tpu.memory_space<hbm>> -> memref<1000xi32, #tpu.memory_space<hbm>>
        tpu.enqueue_dma source(%dma_start3A_185 : memref<1000xi32, #tpu.memory_space<hbm>>) target(%arg9 : memref<1000xi32, #tpu.memory_space<vmem>>) target_semaphore(%run_scoped3A_179 : memref<!tpu.dma_semaphore, #tpu.memory_space<semaphore_mem>>)
        %dma_wait3A_186 = arith.constant 0 : i32
        %dma_wait3A_187 = tpu.memref_slice %arg4[%arg1, %run_scoped3A_156, %dma_wait3A_186] : memref<16x10x1000xi32, #tpu.memory_space<hbm>> -> memref<1x1x1000xi32, #tpu.memory_space<hbm>>
        %dma_wait3A_188 = tpu.memref_squeeze %dma_wait3A_187 : memref<1x1x1000xi32, #tpu.memory_space<hbm>> -> memref<1000xi32, #tpu.memory_space<hbm>>
        %dma_wait3A_189 = arith.constant 0 : i32
        %dma_wait3A_190 = tpu.memref_slice %arg4[%arg1, %run_scoped3A_156, %dma_wait3A_189] : memref<16x10x1000xi32, #tpu.memory_space<hbm>> -> memref<1x1x1000xi32, #tpu.memory_space<hbm>>
        %dma_wait3A_191 = tpu.memref_squeeze %dma_wait3A_190 : memref<1x1x1000xi32, #tpu.memory_space<hbm>> -> memref<1000xi32, #tpu.memory_space<hbm>>
        tpu.wait_dma2 semaphore(%run_scoped3A_179 : memref<!tpu.dma_semaphore, #tpu.memory_space<semaphore_mem>>) src(%dma_wait3A_191 : memref<1000xi32, #tpu.memory_space<hbm>>) dst(%arg9 : memref<1000xi32, #tpu.memory_space<vmem>>)
        tpu.yield
      }) : () -> ()
      %dma_wait3A_157 = arith.constant 0 : i32
      %dma_wait3A_158 = arith.constant 0 : i32
      %dma_wait3A_159 = tpu.memref_slice %arg2[%arg0, %dma_wait3A_157, %dma_wait3A_158] : memref<2x80000x16xf32, #tpu.memory_space<hbm>> -> memref<1x80000x16xf32, #tpu.memory_space<hbm>>
      %dma_wait3A_160 = tpu.memref_squeeze %dma_wait3A_159 : memref<1x80000x16xf32, #tpu.memory_space<hbm>> -> memref<80000x16xf32, #tpu.memory_space<hbm>>
      %dma_wait3A_161 = arith.constant 0 : i32
      %dma_wait3A_162 = arith.constant 0 : i32
      %dma_wait3A_163 = tpu.memref_slice %dma_wait3A_160[%dma_wait3A_161, %dma_wait3A_162] : memref<80000x16xf32, #tpu.memory_space<hbm>> -> memref<80000x16xf32, #tpu.memory_space<hbm>>
      tpu.wait_indirect_dma semaphore(%arg14 : memref<!tpu.dma_semaphore, #tpu.memory_space<semaphore_mem>>) src(%dma_wait3A_163 : memref<80000x16xf32, #tpu.memory_space<hbm>>) dst(%arg11 : memref<1000x16xf32, #tpu.memory_space<vmem>>)
      %dma_start3A_164 = arith.constant 0 : i32
      %dma_start3A_165 = arith.constant 0 : i32
      %dma_start3A_166 = tpu.memref_slice %arg2[%arg0, %dma_start3A_164, %dma_start3A_165] : memref<2x80000x16xf32, #tpu.memory_space<hbm>> -> memref<1x80000x16xf32, #tpu.memory_space<hbm>>
      %dma_start3A_167 = tpu.memref_squeeze %dma_start3A_166 : memref<1x80000x16xf32, #tpu.memory_space<hbm>> -> memref<80000x16xf32, #tpu.memory_space<hbm>>
      %dma_start3A_168 = arith.constant 0 : i32
      %dma_start3A_169 = arith.constant 0 : i32
      %dma_start3A_170 = tpu.memref_slice %dma_start3A_167[%dma_start3A_168, %dma_start3A_169] : memref<80000x16xf32, #tpu.memory_space<hbm>> -> memref<80000x16xf32, #tpu.memory_space<hbm>>
      tpu.enqueue_indirect_dma source(%dma_start3A_170 : memref<80000x16xf32, #tpu.memory_space<hbm>>) target(%arg10 : memref<1000x16xf32, #tpu.memory_space<vmem>>) offsets(%arg7 : memref<1000xi32, #tpu.memory_space<vmem>>) semaphore(%arg13 : memref<!tpu.dma_semaphore, #tpu.memory_space<semaphore_mem>>)
      "tpu.region"() ({
        %run_scoped3A_179 = tpu.sem_alloc : memref<!tpu.dma_semaphore, #tpu.memory_space<semaphore_mem>>
        %dma_start3A_180 = arith.constant 0 : i32
        %dma_start3A_181 = arith.constant 0 : i32
        %dma_start3A_182 = tpu.memref_slice %arg12[%dma_start3A_180, %dma_start3A_181] : memref<80000x16xf32, #tpu.memory_space<vmem_shared>> -> memref<80000x16xf32, #tpu.memory_space<vmem_shared>>
        tpu.enqueue_indirect_dma source(%arg11 : memref<1000x16xf32, #tpu.memory_space<vmem>>) target(%dma_start3A_182 : memref<80000x16xf32, #tpu.memory_space<vmem_shared>>) offsets(%arg8 : memref<1000xi32, #tpu.memory_space<vmem>>) semaphore(%run_scoped3A_179 : memref<!tpu.dma_semaphore, #tpu.memory_space<semaphore_mem>>) {add = true}
        %dma_wait3A_183 = arith.constant 0 : i32
        %dma_wait3A_184 = arith.constant 0 : i32
        %dma_wait3A_185 = tpu.memref_slice %arg12[%dma_wait3A_183, %dma_wait3A_184] : memref<80000x16xf32, #tpu.memory_space<vmem_shared>> -> memref<80000x16xf32, #tpu.memory_space<vmem_shared>>
        tpu.wait_indirect_dma semaphore(%run_scoped3A_179 : memref<!tpu.dma_semaphore, #tpu.memory_space<semaphore_mem>>) src(%arg11 : memref<1000x16xf32, #tpu.memory_space<vmem>>) dst(%dma_wait3A_185 : memref<80000x16xf32, #tpu.memory_space<vmem_shared>>)
        tpu.yield
      }) : () -> ()
      %dma_wait3A_171 = arith.constant 0 : i32
      %dma_wait3A_172 = arith.constant 0 : i32
      %dma_wait3A_173 = tpu.memref_slice %arg2[%arg0, %dma_wait3A_171, %dma_wait3A_172] : memref<2x80000x16xf32, #tpu.memory_space<hbm>> -> memref<1x80000x16xf32, #tpu.memory_space<hbm>>
      %dma_wait3A_174 = tpu.memref_squeeze %dma_wait3A_173 : memref<1x80000x16xf32, #tpu.memory_space<hbm>> -> memref<80000x16xf32, #tpu.memory_space<hbm>>
      %dma_wait3A_175 = arith.constant 0 : i32
      %dma_wait3A_176 = arith.constant 0 : i32
      %dma_wait3A_177 = tpu.memref_slice %dma_wait3A_174[%dma_wait3A_175, %dma_wait3A_176] : memref<80000x16xf32, #tpu.memory_space<hbm>> -> memref<80000x16xf32, #tpu.memory_space<hbm>>
      tpu.wait_indirect_dma semaphore(%arg13 : memref<!tpu.dma_semaphore, #tpu.memory_space<semaphore_mem>>) src(%dma_wait3A_177 : memref<80000x16xf32, #tpu.memory_space<hbm>>) dst(%arg10 : memref<1000x16xf32, #tpu.memory_space<vmem>>)
      "tpu.region"() ({
        %run_scoped3A_179 = tpu.sem_alloc : memref<!tpu.dma_semaphore, #tpu.memory_space<semaphore_mem>>
        %dma_start3A_180 = arith.constant 0 : i32
        %dma_start3A_181 = arith.constant 0 : i32
        %dma_start3A_182 = tpu.memref_slice %arg12[%dma_start3A_180, %dma_start3A_181] : memref<80000x16xf32, #tpu.memory_space<vmem_shared>> -> memref<80000x16xf32, #tpu.memory_space<vmem_shared>>
        tpu.enqueue_indirect_dma source(%arg10 : memref<1000x16xf32, #tpu.memory_space<vmem>>) target(%dma_start3A_182 : memref<80000x16xf32, #tpu.memory_space<vmem_shared>>) offsets(%arg9 : memref<1000xi32, #tpu.memory_space<vmem>>) semaphore(%run_scoped3A_179 : memref<!tpu.dma_semaphore, #tpu.memory_space<semaphore_mem>>) {add = true}
        %dma_wait3A_183 = arith.constant 0 : i32
        %dma_wait3A_184 = arith.constant 0 : i32
        %dma_wait3A_185 = tpu.memref_slice %arg12[%dma_wait3A_183, %dma_wait3A_184] : memref<80000x16xf32, #tpu.memory_space<vmem_shared>> -> memref<80000x16xf32, #tpu.memory_space<vmem_shared>>
        tpu.wait_indirect_dma semaphore(%run_scoped3A_179 : memref<!tpu.dma_semaphore, #tpu.memory_space<semaphore_mem>>) src(%arg10 : memref<1000x16xf32, #tpu.memory_space<vmem>>) dst(%dma_wait3A_185 : memref<80000x16xf32, #tpu.memory_space<vmem_shared>>)
        tpu.yield
      }) : () -> ()
      %barrier3A_178 = arith.constant 0 : index
      tpu.barrier barrier_id(%barrier3A_178)
      "tpu.region"() ({
        %run_scoped3A_179 = tpu.sem_alloc : memref<!tpu.dma_semaphore, #tpu.memory_space<semaphore_mem>>
        %dma_start3A_180 = arith.constant 0 : i32
        %dma_start3A_181 = tpu.memref_slice %arg5[%add3A, %mul3A_8, %dma_start3A_180] : memref<16x80000x16xf32, #tpu.memory_space<hbm>> -> memref<1x5000x16xf32, #tpu.memory_space<hbm>>
        %dma_start3A_182 = tpu.memref_squeeze %dma_start3A_181 : memref<1x5000x16xf32, #tpu.memory_space<hbm>> -> memref<5000x16xf32, #tpu.memory_space<hbm>>
        %dma_start3A_183 = arith.constant 0 : i32
        %dma_start3A_184 = tpu.memref_slice %arg12[%mul3A_8, %dma_start3A_183] : memref<80000x16xf32, #tpu.memory_space<vmem_shared>> -> memref<5000x16xf32, #tpu.memory_space<vmem_shared>>
        tpu.enqueue_dma source(%dma_start3A_184 : memref<5000x16xf32, #tpu.memory_space<vmem_shared>>) target(%dma_start3A_182 : memref<5000x16xf32, #tpu.memory_space<hbm>>) target_semaphore(%run_scoped3A_179 : memref<!tpu.dma_semaphore, #tpu.memory_space<semaphore_mem>>)
        %dma_wait3A_185 = arith.constant 0 : i32
        %dma_wait3A_186 = tpu.memref_slice %arg5[%add3A, %mul3A_8, %dma_wait3A_185] : memref<16x80000x16xf32, #tpu.memory_space<hbm>> -> memref<1x5000x16xf32, #tpu.memory_space<hbm>>
        %dma_wait3A_187 = tpu.memref_squeeze %dma_wait3A_186 : memref<1x5000x16xf32, #tpu.memory_space<hbm>> -> memref<5000x16xf32, #tpu.memory_space<hbm>>
        %dma_wait3A_188 = arith.constant 0 : i32
        %dma_wait3A_189 = tpu.memref_slice %arg12[%mul3A_8, %dma_wait3A_188] : memref<80000x16xf32, #tpu.memory_space<vmem_shared>> -> memref<5000x16xf32, #tpu.memory_space<vmem_shared>>
        tpu.wait_dma2 semaphore(%run_scoped3A_179 : memref<!tpu.dma_semaphore, #tpu.memory_space<semaphore_mem>>) src(%dma_wait3A_189 : memref<5000x16xf32, #tpu.memory_space<vmem_shared>>) dst(%dma_wait3A_187 : memref<5000x16xf32, #tpu.memory_space<hbm>>)
        tpu.yield
      }) : () -> ()
    }
    %scan3A_4 = arith.constant 8 : i32
    return
  }
}

module attributes {stable_mosaic.version = 14 : i64} {
  func.func @_dense_body(%arg0: i32, %arg1: memref<16x1000x128xf32, #tpu.memory_space<vmem>>, %arg2: memref<1000x128xf32, #tpu.memory_space<vmem>>, %arg3: memref<2x1000x128xf32, #tpu.memory_space<vmem>>, %arg4: memref<16x128x256xf32, #tpu.memory_space<vmem>>, %arg5: memref<256x256xf32, #tpu.memory_space<vmem>>, %arg6: memref<1x256xf32, #tpu.memory_space<vmem>>, %arg7: memref<2x1000x128xf32, #tpu.memory_space<vmem>>) attributes {dimension_semantics = [#tpu.dimension_semantics<parallel>], iteration_bounds = array<i64: 10>, scalar_prefetch = 0 : i64, scratch_operands = 0 : i64, tpu.core_type = #tpu.core_type<tc>, window_params = [{transform_indices = @transform_0, window_bounds = array<i64: 16, 1000, 128>}, {transform_indices = @transform_1, window_bounds = array<i64: 1000, 128>}, {transform_indices = @transform_2, window_bounds = array<i64: 2, 1000, 128>}, {pipeline_mode = #tpu.pipeline_mode<synchronous>, transform_indices = @transform_3, window_bounds = array<i64: 16, 128, 256>}, {pipeline_mode = #tpu.pipeline_mode<synchronous>, transform_indices = @transform_4, window_bounds = array<i64: 256, 256>}, {pipeline_mode = #tpu.pipeline_mode<synchronous>, transform_indices = @transform_5, window_bounds = array<i64: 1, 256>}, {transform_indices = @transform_6, window_bounds = array<i64: 2, 1000, 128>}]} {
    %get3A = arith.constant 0 : index
    %get3A_0 = arith.constant 0 : index
    %get3A_1 = arith.constant 0 : index
    %get3A_2 = vector.load %arg3[%get3A, %get3A_0, %get3A_1] : memref<2x1000x128xf32, #tpu.memory_space<vmem>>, vector<1x1000x128xf32>
    %get3A_3 = vector.shape_cast %get3A_2 : vector<1x1000x128xf32> to vector<1000x128xf32>
    %get3A_4 = arith.constant 1 : index
    %get3A_5 = arith.constant 0 : index
    %get3A_6 = arith.constant 0 : index
    %get3A_7 = vector.load %arg3[%get3A_4, %get3A_5, %get3A_6] : memref<2x1000x128xf32, #tpu.memory_space<vmem>>, vector<1x1000x128xf32>
    %get3A_8 = vector.shape_cast %get3A_7 : vector<1x1000x128xf32> to vector<1000x128xf32>
    %concatenate3A = tpu.concatenate %get3A_3, %get3A_8 in 1 : vector<1000x128xf32>, vector<1000x128xf32> -> vector<1000x256xf32>
    %get3A_9 = arith.constant 0 : index
    %get3A_10 = arith.constant 0 : index
    %get3A_11 = vector.load %arg5[%get3A_9, %get3A_10] : memref<256x256xf32, #tpu.memory_space<vmem>>, vector<256x256xf32>
    %dot_general3A = arith.constant dense<0.000000e+00> : vector<1000x256xf32>
    %dot_general3A_12 = tpu.matmul %concatenate3A, %get3A_11, %dot_general3A {dimension_numbers = #tpu.dot_dimension_numbers<[1], [0], [0], [1], [0, 0, 1, 1], [], []>, transpose_lhs_hint = false} : vector<1000x256xf32>, vector<256x256xf32>, vector<1000x256xf32> -> vector<1000x256xf32>
    %get3A_13 = arith.constant 0 : index
    %get3A_14 = arith.constant 0 : index
    %get3A_15 = arith.constant 0 : index
    %get3A_16 = vector.load %arg1[%get3A_13, %get3A_14, %get3A_15] : memref<16x1000x128xf32, #tpu.memory_space<vmem>>, vector<1x1000x128xf32>
    %get3A_17 = vector.shape_cast %get3A_16 : vector<1x1000x128xf32> to vector<1000x128xf32>
    %get3A_18 = arith.constant 0 : index
    %get3A_19 = arith.constant 0 : index
    %get3A_20 = vector.load %arg2[%get3A_18, %get3A_19] : memref<1000x128xf32, #tpu.memory_space<vmem>>, vector<1000x128xf32>
    %mul3A = arith.mulf %get3A_17, %get3A_20 : vector<1000x128xf32>
    %get3A_21 = arith.constant 0 : index
    %get3A_22 = arith.constant 0 : index
    %get3A_23 = arith.constant 0 : index
    %get3A_24 = vector.load %arg4[%get3A_21, %get3A_22, %get3A_23] : memref<16x128x256xf32, #tpu.memory_space<vmem>>, vector<1x128x256xf32>
    %get3A_25 = vector.shape_cast %get3A_24 : vector<1x128x256xf32> to vector<128x256xf32>
    %dot_general3A_26 = arith.constant dense<0.000000e+00> : vector<1000x256xf32>
    %dot_general3A_27 = tpu.matmul %mul3A, %get3A_25, %dot_general3A_26 {dimension_numbers = #tpu.dot_dimension_numbers<[1], [0], [0], [1], [0, 0, 1, 1], [], []>, transpose_lhs_hint = false} : vector<1000x128xf32>, vector<128x256xf32>, vector<1000x256xf32> -> vector<1000x256xf32>
    %add3A = arith.addf %dot_general3A_12, %dot_general3A_27 : vector<1000x256xf32>
    %get3A_28 = arith.constant 1 : index
    %get3A_29 = arith.constant 0 : index
    %get3A_30 = arith.constant 0 : index
    %get3A_31 = vector.load %arg1[%get3A_28, %get3A_29, %get3A_30] : memref<16x1000x128xf32, #tpu.memory_space<vmem>>, vector<1x1000x128xf32>
    %get3A_32 = vector.shape_cast %get3A_31 : vector<1x1000x128xf32> to vector<1000x128xf32>
    %get3A_33 = arith.constant 0 : index
    %get3A_34 = arith.constant 0 : index
    %get3A_35 = vector.load %arg2[%get3A_33, %get3A_34] : memref<1000x128xf32, #tpu.memory_space<vmem>>, vector<1000x128xf32>
    %mul3A_36 = arith.mulf %get3A_32, %get3A_35 : vector<1000x128xf32>
    %get3A_37 = arith.constant 1 : index
    %get3A_38 = arith.constant 0 : index
    %get3A_39 = arith.constant 0 : index
    %get3A_40 = vector.load %arg4[%get3A_37, %get3A_38, %get3A_39] : memref<16x128x256xf32, #tpu.memory_space<vmem>>, vector<1x128x256xf32>
    %get3A_41 = vector.shape_cast %get3A_40 : vector<1x128x256xf32> to vector<128x256xf32>
    %dot_general3A_42 = arith.constant dense<0.000000e+00> : vector<1000x256xf32>
    %dot_general3A_43 = tpu.matmul %mul3A_36, %get3A_41, %dot_general3A_42 {dimension_numbers = #tpu.dot_dimension_numbers<[1], [0], [0], [1], [0, 0, 1, 1], [], []>, transpose_lhs_hint = false} : vector<1000x128xf32>, vector<128x256xf32>, vector<1000x256xf32> -> vector<1000x256xf32>
    %add3A_44 = arith.addf %add3A, %dot_general3A_43 : vector<1000x256xf32>
    %get3A_45 = arith.constant 2 : index
    %get3A_46 = arith.constant 0 : index
    %get3A_47 = arith.constant 0 : index
    %get3A_48 = vector.load %arg1[%get3A_45, %get3A_46, %get3A_47] : memref<16x1000x128xf32, #tpu.memory_space<vmem>>, vector<1x1000x128xf32>
    %get3A_49 = vector.shape_cast %get3A_48 : vector<1x1000x128xf32> to vector<1000x128xf32>
    %get3A_50 = arith.constant 0 : index
    %get3A_51 = arith.constant 0 : index
    %get3A_52 = vector.load %arg2[%get3A_50, %get3A_51] : memref<1000x128xf32, #tpu.memory_space<vmem>>, vector<1000x128xf32>
    %mul3A_53 = arith.mulf %get3A_49, %get3A_52 : vector<1000x128xf32>
    %get3A_54 = arith.constant 2 : index
    %get3A_55 = arith.constant 0 : index
    %get3A_56 = arith.constant 0 : index
    %get3A_57 = vector.load %arg4[%get3A_54, %get3A_55, %get3A_56] : memref<16x128x256xf32, #tpu.memory_space<vmem>>, vector<1x128x256xf32>
    %get3A_58 = vector.shape_cast %get3A_57 : vector<1x128x256xf32> to vector<128x256xf32>
    %dot_general3A_59 = arith.constant dense<0.000000e+00> : vector<1000x256xf32>
    %dot_general3A_60 = tpu.matmul %mul3A_53, %get3A_58, %dot_general3A_59 {dimension_numbers = #tpu.dot_dimension_numbers<[1], [0], [0], [1], [0, 0, 1, 1], [], []>, transpose_lhs_hint = false} : vector<1000x128xf32>, vector<128x256xf32>, vector<1000x256xf32> -> vector<1000x256xf32>
    %add3A_61 = arith.addf %add3A_44, %dot_general3A_60 : vector<1000x256xf32>
    %get3A_62 = arith.constant 3 : index
    %get3A_63 = arith.constant 0 : index
    %get3A_64 = arith.constant 0 : index
    %get3A_65 = vector.load %arg1[%get3A_62, %get3A_63, %get3A_64] : memref<16x1000x128xf32, #tpu.memory_space<vmem>>, vector<1x1000x128xf32>
    %get3A_66 = vector.shape_cast %get3A_65 : vector<1x1000x128xf32> to vector<1000x128xf32>
    %get3A_67 = arith.constant 0 : index
    %get3A_68 = arith.constant 0 : index
    %get3A_69 = vector.load %arg2[%get3A_67, %get3A_68] : memref<1000x128xf32, #tpu.memory_space<vmem>>, vector<1000x128xf32>
    %mul3A_70 = arith.mulf %get3A_66, %get3A_69 : vector<1000x128xf32>
    %get3A_71 = arith.constant 3 : index
    %get3A_72 = arith.constant 0 : index
    %get3A_73 = arith.constant 0 : index
    %get3A_74 = vector.load %arg4[%get3A_71, %get3A_72, %get3A_73] : memref<16x128x256xf32, #tpu.memory_space<vmem>>, vector<1x128x256xf32>
    %get3A_75 = vector.shape_cast %get3A_74 : vector<1x128x256xf32> to vector<128x256xf32>
    %dot_general3A_76 = arith.constant dense<0.000000e+00> : vector<1000x256xf32>
    %dot_general3A_77 = tpu.matmul %mul3A_70, %get3A_75, %dot_general3A_76 {dimension_numbers = #tpu.dot_dimension_numbers<[1], [0], [0], [1], [0, 0, 1, 1], [], []>, transpose_lhs_hint = false} : vector<1000x128xf32>, vector<128x256xf32>, vector<1000x256xf32> -> vector<1000x256xf32>
    %add3A_78 = arith.addf %add3A_61, %dot_general3A_77 : vector<1000x256xf32>
    %get3A_79 = arith.constant 4 : index
    %get3A_80 = arith.constant 0 : index
    %get3A_81 = arith.constant 0 : index
    %get3A_82 = vector.load %arg1[%get3A_79, %get3A_80, %get3A_81] : memref<16x1000x128xf32, #tpu.memory_space<vmem>>, vector<1x1000x128xf32>
    %get3A_83 = vector.shape_cast %get3A_82 : vector<1x1000x128xf32> to vector<1000x128xf32>
    %get3A_84 = arith.constant 0 : index
    %get3A_85 = arith.constant 0 : index
    %get3A_86 = vector.load %arg2[%get3A_84, %get3A_85] : memref<1000x128xf32, #tpu.memory_space<vmem>>, vector<1000x128xf32>
    %mul3A_87 = arith.mulf %get3A_83, %get3A_86 : vector<1000x128xf32>
    %get3A_88 = arith.constant 4 : index
    %get3A_89 = arith.constant 0 : index
    %get3A_90 = arith.constant 0 : index
    %get3A_91 = vector.load %arg4[%get3A_88, %get3A_89, %get3A_90] : memref<16x128x256xf32, #tpu.memory_space<vmem>>, vector<1x128x256xf32>
    %get3A_92 = vector.shape_cast %get3A_91 : vector<1x128x256xf32> to vector<128x256xf32>
    %dot_general3A_93 = arith.constant dense<0.000000e+00> : vector<1000x256xf32>
    %dot_general3A_94 = tpu.matmul %mul3A_87, %get3A_92, %dot_general3A_93 {dimension_numbers = #tpu.dot_dimension_numbers<[1], [0], [0], [1], [0, 0, 1, 1], [], []>, transpose_lhs_hint = false} : vector<1000x128xf32>, vector<128x256xf32>, vector<1000x256xf32> -> vector<1000x256xf32>
    %add3A_95 = arith.addf %add3A_78, %dot_general3A_94 : vector<1000x256xf32>
    %get3A_96 = arith.constant 5 : index
    %get3A_97 = arith.constant 0 : index
    %get3A_98 = arith.constant 0 : index
    %get3A_99 = vector.load %arg1[%get3A_96, %get3A_97, %get3A_98] : memref<16x1000x128xf32, #tpu.memory_space<vmem>>, vector<1x1000x128xf32>
    %get3A_100 = vector.shape_cast %get3A_99 : vector<1x1000x128xf32> to vector<1000x128xf32>
    %get3A_101 = arith.constant 0 : index
    %get3A_102 = arith.constant 0 : index
    %get3A_103 = vector.load %arg2[%get3A_101, %get3A_102] : memref<1000x128xf32, #tpu.memory_space<vmem>>, vector<1000x128xf32>
    %mul3A_104 = arith.mulf %get3A_100, %get3A_103 : vector<1000x128xf32>
    %get3A_105 = arith.constant 5 : index
    %get3A_106 = arith.constant 0 : index
    %get3A_107 = arith.constant 0 : index
    %get3A_108 = vector.load %arg4[%get3A_105, %get3A_106, %get3A_107] : memref<16x128x256xf32, #tpu.memory_space<vmem>>, vector<1x128x256xf32>
    %get3A_109 = vector.shape_cast %get3A_108 : vector<1x128x256xf32> to vector<128x256xf32>
    %dot_general3A_110 = arith.constant dense<0.000000e+00> : vector<1000x256xf32>
    %dot_general3A_111 = tpu.matmul %mul3A_104, %get3A_109, %dot_general3A_110 {dimension_numbers = #tpu.dot_dimension_numbers<[1], [0], [0], [1], [0, 0, 1, 1], [], []>, transpose_lhs_hint = false} : vector<1000x128xf32>, vector<128x256xf32>, vector<1000x256xf32> -> vector<1000x256xf32>
    %add3A_112 = arith.addf %add3A_95, %dot_general3A_111 : vector<1000x256xf32>
    %get3A_113 = arith.constant 6 : index
    %get3A_114 = arith.constant 0 : index
    %get3A_115 = arith.constant 0 : index
    %get3A_116 = vector.load %arg1[%get3A_113, %get3A_114, %get3A_115] : memref<16x1000x128xf32, #tpu.memory_space<vmem>>, vector<1x1000x128xf32>
    %get3A_117 = vector.shape_cast %get3A_116 : vector<1x1000x128xf32> to vector<1000x128xf32>
    %get3A_118 = arith.constant 0 : index
    %get3A_119 = arith.constant 0 : index
    %get3A_120 = vector.load %arg2[%get3A_118, %get3A_119] : memref<1000x128xf32, #tpu.memory_space<vmem>>, vector<1000x128xf32>
    %mul3A_121 = arith.mulf %get3A_117, %get3A_120 : vector<1000x128xf32>
    %get3A_122 = arith.constant 6 : index
    %get3A_123 = arith.constant 0 : index
    %get3A_124 = arith.constant 0 : index
    %get3A_125 = vector.load %arg4[%get3A_122, %get3A_123, %get3A_124] : memref<16x128x256xf32, #tpu.memory_space<vmem>>, vector<1x128x256xf32>
    %get3A_126 = vector.shape_cast %get3A_125 : vector<1x128x256xf32> to vector<128x256xf32>
    %dot_general3A_127 = arith.constant dense<0.000000e+00> : vector<1000x256xf32>
    %dot_general3A_128 = tpu.matmul %mul3A_121, %get3A_126, %dot_general3A_127 {dimension_numbers = #tpu.dot_dimension_numbers<[1], [0], [0], [1], [0, 0, 1, 1], [], []>, transpose_lhs_hint = false} : vector<1000x128xf32>, vector<128x256xf32>, vector<1000x256xf32> -> vector<1000x256xf32>
    %add3A_129 = arith.addf %add3A_112, %dot_general3A_128 : vector<1000x256xf32>
    %get3A_130 = arith.constant 7 : index
    %get3A_131 = arith.constant 0 : index
    %get3A_132 = arith.constant 0 : index
    %get3A_133 = vector.load %arg1[%get3A_130, %get3A_131, %get3A_132] : memref<16x1000x128xf32, #tpu.memory_space<vmem>>, vector<1x1000x128xf32>
    %get3A_134 = vector.shape_cast %get3A_133 : vector<1x1000x128xf32> to vector<1000x128xf32>
    %get3A_135 = arith.constant 0 : index
    %get3A_136 = arith.constant 0 : index
    %get3A_137 = vector.load %arg2[%get3A_135, %get3A_136] : memref<1000x128xf32, #tpu.memory_space<vmem>>, vector<1000x128xf32>
    %mul3A_138 = arith.mulf %get3A_134, %get3A_137 : vector<1000x128xf32>
    %get3A_139 = arith.constant 7 : index
    %get3A_140 = arith.constant 0 : index
    %get3A_141 = arith.constant 0 : index
    %get3A_142 = vector.load %arg4[%get3A_139, %get3A_140, %get3A_141] : memref<16x128x256xf32, #tpu.memory_space<vmem>>, vector<1x128x256xf32>
    %get3A_143 = vector.shape_cast %get3A_142 : vector<1x128x256xf32> to vector<128x256xf32>
    %dot_general3A_144 = arith.constant dense<0.000000e+00> : vector<1000x256xf32>
    %dot_general3A_145 = tpu.matmul %mul3A_138, %get3A_143, %dot_general3A_144 {dimension_numbers = #tpu.dot_dimension_numbers<[1], [0], [0], [1], [0, 0, 1, 1], [], []>, transpose_lhs_hint = false} : vector<1000x128xf32>, vector<128x256xf32>, vector<1000x256xf32> -> vector<1000x256xf32>
    %add3A_146 = arith.addf %add3A_129, %dot_general3A_145 : vector<1000x256xf32>
    %get3A_147 = arith.constant 8 : index
    %get3A_148 = arith.constant 0 : index
    %get3A_149 = arith.constant 0 : index
    %get3A_150 = vector.load %arg1[%get3A_147, %get3A_148, %get3A_149] : memref<16x1000x128xf32, #tpu.memory_space<vmem>>, vector<1x1000x128xf32>
    %get3A_151 = vector.shape_cast %get3A_150 : vector<1x1000x128xf32> to vector<1000x128xf32>
    %get3A_152 = arith.constant 0 : index
    %get3A_153 = arith.constant 0 : index
    %get3A_154 = vector.load %arg2[%get3A_152, %get3A_153] : memref<1000x128xf32, #tpu.memory_space<vmem>>, vector<1000x128xf32>
    %mul3A_155 = arith.mulf %get3A_151, %get3A_154 : vector<1000x128xf32>
    %get3A_156 = arith.constant 8 : index
    %get3A_157 = arith.constant 0 : index
    %get3A_158 = arith.constant 0 : index
    %get3A_159 = vector.load %arg4[%get3A_156, %get3A_157, %get3A_158] : memref<16x128x256xf32, #tpu.memory_space<vmem>>, vector<1x128x256xf32>
    %get3A_160 = vector.shape_cast %get3A_159 : vector<1x128x256xf32> to vector<128x256xf32>
    %dot_general3A_161 = arith.constant dense<0.000000e+00> : vector<1000x256xf32>
    %dot_general3A_162 = tpu.matmul %mul3A_155, %get3A_160, %dot_general3A_161 {dimension_numbers = #tpu.dot_dimension_numbers<[1], [0], [0], [1], [0, 0, 1, 1], [], []>, transpose_lhs_hint = false} : vector<1000x128xf32>, vector<128x256xf32>, vector<1000x256xf32> -> vector<1000x256xf32>
    %add3A_163 = arith.addf %add3A_146, %dot_general3A_162 : vector<1000x256xf32>
    %get3A_164 = arith.constant 9 : index
    %get3A_165 = arith.constant 0 : index
    %get3A_166 = arith.constant 0 : index
    %get3A_167 = vector.load %arg1[%get3A_164, %get3A_165, %get3A_166] : memref<16x1000x128xf32, #tpu.memory_space<vmem>>, vector<1x1000x128xf32>
    %get3A_168 = vector.shape_cast %get3A_167 : vector<1x1000x128xf32> to vector<1000x128xf32>
    %get3A_169 = arith.constant 0 : index
    %get3A_170 = arith.constant 0 : index
    %get3A_171 = vector.load %arg2[%get3A_169, %get3A_170] : memref<1000x128xf32, #tpu.memory_space<vmem>>, vector<1000x128xf32>
    %mul3A_172 = arith.mulf %get3A_168, %get3A_171 : vector<1000x128xf32>
    %get3A_173 = arith.constant 9 : index
    %get3A_174 = arith.constant 0 : index
    %get3A_175 = arith.constant 0 : index
    %get3A_176 = vector.load %arg4[%get3A_173, %get3A_174, %get3A_175] : memref<16x128x256xf32, #tpu.memory_space<vmem>>, vector<1x128x256xf32>
    %get3A_177 = vector.shape_cast %get3A_176 : vector<1x128x256xf32> to vector<128x256xf32>
    %dot_general3A_178 = arith.constant dense<0.000000e+00> : vector<1000x256xf32>
    %dot_general3A_179 = tpu.matmul %mul3A_172, %get3A_177, %dot_general3A_178 {dimension_numbers = #tpu.dot_dimension_numbers<[1], [0], [0], [1], [0, 0, 1, 1], [], []>, transpose_lhs_hint = false} : vector<1000x128xf32>, vector<128x256xf32>, vector<1000x256xf32> -> vector<1000x256xf32>
    %add3A_180 = arith.addf %add3A_163, %dot_general3A_179 : vector<1000x256xf32>
    %get3A_181 = arith.constant 10 : index
    %get3A_182 = arith.constant 0 : index
    %get3A_183 = arith.constant 0 : index
    %get3A_184 = vector.load %arg1[%get3A_181, %get3A_182, %get3A_183] : memref<16x1000x128xf32, #tpu.memory_space<vmem>>, vector<1x1000x128xf32>
    %get3A_185 = vector.shape_cast %get3A_184 : vector<1x1000x128xf32> to vector<1000x128xf32>
    %get3A_186 = arith.constant 0 : index
    %get3A_187 = arith.constant 0 : index
    %get3A_188 = vector.load %arg2[%get3A_186, %get3A_187] : memref<1000x128xf32, #tpu.memory_space<vmem>>, vector<1000x128xf32>
    %mul3A_189 = arith.mulf %get3A_185, %get3A_188 : vector<1000x128xf32>
    %get3A_190 = arith.constant 10 : index
    %get3A_191 = arith.constant 0 : index
    %get3A_192 = arith.constant 0 : index
    %get3A_193 = vector.load %arg4[%get3A_190, %get3A_191, %get3A_192] : memref<16x128x256xf32, #tpu.memory_space<vmem>>, vector<1x128x256xf32>
    %get3A_194 = vector.shape_cast %get3A_193 : vector<1x128x256xf32> to vector<128x256xf32>
    %dot_general3A_195 = arith.constant dense<0.000000e+00> : vector<1000x256xf32>
    %dot_general3A_196 = tpu.matmul %mul3A_189, %get3A_194, %dot_general3A_195 {dimension_numbers = #tpu.dot_dimension_numbers<[1], [0], [0], [1], [0, 0, 1, 1], [], []>, transpose_lhs_hint = false} : vector<1000x128xf32>, vector<128x256xf32>, vector<1000x256xf32> -> vector<1000x256xf32>
    %add3A_197 = arith.addf %add3A_180, %dot_general3A_196 : vector<1000x256xf32>
    %get3A_198 = arith.constant 11 : index
    %get3A_199 = arith.constant 0 : index
    %get3A_200 = arith.constant 0 : index
    %get3A_201 = vector.load %arg1[%get3A_198, %get3A_199, %get3A_200] : memref<16x1000x128xf32, #tpu.memory_space<vmem>>, vector<1x1000x128xf32>
    %get3A_202 = vector.shape_cast %get3A_201 : vector<1x1000x128xf32> to vector<1000x128xf32>
    %get3A_203 = arith.constant 0 : index
    %get3A_204 = arith.constant 0 : index
    %get3A_205 = vector.load %arg2[%get3A_203, %get3A_204] : memref<1000x128xf32, #tpu.memory_space<vmem>>, vector<1000x128xf32>
    %mul3A_206 = arith.mulf %get3A_202, %get3A_205 : vector<1000x128xf32>
    %get3A_207 = arith.constant 11 : index
    %get3A_208 = arith.constant 0 : index
    %get3A_209 = arith.constant 0 : index
    %get3A_210 = vector.load %arg4[%get3A_207, %get3A_208, %get3A_209] : memref<16x128x256xf32, #tpu.memory_space<vmem>>, vector<1x128x256xf32>
    %get3A_211 = vector.shape_cast %get3A_210 : vector<1x128x256xf32> to vector<128x256xf32>
    %dot_general3A_212 = arith.constant dense<0.000000e+00> : vector<1000x256xf32>
    %dot_general3A_213 = tpu.matmul %mul3A_206, %get3A_211, %dot_general3A_212 {dimension_numbers = #tpu.dot_dimension_numbers<[1], [0], [0], [1], [0, 0, 1, 1], [], []>, transpose_lhs_hint = false} : vector<1000x128xf32>, vector<128x256xf32>, vector<1000x256xf32> -> vector<1000x256xf32>
    %add3A_214 = arith.addf %add3A_197, %dot_general3A_213 : vector<1000x256xf32>
    %get3A_215 = arith.constant 12 : index
    %get3A_216 = arith.constant 0 : index
    %get3A_217 = arith.constant 0 : index
    %get3A_218 = vector.load %arg1[%get3A_215, %get3A_216, %get3A_217] : memref<16x1000x128xf32, #tpu.memory_space<vmem>>, vector<1x1000x128xf32>
    %get3A_219 = vector.shape_cast %get3A_218 : vector<1x1000x128xf32> to vector<1000x128xf32>
    %get3A_220 = arith.constant 0 : index
    %get3A_221 = arith.constant 0 : index
    %get3A_222 = vector.load %arg2[%get3A_220, %get3A_221] : memref<1000x128xf32, #tpu.memory_space<vmem>>, vector<1000x128xf32>
    %mul3A_223 = arith.mulf %get3A_219, %get3A_222 : vector<1000x128xf32>
    %get3A_224 = arith.constant 12 : index
    %get3A_225 = arith.constant 0 : index
    %get3A_226 = arith.constant 0 : index
    %get3A_227 = vector.load %arg4[%get3A_224, %get3A_225, %get3A_226] : memref<16x128x256xf32, #tpu.memory_space<vmem>>, vector<1x128x256xf32>
    %get3A_228 = vector.shape_cast %get3A_227 : vector<1x128x256xf32> to vector<128x256xf32>
    %dot_general3A_229 = arith.constant dense<0.000000e+00> : vector<1000x256xf32>
    %dot_general3A_230 = tpu.matmul %mul3A_223, %get3A_228, %dot_general3A_229 {dimension_numbers = #tpu.dot_dimension_numbers<[1], [0], [0], [1], [0, 0, 1, 1], [], []>, transpose_lhs_hint = false} : vector<1000x128xf32>, vector<128x256xf32>, vector<1000x256xf32> -> vector<1000x256xf32>
    %add3A_231 = arith.addf %add3A_214, %dot_general3A_230 : vector<1000x256xf32>
    %get3A_232 = arith.constant 13 : index
    %get3A_233 = arith.constant 0 : index
    %get3A_234 = arith.constant 0 : index
    %get3A_235 = vector.load %arg1[%get3A_232, %get3A_233, %get3A_234] : memref<16x1000x128xf32, #tpu.memory_space<vmem>>, vector<1x1000x128xf32>
    %get3A_236 = vector.shape_cast %get3A_235 : vector<1x1000x128xf32> to vector<1000x128xf32>
    %get3A_237 = arith.constant 0 : index
    %get3A_238 = arith.constant 0 : index
    %get3A_239 = vector.load %arg2[%get3A_237, %get3A_238] : memref<1000x128xf32, #tpu.memory_space<vmem>>, vector<1000x128xf32>
    %mul3A_240 = arith.mulf %get3A_236, %get3A_239 : vector<1000x128xf32>
    %get3A_241 = arith.constant 13 : index
    %get3A_242 = arith.constant 0 : index
    %get3A_243 = arith.constant 0 : index
    %get3A_244 = vector.load %arg4[%get3A_241, %get3A_242, %get3A_243] : memref<16x128x256xf32, #tpu.memory_space<vmem>>, vector<1x128x256xf32>
    %get3A_245 = vector.shape_cast %get3A_244 : vector<1x128x256xf32> to vector<128x256xf32>
    %dot_general3A_246 = arith.constant dense<0.000000e+00> : vector<1000x256xf32>
    %dot_general3A_247 = tpu.matmul %mul3A_240, %get3A_245, %dot_general3A_246 {dimension_numbers = #tpu.dot_dimension_numbers<[1], [0], [0], [1], [0, 0, 1, 1], [], []>, transpose_lhs_hint = false} : vector<1000x128xf32>, vector<128x256xf32>, vector<1000x256xf32> -> vector<1000x256xf32>
    %add3A_248 = arith.addf %add3A_231, %dot_general3A_247 : vector<1000x256xf32>
    %get3A_249 = arith.constant 14 : index
    %get3A_250 = arith.constant 0 : index
    %get3A_251 = arith.constant 0 : index
    %get3A_252 = vector.load %arg1[%get3A_249, %get3A_250, %get3A_251] : memref<16x1000x128xf32, #tpu.memory_space<vmem>>, vector<1x1000x128xf32>
    %get3A_253 = vector.shape_cast %get3A_252 : vector<1x1000x128xf32> to vector<1000x128xf32>
    %get3A_254 = arith.constant 0 : index
    %get3A_255 = arith.constant 0 : index
    %get3A_256 = vector.load %arg2[%get3A_254, %get3A_255] : memref<1000x128xf32, #tpu.memory_space<vmem>>, vector<1000x128xf32>
    %mul3A_257 = arith.mulf %get3A_253, %get3A_256 : vector<1000x128xf32>
    %get3A_258 = arith.constant 14 : index
    %get3A_259 = arith.constant 0 : index
    %get3A_260 = arith.constant 0 : index
    %get3A_261 = vector.load %arg4[%get3A_258, %get3A_259, %get3A_260] : memref<16x128x256xf32, #tpu.memory_space<vmem>>, vector<1x128x256xf32>
    %get3A_262 = vector.shape_cast %get3A_261 : vector<1x128x256xf32> to vector<128x256xf32>
    %dot_general3A_263 = arith.constant dense<0.000000e+00> : vector<1000x256xf32>
    %dot_general3A_264 = tpu.matmul %mul3A_257, %get3A_262, %dot_general3A_263 {dimension_numbers = #tpu.dot_dimension_numbers<[1], [0], [0], [1], [0, 0, 1, 1], [], []>, transpose_lhs_hint = false} : vector<1000x128xf32>, vector<128x256xf32>, vector<1000x256xf32> -> vector<1000x256xf32>
    %add3A_265 = arith.addf %add3A_248, %dot_general3A_264 : vector<1000x256xf32>
    %get3A_266 = arith.constant 15 : index
    %get3A_267 = arith.constant 0 : index
    %get3A_268 = arith.constant 0 : index
    %get3A_269 = vector.load %arg1[%get3A_266, %get3A_267, %get3A_268] : memref<16x1000x128xf32, #tpu.memory_space<vmem>>, vector<1x1000x128xf32>
    %get3A_270 = vector.shape_cast %get3A_269 : vector<1x1000x128xf32> to vector<1000x128xf32>
    %get3A_271 = arith.constant 0 : index
    %get3A_272 = arith.constant 0 : index
    %get3A_273 = vector.load %arg2[%get3A_271, %get3A_272] : memref<1000x128xf32, #tpu.memory_space<vmem>>, vector<1000x128xf32>
    %mul3A_274 = arith.mulf %get3A_270, %get3A_273 : vector<1000x128xf32>
    %get3A_275 = arith.constant 15 : index
    %get3A_276 = arith.constant 0 : index
    %get3A_277 = arith.constant 0 : index
    %get3A_278 = vector.load %arg4[%get3A_275, %get3A_276, %get3A_277] : memref<16x128x256xf32, #tpu.memory_space<vmem>>, vector<1x128x256xf32>
    %get3A_279 = vector.shape_cast %get3A_278 : vector<1x128x256xf32> to vector<128x256xf32>
    %dot_general3A_280 = arith.constant dense<0.000000e+00> : vector<1000x256xf32>
    %dot_general3A_281 = tpu.matmul %mul3A_274, %get3A_279, %dot_general3A_280 {dimension_numbers = #tpu.dot_dimension_numbers<[1], [0], [0], [1], [0, 0, 1, 1], [], []>, transpose_lhs_hint = false} : vector<1000x128xf32>, vector<128x256xf32>, vector<1000x256xf32> -> vector<1000x256xf32>
    %add3A_282 = arith.addf %add3A_265, %dot_general3A_281 : vector<1000x256xf32>
    %get3A_283 = arith.constant 0 : index
    %get3A_284 = arith.constant 0 : index
    %get3A_285 = vector.load %arg6[%get3A_283, %get3A_284] : memref<1x256xf32, #tpu.memory_space<vmem>>, vector<1x256xf32>
    %add3A_286 = vector.broadcast %get3A_285 : vector<1x256xf32> to vector<1000x256xf32>
    %add3A_287 = arith.addf %add3A_282, %add3A_286 : vector<1000x256xf32>
    %max3A = arith.constant 0.000000e+00 : f32
    %max3A_288 = vector.broadcast %max3A : f32 to vector<1000x256xf32>
    %max3A_289 = arith.maximumf %add3A_287, %max3A_288 : vector<1000x256xf32>
    %slice3A = vector.extract_strided_slice %max3A_289 {offsets = [0, 0], sizes = [1000, 128], strides = [1, 1]} : vector<1000x256xf32> to vector<1000x128xf32>
    %swap3A = arith.constant 0 : index
    %swap3A_290 = arith.constant 0 : index
    %swap3A_291 = arith.constant 0 : index
    %swap3A_292 = vector.load %arg7[%swap3A, %swap3A_290, %swap3A_291] : memref<2x1000x128xf32, #tpu.memory_space<vmem>>, vector<1x1000x128xf32>
    %swap3A_293 = vector.shape_cast %swap3A_292 : vector<1x1000x128xf32> to vector<1000x128xf32>
    %swap3A_294 = vector.shape_cast %slice3A : vector<1000x128xf32> to vector<1x1000x128xf32>
    tpu.vector_store %arg7[%swap3A, %swap3A_290, %swap3A_291], %swap3A_294 {strides = array<i32>} : memref<2x1000x128xf32, #tpu.memory_space<vmem>>, vector<1x1000x128xf32>,
    %slice3A_295 = vector.extract_strided_slice %max3A_289 {offsets = [0, 128], sizes = [1000, 128], strides = [1, 1]} : vector<1000x256xf32> to vector<1000x128xf32>
    %swap3A_296 = arith.constant 1 : index
    %swap3A_297 = arith.constant 0 : index
    %swap3A_298 = arith.constant 0 : index
    %swap3A_299 = vector.load %arg7[%swap3A_296, %swap3A_297, %swap3A_298] : memref<2x1000x128xf32, #tpu.memory_space<vmem>>, vector<1x1000x128xf32>
    %swap3A_300 = vector.shape_cast %swap3A_299 : vector<1x1000x128xf32> to vector<1000x128xf32>
    %swap3A_301 = vector.shape_cast %slice3A_295 : vector<1000x128xf32> to vector<1x1000x128xf32>
    tpu.vector_store %arg7[%swap3A_296, %swap3A_297, %swap3A_298], %swap3A_301 {strides = array<i32>} : memref<2x1000x128xf32, #tpu.memory_space<vmem>>, vector<1x1000x128xf32>,
    return
  }
  func.func @transform_0(%arg0: i32) -> (i32, i32, i32) {
    %c0_i32 = arith.constant 0 : i32
    %c0_i32_0 = arith.constant 0 : i32
    %c0_i32_1 = arith.constant 0 : i32
    return %c0_i32, %arg0, %c0_i32_0 : i32, i32, i32
  }
  func.func @transform_1(%arg0: i32) -> (i32, i32) {
    %c0_i32 = arith.constant 0 : i32
    %c0_i32_0 = arith.constant 0 : i32
    return %arg0, %c0_i32 : i32, i32
  }
  func.func @transform_2(%arg0: i32) -> (i32, i32, i32) {
    %c0_i32 = arith.constant 0 : i32
    %c0_i32_0 = arith.constant 0 : i32
    %c0_i32_1 = arith.constant 0 : i32
    return %c0_i32, %arg0, %c0_i32_0 : i32, i32, i32
  }
  func.func @transform_3(%arg0: i32) -> (i32, i32, i32) {
    %c0_i32 = arith.constant 0 : i32
    %c0_i32_0 = arith.constant 0 : i32
    %c0_i32_1 = arith.constant 0 : i32
    %c0_i32_2 = arith.constant 0 : i32
    return %c0_i32, %c0_i32_0, %c0_i32_1 : i32, i32, i32
  }
  func.func @transform_4(%arg0: i32) -> (i32, i32) {
    %c0_i32 = arith.constant 0 : i32
    %c0_i32_0 = arith.constant 0 : i32
    %c0_i32_1 = arith.constant 0 : i32
    return %c0_i32, %c0_i32_0 : i32, i32
  }
  func.func @transform_5(%arg0: i32) -> (i32, i32) {
    %c0_i32 = arith.constant 0 : i32
    %c0_i32_0 = arith.constant 0 : i32
    %c0_i32_1 = arith.constant 0 : i32
    return %c0_i32, %c0_i32_0 : i32, i32
  }
  func.func @transform_6(%arg0: i32) -> (i32, i32, i32) {
    %c0_i32 = arith.constant 0 : i32
    %c0_i32_0 = arith.constant 0 : i32
    %c0_i32_1 = arith.constant 0 : i32
    return %c0_i32, %arg0, %c0_i32_0 : i32, i32, i32
  }
}

module attributes {stable_mosaic.version = 14 : i64} {
  func.func @_dense_body(%arg0: i32, %arg1: memref<16x1000x128xf32, #tpu.memory_space<vmem>>, %arg2: memref<1000x128xf32, #tpu.memory_space<vmem>>, %arg3: memref<2x1000x128xf32, #tpu.memory_space<vmem>>, %arg4: memref<16x128x256xf32, #tpu.memory_space<vmem>>, %arg5: memref<256x256xf32, #tpu.memory_space<vmem>>, %arg6: memref<1x256xf32, #tpu.memory_space<vmem>>, %arg7: memref<1000x256xf32, #tpu.memory_space<vmem>>) attributes {dimension_semantics = [#tpu.dimension_semantics<parallel>], iteration_bounds = array<i64: 10>, scalar_prefetch = 0 : i64, scratch_operands = 0 : i64, tpu.core_type = #tpu.core_type<tc>, window_params = [{transform_indices = @transform_0, window_bounds = array<i64: 16, 1000, 128>}, {transform_indices = @transform_1, window_bounds = array<i64: 1000, 128>}, {transform_indices = @transform_2, window_bounds = array<i64: 2, 1000, 128>}, {pipeline_mode = #tpu.pipeline_mode<synchronous>, transform_indices = @transform_3, window_bounds = array<i64: 16, 128, 256>}, {pipeline_mode = #tpu.pipeline_mode<synchronous>, transform_indices = @transform_4, window_bounds = array<i64: 256, 256>}, {pipeline_mode = #tpu.pipeline_mode<synchronous>, transform_indices = @transform_5, window_bounds = array<i64: 1, 256>}, {transform_indices = @transform_6, window_bounds = array<i64: 1000, 256>}]} {
    %get3A = arith.constant 0 : index
    %get3A_0 = arith.constant 0 : index
    %get3A_1 = arith.constant 0 : index
    %get3A_2 = vector.load %arg3[%get3A, %get3A_0, %get3A_1] : memref<2x1000x128xf32, #tpu.memory_space<vmem>>, vector<1x1000x128xf32>
    %get3A_3 = vector.shape_cast %get3A_2 : vector<1x1000x128xf32> to vector<1000x128xf32>
    %get3A_4 = arith.constant 1 : index
    %get3A_5 = arith.constant 0 : index
    %get3A_6 = arith.constant 0 : index
    %get3A_7 = vector.load %arg3[%get3A_4, %get3A_5, %get3A_6] : memref<2x1000x128xf32, #tpu.memory_space<vmem>>, vector<1x1000x128xf32>
    %get3A_8 = vector.shape_cast %get3A_7 : vector<1x1000x128xf32> to vector<1000x128xf32>
    %concatenate3A = tpu.concatenate %get3A_3, %get3A_8 in 1 : vector<1000x128xf32>, vector<1000x128xf32> -> vector<1000x256xf32>
    %get3A_9 = arith.constant 0 : index
    %get3A_10 = arith.constant 0 : index
    %get3A_11 = vector.load %arg5[%get3A_9, %get3A_10] : memref<256x256xf32, #tpu.memory_space<vmem>>, vector<256x256xf32>
    %dot_general3A = arith.constant dense<0.000000e+00> : vector<1000x256xf32>
    %dot_general3A_12 = tpu.matmul %concatenate3A, %get3A_11, %dot_general3A {dimension_numbers = #tpu.dot_dimension_numbers<[1], [0], [0], [1], [0, 0, 1, 1], [], []>, transpose_lhs_hint = false} : vector<1000x256xf32>, vector<256x256xf32>, vector<1000x256xf32> -> vector<1000x256xf32>
    %get3A_13 = arith.constant 0 : index
    %get3A_14 = arith.constant 0 : index
    %get3A_15 = arith.constant 0 : index
    %get3A_16 = vector.load %arg1[%get3A_13, %get3A_14, %get3A_15] : memref<16x1000x128xf32, #tpu.memory_space<vmem>>, vector<1x1000x128xf32>
    %get3A_17 = vector.shape_cast %get3A_16 : vector<1x1000x128xf32> to vector<1000x128xf32>
    %get3A_18 = arith.constant 0 : index
    %get3A_19 = arith.constant 0 : index
    %get3A_20 = vector.load %arg2[%get3A_18, %get3A_19] : memref<1000x128xf32, #tpu.memory_space<vmem>>, vector<1000x128xf32>
    %mul3A = arith.mulf %get3A_17, %get3A_20 : vector<1000x128xf32>
    %get3A_21 = arith.constant 0 : index
    %get3A_22 = arith.constant 0 : index
    %get3A_23 = arith.constant 0 : index
    %get3A_24 = vector.load %arg4[%get3A_21, %get3A_22, %get3A_23] : memref<16x128x256xf32, #tpu.memory_space<vmem>>, vector<1x128x256xf32>
    %get3A_25 = vector.shape_cast %get3A_24 : vector<1x128x256xf32> to vector<128x256xf32>
    %dot_general3A_26 = arith.constant dense<0.000000e+00> : vector<1000x256xf32>
    %dot_general3A_27 = tpu.matmul %mul3A, %get3A_25, %dot_general3A_26 {dimension_numbers = #tpu.dot_dimension_numbers<[1], [0], [0], [1], [0, 0, 1, 1], [], []>, transpose_lhs_hint = false} : vector<1000x128xf32>, vector<128x256xf32>, vector<1000x256xf32> -> vector<1000x256xf32>
    %add3A = arith.addf %dot_general3A_12, %dot_general3A_27 : vector<1000x256xf32>
    %get3A_28 = arith.constant 1 : index
    %get3A_29 = arith.constant 0 : index
    %get3A_30 = arith.constant 0 : index
    %get3A_31 = vector.load %arg1[%get3A_28, %get3A_29, %get3A_30] : memref<16x1000x128xf32, #tpu.memory_space<vmem>>, vector<1x1000x128xf32>
    %get3A_32 = vector.shape_cast %get3A_31 : vector<1x1000x128xf32> to vector<1000x128xf32>
    %get3A_33 = arith.constant 0 : index
    %get3A_34 = arith.constant 0 : index
    %get3A_35 = vector.load %arg2[%get3A_33, %get3A_34] : memref<1000x128xf32, #tpu.memory_space<vmem>>, vector<1000x128xf32>
    %mul3A_36 = arith.mulf %get3A_32, %get3A_35 : vector<1000x128xf32>
    %get3A_37 = arith.constant 1 : index
    %get3A_38 = arith.constant 0 : index
    %get3A_39 = arith.constant 0 : index
    %get3A_40 = vector.load %arg4[%get3A_37, %get3A_38, %get3A_39] : memref<16x128x256xf32, #tpu.memory_space<vmem>>, vector<1x128x256xf32>
    %get3A_41 = vector.shape_cast %get3A_40 : vector<1x128x256xf32> to vector<128x256xf32>
    %dot_general3A_42 = arith.constant dense<0.000000e+00> : vector<1000x256xf32>
    %dot_general3A_43 = tpu.matmul %mul3A_36, %get3A_41, %dot_general3A_42 {dimension_numbers = #tpu.dot_dimension_numbers<[1], [0], [0], [1], [0, 0, 1, 1], [], []>, transpose_lhs_hint = false} : vector<1000x128xf32>, vector<128x256xf32>, vector<1000x256xf32> -> vector<1000x256xf32>
    %add3A_44 = arith.addf %add3A, %dot_general3A_43 : vector<1000x256xf32>
    %get3A_45 = arith.constant 2 : index
    %get3A_46 = arith.constant 0 : index
    %get3A_47 = arith.constant 0 : index
    %get3A_48 = vector.load %arg1[%get3A_45, %get3A_46, %get3A_47] : memref<16x1000x128xf32, #tpu.memory_space<vmem>>, vector<1x1000x128xf32>
    %get3A_49 = vector.shape_cast %get3A_48 : vector<1x1000x128xf32> to vector<1000x128xf32>
    %get3A_50 = arith.constant 0 : index
    %get3A_51 = arith.constant 0 : index
    %get3A_52 = vector.load %arg2[%get3A_50, %get3A_51] : memref<1000x128xf32, #tpu.memory_space<vmem>>, vector<1000x128xf32>
    %mul3A_53 = arith.mulf %get3A_49, %get3A_52 : vector<1000x128xf32>
    %get3A_54 = arith.constant 2 : index
    %get3A_55 = arith.constant 0 : index
    %get3A_56 = arith.constant 0 : index
    %get3A_57 = vector.load %arg4[%get3A_54, %get3A_55, %get3A_56] : memref<16x128x256xf32, #tpu.memory_space<vmem>>, vector<1x128x256xf32>
    %get3A_58 = vector.shape_cast %get3A_57 : vector<1x128x256xf32> to vector<128x256xf32>
    %dot_general3A_59 = arith.constant dense<0.000000e+00> : vector<1000x256xf32>
    %dot_general3A_60 = tpu.matmul %mul3A_53, %get3A_58, %dot_general3A_59 {dimension_numbers = #tpu.dot_dimension_numbers<[1], [0], [0], [1], [0, 0, 1, 1], [], []>, transpose_lhs_hint = false} : vector<1000x128xf32>, vector<128x256xf32>, vector<1000x256xf32> -> vector<1000x256xf32>
    %add3A_61 = arith.addf %add3A_44, %dot_general3A_60 : vector<1000x256xf32>
    %get3A_62 = arith.constant 3 : index
    %get3A_63 = arith.constant 0 : index
    %get3A_64 = arith.constant 0 : index
    %get3A_65 = vector.load %arg1[%get3A_62, %get3A_63, %get3A_64] : memref<16x1000x128xf32, #tpu.memory_space<vmem>>, vector<1x1000x128xf32>
    %get3A_66 = vector.shape_cast %get3A_65 : vector<1x1000x128xf32> to vector<1000x128xf32>
    %get3A_67 = arith.constant 0 : index
    %get3A_68 = arith.constant 0 : index
    %get3A_69 = vector.load %arg2[%get3A_67, %get3A_68] : memref<1000x128xf32, #tpu.memory_space<vmem>>, vector<1000x128xf32>
    %mul3A_70 = arith.mulf %get3A_66, %get3A_69 : vector<1000x128xf32>
    %get3A_71 = arith.constant 3 : index
    %get3A_72 = arith.constant 0 : index
    %get3A_73 = arith.constant 0 : index
    %get3A_74 = vector.load %arg4[%get3A_71, %get3A_72, %get3A_73] : memref<16x128x256xf32, #tpu.memory_space<vmem>>, vector<1x128x256xf32>
    %get3A_75 = vector.shape_cast %get3A_74 : vector<1x128x256xf32> to vector<128x256xf32>
    %dot_general3A_76 = arith.constant dense<0.000000e+00> : vector<1000x256xf32>
    %dot_general3A_77 = tpu.matmul %mul3A_70, %get3A_75, %dot_general3A_76 {dimension_numbers = #tpu.dot_dimension_numbers<[1], [0], [0], [1], [0, 0, 1, 1], [], []>, transpose_lhs_hint = false} : vector<1000x128xf32>, vector<128x256xf32>, vector<1000x256xf32> -> vector<1000x256xf32>
    %add3A_78 = arith.addf %add3A_61, %dot_general3A_77 : vector<1000x256xf32>
    %get3A_79 = arith.constant 4 : index
    %get3A_80 = arith.constant 0 : index
    %get3A_81 = arith.constant 0 : index
    %get3A_82 = vector.load %arg1[%get3A_79, %get3A_80, %get3A_81] : memref<16x1000x128xf32, #tpu.memory_space<vmem>>, vector<1x1000x128xf32>
    %get3A_83 = vector.shape_cast %get3A_82 : vector<1x1000x128xf32> to vector<1000x128xf32>
    %get3A_84 = arith.constant 0 : index
    %get3A_85 = arith.constant 0 : index
    %get3A_86 = vector.load %arg2[%get3A_84, %get3A_85] : memref<1000x128xf32, #tpu.memory_space<vmem>>, vector<1000x128xf32>
    %mul3A_87 = arith.mulf %get3A_83, %get3A_86 : vector<1000x128xf32>
    %get3A_88 = arith.constant 4 : index
    %get3A_89 = arith.constant 0 : index
    %get3A_90 = arith.constant 0 : index
    %get3A_91 = vector.load %arg4[%get3A_88, %get3A_89, %get3A_90] : memref<16x128x256xf32, #tpu.memory_space<vmem>>, vector<1x128x256xf32>
    %get3A_92 = vector.shape_cast %get3A_91 : vector<1x128x256xf32> to vector<128x256xf32>
    %dot_general3A_93 = arith.constant dense<0.000000e+00> : vector<1000x256xf32>
    %dot_general3A_94 = tpu.matmul %mul3A_87, %get3A_92, %dot_general3A_93 {dimension_numbers = #tpu.dot_dimension_numbers<[1], [0], [0], [1], [0, 0, 1, 1], [], []>, transpose_lhs_hint = false} : vector<1000x128xf32>, vector<128x256xf32>, vector<1000x256xf32> -> vector<1000x256xf32>
    %add3A_95 = arith.addf %add3A_78, %dot_general3A_94 : vector<1000x256xf32>
    %get3A_96 = arith.constant 5 : index
    %get3A_97 = arith.constant 0 : index
    %get3A_98 = arith.constant 0 : index
    %get3A_99 = vector.load %arg1[%get3A_96, %get3A_97, %get3A_98] : memref<16x1000x128xf32, #tpu.memory_space<vmem>>, vector<1x1000x128xf32>
    %get3A_100 = vector.shape_cast %get3A_99 : vector<1x1000x128xf32> to vector<1000x128xf32>
    %get3A_101 = arith.constant 0 : index
    %get3A_102 = arith.constant 0 : index
    %get3A_103 = vector.load %arg2[%get3A_101, %get3A_102] : memref<1000x128xf32, #tpu.memory_space<vmem>>, vector<1000x128xf32>
    %mul3A_104 = arith.mulf %get3A_100, %get3A_103 : vector<1000x128xf32>
    %get3A_105 = arith.constant 5 : index
    %get3A_106 = arith.constant 0 : index
    %get3A_107 = arith.constant 0 : index
    %get3A_108 = vector.load %arg4[%get3A_105, %get3A_106, %get3A_107] : memref<16x128x256xf32, #tpu.memory_space<vmem>>, vector<1x128x256xf32>
    %get3A_109 = vector.shape_cast %get3A_108 : vector<1x128x256xf32> to vector<128x256xf32>
    %dot_general3A_110 = arith.constant dense<0.000000e+00> : vector<1000x256xf32>
    %dot_general3A_111 = tpu.matmul %mul3A_104, %get3A_109, %dot_general3A_110 {dimension_numbers = #tpu.dot_dimension_numbers<[1], [0], [0], [1], [0, 0, 1, 1], [], []>, transpose_lhs_hint = false} : vector<1000x128xf32>, vector<128x256xf32>, vector<1000x256xf32> -> vector<1000x256xf32>
    %add3A_112 = arith.addf %add3A_95, %dot_general3A_111 : vector<1000x256xf32>
    %get3A_113 = arith.constant 6 : index
    %get3A_114 = arith.constant 0 : index
    %get3A_115 = arith.constant 0 : index
    %get3A_116 = vector.load %arg1[%get3A_113, %get3A_114, %get3A_115] : memref<16x1000x128xf32, #tpu.memory_space<vmem>>, vector<1x1000x128xf32>
    %get3A_117 = vector.shape_cast %get3A_116 : vector<1x1000x128xf32> to vector<1000x128xf32>
    %get3A_118 = arith.constant 0 : index
    %get3A_119 = arith.constant 0 : index
    %get3A_120 = vector.load %arg2[%get3A_118, %get3A_119] : memref<1000x128xf32, #tpu.memory_space<vmem>>, vector<1000x128xf32>
    %mul3A_121 = arith.mulf %get3A_117, %get3A_120 : vector<1000x128xf32>
    %get3A_122 = arith.constant 6 : index
    %get3A_123 = arith.constant 0 : index
    %get3A_124 = arith.constant 0 : index
    %get3A_125 = vector.load %arg4[%get3A_122, %get3A_123, %get3A_124] : memref<16x128x256xf32, #tpu.memory_space<vmem>>, vector<1x128x256xf32>
    %get3A_126 = vector.shape_cast %get3A_125 : vector<1x128x256xf32> to vector<128x256xf32>
    %dot_general3A_127 = arith.constant dense<0.000000e+00> : vector<1000x256xf32>
    %dot_general3A_128 = tpu.matmul %mul3A_121, %get3A_126, %dot_general3A_127 {dimension_numbers = #tpu.dot_dimension_numbers<[1], [0], [0], [1], [0, 0, 1, 1], [], []>, transpose_lhs_hint = false} : vector<1000x128xf32>, vector<128x256xf32>, vector<1000x256xf32> -> vector<1000x256xf32>
    %add3A_129 = arith.addf %add3A_112, %dot_general3A_128 : vector<1000x256xf32>
    %get3A_130 = arith.constant 7 : index
    %get3A_131 = arith.constant 0 : index
    %get3A_132 = arith.constant 0 : index
    %get3A_133 = vector.load %arg1[%get3A_130, %get3A_131, %get3A_132] : memref<16x1000x128xf32, #tpu.memory_space<vmem>>, vector<1x1000x128xf32>
    %get3A_134 = vector.shape_cast %get3A_133 : vector<1x1000x128xf32> to vector<1000x128xf32>
    %get3A_135 = arith.constant 0 : index
    %get3A_136 = arith.constant 0 : index
    %get3A_137 = vector.load %arg2[%get3A_135, %get3A_136] : memref<1000x128xf32, #tpu.memory_space<vmem>>, vector<1000x128xf32>
    %mul3A_138 = arith.mulf %get3A_134, %get3A_137 : vector<1000x128xf32>
    %get3A_139 = arith.constant 7 : index
    %get3A_140 = arith.constant 0 : index
    %get3A_141 = arith.constant 0 : index
    %get3A_142 = vector.load %arg4[%get3A_139, %get3A_140, %get3A_141] : memref<16x128x256xf32, #tpu.memory_space<vmem>>, vector<1x128x256xf32>
    %get3A_143 = vector.shape_cast %get3A_142 : vector<1x128x256xf32> to vector<128x256xf32>
    %dot_general3A_144 = arith.constant dense<0.000000e+00> : vector<1000x256xf32>
    %dot_general3A_145 = tpu.matmul %mul3A_138, %get3A_143, %dot_general3A_144 {dimension_numbers = #tpu.dot_dimension_numbers<[1], [0], [0], [1], [0, 0, 1, 1], [], []>, transpose_lhs_hint = false} : vector<1000x128xf32>, vector<128x256xf32>, vector<1000x256xf32> -> vector<1000x256xf32>
    %add3A_146 = arith.addf %add3A_129, %dot_general3A_145 : vector<1000x256xf32>
    %get3A_147 = arith.constant 8 : index
    %get3A_148 = arith.constant 0 : index
    %get3A_149 = arith.constant 0 : index
    %get3A_150 = vector.load %arg1[%get3A_147, %get3A_148, %get3A_149] : memref<16x1000x128xf32, #tpu.memory_space<vmem>>, vector<1x1000x128xf32>
    %get3A_151 = vector.shape_cast %get3A_150 : vector<1x1000x128xf32> to vector<1000x128xf32>
    %get3A_152 = arith.constant 0 : index
    %get3A_153 = arith.constant 0 : index
    %get3A_154 = vector.load %arg2[%get3A_152, %get3A_153] : memref<1000x128xf32, #tpu.memory_space<vmem>>, vector<1000x128xf32>
    %mul3A_155 = arith.mulf %get3A_151, %get3A_154 : vector<1000x128xf32>
    %get3A_156 = arith.constant 8 : index
    %get3A_157 = arith.constant 0 : index
    %get3A_158 = arith.constant 0 : index
    %get3A_159 = vector.load %arg4[%get3A_156, %get3A_157, %get3A_158] : memref<16x128x256xf32, #tpu.memory_space<vmem>>, vector<1x128x256xf32>
    %get3A_160 = vector.shape_cast %get3A_159 : vector<1x128x256xf32> to vector<128x256xf32>
    %dot_general3A_161 = arith.constant dense<0.000000e+00> : vector<1000x256xf32>
    %dot_general3A_162 = tpu.matmul %mul3A_155, %get3A_160, %dot_general3A_161 {dimension_numbers = #tpu.dot_dimension_numbers<[1], [0], [0], [1], [0, 0, 1, 1], [], []>, transpose_lhs_hint = false} : vector<1000x128xf32>, vector<128x256xf32>, vector<1000x256xf32> -> vector<1000x256xf32>
    %add3A_163 = arith.addf %add3A_146, %dot_general3A_162 : vector<1000x256xf32>
    %get3A_164 = arith.constant 9 : index
    %get3A_165 = arith.constant 0 : index
    %get3A_166 = arith.constant 0 : index
    %get3A_167 = vector.load %arg1[%get3A_164, %get3A_165, %get3A_166] : memref<16x1000x128xf32, #tpu.memory_space<vmem>>, vector<1x1000x128xf32>
    %get3A_168 = vector.shape_cast %get3A_167 : vector<1x1000x128xf32> to vector<1000x128xf32>
    %get3A_169 = arith.constant 0 : index
    %get3A_170 = arith.constant 0 : index
    %get3A_171 = vector.load %arg2[%get3A_169, %get3A_170] : memref<1000x128xf32, #tpu.memory_space<vmem>>, vector<1000x128xf32>
    %mul3A_172 = arith.mulf %get3A_168, %get3A_171 : vector<1000x128xf32>
    %get3A_173 = arith.constant 9 : index
    %get3A_174 = arith.constant 0 : index
    %get3A_175 = arith.constant 0 : index
    %get3A_176 = vector.load %arg4[%get3A_173, %get3A_174, %get3A_175] : memref<16x128x256xf32, #tpu.memory_space<vmem>>, vector<1x128x256xf32>
    %get3A_177 = vector.shape_cast %get3A_176 : vector<1x128x256xf32> to vector<128x256xf32>
    %dot_general3A_178 = arith.constant dense<0.000000e+00> : vector<1000x256xf32>
    %dot_general3A_179 = tpu.matmul %mul3A_172, %get3A_177, %dot_general3A_178 {dimension_numbers = #tpu.dot_dimension_numbers<[1], [0], [0], [1], [0, 0, 1, 1], [], []>, transpose_lhs_hint = false} : vector<1000x128xf32>, vector<128x256xf32>, vector<1000x256xf32> -> vector<1000x256xf32>
    %add3A_180 = arith.addf %add3A_163, %dot_general3A_179 : vector<1000x256xf32>
    %get3A_181 = arith.constant 10 : index
    %get3A_182 = arith.constant 0 : index
    %get3A_183 = arith.constant 0 : index
    %get3A_184 = vector.load %arg1[%get3A_181, %get3A_182, %get3A_183] : memref<16x1000x128xf32, #tpu.memory_space<vmem>>, vector<1x1000x128xf32>
    %get3A_185 = vector.shape_cast %get3A_184 : vector<1x1000x128xf32> to vector<1000x128xf32>
    %get3A_186 = arith.constant 0 : index
    %get3A_187 = arith.constant 0 : index
    %get3A_188 = vector.load %arg2[%get3A_186, %get3A_187] : memref<1000x128xf32, #tpu.memory_space<vmem>>, vector<1000x128xf32>
    %mul3A_189 = arith.mulf %get3A_185, %get3A_188 : vector<1000x128xf32>
    %get3A_190 = arith.constant 10 : index
    %get3A_191 = arith.constant 0 : index
    %get3A_192 = arith.constant 0 : index
    %get3A_193 = vector.load %arg4[%get3A_190, %get3A_191, %get3A_192] : memref<16x128x256xf32, #tpu.memory_space<vmem>>, vector<1x128x256xf32>
    %get3A_194 = vector.shape_cast %get3A_193 : vector<1x128x256xf32> to vector<128x256xf32>
    %dot_general3A_195 = arith.constant dense<0.000000e+00> : vector<1000x256xf32>
    %dot_general3A_196 = tpu.matmul %mul3A_189, %get3A_194, %dot_general3A_195 {dimension_numbers = #tpu.dot_dimension_numbers<[1], [0], [0], [1], [0, 0, 1, 1], [], []>, transpose_lhs_hint = false} : vector<1000x128xf32>, vector<128x256xf32>, vector<1000x256xf32> -> vector<1000x256xf32>
    %add3A_197 = arith.addf %add3A_180, %dot_general3A_196 : vector<1000x256xf32>
    %get3A_198 = arith.constant 11 : index
    %get3A_199 = arith.constant 0 : index
    %get3A_200 = arith.constant 0 : index
    %get3A_201 = vector.load %arg1[%get3A_198, %get3A_199, %get3A_200] : memref<16x1000x128xf32, #tpu.memory_space<vmem>>, vector<1x1000x128xf32>
    %get3A_202 = vector.shape_cast %get3A_201 : vector<1x1000x128xf32> to vector<1000x128xf32>
    %get3A_203 = arith.constant 0 : index
    %get3A_204 = arith.constant 0 : index
    %get3A_205 = vector.load %arg2[%get3A_203, %get3A_204] : memref<1000x128xf32, #tpu.memory_space<vmem>>, vector<1000x128xf32>
    %mul3A_206 = arith.mulf %get3A_202, %get3A_205 : vector<1000x128xf32>
    %get3A_207 = arith.constant 11 : index
    %get3A_208 = arith.constant 0 : index
    %get3A_209 = arith.constant 0 : index
    %get3A_210 = vector.load %arg4[%get3A_207, %get3A_208, %get3A_209] : memref<16x128x256xf32, #tpu.memory_space<vmem>>, vector<1x128x256xf32>
    %get3A_211 = vector.shape_cast %get3A_210 : vector<1x128x256xf32> to vector<128x256xf32>
    %dot_general3A_212 = arith.constant dense<0.000000e+00> : vector<1000x256xf32>
    %dot_general3A_213 = tpu.matmul %mul3A_206, %get3A_211, %dot_general3A_212 {dimension_numbers = #tpu.dot_dimension_numbers<[1], [0], [0], [1], [0, 0, 1, 1], [], []>, transpose_lhs_hint = false} : vector<1000x128xf32>, vector<128x256xf32>, vector<1000x256xf32> -> vector<1000x256xf32>
    %add3A_214 = arith.addf %add3A_197, %dot_general3A_213 : vector<1000x256xf32>
    %get3A_215 = arith.constant 12 : index
    %get3A_216 = arith.constant 0 : index
    %get3A_217 = arith.constant 0 : index
    %get3A_218 = vector.load %arg1[%get3A_215, %get3A_216, %get3A_217] : memref<16x1000x128xf32, #tpu.memory_space<vmem>>, vector<1x1000x128xf32>
    %get3A_219 = vector.shape_cast %get3A_218 : vector<1x1000x128xf32> to vector<1000x128xf32>
    %get3A_220 = arith.constant 0 : index
    %get3A_221 = arith.constant 0 : index
    %get3A_222 = vector.load %arg2[%get3A_220, %get3A_221] : memref<1000x128xf32, #tpu.memory_space<vmem>>, vector<1000x128xf32>
    %mul3A_223 = arith.mulf %get3A_219, %get3A_222 : vector<1000x128xf32>
    %get3A_224 = arith.constant 12 : index
    %get3A_225 = arith.constant 0 : index
    %get3A_226 = arith.constant 0 : index
    %get3A_227 = vector.load %arg4[%get3A_224, %get3A_225, %get3A_226] : memref<16x128x256xf32, #tpu.memory_space<vmem>>, vector<1x128x256xf32>
    %get3A_228 = vector.shape_cast %get3A_227 : vector<1x128x256xf32> to vector<128x256xf32>
    %dot_general3A_229 = arith.constant dense<0.000000e+00> : vector<1000x256xf32>
    %dot_general3A_230 = tpu.matmul %mul3A_223, %get3A_228, %dot_general3A_229 {dimension_numbers = #tpu.dot_dimension_numbers<[1], [0], [0], [1], [0, 0, 1, 1], [], []>, transpose_lhs_hint = false} : vector<1000x128xf32>, vector<128x256xf32>, vector<1000x256xf32> -> vector<1000x256xf32>
    %add3A_231 = arith.addf %add3A_214, %dot_general3A_230 : vector<1000x256xf32>
    %get3A_232 = arith.constant 13 : index
    %get3A_233 = arith.constant 0 : index
    %get3A_234 = arith.constant 0 : index
    %get3A_235 = vector.load %arg1[%get3A_232, %get3A_233, %get3A_234] : memref<16x1000x128xf32, #tpu.memory_space<vmem>>, vector<1x1000x128xf32>
    %get3A_236 = vector.shape_cast %get3A_235 : vector<1x1000x128xf32> to vector<1000x128xf32>
    %get3A_237 = arith.constant 0 : index
    %get3A_238 = arith.constant 0 : index
    %get3A_239 = vector.load %arg2[%get3A_237, %get3A_238] : memref<1000x128xf32, #tpu.memory_space<vmem>>, vector<1000x128xf32>
    %mul3A_240 = arith.mulf %get3A_236, %get3A_239 : vector<1000x128xf32>
    %get3A_241 = arith.constant 13 : index
    %get3A_242 = arith.constant 0 : index
    %get3A_243 = arith.constant 0 : index
    %get3A_244 = vector.load %arg4[%get3A_241, %get3A_242, %get3A_243] : memref<16x128x256xf32, #tpu.memory_space<vmem>>, vector<1x128x256xf32>
    %get3A_245 = vector.shape_cast %get3A_244 : vector<1x128x256xf32> to vector<128x256xf32>
    %dot_general3A_246 = arith.constant dense<0.000000e+00> : vector<1000x256xf32>
    %dot_general3A_247 = tpu.matmul %mul3A_240, %get3A_245, %dot_general3A_246 {dimension_numbers = #tpu.dot_dimension_numbers<[1], [0], [0], [1], [0, 0, 1, 1], [], []>, transpose_lhs_hint = false} : vector<1000x128xf32>, vector<128x256xf32>, vector<1000x256xf32> -> vector<1000x256xf32>
    %add3A_248 = arith.addf %add3A_231, %dot_general3A_247 : vector<1000x256xf32>
    %get3A_249 = arith.constant 14 : index
    %get3A_250 = arith.constant 0 : index
    %get3A_251 = arith.constant 0 : index
    %get3A_252 = vector.load %arg1[%get3A_249, %get3A_250, %get3A_251] : memref<16x1000x128xf32, #tpu.memory_space<vmem>>, vector<1x1000x128xf32>
    %get3A_253 = vector.shape_cast %get3A_252 : vector<1x1000x128xf32> to vector<1000x128xf32>
    %get3A_254 = arith.constant 0 : index
    %get3A_255 = arith.constant 0 : index
    %get3A_256 = vector.load %arg2[%get3A_254, %get3A_255] : memref<1000x128xf32, #tpu.memory_space<vmem>>, vector<1000x128xf32>
    %mul3A_257 = arith.mulf %get3A_253, %get3A_256 : vector<1000x128xf32>
    %get3A_258 = arith.constant 14 : index
    %get3A_259 = arith.constant 0 : index
    %get3A_260 = arith.constant 0 : index
    %get3A_261 = vector.load %arg4[%get3A_258, %get3A_259, %get3A_260] : memref<16x128x256xf32, #tpu.memory_space<vmem>>, vector<1x128x256xf32>
    %get3A_262 = vector.shape_cast %get3A_261 : vector<1x128x256xf32> to vector<128x256xf32>
    %dot_general3A_263 = arith.constant dense<0.000000e+00> : vector<1000x256xf32>
    %dot_general3A_264 = tpu.matmul %mul3A_257, %get3A_262, %dot_general3A_263 {dimension_numbers = #tpu.dot_dimension_numbers<[1], [0], [0], [1], [0, 0, 1, 1], [], []>, transpose_lhs_hint = false} : vector<1000x128xf32>, vector<128x256xf32>, vector<1000x256xf32> -> vector<1000x256xf32>
    %add3A_265 = arith.addf %add3A_248, %dot_general3A_264 : vector<1000x256xf32>
    %get3A_266 = arith.constant 15 : index
    %get3A_267 = arith.constant 0 : index
    %get3A_268 = arith.constant 0 : index
    %get3A_269 = vector.load %arg1[%get3A_266, %get3A_267, %get3A_268] : memref<16x1000x128xf32, #tpu.memory_space<vmem>>, vector<1x1000x128xf32>
    %get3A_270 = vector.shape_cast %get3A_269 : vector<1x1000x128xf32> to vector<1000x128xf32>
    %get3A_271 = arith.constant 0 : index
    %get3A_272 = arith.constant 0 : index
    %get3A_273 = vector.load %arg2[%get3A_271, %get3A_272] : memref<1000x128xf32, #tpu.memory_space<vmem>>, vector<1000x128xf32>
    %mul3A_274 = arith.mulf %get3A_270, %get3A_273 : vector<1000x128xf32>
    %get3A_275 = arith.constant 15 : index
    %get3A_276 = arith.constant 0 : index
    %get3A_277 = arith.constant 0 : index
    %get3A_278 = vector.load %arg4[%get3A_275, %get3A_276, %get3A_277] : memref<16x128x256xf32, #tpu.memory_space<vmem>>, vector<1x128x256xf32>
    %get3A_279 = vector.shape_cast %get3A_278 : vector<1x128x256xf32> to vector<128x256xf32>
    %dot_general3A_280 = arith.constant dense<0.000000e+00> : vector<1000x256xf32>
    %dot_general3A_281 = tpu.matmul %mul3A_274, %get3A_279, %dot_general3A_280 {dimension_numbers = #tpu.dot_dimension_numbers<[1], [0], [0], [1], [0, 0, 1, 1], [], []>, transpose_lhs_hint = false} : vector<1000x128xf32>, vector<128x256xf32>, vector<1000x256xf32> -> vector<1000x256xf32>
    %add3A_282 = arith.addf %add3A_265, %dot_general3A_281 : vector<1000x256xf32>
    %get3A_283 = arith.constant 0 : index
    %get3A_284 = arith.constant 0 : index
    %get3A_285 = vector.load %arg6[%get3A_283, %get3A_284] : memref<1x256xf32, #tpu.memory_space<vmem>>, vector<1x256xf32>
    %add3A_286 = vector.broadcast %get3A_285 : vector<1x256xf32> to vector<1000x256xf32>
    %add3A_287 = arith.addf %add3A_282, %add3A_286 : vector<1000x256xf32>
    %swap3A = arith.constant 0 : index
    %swap3A_288 = arith.constant 0 : index
    %swap3A_289 = vector.load %arg7[%swap3A, %swap3A_288] : memref<1000x256xf32, #tpu.memory_space<vmem>>, vector<1000x256xf32>
    tpu.vector_store %arg7[%swap3A, %swap3A_288], %add3A_287 {strides = array<i32>} : memref<1000x256xf32, #tpu.memory_space<vmem>>, vector<1000x256xf32>,
    return
  }
  func.func @transform_0(%arg0: i32) -> (i32, i32, i32) {
    %c0_i32 = arith.constant 0 : i32
    %c0_i32_0 = arith.constant 0 : i32
    %c0_i32_1 = arith.constant 0 : i32
    return %c0_i32, %arg0, %c0_i32_0 : i32, i32, i32
  }
  func.func @transform_1(%arg0: i32) -> (i32, i32) {
    %c0_i32 = arith.constant 0 : i32
    %c0_i32_0 = arith.constant 0 : i32
    return %arg0, %c0_i32 : i32, i32
  }
  func.func @transform_2(%arg0: i32) -> (i32, i32, i32) {
    %c0_i32 = arith.constant 0 : i32
    %c0_i32_0 = arith.constant 0 : i32
    %c0_i32_1 = arith.constant 0 : i32
    return %c0_i32, %arg0, %c0_i32_0 : i32, i32, i32
  }
  func.func @transform_3(%arg0: i32) -> (i32, i32, i32) {
    %c0_i32 = arith.constant 0 : i32
    %c0_i32_0 = arith.constant 0 : i32
    %c0_i32_1 = arith.constant 0 : i32
    %c0_i32_2 = arith.constant 0 : i32
    return %c0_i32, %c0_i32_0, %c0_i32_1 : i32, i32, i32
  }
  func.func @transform_4(%arg0: i32) -> (i32, i32) {
    %c0_i32 = arith.constant 0 : i32
    %c0_i32_0 = arith.constant 0 : i32
    %c0_i32_1 = arith.constant 0 : i32
    return %c0_i32, %c0_i32_0 : i32, i32
  }
  func.func @transform_5(%arg0: i32) -> (i32, i32) {
    %c0_i32 = arith.constant 0 : i32
    %c0_i32_0 = arith.constant 0 : i32
    %c0_i32_1 = arith.constant 0 : i32
    return %c0_i32, %c0_i32_0 : i32, i32
  }
  func.func @transform_6(%arg0: i32) -> (i32, i32) {
    %c0_i32 = arith.constant 0 : i32
    %c0_i32_0 = arith.constant 0 : i32
    return %arg0, %c0_i32 : i32, i32
  }
}

</mosaic_0001>

<sc_bundles>
// kernel: kernel.10.cloned.1.call-start
scs
__scs_entry_jumppad:
0x0: {  	(pc) =	sbr.rel $0x88, $3  }
0x1: {  	(tag) =	ssettag $0x0;
	lr =	simm.s32 $0x1  }
0x2: {  	[smem:$0x3F98] =	sst lr;
	_ =	strace $0xD0000000  }
0x3: {  	_ = 	snop  }
0x4: {  	_ = 	snop  }
0x5: {  	_ = 	snop  }
0x6: {  	_ = 	snop  }
0x7: {  	_ = 	snop  }
__scs_overlays_trampoline_lowered:
0x8: {  	[smem:$0x3FA7] =	sst s0  }
0x9: {  	[smem:$0x3FA8] =	sst s1  }
0xa: {  	[smem:$0x3FA9] =	sst s2  }
0xb: {  	[smem:$0x3FAA] =	sst s3  }
0xc: {  	[smem:$0x3FAB] =	sst s4  }
0xd: {  	[smem:$0x3FAC] =	sst s5  }
0xe: {  	[smem:$0x3FAD] =	sst s6  }
0xf: {  	[smem:$0x3FAE] =	sst s7  }
0x10: {  	[smem:$0x3FAF] =	sst s8  }
0x11: {  	[smem:$0x3FB0] =	sst s9;
	s0 =	simm.s32 @!p0 $0x0  }
0x12: {  	s1 =	sld [smem:$0x3F96];
	s0 =	simm.s32 @p0 $0x1  }
0x13: {  	[smem:$0x3FB1] =	sst s0;
	s0 =	simm.s32 @!p1 $0x0  }
0x14: {  	s2 =	sld [smem:$0x3F95];
	s0 =	simm.s32 @p1 $0x1  }
0x15: {  	[smem:$0x3FB2] =	sst s0;
	s0 =	simm.s32 @!p2 $0x0  }
0x16: {  	s3 =	sld [smem:$0x3FDB];
	s0 =	simm.s32 @p2 $0x1  }
0x17: {  	s4 =	simm.s32 $0x1BF5;
	[smem:$0x3FB4] =	sst s0  }
0x18: {  	s0 =	sld [smem:$0x3F97];
	_ =	swait.ge [sflag:s4], $0x0  }
0x19: {  	s7 =	sld [smem:$0x3F98]  }
0x1a: {  	s8 =	sadd.s32 $0xFFFFE003, lr  }
0x1b: {  	s9 =	sadd.s32 $0xFFFFFEF7, lr;
	s5 =	simm.s32 $0xFFFFFFFF;
	p2 =	slt.u32 s8, $0xFFFFF086  }
0x1c: {  	p1 =	slt.u32 s9, $0xF7A;
	s5 =	simm.s32 @!p2 $0x0  }
0x1d: {  	s5 =	simm.s32 @p1 $0x1;
	p0 =	seq.s32 s7, s2  }
0x1e: {  	s7 =	smul.u32 @!p0 $0xF7A, s2;
	p2 =	seq.s32 @!p0 s5, $0x0  }
0x1f: {  	s9 =	smul.u32 $0xF7A, s1;
	s8 =	simm.s32 @!p0 $0x1BF5;
	p2 =	por !p2, p0  }
0x20: {  	[sflag:s8] =	ssyncset.s32 @!p0 $0xFFFFF086;
	s6 =	sadd.s32 @!p0 s3, s7;
	s7 =	simm.s32 @!p0 $0x108  }
0x21: {  	s3 =	sadd.s32 s3, s9;
	s6 =	sadd.s32 @!p0 $0x88, s6;
	s7 =	simm.s32 @p2 $0x1082  }
0x22: {  	[simem:s7], [sflag:s8] =	dma.local @!p0 [hbm:s6], $0xF7A  }
0x23: {  	s9 =	sor.u32 $0xD0000000, s2;
	s6 =	simm.s32 $0x108;
	_ =	swait.ge @!p0 [sflag:s8], $0x0  }
0x24: {  	s3 =	sadd.s32 $0x88, s3;
	s6 =	simm.s32 @!p1 $0x1082;
	[sflag:s4] =	ssyncset.s32 $0xFFFFF086  }
0x25: {  	[simem:s6], [sflag:s4] =	dma.local [hbm:s3], $0xF7A  }
0x26: {  	[smem:$0x3F98] =	sst s1;
	(tag) =	ssettag s2;
	_ =	strace s9  }
0x27: {  	s1 =	sld [smem:$0x3FA8]  }
0x28: {  	s2 =	sld [smem:$0x3FA9]  }
0x29: {  	s4 =	sld [smem:$0x3FAB]  }
0x2a: {  	p0 =	seq.s32 s5, $0x0;
	s5 =	sld [smem:$0x3FAC]  }
0x2b: {  	s6 =	sld [smem:$0x3FAD]  }
0x2c: {  	s7 =	sld [smem:$0x3FAE]  }
0x2d: {  	s3 =	simm.s32 $0x108;
	s8 =	sld [smem:$0x3FAF]  }
0x2e: {  	s3 =	simm.s32 @!p0 $0x1082;
	s9 =	sld [smem:$0x3FB0]  }
0x2f: {  	lr =	sadd.s32 s0, s3;
	s0 =	sld [smem:$0x3FA7]  }
0x30: {  	s3 =	sld [smem:$0x3FAA]  }
0x31: {  	[smem:$0x3FB3] =	sst s10  }
0x32: {  	s10 =	sld [smem:$0x3FB1];
	_ =	sdelay $0x3  }
0x33: {  	p0 =	seq.s32 s10, $0x1;
	s10 =	sld [smem:$0x3FB3];
	_ =	sdelay $0x3  }
0x34: {  	[smem:$0x3FB3] =	sst s10  }
0x35: {  	s10 =	sld [smem:$0x3FB2];
	_ =	sdelay $0x3  }
0x36: {  	p1 =	seq.s32 s10, $0x1;
	s10 =	sld [smem:$0x3FB3];
	_ =	sdelay $0x3  }
0x37: {  	[smem:$0x3FB3] =	sst s10  }
0x38: {  	s10 =	sld [smem:$0x3FB4]  }
0x39: {  	_ = 	snop;
	(pc) =	sbr.ind lr, $3  }
0x3a: {  	_ = 	snop  }
0x3b: {  	_ = 	snop  }
0x3c: {  	p2 =	seq.s32 s10, $0x1;
	s10 =	sld [smem:$0x3FB3]  }
0x3d: {  	_ =	shalt  }
0x3e: {  	_ =	shalt  }
0x3f: {  	_ =	shalt  }
0x40: {  	_ =	shalt  }
0x41: {  	_ =	shalt  }
0x42: {  	_ =	shalt  }
0x43: {  	_ =	shalt  }
0x44: {  	_ =	shalt  }
0x45: {  	_ =	shalt  }
0x46: {  	_ =	shalt  }
0x47: {  	_ =	shalt  }
0x48: {  	_ =	shalt  }
0x49: {  	_ =	shalt  }
0x4a: {  	_ =	shalt  }
0x4b: {  	_ =	shalt  }
0x4c: {  	_ =	shalt  }
0x4d: {  	_ =	shalt  }
0x4e: {  	_ =	shalt  }
0x4f: {  	_ =	shalt  }
0x50: {  	_ =	shalt  }
0x51: {  	_ =	shalt  }
0x52: {  	_ =	shalt  }
0x53: {  	_ =	shalt  }
0x54: {  	_ =	shalt  }
0x55: {  	_ =	shalt  }
0x56: {  	_ =	shalt  }
0x57: {  	_ =	shalt  }
0x58: {  	_ =	shalt  }
0x59: {  	_ =	shalt  }
0x5a: {  	_ =	shalt  }
0x5b: {  	_ =	shalt  }
0x5c: {  	_ =	shalt  }
0x5d: {  	_ =	shalt  }
0x5e: {  	_ =	shalt  }
0x5f: {  	_ =	shalt  }
0x60: {  	_ =	shalt  }
0x61: {  	_ =	shalt  }
0x62: {  	_ =	shalt  }
0x63: {  	_ =	shalt  }
0x64: {  	_ =	shalt  }
0x65: {  	_ =	shalt  }
0x66: {  	_ =	shalt  }
0x67: {  	_ =	shalt  }
0x68: {  	_ =	shalt  }
0x69: {  	_ =	shalt  }
0x6a: {  	_ =	shalt  }
0x6b: {  	_ =	shalt  }
0x6c: {  	_ =	shalt  }
0x6d: {  	_ =	shalt  }
0x6e: {  	_ =	shalt  }
0x6f: {  	_ =	shalt  }
0x70: {  	_ =	shalt  }
0x71: {  	_ =	shalt  }
0x72: {  	_ =	shalt  }
0x73: {  	_ =	shalt  }
0x74: {  	_ =	shalt  }
0x75: {  	_ =	shalt  }
0x76: {  	_ =	shalt  }
0x77: {  	_ =	shalt  }
0x78: {  	_ =	shalt  }
0x79: {  	_ =	shalt  }
0x7a: {  	_ =	shalt  }
0x7b: {  	_ =	shalt  }
0x7c: {  	_ =	shalt  }
0x7d: {  	_ =	shalt  }
0x7e: {  	_ =	shalt  }
0x7f: {  	_ =	shalt  }
0x80: {  	_ =	shalt  }
0x81: {  	_ =	shalt  }
0x82: {  	_ =	shalt  }
0x83: {  	_ =	shalt  }
0x84: {  	_ =	shalt  }
0x85: {  	_ =	shalt  }
0x86: {  	_ =	shalt  }
0x87: {  	_ =	shalt  }
.Lfunc_end0:
.L_simem_size_0:
called_computation.1_lowered:
.L_overlay_start_0:
0x88: {  	s2 =	sld [smem:$0x3FD9]  }
0x89: {  	s3 =	sld [smem:$0x3FFE];
	_ =	sdelay $0x1  }
0x8a: {  	s1 =	srdreg.scid  }
0x8b: {  	s0 =	sand.u32 $0x1, s1  }
0x8c: {  	s17 =	sshll.u32 s0, $0xA;
	s2 =	sadd.s32 s3, s2  }
0x8d: {  	s2 =	sadd.s32 s2, s17  }
0x8e: {  	[smem:$0x3FBF] =	sst s2  }
0x8f: {  	_ = 	snop  }
0x90: {  	s2 =	sld [smem:$0x3FD0];
	(tm) =	ssettm $0x1  }
0x91: {  	s18 =	sld [smem:$0x3FFB];
	_ =	sdelay $0x3  }
0x92: {  	_ =	strace s18  }
0x93: {  	s3 =	sld [smem:$0x3FFC];
	_ =	sdelay $0x3  }
0x94: {  	_ =	strace s3  }
0x95: {  	s3 =	sld [smem:$0x3FFD];
	_ =	sdelay $0x3  }
0x96: {  	_ =	strace s3  }
0x97: {  	_ =	strace $0x8FFFFFFF  }
0x98: {  	s19 =	sld [smem:$0x3FDB];
	_ =	sdelay $0x1  }
0x99: {  	s4 =	simm.s32 $_scs_section_size  }
0x9a: {  	s5 =	simm.s32 $_size__tile_overlayer_lowered;
	s6 =	simm.s32 $_tile_overlayer_lowered  }
0x9b: {  	s22 =	simm.s32 $0x1BFF;
	s21 =	sshll.u32 s6, $0x1;
	s3 =	sadd.s32 s4, s19  }
0x9c: {  	s7 =	simm.s32 $0x0;
	s20 =	sshll.u32 s5, $0x1;
	s5 =	sadd.s32 s21, s3  }
0x9d: {  	[timem:s7], [sflag:s22] =	dma.local [hbm:s5], s20  }
0x9e: {  	_ =	swait.ge [sflag:s22], s20  }
0x9f: {  	s4 =	ssub.s32 $0x0, s20;
	[sflag:s22] =	ssyncset.done $0x0  }
0xa0: {  	[sflag:s22] =	ssyncadd.s32 s4;
	_ =	sdelay $0x1  }
0xa1: {  	s23 =	simm.s32 $0x1B8B  }
0xa2: {  	_ =	swait.ge [sflag:s23], $0x1  }
0xa3: {  	[sflag:s23] =	ssyncset.done $0x0  }
0xa4: {  	s25 =	simm.s32 $0x1B8E;
	s24 =	sld [smem:$0x3FFE];
	[sflag:s23] =	ssyncadd.s32 $0xFFFFFFFF  }
0xa5: {  	s26 =	simm.s32 $execute0_lowered;
	[smem:$0x3FD2] =	sst s25  }
0xa6: {  	s5 =	sshll.u32 s26, $0x1;
	_ =	strace $0x80000049;
	[dreg:$0x1] =	wrdreg $0xFFFFFFFF  }
0xa7: {  	s28 =	simm.s32 $_size_execute0_lowered;
	s3 =	sadd.s32 s3, s5;
	[dreg:$0x0] =	wrdreg $0x0  }
0xa8: {  	s5 =	sshll.u32 s28, $0x1;
	[dreg:$0x2] =	wrdreg s3  }
0xa9: {  	[dreg:$0x3] =	wrdreg s5  }
0xaa: {  	[dreg:$0x4] =	wrdreg $0xC0  }
0xab: {  	_ =	task [dreg:s7], $0x5FFFF  }
0xac: {  	[dreg:$0x1] =	wrdreg $0xFFFFFFFF  }
0xad: {  	[dreg:$0x0] =	wrdreg $0x60  }
0xae: {  	[dreg:$0x2] =	wrdreg s2  }
0xaf: {  	[dreg:$0x3] =	wrdreg s24  }
0xb0: {  	[dreg:$0x4] =	wrdreg $0x8CA00  }
0xb1: {  	[dreg:$0x5] =	wrdreg $0x9  }
0xb2: {  	_ =	task.clear_ibuf [dreg:s7], $0x6FFFF;
	_ =	strace $0x90000049  }
0xb3: {  	s29 =	simm.s32 $0x9;
	_ =	strace $0x8000004B  }
0xb4: {  	_ =	swait.ge [sflag:s29], $0x1  }
0xb5: {  	[sflag:s29] =	ssyncadd.s32 $0xFFFFFFFF  }
0xb6: {  	_ =	strace $0x9000004B  }
0xb7: {  	_ =	sfence  }
0xb8: {  	s30 =	sld [smem:$0x0];
	_ =	sdelay $0x2  }
0xb9: {  	s31 =	sshll.u32 s1, $0xD;
	s1 =	sshrl.u32 s1, $0x2  }
0xba: {  	s3 =	sand.u32 $0x4000, s31;
	s1 =	sadd.s32 s1, s30  }
0xbb: {  	s0 =	sor.u32 s3, s0;
	s1 =	sshll.u32 s1, $0x11  }
0xbc: {  	s0 =	sor.u32 s1, s0  }
0xbd: {  	s0 =	sadd.s32 $0x8F2B, s0  }
0xbe: {  	[sflag:s0] =	ssyncadd.remote.s32 $0x1  }
0xbf: {  	_ =	sfence.sel $0xFFFF  }
0xc0: {  	[dreg:$0x0] =	wrdreg $0xFFFFFFFF;
	(pc) =	sbr.abs _section_cstart, $3  }
0xc1: {  	[dreg:$0x1] =	wrdreg $0xFFFFFFFF  }
0xc2: {  	_ =	task.clear_ibuf [dreg:s7], $0x2FFFF;
	_ =	strace $0x9FFFFFFF  }
0xc3: {  	(tm) =	ssettm $0x7FFFFFFF  }
tec
execute0_lowered:
.L_overlay_start_1:
0x0: {  	(tag) =	ssettag $0x1  }
0x1: {  	s0 =	rddreg [dreg:$0x0]  }
0x2: {  	s2 =	rddreg [dreg:$0x1]  }
0x3: {  	s1 =	rddreg [dreg:$0x2]  }
0x4: {  	s3 =	simm.s32 $0x0;
	s4 =	srdreg.scid;
	s10 =	stileid.u32  }
0x5: {  	s28 =	simm.s32 $0x3;
	s29 =	simm.s32 $0x7D0;
	s30 =	simm.s32 $0x3E8  }
0x6: {  	s31 =	simm.s32 $0x4E20;
	[smem:$0x7FF] =	sst s3;
	s5 =	sand.u32 $0x1, s4  }
0x7: {  	s4 =	sadd.s32 $0x13C00, s2;
	s11 =	smul.u32 $0x2710, s10;
	s7 =	sadd.s32 $0xEC00, s2  }
0x8: {  	s2 =	sadd.s32 $0x3AE00, s2;
	s24 =	smul.u32 $0x4E200, s10;
	_ =	strace $0x8000004A  }
0x9: {  	s6 =	ssub.s32 $0x2, s5;
	[dreg:$0x4] =	wrdreg s2;
	s8 =	smul.u32 $0x27100, s5  }
0xa: {  	s5 =	sshll.u32 s5, $0x3;
	s13 =	sshrl.u32 s6, $0x1;
	s14 =	sshrl.u32 s11, $0x3  }
0xb: {  	[dreg:$0x5] =	wrdreg s5;
	s15 =	sadd.s32 $0x3E8, s11;
	s17 =	sadd.s32 $0xBB8, s11  }
0xc: {  	s19 =	sadd.s32 $0x1388, s11;
	s23 =	sadd.s32 $0x1B58, s11;
	s12 =	smov.u32 s11  }
0xd: {  	s25 =	sadd.s32 $0x2328, s11;
	s5 =	sshrl.u32 s24, $0x2;
	s2 =	ssub.s32 s6, s13  }
0xe: {  	s6 =	sadd.s32 s7, s14;
	s9 =	sadd.s32 s0, s8;
	s16 =	sshrl.u32 s15, $0x3  }
0xf: {  	s18 =	sshrl.u32 s17, $0x3;
	s21 =	sshrl.u32 s19, $0x3;
	s17 =	smul.u32 $0x13880, s10  }
0x10: {  	s0 =	sadd.s32 s7, s16;
	s20 =	sadd.s32 $0xFA, s6;
	s22 =	sadd.s32 $0x1F4, s6  }
0x11: {  	s14 =	sadd.s32 s7, s21;
	s15 =	sadd.s32 $0x2EE, s6;
	[dreg:$0x6] =	wrdreg s0  }
0x12: {  	s13 =	smov.u32 s6;
	s2 =	smax.u32 s2, $0x1;
	[dreg:$0x7] =	wrdreg s20  }
0x13: {  	s21 =	simm.s32 $0xBB8;
	s0 =	sadd.s32 s7, s18;
	[dreg:$0x9] =	wrdreg s22  }
0x14: {  	s18 =	sadd.s32 $0x3E8, s6;
	s26 =	sadd.s32 s17, s1;
	s20 =	sadd.s32 s5, s1  }
0x15: {  	[dreg:$0xa] =	wrdreg s2;
	s2 =	simm.s32 $0x2;
	s5 =	simm.s32 $0x1  }
0x16: {  	[dreg:$0x8] =	wrdreg s0;
	s0 =	sshrl.u32 s23, $0x3;
	s22 =	sadd.s32 $0x3E80, s20  }
0x17: {  	s23 =	sadd.s32 $0x7D00, s20;
	s24 =	sadd.s32 $0xBB80, s20;
	s16 =	sadd.s32 s7, s0  }
0x18: {  	s0 =	sshrl.u32 s25, $0x3;
	s25 =	sshrl.u32 s26, $0x3;
	s26 =	sadd.s32 $0xFA00, s20  }
0x19: {  	v0 =	vimm.f32 $0.0e+00;
	s19 =	sadd.s32 s7, s0;
	s0 =	simm.s32 $0xFA0;
	s7 =	simm.s32 $0x0  }
.LBB2_1:
0x1a: {  	[dreg:$0xb] =	wrdreg s7;
	s6 =	simm.s32 $0x0  }
.LBB2_2:
0x1b: {  	s7 =	smul.u32 $0x27100, s6;
	_ =	sdelay $0x1  }
0x1c: {  	s7 =	sadd.s32 s12, s7  }
0x1d: {  	s8 =	sshrl.u32 s7, $0x3  }
0x1e: {  	s10 =	simm.s32 $0x0;
	s8 =	sadd.s32 s4, s8  }
0x1f: {  	[tilespmem:s10], [sflag:$0x3] =	stream.linear.gather [hbm4b:s8+s10], $0x3E8, $0x38;
	[tilespmem:$0x1C520] =	vst v63  }
0x20: {  	_ =	swait.ge [sflag:s28], $0x3E8  }
0x21: {  	[sflag:s28] =	ssyncset.done $0x0  }
0x22: {  	[sflag:s28] =	ssyncadd.s32 $0xFFFFFC18  }
0x23: {  	[tilespmem:s29], [sflag:$0x3] =	stream.linear.gather [hbm4b:s13+s10], $0x3E8, $0x38;
	[tilespmem:$0x1C520] =	vst v63  }
0x24: {  	_ =	swait.ge [sflag:s28], $0x3E8  }
0x25: {  	[sflag:s28] =	ssyncset.done $0x0  }
0x26: {  	[sflag:s28] =	ssyncadd.s32 $0xFFFFFC18  }
0x27: {  	[tilespmem:s31], [sflag:$0x2] =	stream.indirect.gather [hbm4b:s9+s30], $0x10, s10, s30, $0xb8;
	[tilespmem:$0x1C520] =	vst v63  }
0x28: {  	s11 =	simm.s32 $0x0;
	s10 =	simm.s32 $0x40  }
.LBB2_3:
0x29: {  	p0 =	sne.s32 s10, $0xF9C0;
	[tilespmem:s11+$0xFA0] =	vst v0;
	s11 =	smov.u32 s10;
	s10 =	sadd.s32 $0x40, s10  }
.Ltmp0:
0x2a: {  	(pc) =	sbr.rel @p0 .LBB2_3-.Ltmp0, $2  }
0x2b: {  	_ =	sdelay $0x2  }
0x2c: {  	s11 =	sshra.s32 s11, $0x2  }
0x2d: {  	[tilespmem:s11+$0xFA0] =	vst v0  }
0x2e: {  	[spmem:s20] =	stream.linear.scatter [tilespmem:s0], [sflag:$0x3], $0x3E80, $0x38;
	[tilespmem:$0x1C520] =	vst v63  }
0x2f: {  	_ =	swait.ge [sflag:s28], $0x3E80  }
0x30: {  	[sflag:s28] =	ssyncset.done $0x0  }
0x31: {  	[sflag:s28] =	ssyncadd.s32 $0xFFFFC180  }
0x32: {  	[spmem:s22] =	stream.linear.scatter [tilespmem:s0], [sflag:$0x3], $0x3E80, $0x38;
	[tilespmem:$0x1C520] =	vst v63  }
0x33: {  	_ =	swait.ge [sflag:s28], $0x3E80  }
0x34: {  	[sflag:s28] =	ssyncset.done $0x0  }
0x35: {  	[sflag:s28] =	ssyncadd.s32 $0xFFFFC180  }
0x36: {  	[spmem:s23] =	stream.linear.scatter [tilespmem:s0], [sflag:$0x3], $0x3E80, $0x38;
	[tilespmem:$0x1C520] =	vst v63  }
0x37: {  	_ =	swait.ge [sflag:s28], $0x3E80  }
0x38: {  	[sflag:s28] =	ssyncset.done $0x0  }
0x39: {  	[sflag:s28] =	ssyncadd.s32 $0xFFFFC180  }
0x3a: {  	[spmem:s24] =	stream.linear.scatter [tilespmem:s0], [sflag:$0x3], $0x3E80, $0x38;
	[tilespmem:$0x1C520] =	vst v63  }
0x3b: {  	_ =	swait.ge [sflag:s28], $0x3E80  }
0x3c: {  	[sflag:s28] =	ssyncset.done $0x0  }
0x3d: {  	[sflag:s28] =	ssyncadd.s32 $0xFFFFC180  }
0x3e: {  	[spmem:s26] =	stream.linear.scatter [tilespmem:s0], [sflag:$0x3], $0x3E80, $0x38;
	[tilespmem:$0x1C520] =	vst v63  }
0x3f: {  	_ =	swait.ge [sflag:s28], $0x3E80  }
0x40: {  	s10 =	sadd.s32 $0x3E8, s7;
	[sflag:s28] =	ssyncset.done $0x0  }
0x41: {  	s10 =	sshrl.u32 s10, $0x3;
	[sflag:s28] =	ssyncadd.s32 $0xFFFFC180  }
0x42: {  	s10 =	sadd.s32 s4, s10;
	[bflag:$0x0] =	sbarrier.arrive $0xFFFF  }
0x43: {  	[tilespmem:s30], [sflag:$0x3] =	stream.linear.gather [hbm4b:s10+s3], $0x3E8, $0x38;
	[tilespmem:$0x1C520] =	vst v63  }
0x44: {  	_ =	swait.ge [sflag:s28], $0x3E8  }
0x45: {  	[sflag:s28] =	ssyncset.done $0x0  }
0x46: {  	s11 =	rddreg [dreg:$0x6];
	[sflag:s28] =	ssyncadd.s32 $0xFFFFFC18  }
0x47: {  	[tilespmem:s21], [sflag:$0x3] =	stream.linear.gather [hbm4b:s11+s3], $0x3E8, $0x38;
	[tilespmem:$0x1C520] =	vst v63  }
0x48: {  	_ =	swait.ge [sflag:s28], $0x3E8  }
0x49: {  	[sflag:s28] =	ssyncset.done $0x0  }
0x4a: {  	[sflag:s28] =	ssyncadd.s32 $0xFFFFFC18  }
0x4b: {  	_ =	swait.ge [sflag:s2], $0x3E80  }
0x4c: {  	[sflag:s2] =	ssyncset.done $0x0  }
0x4d: {  	[sflag:s2] =	ssyncadd.s32 $0xFFFFC180  }
0x4e: {  	[tilespmem:s0], [sflag:$0x1] =	stream.indirect.gather [hbm4b:s9+s30], $0x10, s30, s30, $0xb8;
	[tilespmem:$0x1C520] =	vst v63  }
0x4f: {  	_ = 	snop  }
0x50: {  	[spmem:s1] =	stream.indirect.scatter.add.f32 [tilespmem:s31], [sflag:$0x3], $0x10, s29, s30, $0xb8;
	[tilespmem:$0x1C520] =	vst v63  }
0x51: {  	_ =	swait.ge [sflag:s28], $0x3E80  }
0x52: {  	[sflag:s28] =	ssyncset.done $0x0  }
0x53: {  	s11 =	sadd.s32 $0xFA, s8;
	[sflag:s28] =	ssyncadd.s32 $0xFFFFC180  }
0x54: {  	[tilespmem:s3], [sflag:$0x3] =	stream.linear.gather [hbm4b:s11+s3], $0x3E8, $0x38;
	[tilespmem:$0x1C520] =	vst v63  }
0x55: {  	_ =	swait.ge [sflag:s28], $0x3E8  }
0x56: {  	[sflag:s28] =	ssyncset.done $0x0  }
0x57: {  	s11 =	rddreg [dreg:$0x7];
	[sflag:s28] =	ssyncadd.s32 $0xFFFFFC18  }
0x58: {  	[tilespmem:s29], [sflag:$0x3] =	stream.linear.gather [hbm4b:s11+s3], $0x3E8, $0x38;
	[tilespmem:$0x1C520] =	vst v63  }
0x59: {  	_ =	swait.ge [sflag:s28], $0x3E8  }
0x5a: {  	[sflag:s28] =	ssyncset.done $0x0  }
0x5b: {  	[sflag:s28] =	ssyncadd.s32 $0xFFFFFC18  }
0x5c: {  	_ =	swait.ge [sflag:s5], $0x3E80  }
0x5d: {  	[sflag:s5] =	ssyncset.done $0x0  }
0x5e: {  	[sflag:s5] =	ssyncadd.s32 $0xFFFFC180  }
0x5f: {  	[tilespmem:s31], [sflag:$0x2] =	stream.indirect.gather [hbm4b:s9+s30], $0x10, s3, s30, $0xb8;
	[tilespmem:$0x1C520] =	vst v63  }
0x60: {  	_ = 	snop  }
0x61: {  	[spmem:s1] =	stream.indirect.scatter.add.f32 [tilespmem:s0], [sflag:$0x3], $0x10, s21, s30, $0xb8;
	[tilespmem:$0x1C520] =	vst v63  }
0x62: {  	s11 =	sadd.s32 $0xBB8, s7;
	_ =	swait.ge [sflag:s28], $0x3E80  }
0x63: {  	s10 =	sshrl.u32 s11, $0x3;
	[sflag:s28] =	ssyncset.done $0x0  }
0x64: {  	s10 =	sadd.s32 s4, s10;
	[sflag:s28] =	ssyncadd.s32 $0xFFFFC180  }
0x65: {  	[tilespmem:s30], [sflag:$0x3] =	stream.linear.gather [hbm4b:s10+s3], $0x3E8, $0x38;
	[tilespmem:$0x1C520] =	vst v63  }
0x66: {  	_ =	swait.ge [sflag:s28], $0x3E8  }
0x67: {  	[sflag:s28] =	ssyncset.done $0x0  }
0x68: {  	s11 =	rddreg [dreg:$0x8];
	[sflag:s28] =	ssyncadd.s32 $0xFFFFFC18  }
0x69: {  	[tilespmem:s21], [sflag:$0x3] =	stream.linear.gather [hbm4b:s11+s3], $0x3E8, $0x38;
	[tilespmem:$0x1C520] =	vst v63  }
0x6a: {  	_ =	swait.ge [sflag:s28], $0x3E8  }
0x6b: {  	[sflag:s28] =	ssyncset.done $0x0  }
0x6c: {  	[sflag:s28] =	ssyncadd.s32 $0xFFFFFC18  }
0x6d: {  	_ =	swait.ge [sflag:s2], $0x3E80  }
0x6e: {  	[sflag:s2] =	ssyncset.done $0x0  }
0x6f: {  	[sflag:s2] =	ssyncadd.s32 $0xFFFFC180  }
0x70: {  	[tilespmem:s0], [sflag:$0x1] =	stream.indirect.gather [hbm4b:s9+s30], $0x10, s30, s30, $0xb8;
	[tilespmem:$0x1C520] =	vst v63  }
0x71: {  	_ = 	snop  }
0x72: {  	[spmem:s1] =	stream.indirect.scatter.add.f32 [tilespmem:s31], [sflag:$0x3], $0x10, s29, s30, $0xb8;
	[tilespmem:$0x1C520] =	vst v63  }
0x73: {  	_ =	swait.ge [sflag:s28], $0x3E80  }
0x74: {  	[sflag:s28] =	ssyncset.done $0x0  }
0x75: {  	s11 =	sadd.s32 $0x1F4, s8;
	[sflag:s28] =	ssyncadd.s32 $0xFFFFC180  }
0x76: {  	[tilespmem:s3], [sflag:$0x3] =	stream.linear.gather [hbm4b:s11+s3], $0x3E8, $0x38;
	[tilespmem:$0x1C520] =	vst v63  }
0x77: {  	_ =	swait.ge [sflag:s28], $0x3E8  }
0x78: {  	[sflag:s28] =	ssyncset.done $0x0  }
0x79: {  	s11 =	rddreg [dreg:$0x9];
	[sflag:s28] =	ssyncadd.s32 $0xFFFFFC18  }
0x7a: {  	[tilespmem:s29], [sflag:$0x3] =	stream.linear.gather [hbm4b:s11+s3], $0x3E8, $0x38;
	[tilespmem:$0x1C520] =	vst v63  }
0x7b: {  	_ =	swait.ge [sflag:s28], $0x3E8  }
0x7c: {  	[sflag:s28] =	ssyncset.done $0x0  }
0x7d: {  	[sflag:s28] =	ssyncadd.s32 $0xFFFFFC18  }
0x7e: {  	_ =	swait.ge [sflag:s5], $0x3E80  }
0x7f: {  	[sflag:s5] =	ssyncset.done $0x0  }
0x80: {  	[sflag:s5] =	ssyncadd.s32 $0xFFFFC180  }
0x81: {  	[tilespmem:s31], [sflag:$0x2] =	stream.indirect.gather [hbm4b:s9+s30], $0x10, s3, s30, $0xb8;
	[tilespmem:$0x1C520] =	vst v63  }
0x82: {  	_ = 	snop  }
0x83: {  	[spmem:s1] =	stream.indirect.scatter.add.f32 [tilespmem:s0], [sflag:$0x3], $0x10, s21, s30, $0xb8;
	[tilespmem:$0x1C520] =	vst v63  }
0x84: {  	s11 =	sadd.s32 $0x1388, s7;
	_ =	swait.ge [sflag:s28], $0x3E80  }
0x85: {  	s10 =	sshrl.u32 s11, $0x3;
	[sflag:s28] =	ssyncset.done $0x0  }
0x86: {  	s10 =	sadd.s32 s4, s10;
	[sflag:s28] =	ssyncadd.s32 $0xFFFFC180  }
0x87: {  	[tilespmem:s30], [sflag:$0x3] =	stream.linear.gather [hbm4b:s10+s3], $0x3E8, $0x38;
	[tilespmem:$0x1C520] =	vst v63  }
0x88: {  	_ =	swait.ge [sflag:s28], $0x3E8  }
0x89: {  	[sflag:s28] =	ssyncset.done $0x0  }
0x8a: {  	[sflag:s28] =	ssyncadd.s32 $0xFFFFFC18  }
0x8b: {  	[tilespmem:s21], [sflag:$0x3] =	stream.linear.gather [hbm4b:s14+s3], $0x3E8, $0x38;
	[tilespmem:$0x1C520] =	vst v63  }
0x8c: {  	_ =	swait.ge [sflag:s28], $0x3E8  }
0x8d: {  	[sflag:s28] =	ssyncset.done $0x0  }
0x8e: {  	[sflag:s28] =	ssyncadd.s32 $0xFFFFFC18  }
0x8f: {  	_ =	swait.ge [sflag:s2], $0x3E80  }
0x90: {  	[sflag:s2] =	ssyncset.done $0x0  }
0x91: {  	[sflag:s2] =	ssyncadd.s32 $0xFFFFC180  }
0x92: {  	[tilespmem:s0], [sflag:$0x1] =	stream.indirect.gather [hbm4b:s9+s30], $0x10, s30, s30, $0xb8;
	[tilespmem:$0x1C520] =	vst v63  }
0x93: {  	_ = 	snop  }
0x94: {  	[spmem:s1] =	stream.indirect.scatter.add.f32 [tilespmem:s31], [sflag:$0x3], $0x10, s29, s30, $0xb8;
	[tilespmem:$0x1C520] =	vst v63  }
0x95: {  	_ =	swait.ge [sflag:s28], $0x3E80  }
0x96: {  	[sflag:s28] =	ssyncset.done $0x0  }
0x97: {  	s11 =	sadd.s32 $0x2EE, s8;
	[sflag:s28] =	ssyncadd.s32 $0xFFFFC180  }
0x98: {  	[tilespmem:s3], [sflag:$0x3] =	stream.linear.gather [hbm4b:s11+s3], $0x3E8, $0x38;
	[tilespmem:$0x1C520] =	vst v63  }
0x99: {  	_ =	swait.ge [sflag:s28], $0x3E8  }
0x9a: {  	[sflag:s28] =	ssyncset.done $0x0  }
0x9b: {  	[sflag:s28] =	ssyncadd.s32 $0xFFFFFC18  }
0x9c: {  	[tilespmem:s29], [sflag:$0x3] =	stream.linear.gather [hbm4b:s15+s3], $0x3E8, $0x38;
	[tilespmem:$0x1C520] =	vst v63  }
0x9d: {  	_ =	swait.ge [sflag:s28], $0x3E8  }
0x9e: {  	[sflag:s28] =	ssyncset.done $0x0  }
0x9f: {  	[sflag:s28] =	ssyncadd.s32 $0xFFFFFC18  }
0xa0: {  	_ =	swait.ge [sflag:s5], $0x3E80  }
0xa1: {  	[sflag:s5] =	ssyncset.done $0x0  }
0xa2: {  	[sflag:s5] =	ssyncadd.s32 $0xFFFFC180  }
0xa3: {  	[tilespmem:s31], [sflag:$0x2] =	stream.indirect.gather [hbm4b:s9+s30], $0x10, s3, s30, $0xb8;
	[tilespmem:$0x1C520] =	vst v63  }
0xa4: {  	_ = 	snop  }
0xa5: {  	[spmem:s1] =	stream.indirect.scatter.add.f32 [tilespmem:s0], [sflag:$0x3], $0x10, s21, s30, $0xb8;
	[tilespmem:$0x1C520] =	vst v63  }
0xa6: {  	s11 =	sadd.s32 $0x1B58, s7;
	_ =	swait.ge [sflag:s28], $0x3E80  }
0xa7: {  	s10 =	sshrl.u32 s11, $0x3;
	[sflag:s28] =	ssyncset.done $0x0  }
0xa8: {  	s10 =	sadd.s32 s4, s10;
	[sflag:s28] =	ssyncadd.s32 $0xFFFFC180  }
0xa9: {  	[tilespmem:s30], [sflag:$0x3] =	stream.linear.gather [hbm4b:s10+s3], $0x3E8, $0x38;
	[tilespmem:$0x1C520] =	vst v63  }
0xaa: {  	_ =	swait.ge [sflag:s28], $0x3E8  }
0xab: {  	[sflag:s28] =	ssyncset.done $0x0  }
0xac: {  	[sflag:s28] =	ssyncadd.s32 $0xFFFFFC18  }
0xad: {  	[tilespmem:s21], [sflag:$0x3] =	stream.linear.gather [hbm4b:s16+s3], $0x3E8, $0x38;
	[tilespmem:$0x1C520] =	vst v63  }
0xae: {  	_ =	swait.ge [sflag:s28], $0x3E8  }
0xaf: {  	[sflag:s28] =	ssyncset.done $0x0  }
0xb0: {  	[sflag:s28] =	ssyncadd.s32 $0xFFFFFC18  }
0xb1: {  	_ =	swait.ge [sflag:s2], $0x3E80  }
0xb2: {  	[sflag:s2] =	ssyncset.done $0x0  }
0xb3: {  	[sflag:s2] =	ssyncadd.s32 $0xFFFFC180  }
0xb4: {  	[tilespmem:s0], [sflag:$0x1] =	stream.indirect.gather [hbm4b:s9+s30], $0x10, s30, s30, $0xb8;
	[tilespmem:$0x1C520] =	vst v63  }
0xb5: {  	_ = 	snop  }
0xb6: {  	[spmem:s1] =	stream.indirect.scatter.add.f32 [tilespmem:s31], [sflag:$0x3], $0x10, s29, s30, $0xb8;
	[tilespmem:$0x1C520] =	vst v63  }
0xb7: {  	_ =	swait.ge [sflag:s28], $0x3E80  }
0xb8: {  	[sflag:s28] =	ssyncset.done $0x0  }
0xb9: {  	s10 =	sadd.s32 $0x3E8, s8;
	[sflag:s28] =	ssyncadd.s32 $0xFFFFC180  }
0xba: {  	[tilespmem:s3], [sflag:$0x3] =	stream.linear.gather [hbm4b:s10+s3], $0x3E8, $0x38;
	[tilespmem:$0x1C520] =	vst v63  }
0xbb: {  	_ =	swait.ge [sflag:s28], $0x3E8  }
0xbc: {  	[sflag:s28] =	ssyncset.done $0x0  }
0xbd: {  	[sflag:s28] =	ssyncadd.s32 $0xFFFFFC18  }
0xbe: {  	[tilespmem:s29], [sflag:$0x3] =	stream.linear.gather [hbm4b:s18+s3], $0x3E8, $0x38;
	[tilespmem:$0x1C520] =	vst v63  }
0xbf: {  	_ =	swait.ge [sflag:s28], $0x3E8  }
0xc0: {  	[sflag:s28] =	ssyncset.done $0x0  }
0xc1: {  	[sflag:s28] =	ssyncadd.s32 $0xFFFFFC18  }
0xc2: {  	_ =	swait.ge [sflag:s5], $0x3E80  }
0xc3: {  	[sflag:s5] =	ssyncset.done $0x0  }
0xc4: {  	[sflag:s5] =	ssyncadd.s32 $0xFFFFC180  }
0xc5: {  	[tilespmem:s31], [sflag:$0x2] =	stream.indirect.gather [hbm4b:s9+s30], $0x10, s3, s30, $0xb8;
	[tilespmem:$0x1C520] =	vst v63  }
0xc6: {  	_ = 	snop  }
0xc7: {  	[spmem:s1] =	stream.indirect.scatter.add.f32 [tilespmem:s0], [sflag:$0x3], $0x10, s21, s30, $0xb8;
	[tilespmem:$0x1C520] =	vst v63  }
0xc8: {  	s11 =	sadd.s32 $0x2328, s7;
	_ =	swait.ge [sflag:s28], $0x3E80  }
0xc9: {  	s7 =	sshrl.u32 s11, $0x3;
	[sflag:s28] =	ssyncset.done $0x0  }
0xca: {  	s7 =	sadd.s32 s4, s7;
	[sflag:s28] =	ssyncadd.s32 $0xFFFFC180  }
0xcb: {  	[tilespmem:s30], [sflag:$0x3] =	stream.linear.gather [hbm4b:s7+s3], $0x3E8, $0x38;
	[tilespmem:$0x1C520] =	vst v63  }
0xcc: {  	_ =	swait.ge [sflag:s28], $0x3E8  }
0xcd: {  	[sflag:s28] =	ssyncset.done $0x0  }
0xce: {  	[sflag:s28] =	ssyncadd.s32 $0xFFFFFC18  }
0xcf: {  	[tilespmem:s21], [sflag:$0x3] =	stream.linear.gather [hbm4b:s19+s3], $0x3E8, $0x38;
	[tilespmem:$0x1C520] =	vst v63  }
0xd0: {  	_ =	swait.ge [sflag:s28], $0x3E8  }
0xd1: {  	[sflag:s28] =	ssyncset.done $0x0  }
0xd2: {  	[sflag:s28] =	ssyncadd.s32 $0xFFFFFC18  }
0xd3: {  	_ =	swait.ge [sflag:s2], $0x3E80  }
0xd4: {  	[sflag:s2] =	ssyncset.done $0x0  }
0xd5: {  	[sflag:s2] =	ssyncadd.s32 $0xFFFFC180  }
0xd6: {  	[tilespmem:s0], [sflag:$0x1] =	stream.indirect.gather [hbm4b:s9+s30], $0x10, s30, s30, $0xb8;
	[tilespmem:$0x1C520] =	vst v63  }
0xd7: {  	_ = 	snop  }
0xd8: {  	[spmem:s1] =	stream.indirect.scatter.add.f32 [tilespmem:s31], [sflag:$0x3], $0x10, s29, s30, $0xb8;
	[tilespmem:$0x1C520] =	vst v63  }
0xd9: {  	_ =	swait.ge [sflag:s28], $0x3E80  }
0xda: {  	[sflag:s28] =	ssyncset.done $0x0  }
0xdb: {  	[sflag:s28] =	ssyncadd.s32 $0xFFFFC180  }
0xdc: {  	_ =	swait.ge [sflag:s5], $0x3E80  }
0xdd: {  	[sflag:s5] =	ssyncset.done $0x0  }
0xde: {  	s8 =	rddreg [dreg:$0x5];
	[sflag:s5] =	ssyncadd.s32 $0xFFFFC180  }
0xdf: {  	[spmem:s1] =	stream.indirect.scatter.add.f32 [tilespmem:s0], [sflag:$0x3], $0x10, s21, s30, $0xb8;
	[tilespmem:$0x1C520] =	vst v63  }
0xe0: {  	s7 =	sadd.s32 s8, s6;
	_ =	swait.ge [sflag:s28], $0x3E80  }
0xe1: {  	s10 =	stileid.u32;
	s7 =	smul.u32 $0x138800, s7;
	[sflag:s28] =	ssyncset.done $0x0  }
0xe2: {  	s8 =	sshll.u32 s10, $0x6;
	[sflag:s28] =	ssyncadd.s32 $0xFFFFC180  }
0xe3: {  	s6 =	sadd.s32 $0x1, s6;
	s7 =	sadd.s32 s17, s7;
	[bflag:$0x0] =	sbarrier.arrive $0xFFFF  }
0xe4: {  	p0 =	sne.s32 s6, $0x8;
	s7 =	sshrl.u32 s7, $0x3;
	s11 =	rddreg [dreg:$0x4]  }
.Ltmp1:
0xe5: {  	s8 =	sor.u32 $0x1C03, s8;
	s7 =	sadd.s32 s11, s7;
	(pc) =	sbr.rel @p0 .LBB2_2-.Ltmp1, $4  }
0xe6: {  	[hbm:s7], [sflag:s8] =	dma.local [spmem:s25], $0x2710  }
0xe7: {  	_ =	swait.ge [sflag:s28], $0x2710  }
0xe8: {  	[sflag:s28] =	ssyncset.done $0x0  }
0xe9: {  	[sflag:s28] =	ssyncadd.s32 $0xFFFFD8F0  }
0xea: {  	s7 =	rddreg [dreg:$0xb]  }
0xeb: {  	s6 =	rddreg [dreg:$0xa];
	s7 =	sadd.s32 $0x1, s7  }
0xec: {  	p0 =	sne.s32 s7, s6  }
.Ltmp2:
0xed: {  	_ = 	snop;
	(pc) =	sbr.rel @p0 .LBB2_1-.Ltmp2, $1  }
0xee: {  	_ =	sdelay $0x3  }
0xef: {  	_ =	sfence.sel $0x180000  }
0xf0: {  	[bflag:$0x0] =	sbarrier.arrive $0xFFFF  }
0xf1: {  	_ =	strace $0x9000004A  }
0xf2: {  	s0 =	stileid.u32;
	[bflag:$0x2] =	sbarrier.arrive $0xFFFF  }
0xf3: {  	p0 =	sne.s32 s0, $0x0;
	s0 =	rddreg [dreg:$0x3]  }
0xf4: {  	s0 =	sadd.s32 @!p0 $0x100000, s0  }
0xf5: {  	[sflag:s0] =	ssyncadd.tile.s32 @!p0 $0x1;
	_ =	shalt  }
.Lfunc_end2:
_tile_overlayer_lowered:
.L_overlay_start_2:
0xf6: {  	(tag) =	ssettag $0x2  }
0xf7: {  	s0 =	rddreg [dreg:$0x0];
	s2 =	stileid.u32  }
0xf8: {  	s1 =	rddreg [dreg:$0x1];
	p0 =	sne.s32 s2, $0x0  }
0xf9: {  	s3 =	rddreg [dreg:$0x2];
	[bflag:$0x3] =	sbarrier.arrive $0xFFFF;
	s2 =	simm.s32 @!p0 $0x1C03  }
0xfa: {  	[timem:s3], [sflag:s2] =	dma.local @!p0 [hbm:s0], s1  }
0xfb: {  	s0 =	simm.s32 @!p0 $0x3  }
0xfc: {  	_ =	swait.ge @!p0 [sflag:s0], s1  }
0xfd: {  	s1 =	ssub.s32 @!p0 $0x0, s1;
	[sflag:s0] =	ssyncset.done @!p0 $0x0  }
0xfe: {  	[sflag:s0] =	ssyncadd.s32 @!p0 s1  }
0xff: {  	[bflag:$0x3] =	sbarrier.arrive $0xFFFF  }
0x100: {  	_ =	shalt  }

// kernel: kernel.13.cloned.1.call-start
scs
__scs_entry_jumppad:
0x0: {  	(pc) =	sbr.rel $0x88, $3  }
0x1: {  	(tag) =	ssettag $0x0;
	lr =	simm.s32 $0x1  }
0x2: {  	[smem:$0x3F98] =	sst lr;
	_ =	strace $0xD0000000  }
0x3: {  	_ = 	snop  }
0x4: {  	_ = 	snop  }
0x5: {  	_ = 	snop  }
0x6: {  	_ = 	snop  }
0x7: {  	_ = 	snop  }
__scs_overlays_trampoline_lowered:
0x8: {  	[smem:$0x3FA7] =	sst s0  }
0x9: {  	[smem:$0x3FA8] =	sst s1  }
0xa: {  	[smem:$0x3FA9] =	sst s2  }
0xb: {  	[smem:$0x3FAA] =	sst s3  }
0xc: {  	[smem:$0x3FAB] =	sst s4  }
0xd: {  	[smem:$0x3FAC] =	sst s5  }
0xe: {  	[smem:$0x3FAD] =	sst s6  }
0xf: {  	[smem:$0x3FAE] =	sst s7  }
0x10: {  	[smem:$0x3FAF] =	sst s8  }
0x11: {  	[smem:$0x3FB0] =	sst s9;
	s0 =	simm.s32 @!p0 $0x0  }
0x12: {  	s1 =	sld [smem:$0x3F96];
	s0 =	simm.s32 @p0 $0x1  }
0x13: {  	[smem:$0x3FB1] =	sst s0;
	s0 =	simm.s32 @!p1 $0x0  }
0x14: {  	s2 =	sld [smem:$0x3F95];
	s0 =	simm.s32 @p1 $0x1  }
0x15: {  	[smem:$0x3FB2] =	sst s0;
	s0 =	simm.s32 @!p2 $0x0  }
0x16: {  	s3 =	sld [smem:$0x3FDB];
	s0 =	simm.s32 @p2 $0x1  }
0x17: {  	s4 =	simm.s32 $0x1BF5;
	[smem:$0x3FB4] =	sst s0  }
0x18: {  	s0 =	sld [smem:$0x3F97];
	_ =	swait.ge [sflag:s4], $0x0  }
0x19: {  	s7 =	sld [smem:$0x3F98]  }
0x1a: {  	s8 =	sadd.s32 $0xFFFFE003, lr  }
0x1b: {  	s9 =	sadd.s32 $0xFFFFFEF7, lr;
	s5 =	simm.s32 $0xFFFFFFFF;
	p2 =	slt.u32 s8, $0xFFFFF086  }
0x1c: {  	p1 =	slt.u32 s9, $0xF7A;
	s5 =	simm.s32 @!p2 $0x0  }
0x1d: {  	s5 =	simm.s32 @p1 $0x1;
	p0 =	seq.s32 s7, s2  }
0x1e: {  	s7 =	smul.u32 @!p0 $0xF7A, s2;
	p2 =	seq.s32 @!p0 s5, $0x0  }
0x1f: {  	s9 =	smul.u32 $0xF7A, s1;
	s8 =	simm.s32 @!p0 $0x1BF5;
	p2 =	por !p2, p0  }
0x20: {  	[sflag:s8] =	ssyncset.s32 @!p0 $0xFFFFF086;
	s6 =	sadd.s32 @!p0 s3, s7;
	s7 =	simm.s32 @!p0 $0x108  }
0x21: {  	s3 =	sadd.s32 s3, s9;
	s6 =	sadd.s32 @!p0 $0x88, s6;
	s7 =	simm.s32 @p2 $0x1082  }
0x22: {  	[simem:s7], [sflag:s8] =	dma.local @!p0 [hbm:s6], $0xF7A  }
0x23: {  	s9 =	sor.u32 $0xD0000000, s2;
	s6 =	simm.s32 $0x108;
	_ =	swait.ge @!p0 [sflag:s8], $0x0  }
0x24: {  	s3 =	sadd.s32 $0x88, s3;
	s6 =	simm.s32 @!p1 $0x1082;
	[sflag:s4] =	ssyncset.s32 $0xFFFFF086  }
0x25: {  	[simem:s6], [sflag:s4] =	dma.local [hbm:s3], $0xF7A  }
0x26: {  	[smem:$0x3F98] =	sst s1;
	(tag) =	ssettag s2;
	_ =	strace s9  }
0x27: {  	s1 =	sld [smem:$0x3FA8]  }
0x28: {  	s2 =	sld [smem:$0x3FA9]  }
0x29: {  	s4 =	sld [smem:$0x3FAB]  }
0x2a: {  	p0 =	seq.s32 s5, $0x0;
	s5 =	sld [smem:$0x3FAC]  }
0x2b: {  	s6 =	sld [smem:$0x3FAD]  }
0x2c: {  	s7 =	sld [smem:$0x3FAE]  }
0x2d: {  	s3 =	simm.s32 $0x108;
	s8 =	sld [smem:$0x3FAF]  }
0x2e: {  	s3 =	simm.s32 @!p0 $0x1082;
	s9 =	sld [smem:$0x3FB0]  }
0x2f: {  	lr =	sadd.s32 s0, s3;
	s0 =	sld [smem:$0x3FA7]  }
0x30: {  	s3 =	sld [smem:$0x3FAA]  }
0x31: {  	[smem:$0x3FB3] =	sst s10  }
0x32: {  	s10 =	sld [smem:$0x3FB1];
	_ =	sdelay $0x3  }
0x33: {  	p0 =	seq.s32 s10, $0x1;
	s10 =	sld [smem:$0x3FB3];
	_ =	sdelay $0x3  }
0x34: {  	[smem:$0x3FB3] =	sst s10  }
0x35: {  	s10 =	sld [smem:$0x3FB2];
	_ =	sdelay $0x3  }
0x36: {  	p1 =	seq.s32 s10, $0x1;
	s10 =	sld [smem:$0x3FB3];
	_ =	sdelay $0x3  }
0x37: {  	[smem:$0x3FB3] =	sst s10  }
0x38: {  	s10 =	sld [smem:$0x3FB4]  }
0x39: {  	_ = 	snop;
	(pc) =	sbr.ind lr, $3  }
0x3a: {  	_ = 	snop  }
0x3b: {  	_ = 	snop  }
0x3c: {  	p2 =	seq.s32 s10, $0x1;
	s10 =	sld [smem:$0x3FB3]  }
0x3d: {  	_ =	shalt  }
0x3e: {  	_ =	shalt  }
0x3f: {  	_ =	shalt  }
0x40: {  	_ =	shalt  }
0x41: {  	_ =	shalt  }
0x42: {  	_ =	shalt  }
0x43: {  	_ =	shalt  }
0x44: {  	_ =	shalt  }
0x45: {  	_ =	shalt  }
0x46: {  	_ =	shalt  }
0x47: {  	_ =	shalt  }
0x48: {  	_ =	shalt  }
0x49: {  	_ =	shalt  }
0x4a: {  	_ =	shalt  }
0x4b: {  	_ =	shalt  }
0x4c: {  	_ =	shalt  }
0x4d: {  	_ =	shalt  }
0x4e: {  	_ =	shalt  }
0x4f: {  	_ =	shalt  }
0x50: {  	_ =	shalt  }
0x51: {  	_ =	shalt  }
0x52: {  	_ =	shalt  }
0x53: {  	_ =	shalt  }
0x54: {  	_ =	shalt  }
0x55: {  	_ =	shalt  }
0x56: {  	_ =	shalt  }
0x57: {  	_ =	shalt  }
0x58: {  	_ =	shalt  }
0x59: {  	_ =	shalt  }
0x5a: {  	_ =	shalt  }
0x5b: {  	_ =	shalt  }
0x5c: {  	_ =	shalt  }
0x5d: {  	_ =	shalt  }
0x5e: {  	_ =	shalt  }
0x5f: {  	_ =	shalt  }
0x60: {  	_ =	shalt  }
0x61: {  	_ =	shalt  }
0x62: {  	_ =	shalt  }
0x63: {  	_ =	shalt  }
0x64: {  	_ =	shalt  }
0x65: {  	_ =	shalt  }
0x66: {  	_ =	shalt  }
0x67: {  	_ =	shalt  }
0x68: {  	_ =	shalt  }
0x69: {  	_ =	shalt  }
0x6a: {  	_ =	shalt  }
0x6b: {  	_ =	shalt  }
0x6c: {  	_ =	shalt  }
0x6d: {  	_ =	shalt  }
0x6e: {  	_ =	shalt  }
0x6f: {  	_ =	shalt  }
0x70: {  	_ =	shalt  }
0x71: {  	_ =	shalt  }
0x72: {  	_ =	shalt  }
0x73: {  	_ =	shalt  }
0x74: {  	_ =	shalt  }
0x75: {  	_ =	shalt  }
0x76: {  	_ =	shalt  }
0x77: {  	_ =	shalt  }
0x78: {  	_ =	shalt  }
0x79: {  	_ =	shalt  }
0x7a: {  	_ =	shalt  }
0x7b: {  	_ =	shalt  }
0x7c: {  	_ =	shalt  }
0x7d: {  	_ =	shalt  }
0x7e: {  	_ =	shalt  }
0x7f: {  	_ =	shalt  }
0x80: {  	_ =	shalt  }
0x81: {  	_ =	shalt  }
0x82: {  	_ =	shalt  }
0x83: {  	_ =	shalt  }
0x84: {  	_ =	shalt  }
0x85: {  	_ =	shalt  }
0x86: {  	_ =	shalt  }
0x87: {  	_ =	shalt  }
.Lfunc_end0:
.L_simem_size_0:
called_computation.2_lowered:
.L_overlay_start_0:
0x88: {  	s2 =	sld [smem:$0x3FD9]  }
0x89: {  	s3 =	sld [smem:$0x3FFE];
	_ =	sdelay $0x1  }
0x8a: {  	s1 =	srdreg.scid  }
0x8b: {  	s0 =	sand.u32 $0x1, s1  }
0x8c: {  	s17 =	sshll.u32 s0, $0xA;
	s2 =	sadd.s32 s3, s2  }
0x8d: {  	s2 =	sadd.s32 s2, s17  }
0x8e: {  	[smem:$0x3FBF] =	sst s2  }
0x8f: {  	_ = 	snop  }
0x90: {  	s2 =	sld [smem:$0x3FD0];
	(tm) =	ssettm $0x1  }
0x91: {  	s18 =	sld [smem:$0x3FFB];
	_ =	sdelay $0x3  }
0x92: {  	_ =	strace s18  }
0x93: {  	s3 =	sld [smem:$0x3FFC];
	_ =	sdelay $0x3  }
0x94: {  	_ =	strace s3  }
0x95: {  	s3 =	sld [smem:$0x3FFD];
	_ =	sdelay $0x3  }
0x96: {  	_ =	strace s3  }
0x97: {  	_ =	strace $0x8FFFFFFF  }
0x98: {  	s19 =	sld [smem:$0x3FDB];
	_ =	sdelay $0x1  }
0x99: {  	s4 =	simm.s32 $_scs_section_size  }
0x9a: {  	s5 =	simm.s32 $_size__tile_overlayer_lowered;
	s6 =	simm.s32 $_tile_overlayer_lowered  }
0x9b: {  	s22 =	simm.s32 $0x1BFF;
	s21 =	sshll.u32 s6, $0x1;
	s3 =	sadd.s32 s4, s19  }
0x9c: {  	s7 =	simm.s32 $0x0;
	s20 =	sshll.u32 s5, $0x1;
	s5 =	sadd.s32 s21, s3  }
0x9d: {  	[timem:s7], [sflag:s22] =	dma.local [hbm:s5], s20  }
0x9e: {  	_ =	swait.ge [sflag:s22], s20  }
0x9f: {  	s4 =	ssub.s32 $0x0, s20;
	[sflag:s22] =	ssyncset.done $0x0  }
0xa0: {  	[sflag:s22] =	ssyncadd.s32 s4;
	_ =	sdelay $0x1  }
0xa1: {  	s23 =	simm.s32 $0x1B8B  }
0xa2: {  	_ =	swait.ge [sflag:s23], $0x1  }
0xa3: {  	[sflag:s23] =	ssyncset.done $0x0  }
0xa4: {  	s25 =	simm.s32 $0x1B8E;
	s24 =	sld [smem:$0x3FFE];
	[sflag:s23] =	ssyncadd.s32 $0xFFFFFFFF  }
0xa5: {  	s26 =	simm.s32 $execute0_lowered;
	[smem:$0x3FD2] =	sst s25  }
0xa6: {  	s5 =	sshll.u32 s26, $0x1;
	_ =	strace $0x8000004C;
	[dreg:$0x1] =	wrdreg $0xFFFFFFFF  }
0xa7: {  	s28 =	simm.s32 $_size_execute0_lowered;
	s3 =	sadd.s32 s3, s5;
	[dreg:$0x0] =	wrdreg $0x0  }
0xa8: {  	s5 =	sshll.u32 s28, $0x1;
	[dreg:$0x2] =	wrdreg s3  }
0xa9: {  	[dreg:$0x3] =	wrdreg s5  }
0xaa: {  	[dreg:$0x4] =	wrdreg $0xC0  }
0xab: {  	_ =	task [dreg:s7], $0x5FFFF  }
0xac: {  	[dreg:$0x1] =	wrdreg $0xFFFFFFFF  }
0xad: {  	[dreg:$0x0] =	wrdreg $0x60  }
0xae: {  	[dreg:$0x2] =	wrdreg s2  }
0xaf: {  	[dreg:$0x3] =	wrdreg s24  }
0xb0: {  	[dreg:$0x4] =	wrdreg $0x8CA00  }
0xb1: {  	[dreg:$0x5] =	wrdreg $0x9  }
0xb2: {  	_ =	task.clear_ibuf [dreg:s7], $0x6FFFF;
	_ =	strace $0x9000004C  }
0xb3: {  	s29 =	simm.s32 $0x9;
	_ =	strace $0x8000004E  }
0xb4: {  	_ =	swait.ge [sflag:s29], $0x1  }
0xb5: {  	[sflag:s29] =	ssyncadd.s32 $0xFFFFFFFF  }
0xb6: {  	_ =	strace $0x9000004E  }
0xb7: {  	_ =	sfence  }
0xb8: {  	s30 =	sld [smem:$0x0];
	_ =	sdelay $0x2  }
0xb9: {  	s31 =	sshll.u32 s1, $0xD;
	s1 =	sshrl.u32 s1, $0x2  }
0xba: {  	s3 =	sand.u32 $0x4000, s31;
	s1 =	sadd.s32 s1, s30  }
0xbb: {  	s0 =	sor.u32 s3, s0;
	s1 =	sshll.u32 s1, $0x11  }
0xbc: {  	s0 =	sor.u32 s1, s0  }
0xbd: {  	s0 =	sadd.s32 $0x8F2B, s0  }
0xbe: {  	[sflag:s0] =	ssyncadd.remote.s32 $0x1  }
0xbf: {  	_ =	sfence.sel $0xFFFF  }
0xc0: {  	[dreg:$0x0] =	wrdreg $0xFFFFFFFF;
	(pc) =	sbr.abs _section_cstart, $3  }
0xc1: {  	[dreg:$0x1] =	wrdreg $0xFFFFFFFF  }
0xc2: {  	_ =	task.clear_ibuf [dreg:s7], $0x2FFFF;
	_ =	strace $0x9FFFFFFF  }
0xc3: {  	(tm) =	ssettm $0x7FFFFFFF  }
tec
execute0_lowered:
.L_overlay_start_1:
0x0: {  	(tag) =	ssettag $0x1  }
0x1: {  	s0 =	rddreg [dreg:$0x0]  }
0x2: {  	s2 =	rddreg [dreg:$0x1]  }
0x3: {  	s1 =	rddreg [dreg:$0x2]  }
0x4: {  	s3 =	simm.s32 $0x0;
	s4 =	srdreg.scid;
	s10 =	stileid.u32  }
0x5: {  	s28 =	simm.s32 $0x3;
	s29 =	simm.s32 $0x7D0;
	s30 =	simm.s32 $0x3E8  }
0x6: {  	s31 =	simm.s32 $0x4E20;
	[smem:$0x7FF] =	sst s3;
	s5 =	sand.u32 $0x1, s4  }
0x7: {  	s4 =	sadd.s32 $0x13C00, s2;
	s11 =	smul.u32 $0x2710, s10;
	s7 =	sadd.s32 $0xEC00, s2  }
0x8: {  	s2 =	sadd.s32 $0x3AE00, s2;
	s24 =	smul.u32 $0x4E200, s10;
	_ =	strace $0x8000004D  }
0x9: {  	s6 =	ssub.s32 $0x2, s5;
	[dreg:$0x4] =	wrdreg s2;
	s8 =	smul.u32 $0x27100, s5  }
0xa: {  	s5 =	sshll.u32 s5, $0x3;
	s13 =	sshrl.u32 s6, $0x1;
	s14 =	sshrl.u32 s11, $0x3  }
0xb: {  	[dreg:$0x5] =	wrdreg s5;
	s15 =	sadd.s32 $0x3E8, s11;
	s17 =	sadd.s32 $0xBB8, s11  }
0xc: {  	s19 =	sadd.s32 $0x1388, s11;
	s23 =	sadd.s32 $0x1B58, s11;
	s12 =	smov.u32 s11  }
0xd: {  	s25 =	sadd.s32 $0x2328, s11;
	s5 =	sshrl.u32 s24, $0x2;
	s2 =	ssub.s32 s6, s13  }
0xe: {  	s6 =	sadd.s32 s7, s14;
	s9 =	sadd.s32 s0, s8;
	s16 =	sshrl.u32 s15, $0x3  }
0xf: {  	s18 =	sshrl.u32 s17, $0x3;
	s21 =	sshrl.u32 s19, $0x3;
	s17 =	smul.u32 $0x13880, s10  }
0x10: {  	s0 =	sadd.s32 s7, s16;
	s20 =	sadd.s32 $0xFA, s6;
	s22 =	sadd.s32 $0x1F4, s6  }
0x11: {  	s14 =	sadd.s32 s7, s21;
	s15 =	sadd.s32 $0x2EE, s6;
	[dreg:$0x6] =	wrdreg s0  }
0x12: {  	s13 =	smov.u32 s6;
	s2 =	smax.u32 s2, $0x1;
	[dreg:$0x7] =	wrdreg s20  }
0x13: {  	s21 =	simm.s32 $0xBB8;
	s0 =	sadd.s32 s7, s18;
	[dreg:$0x9] =	wrdreg s22  }
0x14: {  	s18 =	sadd.s32 $0x3E8, s6;
	s26 =	sadd.s32 s17, s1;
	s20 =	sadd.s32 s5, s1  }
0x15: {  	[dreg:$0xa] =	wrdreg s2;
	s2 =	simm.s32 $0x2;
	s5 =	simm.s32 $0x1  }
0x16: {  	[dreg:$0x8] =	wrdreg s0;
	s0 =	sshrl.u32 s23, $0x3;
	s22 =	sadd.s32 $0x3E80, s20  }
0x17: {  	s23 =	sadd.s32 $0x7D00, s20;
	s24 =	sadd.s32 $0xBB80, s20;
	s16 =	sadd.s32 s7, s0  }
0x18: {  	s0 =	sshrl.u32 s25, $0x3;
	s25 =	sshrl.u32 s26, $0x3;
	s26 =	sadd.s32 $0xFA00, s20  }
0x19: {  	v0 =	vimm.f32 $0.0e+00;
	s19 =	sadd.s32 s7, s0;
	s0 =	simm.s32 $0xFA0;
	s7 =	simm.s32 $0x0  }
.LBB2_1:
0x1a: {  	[dreg:$0xb] =	wrdreg s7;
	s6 =	simm.s32 $0x0  }
.LBB2_2:
0x1b: {  	s7 =	smul.u32 $0x27100, s6;
	_ =	sdelay $0x1  }
0x1c: {  	s7 =	sadd.s32 s12, s7  }
0x1d: {  	s8 =	sshrl.u32 s7, $0x3  }
0x1e: {  	s10 =	simm.s32 $0x0;
	s8 =	sadd.s32 s4, s8  }
0x1f: {  	[tilespmem:s10], [sflag:$0x3] =	stream.linear.gather [hbm4b:s8+s10], $0x3E8, $0x38;
	[tilespmem:$0x1C520] =	vst v63  }
0x20: {  	_ =	swait.ge [sflag:s28], $0x3E8  }
0x21: {  	[sflag:s28] =	ssyncset.done $0x0  }
0x22: {  	[sflag:s28] =	ssyncadd.s32 $0xFFFFFC18  }
0x23: {  	[tilespmem:s29], [sflag:$0x3] =	stream.linear.gather [hbm4b:s13+s10], $0x3E8, $0x38;
	[tilespmem:$0x1C520] =	vst v63  }
0x24: {  	_ =	swait.ge [sflag:s28], $0x3E8  }
0x25: {  	[sflag:s28] =	ssyncset.done $0x0  }
0x26: {  	[sflag:s28] =	ssyncadd.s32 $0xFFFFFC18  }
0x27: {  	[tilespmem:s31], [sflag:$0x2] =	stream.indirect.gather [hbm4b:s9+s30], $0x10, s10, s30, $0xb8;
	[tilespmem:$0x1C520] =	vst v63  }
0x28: {  	s11 =	simm.s32 $0x0;
	s10 =	simm.s32 $0x40  }
.LBB2_3:
0x29: {  	p0 =	sne.s32 s10, $0xF9C0;
	[tilespmem:s11+$0xFA0] =	vst v0;
	s11 =	smov.u32 s10;
	s10 =	sadd.s32 $0x40, s10  }
.Ltmp0:
0x2a: {  	(pc) =	sbr.rel @p0 .LBB2_3-.Ltmp0, $2  }
0x2b: {  	_ =	sdelay $0x2  }
0x2c: {  	s11 =	sshra.s32 s11, $0x2  }
0x2d: {  	[tilespmem:s11+$0xFA0] =	vst v0  }
0x2e: {  	[spmem:s20] =	stream.linear.scatter [tilespmem:s0], [sflag:$0x3], $0x3E80, $0x38;
	[tilespmem:$0x1C520] =	vst v63  }
0x2f: {  	_ =	swait.ge [sflag:s28], $0x3E80  }
0x30: {  	[sflag:s28] =	ssyncset.done $0x0  }
0x31: {  	[sflag:s28] =	ssyncadd.s32 $0xFFFFC180  }
0x32: {  	[spmem:s22] =	stream.linear.scatter [tilespmem:s0], [sflag:$0x3], $0x3E80, $0x38;
	[tilespmem:$0x1C520] =	vst v63  }
0x33: {  	_ =	swait.ge [sflag:s28], $0x3E80  }
0x34: {  	[sflag:s28] =	ssyncset.done $0x0  }
0x35: {  	[sflag:s28] =	ssyncadd.s32 $0xFFFFC180  }
0x36: {  	[spmem:s23] =	stream.linear.scatter [tilespmem:s0], [sflag:$0x3], $0x3E80, $0x38;
	[tilespmem:$0x1C520] =	vst v63  }
0x37: {  	_ =	swait.ge [sflag:s28], $0x3E80  }
0x38: {  	[sflag:s28] =	ssyncset.done $0x0  }
0x39: {  	[sflag:s28] =	ssyncadd.s32 $0xFFFFC180  }
0x3a: {  	[spmem:s24] =	stream.linear.scatter [tilespmem:s0], [sflag:$0x3], $0x3E80, $0x38;
	[tilespmem:$0x1C520] =	vst v63  }
0x3b: {  	_ =	swait.ge [sflag:s28], $0x3E80  }
0x3c: {  	[sflag:s28] =	ssyncset.done $0x0  }
0x3d: {  	[sflag:s28] =	ssyncadd.s32 $0xFFFFC180  }
0x3e: {  	[spmem:s26] =	stream.linear.scatter [tilespmem:s0], [sflag:$0x3], $0x3E80, $0x38;
	[tilespmem:$0x1C520] =	vst v63  }
0x3f: {  	_ =	swait.ge [sflag:s28], $0x3E80  }
0x40: {  	s10 =	sadd.s32 $0x3E8, s7;
	[sflag:s28] =	ssyncset.done $0x0  }
0x41: {  	s10 =	sshrl.u32 s10, $0x3;
	[sflag:s28] =	ssyncadd.s32 $0xFFFFC180  }
0x42: {  	s10 =	sadd.s32 s4, s10;
	[bflag:$0x0] =	sbarrier.arrive $0xFFFF  }
0x43: {  	[tilespmem:s30], [sflag:$0x3] =	stream.linear.gather [hbm4b:s10+s3], $0x3E8, $0x38;
	[tilespmem:$0x1C520] =	vst v63  }
0x44: {  	_ =	swait.ge [sflag:s28], $0x3E8  }
0x45: {  	[sflag:s28] =	ssyncset.done $0x0  }
0x46: {  	s11 =	rddreg [dreg:$0x6];
	[sflag:s28] =	ssyncadd.s32 $0xFFFFFC18  }
0x47: {  	[tilespmem:s21], [sflag:$0x3] =	stream.linear.gather [hbm4b:s11+s3], $0x3E8, $0x38;
	[tilespmem:$0x1C520] =	vst v63  }
0x48: {  	_ =	swait.ge [sflag:s28], $0x3E8  }
0x49: {  	[sflag:s28] =	ssyncset.done $0x0  }
0x4a: {  	[sflag:s28] =	ssyncadd.s32 $0xFFFFFC18  }
0x4b: {  	_ =	swait.ge [sflag:s2], $0x3E80  }
0x4c: {  	[sflag:s2] =	ssyncset.done $0x0  }
0x4d: {  	[sflag:s2] =	ssyncadd.s32 $0xFFFFC180  }
0x4e: {  	[tilespmem:s0], [sflag:$0x1] =	stream.indirect.gather [hbm4b:s9+s30], $0x10, s30, s30, $0xb8;
	[tilespmem:$0x1C520] =	vst v63  }
0x4f: {  	_ = 	snop  }
0x50: {  	[spmem:s1] =	stream.indirect.scatter.add.f32 [tilespmem:s31], [sflag:$0x3], $0x10, s29, s30, $0xb8;
	[tilespmem:$0x1C520] =	vst v63  }
0x51: {  	_ =	swait.ge [sflag:s28], $0x3E80  }
0x52: {  	[sflag:s28] =	ssyncset.done $0x0  }
0x53: {  	s11 =	sadd.s32 $0xFA, s8;
	[sflag:s28] =	ssyncadd.s32 $0xFFFFC180  }
0x54: {  	[tilespmem:s3], [sflag:$0x3] =	stream.linear.gather [hbm4b:s11+s3], $0x3E8, $0x38;
	[tilespmem:$0x1C520] =	vst v63  }
0x55: {  	_ =	swait.ge [sflag:s28], $0x3E8  }
0x56: {  	[sflag:s28] =	ssyncset.done $0x0  }
0x57: {  	s11 =	rddreg [dreg:$0x7];
	[sflag:s28] =	ssyncadd.s32 $0xFFFFFC18  }
0x58: {  	[tilespmem:s29], [sflag:$0x3] =	stream.linear.gather [hbm4b:s11+s3], $0x3E8, $0x38;
	[tilespmem:$0x1C520] =	vst v63  }
0x59: {  	_ =	swait.ge [sflag:s28], $0x3E8  }
0x5a: {  	[sflag:s28] =	ssyncset.done $0x0  }
0x5b: {  	[sflag:s28] =	ssyncadd.s32 $0xFFFFFC18  }
0x5c: {  	_ =	swait.ge [sflag:s5], $0x3E80  }
0x5d: {  	[sflag:s5] =	ssyncset.done $0x0  }
0x5e: {  	[sflag:s5] =	ssyncadd.s32 $0xFFFFC180  }
0x5f: {  	[tilespmem:s31], [sflag:$0x2] =	stream.indirect.gather [hbm4b:s9+s30], $0x10, s3, s30, $0xb8;
	[tilespmem:$0x1C520] =	vst v63  }
0x60: {  	_ = 	snop  }
0x61: {  	[spmem:s1] =	stream.indirect.scatter.add.f32 [tilespmem:s0], [sflag:$0x3], $0x10, s21, s30, $0xb8;
	[tilespmem:$0x1C520] =	vst v63  }
0x62: {  	s11 =	sadd.s32 $0xBB8, s7;
	_ =	swait.ge [sflag:s28], $0x3E80  }
0x63: {  	s10 =	sshrl.u32 s11, $0x3;
	[sflag:s28] =	ssyncset.done $0x0  }
0x64: {  	s10 =	sadd.s32 s4, s10;
	[sflag:s28] =	ssyncadd.s32 $0xFFFFC180  }
0x65: {  	[tilespmem:s30], [sflag:$0x3] =	stream.linear.gather [hbm4b:s10+s3], $0x3E8, $0x38;
	[tilespmem:$0x1C520] =	vst v63  }
0x66: {  	_ =	swait.ge [sflag:s28], $0x3E8  }
0x67: {  	[sflag:s28] =	ssyncset.done $0x0  }
0x68: {  	s11 =	rddreg [dreg:$0x8];
	[sflag:s28] =	ssyncadd.s32 $0xFFFFFC18  }
0x69: {  	[tilespmem:s21], [sflag:$0x3] =	stream.linear.gather [hbm4b:s11+s3], $0x3E8, $0x38;
	[tilespmem:$0x1C520] =	vst v63  }
0x6a: {  	_ =	swait.ge [sflag:s28], $0x3E8  }
0x6b: {  	[sflag:s28] =	ssyncset.done $0x0  }
0x6c: {  	[sflag:s28] =	ssyncadd.s32 $0xFFFFFC18  }
0x6d: {  	_ =	swait.ge [sflag:s2], $0x3E80  }
0x6e: {  	[sflag:s2] =	ssyncset.done $0x0  }
0x6f: {  	[sflag:s2] =	ssyncadd.s32 $0xFFFFC180  }
0x70: {  	[tilespmem:s0], [sflag:$0x1] =	stream.indirect.gather [hbm4b:s9+s30], $0x10, s30, s30, $0xb8;
	[tilespmem:$0x1C520] =	vst v63  }
0x71: {  	_ = 	snop  }
0x72: {  	[spmem:s1] =	stream.indirect.scatter.add.f32 [tilespmem:s31], [sflag:$0x3], $0x10, s29, s30, $0xb8;
	[tilespmem:$0x1C520] =	vst v63  }
0x73: {  	_ =	swait.ge [sflag:s28], $0x3E80  }
0x74: {  	[sflag:s28] =	ssyncset.done $0x0  }
0x75: {  	s11 =	sadd.s32 $0x1F4, s8;
	[sflag:s28] =	ssyncadd.s32 $0xFFFFC180  }
0x76: {  	[tilespmem:s3], [sflag:$0x3] =	stream.linear.gather [hbm4b:s11+s3], $0x3E8, $0x38;
	[tilespmem:$0x1C520] =	vst v63  }
0x77: {  	_ =	swait.ge [sflag:s28], $0x3E8  }
0x78: {  	[sflag:s28] =	ssyncset.done $0x0  }
0x79: {  	s11 =	rddreg [dreg:$0x9];
	[sflag:s28] =	ssyncadd.s32 $0xFFFFFC18  }
0x7a: {  	[tilespmem:s29], [sflag:$0x3] =	stream.linear.gather [hbm4b:s11+s3], $0x3E8, $0x38;
	[tilespmem:$0x1C520] =	vst v63  }
0x7b: {  	_ =	swait.ge [sflag:s28], $0x3E8  }
0x7c: {  	[sflag:s28] =	ssyncset.done $0x0  }
0x7d: {  	[sflag:s28] =	ssyncadd.s32 $0xFFFFFC18  }
0x7e: {  	_ =	swait.ge [sflag:s5], $0x3E80  }
0x7f: {  	[sflag:s5] =	ssyncset.done $0x0  }
0x80: {  	[sflag:s5] =	ssyncadd.s32 $0xFFFFC180  }
0x81: {  	[tilespmem:s31], [sflag:$0x2] =	stream.indirect.gather [hbm4b:s9+s30], $0x10, s3, s30, $0xb8;
	[tilespmem:$0x1C520] =	vst v63  }
0x82: {  	_ = 	snop  }
0x83: {  	[spmem:s1] =	stream.indirect.scatter.add.f32 [tilespmem:s0], [sflag:$0x3], $0x10, s21, s30, $0xb8;
	[tilespmem:$0x1C520] =	vst v63  }
0x84: {  	s11 =	sadd.s32 $0x1388, s7;
	_ =	swait.ge [sflag:s28], $0x3E80  }
0x85: {  	s10 =	sshrl.u32 s11, $0x3;
	[sflag:s28] =	ssyncset.done $0x0  }
0x86: {  	s10 =	sadd.s32 s4, s10;
	[sflag:s28] =	ssyncadd.s32 $0xFFFFC180  }
0x87: {  	[tilespmem:s30], [sflag:$0x3] =	stream.linear.gather [hbm4b:s10+s3], $0x3E8, $0x38;
	[tilespmem:$0x1C520] =	vst v63  }
0x88: {  	_ =	swait.ge [sflag:s28], $0x3E8  }
0x89: {  	[sflag:s28] =	ssyncset.done $0x0  }
0x8a: {  	[sflag:s28] =	ssyncadd.s32 $0xFFFFFC18  }
0x8b: {  	[tilespmem:s21], [sflag:$0x3] =	stream.linear.gather [hbm4b:s14+s3], $0x3E8, $0x38;
	[tilespmem:$0x1C520] =	vst v63  }
0x8c: {  	_ =	swait.ge [sflag:s28], $0x3E8  }
0x8d: {  	[sflag:s28] =	ssyncset.done $0x0  }
0x8e: {  	[sflag:s28] =	ssyncadd.s32 $0xFFFFFC18  }
0x8f: {  	_ =	swait.ge [sflag:s2], $0x3E80  }
0x90: {  	[sflag:s2] =	ssyncset.done $0x0  }
0x91: {  	[sflag:s2] =	ssyncadd.s32 $0xFFFFC180  }
0x92: {  	[tilespmem:s0], [sflag:$0x1] =	stream.indirect.gather [hbm4b:s9+s30], $0x10, s30, s30, $0xb8;
	[tilespmem:$0x1C520] =	vst v63  }
0x93: {  	_ = 	snop  }
0x94: {  	[spmem:s1] =	stream.indirect.scatter.add.f32 [tilespmem:s31], [sflag:$0x3], $0x10, s29, s30, $0xb8;
	[tilespmem:$0x1C520] =	vst v63  }
0x95: {  	_ =	swait.ge [sflag:s28], $0x3E80  }
0x96: {  	[sflag:s28] =	ssyncset.done $0x0  }
0x97: {  	s11 =	sadd.s32 $0x2EE, s8;
	[sflag:s28] =	ssyncadd.s32 $0xFFFFC180  }
0x98: {  	[tilespmem:s3], [sflag:$0x3] =	stream.linear.gather [hbm4b:s11+s3], $0x3E8, $0x38;
	[tilespmem:$0x1C520] =	vst v63  }
0x99: {  	_ =	swait.ge [sflag:s28], $0x3E8  }
0x9a: {  	[sflag:s28] =	ssyncset.done $0x0  }
0x9b: {  	[sflag:s28] =	ssyncadd.s32 $0xFFFFFC18  }
0x9c: {  	[tilespmem:s29], [sflag:$0x3] =	stream.linear.gather [hbm4b:s15+s3], $0x3E8, $0x38;
	[tilespmem:$0x1C520] =	vst v63  }
0x9d: {  	_ =	swait.ge [sflag:s28], $0x3E8  }
0x9e: {  	[sflag:s28] =	ssyncset.done $0x0  }
0x9f: {  	[sflag:s28] =	ssyncadd.s32 $0xFFFFFC18  }
0xa0: {  	_ =	swait.ge [sflag:s5], $0x3E80  }
0xa1: {  	[sflag:s5] =	ssyncset.done $0x0  }
0xa2: {  	[sflag:s5] =	ssyncadd.s32 $0xFFFFC180  }
0xa3: {  	[tilespmem:s31], [sflag:$0x2] =	stream.indirect.gather [hbm4b:s9+s30], $0x10, s3, s30, $0xb8;
	[tilespmem:$0x1C520] =	vst v63  }
0xa4: {  	_ = 	snop  }
0xa5: {  	[spmem:s1] =	stream.indirect.scatter.add.f32 [tilespmem:s0], [sflag:$0x3], $0x10, s21, s30, $0xb8;
	[tilespmem:$0x1C520] =	vst v63  }
0xa6: {  	s11 =	sadd.s32 $0x1B58, s7;
	_ =	swait.ge [sflag:s28], $0x3E80  }
0xa7: {  	s10 =	sshrl.u32 s11, $0x3;
	[sflag:s28] =	ssyncset.done $0x0  }
0xa8: {  	s10 =	sadd.s32 s4, s10;
	[sflag:s28] =	ssyncadd.s32 $0xFFFFC180  }
0xa9: {  	[tilespmem:s30], [sflag:$0x3] =	stream.linear.gather [hbm4b:s10+s3], $0x3E8, $0x38;
	[tilespmem:$0x1C520] =	vst v63  }
0xaa: {  	_ =	swait.ge [sflag:s28], $0x3E8  }
0xab: {  	[sflag:s28] =	ssyncset.done $0x0  }
0xac: {  	[sflag:s28] =	ssyncadd.s32 $0xFFFFFC18  }
0xad: {  	[tilespmem:s21], [sflag:$0x3] =	stream.linear.gather [hbm4b:s16+s3], $0x3E8, $0x38;
	[tilespmem:$0x1C520] =	vst v63  }
0xae: {  	_ =	swait.ge [sflag:s28], $0x3E8  }
0xaf: {  	[sflag:s28] =	ssyncset.done $0x0  }
0xb0: {  	[sflag:s28] =	ssyncadd.s32 $0xFFFFFC18  }
0xb1: {  	_ =	swait.ge [sflag:s2], $0x3E80  }
0xb2: {  	[sflag:s2] =	ssyncset.done $0x0  }
0xb3: {  	[sflag:s2] =	ssyncadd.s32 $0xFFFFC180  }
0xb4: {  	[tilespmem:s0], [sflag:$0x1] =	stream.indirect.gather [hbm4b:s9+s30], $0x10, s30, s30, $0xb8;
	[tilespmem:$0x1C520] =	vst v63  }
0xb5: {  	_ = 	snop  }
0xb6: {  	[spmem:s1] =	stream.indirect.scatter.add.f32 [tilespmem:s31], [sflag:$0x3], $0x10, s29, s30, $0xb8;
	[tilespmem:$0x1C520] =	vst v63  }
0xb7: {  	_ =	swait.ge [sflag:s28], $0x3E80  }
0xb8: {  	[sflag:s28] =	ssyncset.done $0x0  }
0xb9: {  	s10 =	sadd.s32 $0x3E8, s8;
	[sflag:s28] =	ssyncadd.s32 $0xFFFFC180  }
0xba: {  	[tilespmem:s3], [sflag:$0x3] =	stream.linear.gather [hbm4b:s10+s3], $0x3E8, $0x38;
	[tilespmem:$0x1C520] =	vst v63  }
0xbb: {  	_ =	swait.ge [sflag:s28], $0x3E8  }
0xbc: {  	[sflag:s28] =	ssyncset.done $0x0  }
0xbd: {  	[sflag:s28] =	ssyncadd.s32 $0xFFFFFC18  }
0xbe: {  	[tilespmem:s29], [sflag:$0x3] =	stream.linear.gather [hbm4b:s18+s3], $0x3E8, $0x38;
	[tilespmem:$0x1C520] =	vst v63  }
0xbf: {  	_ =	swait.ge [sflag:s28], $0x3E8  }
0xc0: {  	[sflag:s28] =	ssyncset.done $0x0  }
0xc1: {  	[sflag:s28] =	ssyncadd.s32 $0xFFFFFC18  }
0xc2: {  	_ =	swait.ge [sflag:s5], $0x3E80  }
0xc3: {  	[sflag:s5] =	ssyncset.done $0x0  }
0xc4: {  	[sflag:s5] =	ssyncadd.s32 $0xFFFFC180  }
0xc5: {  	[tilespmem:s31], [sflag:$0x2] =	stream.indirect.gather [hbm4b:s9+s30], $0x10, s3, s30, $0xb8;
	[tilespmem:$0x1C520] =	vst v63  }
0xc6: {  	_ = 	snop  }
0xc7: {  	[spmem:s1] =	stream.indirect.scatter.add.f32 [tilespmem:s0], [sflag:$0x3], $0x10, s21, s30, $0xb8;
	[tilespmem:$0x1C520] =	vst v63  }
0xc8: {  	s11 =	sadd.s32 $0x2328, s7;
	_ =	swait.ge [sflag:s28], $0x3E80  }
0xc9: {  	s7 =	sshrl.u32 s11, $0x3;
	[sflag:s28] =	ssyncset.done $0x0  }
0xca: {  	s7 =	sadd.s32 s4, s7;
	[sflag:s28] =	ssyncadd.s32 $0xFFFFC180  }
0xcb: {  	[tilespmem:s30], [sflag:$0x3] =	stream.linear.gather [hbm4b:s7+s3], $0x3E8, $0x38;
	[tilespmem:$0x1C520] =	vst v63  }
0xcc: {  	_ =	swait.ge [sflag:s28], $0x3E8  }
0xcd: {  	[sflag:s28] =	ssyncset.done $0x0  }
0xce: {  	[sflag:s28] =	ssyncadd.s32 $0xFFFFFC18  }
0xcf: {  	[tilespmem:s21], [sflag:$0x3] =	stream.linear.gather [hbm4b:s19+s3], $0x3E8, $0x38;
	[tilespmem:$0x1C520] =	vst v63  }
0xd0: {  	_ =	swait.ge [sflag:s28], $0x3E8  }
0xd1: {  	[sflag:s28] =	ssyncset.done $0x0  }
0xd2: {  	[sflag:s28] =	ssyncadd.s32 $0xFFFFFC18  }
0xd3: {  	_ =	swait.ge [sflag:s2], $0x3E80  }
0xd4: {  	[sflag:s2] =	ssyncset.done $0x0  }
0xd5: {  	[sflag:s2] =	ssyncadd.s32 $0xFFFFC180  }
0xd6: {  	[tilespmem:s0], [sflag:$0x1] =	stream.indirect.gather [hbm4b:s9+s30], $0x10, s30, s30, $0xb8;
	[tilespmem:$0x1C520] =	vst v63  }
0xd7: {  	_ = 	snop  }
0xd8: {  	[spmem:s1] =	stream.indirect.scatter.add.f32 [tilespmem:s31], [sflag:$0x3], $0x10, s29, s30, $0xb8;
	[tilespmem:$0x1C520] =	vst v63  }
0xd9: {  	_ =	swait.ge [sflag:s28], $0x3E80  }
0xda: {  	[sflag:s28] =	ssyncset.done $0x0  }
0xdb: {  	[sflag:s28] =	ssyncadd.s32 $0xFFFFC180  }
0xdc: {  	_ =	swait.ge [sflag:s5], $0x3E80  }
0xdd: {  	[sflag:s5] =	ssyncset.done $0x0  }
0xde: {  	s8 =	rddreg [dreg:$0x5];
	[sflag:s5] =	ssyncadd.s32 $0xFFFFC180  }
0xdf: {  	[spmem:s1] =	stream.indirect.scatter.add.f32 [tilespmem:s0], [sflag:$0x3], $0x10, s21, s30, $0xb8;
	[tilespmem:$0x1C520] =	vst v63  }
0xe0: {  	s7 =	sadd.s32 s8, s6;
	_ =	swait.ge [sflag:s28], $0x3E80  }
0xe1: {  	s10 =	stileid.u32;
	s7 =	smul.u32 $0x138800, s7;
	[sflag:s28] =	ssyncset.done $0x0  }
0xe2: {  	s8 =	sshll.u32 s10, $0x6;
	[sflag:s28] =	ssyncadd.s32 $0xFFFFC180  }
0xe3: {  	s6 =	sadd.s32 $0x1, s6;
	s7 =	sadd.s32 s17, s7;
	[bflag:$0x0] =	sbarrier.arrive $0xFFFF  }
0xe4: {  	p0 =	sne.s32 s6, $0x8;
	s7 =	sshrl.u32 s7, $0x3;
	s11 =	rddreg [dreg:$0x4]  }
.Ltmp1:
0xe5: {  	s8 =	sor.u32 $0x1C03, s8;
	s7 =	sadd.s32 s11, s7;
	(pc) =	sbr.rel @p0 .LBB2_2-.Ltmp1, $4  }
0xe6: {  	[hbm:s7], [sflag:s8] =	dma.local [spmem:s25], $0x2710  }
0xe7: {  	_ =	swait.ge [sflag:s28], $0x2710  }
0xe8: {  	[sflag:s28] =	ssyncset.done $0x0  }
0xe9: {  	[sflag:s28] =	ssyncadd.s32 $0xFFFFD8F0  }
0xea: {  	s7 =	rddreg [dreg:$0xb]  }
0xeb: {  	s6 =	rddreg [dreg:$0xa];
	s7 =	sadd.s32 $0x1, s7  }
0xec: {  	p0 =	sne.s32 s7, s6  }
.Ltmp2:
0xed: {  	_ = 	snop;
	(pc) =	sbr.rel @p0 .LBB2_1-.Ltmp2, $1  }
0xee: {  	_ =	sdelay $0x3  }
0xef: {  	_ =	sfence.sel $0x180000  }
0xf0: {  	[bflag:$0x0] =	sbarrier.arrive $0xFFFF  }
0xf1: {  	_ =	strace $0x9000004D  }
0xf2: {  	s0 =	stileid.u32;
	[bflag:$0x2] =	sbarrier.arrive $0xFFFF  }
0xf3: {  	p0 =	sne.s32 s0, $0x0;
	s0 =	rddreg [dreg:$0x3]  }
0xf4: {  	s0 =	sadd.s32 @!p0 $0x100000, s0  }
0xf5: {  	[sflag:s0] =	ssyncadd.tile.s32 @!p0 $0x1;
	_ =	shalt  }
.Lfunc_end2:
_tile_overlayer_lowered:
.L_overlay_start_2:
0xf6: {  	(tag) =	ssettag $0x2  }
0xf7: {  	s0 =	rddreg [dreg:$0x0];
	s2 =	stileid.u32  }
0xf8: {  	s1 =	rddreg [dreg:$0x1];
	p0 =	sne.s32 s2, $0x0  }
0xf9: {  	s3 =	rddreg [dreg:$0x2];
	[bflag:$0x3] =	sbarrier.arrive $0xFFFF;
	s2 =	simm.s32 @!p0 $0x1C03  }
0xfa: {  	[timem:s3], [sflag:s2] =	dma.local @!p0 [hbm:s0], s1  }
0xfb: {  	s0 =	simm.s32 @!p0 $0x3  }
0xfc: {  	_ =	swait.ge @!p0 [sflag:s0], s1  }
0xfd: {  	s1 =	ssub.s32 @!p0 $0x0, s1;
	[sflag:s0] =	ssyncset.done @!p0 $0x0  }
0xfe: {  	[sflag:s0] =	ssyncadd.s32 @!p0 s1  }
0xff: {  	[bflag:$0x3] =	sbarrier.arrive $0xFFFF  }
0x100: {  	_ =	shalt  }

// kernel: kernel.7.cloned.1.call-start
scs
__scs_entry_jumppad:
0x0: {  	(pc) =	sbr.rel $0x88, $3  }
0x1: {  	(tag) =	ssettag $0x0;
	lr =	simm.s32 $0x1  }
0x2: {  	[smem:$0x3F98] =	sst lr;
	_ =	strace $0xD0000000  }
0x3: {  	_ = 	snop  }
0x4: {  	_ = 	snop  }
0x5: {  	_ = 	snop  }
0x6: {  	_ = 	snop  }
0x7: {  	_ = 	snop  }
__scs_overlays_trampoline_lowered:
0x8: {  	[smem:$0x3FA7] =	sst s0  }
0x9: {  	[smem:$0x3FA8] =	sst s1  }
0xa: {  	[smem:$0x3FA9] =	sst s2  }
0xb: {  	[smem:$0x3FAA] =	sst s3  }
0xc: {  	[smem:$0x3FAB] =	sst s4  }
0xd: {  	[smem:$0x3FAC] =	sst s5  }
0xe: {  	[smem:$0x3FAD] =	sst s6  }
0xf: {  	[smem:$0x3FAE] =	sst s7  }
0x10: {  	[smem:$0x3FAF] =	sst s8  }
0x11: {  	[smem:$0x3FB0] =	sst s9;
	s0 =	simm.s32 @!p0 $0x0  }
0x12: {  	s1 =	sld [smem:$0x3F96];
	s0 =	simm.s32 @p0 $0x1  }
0x13: {  	[smem:$0x3FB1] =	sst s0;
	s0 =	simm.s32 @!p1 $0x0  }
0x14: {  	s2 =	sld [smem:$0x3F95];
	s0 =	simm.s32 @p1 $0x1  }
0x15: {  	[smem:$0x3FB2] =	sst s0;
	s0 =	simm.s32 @!p2 $0x0  }
0x16: {  	s3 =	sld [smem:$0x3FDB];
	s0 =	simm.s32 @p2 $0x1  }
0x17: {  	s4 =	simm.s32 $0x1BF5;
	[smem:$0x3FB4] =	sst s0  }
0x18: {  	s0 =	sld [smem:$0x3F97];
	_ =	swait.ge [sflag:s4], $0x0  }
0x19: {  	s7 =	sld [smem:$0x3F98]  }
0x1a: {  	s8 =	sadd.s32 $0xFFFFE003, lr  }
0x1b: {  	s9 =	sadd.s32 $0xFFFFFEF7, lr;
	s5 =	simm.s32 $0xFFFFFFFF;
	p2 =	slt.u32 s8, $0xFFFFF086  }
0x1c: {  	p1 =	slt.u32 s9, $0xF7A;
	s5 =	simm.s32 @!p2 $0x0  }
0x1d: {  	s5 =	simm.s32 @p1 $0x1;
	p0 =	seq.s32 s7, s2  }
0x1e: {  	s7 =	smul.u32 @!p0 $0xF7A, s2;
	p2 =	seq.s32 @!p0 s5, $0x0  }
0x1f: {  	s9 =	smul.u32 $0xF7A, s1;
	s8 =	simm.s32 @!p0 $0x1BF5;
	p2 =	por !p2, p0  }
0x20: {  	[sflag:s8] =	ssyncset.s32 @!p0 $0xFFFFF086;
	s6 =	sadd.s32 @!p0 s3, s7;
	s7 =	simm.s32 @!p0 $0x108  }
0x21: {  	s3 =	sadd.s32 s3, s9;
	s6 =	sadd.s32 @!p0 $0x88, s6;
	s7 =	simm.s32 @p2 $0x1082  }
0x22: {  	[simem:s7], [sflag:s8] =	dma.local @!p0 [hbm:s6], $0xF7A  }
0x23: {  	s9 =	sor.u32 $0xD0000000, s2;
	s6 =	simm.s32 $0x108;
	_ =	swait.ge @!p0 [sflag:s8], $0x0  }
0x24: {  	s3 =	sadd.s32 $0x88, s3;
	s6 =	simm.s32 @!p1 $0x1082;
	[sflag:s4] =	ssyncset.s32 $0xFFFFF086  }
0x25: {  	[simem:s6], [sflag:s4] =	dma.local [hbm:s3], $0xF7A  }
0x26: {  	[smem:$0x3F98] =	sst s1;
	(tag) =	ssettag s2;
	_ =	strace s9  }
0x27: {  	s1 =	sld [smem:$0x3FA8]  }
0x28: {  	s2 =	sld [smem:$0x3FA9]  }
0x29: {  	s4 =	sld [smem:$0x3FAB]  }
0x2a: {  	p0 =	seq.s32 s5, $0x0;
	s5 =	sld [smem:$0x3FAC]  }
0x2b: {  	s6 =	sld [smem:$0x3FAD]  }
0x2c: {  	s7 =	sld [smem:$0x3FAE]  }
0x2d: {  	s3 =	simm.s32 $0x108;
	s8 =	sld [smem:$0x3FAF]  }
0x2e: {  	s3 =	simm.s32 @!p0 $0x1082;
	s9 =	sld [smem:$0x3FB0]  }
0x2f: {  	lr =	sadd.s32 s0, s3;
	s0 =	sld [smem:$0x3FA7]  }
0x30: {  	s3 =	sld [smem:$0x3FAA]  }
0x31: {  	[smem:$0x3FB3] =	sst s10  }
0x32: {  	s10 =	sld [smem:$0x3FB1];
	_ =	sdelay $0x3  }
0x33: {  	p0 =	seq.s32 s10, $0x1;
	s10 =	sld [smem:$0x3FB3];
	_ =	sdelay $0x3  }
0x34: {  	[smem:$0x3FB3] =	sst s10  }
0x35: {  	s10 =	sld [smem:$0x3FB2];
	_ =	sdelay $0x3  }
0x36: {  	p1 =	seq.s32 s10, $0x1;
	s10 =	sld [smem:$0x3FB3];
	_ =	sdelay $0x3  }
0x37: {  	[smem:$0x3FB3] =	sst s10  }
0x38: {  	s10 =	sld [smem:$0x3FB4]  }
0x39: {  	_ = 	snop;
	(pc) =	sbr.ind lr, $3  }
0x3a: {  	_ = 	snop  }
0x3b: {  	_ = 	snop  }
0x3c: {  	p2 =	seq.s32 s10, $0x1;
	s10 =	sld [smem:$0x3FB3]  }
0x3d: {  	_ =	shalt  }
0x3e: {  	_ =	shalt  }
0x3f: {  	_ =	shalt  }
0x40: {  	_ =	shalt  }
0x41: {  	_ =	shalt  }
0x42: {  	_ =	shalt  }
0x43: {  	_ =	shalt  }
0x44: {  	_ =	shalt  }
0x45: {  	_ =	shalt  }
0x46: {  	_ =	shalt  }
0x47: {  	_ =	shalt  }
0x48: {  	_ =	shalt  }
0x49: {  	_ =	shalt  }
0x4a: {  	_ =	shalt  }
0x4b: {  	_ =	shalt  }
0x4c: {  	_ =	shalt  }
0x4d: {  	_ =	shalt  }
0x4e: {  	_ =	shalt  }
0x4f: {  	_ =	shalt  }
0x50: {  	_ =	shalt  }
0x51: {  	_ =	shalt  }
0x52: {  	_ =	shalt  }
0x53: {  	_ =	shalt  }
0x54: {  	_ =	shalt  }
0x55: {  	_ =	shalt  }
0x56: {  	_ =	shalt  }
0x57: {  	_ =	shalt  }
0x58: {  	_ =	shalt  }
0x59: {  	_ =	shalt  }
0x5a: {  	_ =	shalt  }
0x5b: {  	_ =	shalt  }
0x5c: {  	_ =	shalt  }
0x5d: {  	_ =	shalt  }
0x5e: {  	_ =	shalt  }
0x5f: {  	_ =	shalt  }
0x60: {  	_ =	shalt  }
0x61: {  	_ =	shalt  }
0x62: {  	_ =	shalt  }
0x63: {  	_ =	shalt  }
0x64: {  	_ =	shalt  }
0x65: {  	_ =	shalt  }
0x66: {  	_ =	shalt  }
0x67: {  	_ =	shalt  }
0x68: {  	_ =	shalt  }
0x69: {  	_ =	shalt  }
0x6a: {  	_ =	shalt  }
0x6b: {  	_ =	shalt  }
0x6c: {  	_ =	shalt  }
0x6d: {  	_ =	shalt  }
0x6e: {  	_ =	shalt  }
0x6f: {  	_ =	shalt  }
0x70: {  	_ =	shalt  }
0x71: {  	_ =	shalt  }
0x72: {  	_ =	shalt  }
0x73: {  	_ =	shalt  }
0x74: {  	_ =	shalt  }
0x75: {  	_ =	shalt  }
0x76: {  	_ =	shalt  }
0x77: {  	_ =	shalt  }
0x78: {  	_ =	shalt  }
0x79: {  	_ =	shalt  }
0x7a: {  	_ =	shalt  }
0x7b: {  	_ =	shalt  }
0x7c: {  	_ =	shalt  }
0x7d: {  	_ =	shalt  }
0x7e: {  	_ =	shalt  }
0x7f: {  	_ =	shalt  }
0x80: {  	_ =	shalt  }
0x81: {  	_ =	shalt  }
0x82: {  	_ =	shalt  }
0x83: {  	_ =	shalt  }
0x84: {  	_ =	shalt  }
0x85: {  	_ =	shalt  }
0x86: {  	_ =	shalt  }
0x87: {  	_ =	shalt  }
.Lfunc_end0:
.L_simem_size_0:
called_computation_lowered:
.L_overlay_start_0:
0x88: {  	s2 =	sld [smem:$0x3FD9]  }
0x89: {  	s3 =	sld [smem:$0x3FFE];
	_ =	sdelay $0x1  }
0x8a: {  	s1 =	srdreg.scid  }
0x8b: {  	s0 =	sand.u32 $0x1, s1  }
0x8c: {  	s17 =	sshll.u32 s0, $0xA;
	s2 =	sadd.s32 s3, s2  }
0x8d: {  	s2 =	sadd.s32 s2, s17  }
0x8e: {  	[smem:$0x3FBF] =	sst s2  }
0x8f: {  	_ = 	snop  }
0x90: {  	s2 =	sld [smem:$0x3FC7];
	(tm) =	ssettm $0x1  }
0x91: {  	s18 =	sld [smem:$0x3FFB];
	_ =	sdelay $0x3  }
0x92: {  	_ =	strace s18  }
0x93: {  	s3 =	sld [smem:$0x3FFC];
	_ =	sdelay $0x3  }
0x94: {  	_ =	strace s3  }
0x95: {  	s3 =	sld [smem:$0x3FFD];
	_ =	sdelay $0x3  }
0x96: {  	_ =	strace s3  }
0x97: {  	_ =	strace $0x8FFFFFFF  }
0x98: {  	s19 =	sld [smem:$0x3FDB];
	_ =	sdelay $0x1  }
0x99: {  	s4 =	simm.s32 $_scs_section_size  }
0x9a: {  	s5 =	simm.s32 $_size__tile_overlayer_lowered;
	s6 =	simm.s32 $_tile_overlayer_lowered  }
0x9b: {  	s22 =	simm.s32 $0x1BFF;
	s21 =	sshll.u32 s6, $0x1;
	s3 =	sadd.s32 s4, s19  }
0x9c: {  	s7 =	simm.s32 $0x0;
	s20 =	sshll.u32 s5, $0x1;
	s5 =	sadd.s32 s21, s3  }
0x9d: {  	[timem:s7], [sflag:s22] =	dma.local [hbm:s5], s20  }
0x9e: {  	_ =	swait.ge [sflag:s22], s20  }
0x9f: {  	s4 =	ssub.s32 $0x0, s20;
	[sflag:s22] =	ssyncset.done $0x0  }
0xa0: {  	[sflag:s22] =	ssyncadd.s32 s4;
	_ =	sdelay $0x1  }
0xa1: {  	s23 =	simm.s32 $0x1B8B  }
0xa2: {  	_ =	swait.ge [sflag:s23], $0x1  }
0xa3: {  	[sflag:s23] =	ssyncset.done $0x0  }
0xa4: {  	s25 =	simm.s32 $0x1B8E;
	s24 =	sld [smem:$0x3FFE];
	[sflag:s23] =	ssyncadd.s32 $0xFFFFFFFF  }
0xa5: {  	s26 =	simm.s32 $execute0_lowered;
	[smem:$0x3FD2] =	sst s25  }
0xa6: {  	s5 =	sshll.u32 s26, $0x1;
	_ =	strace $0x80000046;
	[dreg:$0x1] =	wrdreg $0xFFFFFFFF  }
0xa7: {  	s28 =	simm.s32 $_size_execute0_lowered;
	s3 =	sadd.s32 s3, s5;
	[dreg:$0x0] =	wrdreg $0x0  }
0xa8: {  	s5 =	sshll.u32 s28, $0x1;
	[dreg:$0x2] =	wrdreg s3  }
0xa9: {  	[dreg:$0x3] =	wrdreg s5  }
0xaa: {  	[dreg:$0x4] =	wrdreg $0xC0  }
0xab: {  	_ =	task [dreg:s7], $0x5FFFF  }
0xac: {  	[dreg:$0x1] =	wrdreg $0xFFFFFFFF  }
0xad: {  	[dreg:$0x0] =	wrdreg $0x60  }
0xae: {  	[dreg:$0x2] =	wrdreg s24  }
0xaf: {  	[dreg:$0x3] =	wrdreg s2  }
0xb0: {  	[dreg:$0x4] =	wrdreg $0x107D00  }
0xb1: {  	[dreg:$0x5] =	wrdreg $0x9  }
0xb2: {  	_ =	task.clear_ibuf [dreg:s7], $0x6FFFF;
	_ =	strace $0x90000046  }
0xb3: {  	s29 =	simm.s32 $0x9;
	_ =	strace $0x80000048  }
0xb4: {  	_ =	swait.ge [sflag:s29], $0x1  }
0xb5: {  	[sflag:s29] =	ssyncadd.s32 $0xFFFFFFFF  }
0xb6: {  	_ =	strace $0x90000048  }
0xb7: {  	_ =	sfence  }
0xb8: {  	s30 =	sld [smem:$0x0];
	_ =	sdelay $0x2  }
0xb9: {  	s31 =	sshll.u32 s1, $0xD;
	s1 =	sshrl.u32 s1, $0x2  }
0xba: {  	s3 =	sand.u32 $0x4000, s31;
	s1 =	sadd.s32 s1, s30  }
0xbb: {  	s0 =	sor.u32 s3, s0;
	s1 =	sshll.u32 s1, $0x11  }
0xbc: {  	s0 =	sor.u32 s1, s0  }
0xbd: {  	s0 =	sadd.s32 $0x8F2B, s0  }
0xbe: {  	[sflag:s0] =	ssyncadd.remote.s32 $0x1  }
0xbf: {  	_ =	sfence.sel $0xFFFF  }
0xc0: {  	[dreg:$0x0] =	wrdreg $0xFFFFFFFF;
	(pc) =	sbr.abs _section_cstart, $3  }
0xc1: {  	[dreg:$0x1] =	wrdreg $0xFFFFFFFF  }
0xc2: {  	_ =	task.clear_ibuf [dreg:s7], $0x2FFFF;
	_ =	strace $0x9FFFFFFF  }
0xc3: {  	(tm) =	ssettm $0x7FFFFFFF  }
tec
execute0_lowered:
.L_overlay_start_1:
0x0: {  	(tag) =	ssettag $0x1  }
0x1: {  	s5 =	rddreg [dreg:$0x0]  }
0x2: {  	s0 =	stileid.u32;
	s8 =	rddreg [dreg:$0x1]  }
0x3: {  	s1 =	srdreg.scid;
	s3 =	rddreg [dreg:$0x2];
	s4 =	simm.s32 $0x0  }
0x4: {  	s16 =	simm.s32 $0x7530;
	s17 =	simm.s32 $0x2710;
	s18 =	simm.s32 $0xEA60  }
0x5: {  	s19 =	simm.s32 $0x9C40;
	s20 =	simm.s32 $0xC350;
	s2 =	smul.u32 $0x2710, s0  }
0x6: {  	s21 =	simm.s32 $0xFE00;
	s22 =	simm.s32 $0x0;
	s7 =	smul.u32 $0x9D0, s0  }
0x7: {  	s14 =	sand.u32 $0x1, s1;
	[smem:$0x7FF] =	sst s4;
	s13 =	smul.u32 $0x4E80, s0  }
0x8: {  	s1 =	rddreg [dreg:$0x3];
	s6 =	smul.u32 $0x9D00, s14;
	_ =	strace $0x80000047  }
0x9: {  	s29 =	ssub.s32 $0x2, s14;
	p0 =	sne.s32 s14, $0x0;
	s14 =	simm.s32 $0x1  }
0xa: {  	s9 =	sshrl.u32 s2, $0x3;
	s30 =	sshrl.u32 s29, $0x1;
	s31 =	sshrl.u32 s13, $0x2  }
0xb: {  	s10 =	sadd.s32 s7, s6;
	s12 =	sadd.s32 s9, s5;
	s15 =	ssub.s32 s29, s30  }
0xc: {  	s8 =	sadd.s32 s8, s9;
	s9 =	sadd.s32 s31, s3;
	s6 =	sshrl.u32 s10, $0x3  }
0xd: {  	s7 =	sadd.s32 $0x2400, s12;
	s10 =	sadd.s32 s10, s3;
	s13 =	smax.u32 s15, $0x1  }
0xe: {  	s15 =	simm.s32 $0x4E20;
	s11 =	sadd.s32 s6, s5;
	s5 =	sadd.s32 $0x13C00, s5  }
0xf: {  	v0 =	vimm.f32 $1.000000000e+00;
	v1 =	vimm.f32 $0.0e+00;
	s6 =	sadd.s32 $0x7400, s12;
	s12 =	sadd.s32 $0xEC00, s12;
	s11 =	sadd.s32 $0xC400, s11  }
.LBB2_1:
0x10: {  	[tilespmem:s4], [sflag:$0x1] =	stream.linear.gather [hbm4b:s6+s4], $0x2710, $0x38;
	[tilespmem:$0x11B70] =	vst v63  }
0x11: {  	_ =	swait.ge [sflag:s14], $0x2710  }
0x12: {  	[sflag:s14] =	ssyncset.done $0x0  }
0x13: {  	[sflag:s14] =	ssyncadd.s32 $0xFFFFD8F0  }
0x14: {  	[tilespmem:s15], [sflag:$0x1] =	stream.linear.gather [hbm4b:s7+s4], $0x2710, $0x38;
	[tilespmem:$0x11B70] =	vst v63  }
0x15: {  	_ =	swait.ge [sflag:s14], $0x2710  }
0x16: {  	[sflag:s14] =	ssyncset.done $0x0  }
.Ltmp0:
0x17: {  	[sflag:s14] =	ssyncadd.s32 $0xFFFFD8F0;
	(pc) =	sbr.rel @p0 .LBB2_5-.Ltmp0, $4  }
0x18: {  	[tilespmem:s16], [sflag:$0x1] =	stream.linear.gather [hbm4b:s8+s4], $0x2710, $0x38;
	[tilespmem:$0x11B70] =	vst v63  }
0x19: {  	_ =	swait.ge [sflag:s14], $0x2710  }
0x1a: {  	[sflag:s14] =	ssyncset.done $0x0  }
0x1b: {  	s23 =	simm.s32 $0x0;
	[sflag:s14] =	ssyncadd.s32 $0xFFFFD8F0  }
.LBB2_2:
0x1c: {  	s24 =	simm.s32 $0x0  }
0x1d: {  	v3 =	vld [tilespmem:s24+$0x0]  }
0x1e: {  	v2 =	vmov s23;
	s25 =	simm.s32 $0x40  }
.LBB2_3:
0x1f: {  	p1 =	sne.s32 s25, $0x9C00  }
.Ltmp1:
0x20: {  	_ = 	snop;
	(pc) =	sbr.rel @p1 .LBB2_3-.Ltmp1, $4  }
0x21: {  	_ = 	snop  }
0x22: {  	s26 =	sshra.s32 s25, $0x2;
	s25 =	sadd.s32 $0x40, s25;
	v4 =	vshll.u32 v3, $0x3  }
0x23: {  	v3 =	vld [tilespmem:s26+$0x0];
	v4 =	vadd.s32 v2, v4  }
0x24: {  	[tilespmem:s24+$0x2710] =	vst v4;
	s24 =	smov.u32 s26  }
0x25: {  	_ = 	snop  }
0x26: {  	s25 =	smul.u32 $0x27100, s23;
	_ =	sdelay $0x1  }
0x27: {  	s23 =	sadd.s32 $0x1, s23;
	s25 =	sadd.s32 s2, s25;
	v3 =	vshll.u32 v3, $0x3  }
0x28: {  	p1 =	sne.s32 s23, $0x8;
	s25 =	sshrl.u32 s25, $0x3;
	v2 =	vadd.s32 v2, v3  }
.Ltmp2:
0x29: {  	s31 =	sadd.s32 s5, s25;
	[tilespmem:s24+$0x2710] =	vst v2;
	(pc) =	sbr.rel @p1 .LBB2_2-.Ltmp2, $4  }
0x2a: {  	[hbm4b:s31+s4] =	stream.linear.scatter [tilespmem:s17], [sflag:$0x1], $0x2710, $0x38;
	[tilespmem:$0x11B70] =	vst v63  }
0x2b: {  	_ =	swait.ge [sflag:s14], $0x2710  }
0x2c: {  	[sflag:s14] =	ssyncset.done $0x0  }
0x2d: {  	[sflag:s14] =	ssyncadd.s32 $0xFFFFD8F0  }
.LBB2_5:
0x2e: {  	s23 =	simm.s32 $0x0  }
0x2f: {  	v2 =	vld [tilespmem:s23+$0x4E20]  }
0x30: {  	s24 =	simm.s32 $0x40;
	[tilespmem:s23+$0xC350] =	vst v0;
	v3 =	vld [tilespmem:s23+$0x7530]  }
.LBB2_6:
0x31: {  	p1 =	sne.s32 s24, $0x9C00  }
.Ltmp3:
0x32: {  	_ = 	snop;
	(pc) =	sbr.rel @p1 .LBB2_6-.Ltmp3, $4  }
0x33: {  	_ = 	snop  }
0x34: {  	s25 =	sshra.s32 s24, $0x2;
	s24 =	sadd.s32 $0x40, s24;
	v4 =	vshll.u32 v2, $0x3  }
0x35: {  	v2 =	vld [tilespmem:s25+$0x4E20];
	[tilespmem:s25+$0xC350] =	vst v0;
	v4 =	vadd.s32 v3, v4  }
0x36: {  	v3 =	vld [tilespmem:s25+$0x7530];
	[tilespmem:s23+$0x9C40] =	vst v4;
	s23 =	smov.u32 s25  }
0x37: {  	_ =	sdelay $0x2  }
0x38: {  	v2 =	vshll.u32 v2, $0x3  }
0x39: {  	v2 =	vadd.s32 v3, v2  }
0x3a: {  	s24 =	simm.s32 $0x0;
	[tilespmem:s23+$0x9C40] =	vst v2;
	s23 =	simm.s32 $0x40  }
.LBB2_8:
0x3b: {  	p1 =	sne.s32 s23, $0x4E40;
	[tilespmem:s24+$0xEA60] =	vst v1;
	s24 =	smov.u32 s23;
	s23 =	sadd.s32 $0x40, s23  }
.Ltmp4:
0x3c: {  	(pc) =	sbr.rel @p1 .LBB2_8-.Ltmp4, $2  }
0x3d: {  	_ =	sdelay $0x2  }
0x3e: {  	s24 =	sshra.s32 s24, $0x2  }
0x3f: {  	[tilespmem:s24+$0xEA60] =	vst v1  }
0x40: {  	[spmem:s9] =	stream.linear.scatter [tilespmem:s18], [sflag:$0x1], $0x13A0, $0x38;
	[tilespmem:$0x11B70] =	vst v63  }
0x41: {  	_ =	swait.ge [sflag:s14], $0x13A0  }
0x42: {  	[sflag:s14] =	ssyncset.done $0x0  }
0x43: {  	[sflag:s14] =	ssyncadd.s32 $0xFFFFEC60  }
0x44: {  	[bflag:$0x0] =	sbarrier.arrive $0xFFFF  }
0x45: {  	[spmem:s3] =	stream.indirect.scatter.add.f32 [tilespmem:s20], [sflag:$0x1], $0x1, s19, s17, $0xb8;
	[tilespmem:$0x11B70] =	vst v63  }
0x46: {  	_ =	swait.ge [sflag:s14], $0x2710  }
0x47: {  	[sflag:s14] =	ssyncset.done $0x0  }
0x48: {  	[sflag:s14] =	ssyncadd.s32 $0xFFFFD8F0  }
0x49: {  	[bflag:$0x0] =	sbarrier.arrive $0xFFFF  }
0x4a: {  	[tilespmem:s21], [sflag:$0x1] =	stream.linear.gather [spmem:s10], $0x9D0, $0x38;
	[tilespmem:$0x11B70] =	vst v63  }
0x4b: {  	_ =	swait.ge [sflag:s14], $0x9D0  }
0x4c: {  	[sflag:s14] =	ssyncset.done $0x0  }
0x4d: {  	s23 =	simm.s32 $0x0;
	s24 =	simm.s32 $0x40;
	[sflag:s14] =	ssyncadd.s32 $0xFFFFF630  }
.LBB2_10:
0x4e: {  	p1 =	sne.s32 s24, $0x2700;
	v2 =	vld [tilespmem:s23+$0xFE00];
	_ =	sdelay $0x4  }
0x4f: {  	v2 =	vmax.f32 v2, $1.000000000e+00  }
0x50: {  	(erf) = vrcp.f32 v2;
	_ =	sdelay $0x5  }
.Ltmp5:
0x51: {  	(pc) =	sbr.rel @p1 .LBB2_10-.Ltmp5, $3  }
0x52: {  	_ =	sdelay $0x1  }
0x53: {  	v2 =	vpop (erf)  }
0x54: {  	[tilespmem:s23+$0xFE00] =	vst v2;
	s23 =	sshra.s32 s24, $0x2;
	s24 =	sadd.s32 $0x40, s24  }
0x55: {  	v2 =	vld [tilespmem:s23+$0xFE00];
	_ =	sdelay $0x4  }
0x56: {  	v2 =	vmax.f32 v2, $1.000000000e+00  }
0x57: {  	(erf) = vrcp.f32 v2;
	_ =	sdelay $0x8  }
0x58: {  	v2 =	vpop (erf)  }
0x59: {  	[tilespmem:s23+$0xFE00] =	vst v2  }
0x5a: {  	[hbm4b:s11+s4] =	stream.linear.scatter [tilespmem:s21], [sflag:$0x1], $0x9D0, $0x38;
	[tilespmem:$0x11B70] =	vst v63  }
0x5b: {  	_ =	swait.ge [sflag:s14], $0x9D0  }
0x5c: {  	s24 =	simm.s32 @!p0 $0x9C40;
	s22 =	sadd.s32 $0x1, s22;
	[sflag:s14] =	ssyncset.done $0x0  }
0x5d: {  	p1 =	sne.s32 s22, s13;
	s23 =	simm.s32 @!p0 $0x0;
	[sflag:s14] =	ssyncadd.s32 $0xFFFFF630  }
0x5e: {  	[hbm4b:s12+s23] =	stream.linear.scatter @!p0 [tilespmem:s24], [sflag:$0x1], $0x2710, $0x38;
	[tilespmem:$0x11B70] =	vst v63  }
.Ltmp6:
0x5f: {  	_ = 	snop;
	(pc) =	sbr.rel @p1 .LBB2_1-.Ltmp6, $4  }
0x60: {  	s23 =	simm.s32 @!p0 $0x1  }
0x61: {  	_ =	swait.ge @!p0 [sflag:s23], $0x2710  }
0x62: {  	[sflag:s23] =	ssyncset.done @!p0 $0x0  }
0x63: {  	[sflag:s23] =	ssyncadd.s32 @!p0 $0xFFFFD8F0  }
0x64: {  	_ =	sfence.sel $0x180000  }
0x65: {  	[bflag:$0x0] =	sbarrier.arrive $0xFFFF  }
0x66: {  	p0 =	sne.s32 s0, $0x0;
	_ =	strace $0x90000047  }
0x67: {  	s0 =	sadd.s32 @!p0 $0x100000, s1;
	[bflag:$0x2] =	sbarrier.arrive $0xFFFF  }
0x68: {  	[sflag:s0] =	ssyncadd.tile.s32 @!p0 $0x1;
	_ =	shalt  }
.Lfunc_end2:
_tile_overlayer_lowered:
.L_overlay_start_2:
0x69: {  	(tag) =	ssettag $0x2  }
0x6a: {  	s0 =	rddreg [dreg:$0x0];
	s2 =	stileid.u32  }
0x6b: {  	s1 =	rddreg [dreg:$0x1];
	p0 =	sne.s32 s2, $0x0  }
0x6c: {  	s3 =	rddreg [dreg:$0x2];
	[bflag:$0x3] =	sbarrier.arrive $0xFFFF;
	s2 =	simm.s32 @!p0 $0x1C01  }
0x6d: {  	[timem:s3], [sflag:s2] =	dma.local @!p0 [hbm:s0], s1  }
0x6e: {  	s0 =	simm.s32 @!p0 $0x1  }
0x6f: {  	_ =	swait.ge @!p0 [sflag:s0], s1  }
0x70: {  	s1 =	ssub.s32 @!p0 $0x0, s1;
	[sflag:s0] =	ssyncset.done @!p0 $0x0  }
0x71: {  	[sflag:s0] =	ssyncadd.s32 @!p0 s1  }
0x72: {  	[bflag:$0x3] =	sbarrier.arrive $0xFFFF  }
0x73: {  	_ =	shalt  }

</sc_bundles>
